<compile_context>
chip_gen: v7x
topology: tpu7x:2x2x1
jax: 0.10.2.dev20260603
libtpu: 0.0.44.dev20260713+nightly
codegen_flags: <defaults>
</compile_context>

<pallas_src>
import functools

import jax
import jax.numpy as jnp
from jax import lax
from jax.experimental import pallas as pl
from jax.experimental.pallas import tpu as pltpu
from jax.experimental.pallas import tpu_sc as plsc

N = 10000
E = 160000
D = 256
HALF = 128

NSC = 2
NT = 16
EPT = E // NT
K = 125
R = EPT // K
NCH = 2
RC = R // NCH
STRIPE_STEP = 624
STRIPE_LEN = 640


def _sc_segment_sum(hflat, gidx, dsti):
    mesh = plsc.VectorSubcoreMesh(core_axis_name="c", subcore_axis_name="s")

    @functools.partial(
        pl.kernel,
        mesh=mesh,
        out_type=jax.ShapeDtypeStruct((NSC, N, HALF), jnp.float32),
        scratch_types=[
            pltpu.VMEM((RC, K), jnp.int32),
            pltpu.VMEM((RC, K), jnp.int32),
            pltpu.VMEM((K, HALF), jnp.float32),
            pltpu.VMEM((K, HALF), jnp.float32),
            pltpu.VMEM_SHARED((N, HALF), jnp.float32),
            pltpu.SemaphoreType.DMA,
            pltpu.SemaphoreType.DMA,
        ],
    )
    def k(hflat_hbm, gidx_hbm, dsti_hbm, out_hbm,
          gidx_t, dst_t, rows0, rows1, acc, sem0, sem1):
        c = lax.axis_index("c")
        s = lax.axis_index("s")
        base = s * STRIPE_STEP

        z16 = jnp.zeros((16,), jnp.float32)

        def zrow(i, carry):
            rows0[i // 8, pl.ds((i % 8) * 16, 16)] = z16
            return carry

        lax.fori_loop(0, K * 8, zrow, 0)
        kz = 120

        def zcopy(j, carry):
            off = jnp.minimum(j * kz, STRIPE_LEN - kz)
            pltpu.sync_copy(rows0.at[pl.ds(0, kz)], acc.at[pl.ds(base + off, kz)])
            return carry

        lax.fori_loop(0, (STRIPE_LEN + kz - 1) // kz, zcopy, 0)
        plsc.subcore_barrier()

        for ch in range(NCH):
            pltpu.sync_copy(gidx_hbm.at[c, s, pl.ds(ch * RC, RC)], gidx_t)
            pltpu.sync_copy(dsti_hbm.at[s, pl.ds(ch * RC, RC)], dst_t)
            pltpu.async_copy(hflat_hbm.at[gidx_t.at[0]], rows0, sem0)
            pltpu.async_copy(hflat_hbm.at[gidx_t.at[1]], rows1, sem1)

            def round_body(i, carry):
                r = 2 * i
                pltpu.make_async_copy(hflat_hbm.at[gidx_t.at[r]], rows0, sem0).wait()
                pltpu.sync_copy(rows0, acc.at[dst_t.at[r]], add=True)
                pltpu.async_copy(hflat_hbm.at[gidx_t.at[r + 2]], rows0, sem0)
                pltpu.make_async_copy(hflat_hbm.at[gidx_t.at[r + 1]], rows1, sem1).wait()
                pltpu.sync_copy(rows1, acc.at[dst_t.at[r + 1]], add=True)
                pltpu.async_copy(hflat_hbm.at[gidx_t.at[r + 3]], rows1, sem1)
                return carry

            lax.fori_loop(0, RC // 2 - 1, round_body, 0)
            pltpu.make_async_copy(hflat_hbm.at[gidx_t.at[RC - 2]], rows0, sem0).wait()
            pltpu.sync_copy(rows0, acc.at[dst_t.at[RC - 2]], add=True)
            pltpu.make_async_copy(hflat_hbm.at[gidx_t.at[RC - 1]], rows1, sem1).wait()
            pltpu.sync_copy(rows1, acc.at[dst_t.at[RC - 1]], add=True)
        plsc.subcore_barrier()
        pltpu.sync_copy(acc.at[pl.ds(base, STRIPE_LEN)],
                        out_hbm.at[c, pl.ds(base, STRIPE_LEN)])

    return k(hflat, gidx, dsti)


def _tc_layer_body(agg_ref, h_ref, wr_ref, wt_ref, b_ref, o_ref, *, leaky):
    wr = wr_ref[...]
    acc = lax.dot_general(agg_ref[0], wr[:HALF, :],
                          (((1,), (0,)), ((), ())),
                          preferred_element_type=jnp.float32)
    acc = acc + lax.dot_general(agg_ref[1], wr[HALF:, :],
                                (((1,), (0,)), ((), ())),
                                preferred_element_type=jnp.float32)
    acc = acc + lax.dot_general(h_ref[...], wt_ref[...],
                                (((1,), (0,)), ((), ())),
                                preferred_element_type=jnp.float32)
    acc = acc + b_ref[...]
    if leaky:
        acc = jnp.where(acc > 0, acc, 0.1 * acc)
    o_ref[...] = acc


def _tc_layer(agg2, h, w_rel, w_root, b, leaky):
    bn = 1000
    grid = (N // bn,)
    return pl.pallas_call(
        functools.partial(_tc_layer_body, leaky=leaky),
        grid=grid,
        in_specs=[
            pl.BlockSpec((NSC, bn, HALF), lambda i: (0, i, 0)),
            pl.BlockSpec((bn, D), lambda i: (i, 0)),
            pl.BlockSpec((D, D), lambda i: (0, 0)),
            pl.BlockSpec((D, D), lambda i: (0, 0)),
            pl.BlockSpec((1, D), lambda i: (0, 0)),
        ],
        out_specs=pl.BlockSpec((bn, D), lambda i: (i, 0)),
        out_shape=jax.ShapeDtypeStruct((N, D), jnp.float32),
    )(agg2, h, w_rel, w_root, b.reshape(1, D))


def kernel(x, edge_index, edge_attr, batch,
           W_rel_0, b_rel_0, W_root_0,
           W_rel_1, b_rel_1, W_root_1,
           W_rel_2, b_rel_2, W_root_2,
           W_rel_3, b_rel_3, W_root_3):
    src = edge_index[0]
    dst = edge_index[1]
    gidx = jnp.stack([src * 2, src * 2 + 1]).reshape(NSC, NT, R, K)
    dsti = dst.reshape(NT, R, K)

    params = [
        (W_rel_0, W_root_0, b_rel_0),
        (W_rel_1, W_root_1, b_rel_1),
        (W_rel_2, W_root_2, b_rel_2),
        (W_rel_3, W_root_3, b_rel_3),
    ]
    h = x
    for i, (wr, wt, b) in enumerate(params):
        agg2 = _sc_segment_sum(h.reshape(2 * N, HALF), gidx, dsti)
        h = _tc_layer(agg2, h, wr, wt, b, leaky=(i < 3))
    return h

# --- scband reference (transcript-rebuilt; emitter-appended) ---
"""Pipeline reference for scband-flow-mlconvolution-16853451670047 (READ-ONLY COPY).

The authoritative reference and input builder live on the scoring server;
editing this copy changes nothing except your own understanding.
"""

import jax, jax.numpy as jnp
import numpy as np

N = 10000
E = 160000
D = 256
FILTERS = [256, 256, 256]
OUT = 256


def setup_inputs(seed: int = 0) -> dict:
    key = jax.random.key(seed)
    ks = jax.random.split(key, 20)
    inp = {}
    inp["x"] = jax.random.normal(ks[0], (N, D), dtype=jnp.float32)
    inp["edge_index"] = jax.random.randint(ks[1], (2, E), 0, N, dtype=jnp.int32)
    inp["edge_attr"] = jax.random.normal(ks[2], (E, 4), dtype=jnp.float32)
    inp["batch"] = jnp.zeros((N,), dtype=jnp.int32)
    # GraphConv layer dims: conv1 (D->F0), convs (F0->F1, F1->F2), conv2 (F2->OUT)
    layer_dims = [(D, FILTERS[0]), (FILTERS[0], FILTERS[1]), (FILTERS[1], FILTERS[2]), (FILTERS[2], OUT)]
    for i, (din, dout) in enumerate(layer_dims):
        s = 1.0 / np.sqrt(din)
        inp[f"W_rel_{i}"] = jax.random.normal(ks[3 + 3 * i], (din, dout), dtype=jnp.float32) * s
        inp[f"b_rel_{i}"] = jnp.zeros((dout,), dtype=jnp.float32)
        inp[f"W_root_{i}"] = jax.random.normal(ks[4 + 3 * i], (din, dout), dtype=jnp.float32) * s
    return inp


def _leaky(v):
    return jnp.where(v > 0, v, 0.1 * v)


def reference(x, edge_index, edge_attr, batch,
              W_rel_0, b_rel_0, W_root_0,
              W_rel_1, b_rel_1, W_root_1,
              W_rel_2, b_rel_2, W_root_2,
              W_rel_3, b_rel_3, W_root_3):
    # PyG GraphConv (aggr='add'): x_i' = lin_rel(sum_{j->i} x_j) + lin_root(x_i)
    params = {
        "W_rel_0": W_rel_0, "b_rel_0": b_rel_0, "W_root_0": W_root_0,
        "W_rel_1": W_rel_1, "b_rel_1": b_rel_1, "W_root_1": W_root_1,
        "W_rel_2": W_rel_2, "b_rel_2": b_rel_2, "W_root_2": W_root_2,
        "W_rel_3": W_rel_3, "b_rel_3": b_rel_3, "W_root_3": W_root_3,
    }
    src = edge_index[0]
    dst = edge_index[1]

    def gconv(h, i):
        agg = jax.ops.segment_sum(h[src], dst, num_segments=N)
        return agg @ params[f"W_rel_{i}"] + params[f"b_rel_{i}"] + h @ params[f"W_root_{i}"]

    h = _leaky(gconv(x, 0))
    h = _leaky(gconv(h, 1))
    h = _leaky(gconv(h, 2))
    h = gconv(h, 3)
    return h

if __name__ == "__main__":
    import jax
    _d = setup_inputs()
    print(jax.jit(kernel)(*tuple(_d.values())))

</pallas_src>

<mosaic_0001>
#map = affine_map<(d0, d1) -> (0, 0)>
#map1 = affine_map<(d0, d1) -> (0, 0, 0, 0)>
#map2 = affine_map<(d0, d1) -> (0, 0, 0)>
module attributes {stable_mosaic.version = 14 : i64} {
  func.func @k(%arg0: i32, %arg1: i32, %arg2: memref<20000x128xf32, #tpu.memory_space<hbm>>, %arg3: memref<2x16x80x125xi32, #tpu.memory_space<hbm>>, %arg4: memref<16x80x125xi32, #tpu.memory_space<hbm>>, %arg5: memref<2x10000x128xf32, #tpu.memory_space<hbm>>, %arg6: memref<40x125xi32, #tpu.memory_space<vmem>>, %arg7: memref<40x125xi32, #tpu.memory_space<vmem>>, %arg8: memref<125x128xf32, #tpu.memory_space<vmem>>, %arg9: memref<125x128xf32, #tpu.memory_space<vmem>>, %arg10: memref<10000x128xf32, #tpu.memory_space<vmem_shared>>, %arg11: memref<!tpu.dma_semaphore, #tpu.memory_space<semaphore_mem>>, %arg12: memref<!tpu.dma_semaphore, #tpu.memory_space<semaphore_mem>>) attributes {dimension_semantics = [#tpu.dimension_semantics<core_parallel>, #tpu.dimension_semantics<subcore_parallel>], iteration_bounds = array<i64: 2, 16>, scalar_prefetch = 0 : i64, scratch_operands = 7 : i64, tpu.core_type = #tpu.core_type<sc_vector_subcore>, window_params = [{transform_indices = #map}, {transform_indices = #map1}, {transform_indices = #map2}, {transform_indices = #map2}]} {
    %mul3A = arith.constant 624 : i32
    %mul3A_0 = arith.muli %arg1, %mul3A : i32
    %broadcast_in_dim3A = arith.constant 0.000000e+00 : f32
    %broadcast_in_dim3A_1 = vector.broadcast %broadcast_in_dim3A : f32 to vector<16xf32>
    %scan3A = arith.constant 0 : i32
    %scan3A_2 = arith.constant 0 : i32
    %scan3A_3 = arith.constant 1000 : i32
    %scan3A_4 = arith.addi %scan3A_2, %scan3A_3 : i32
    %scan3A_5 = arith.constant 1 : i32
    scf.for %scan3A_83 = %scan3A_2 to %scan3A_4 step %scan3A_5  : i32 {
      %jit3A = arith.constant 8 : i32
      %div3A = arith.divsi %scan3A_83, %jit3A : i32
      %sign3A = arith.constant 0 : i32
      %sign3A_84 = arith.cmpi sgt, %scan3A_83, %sign3A : i32
      %sign3A_85 = arith.extui %sign3A_84 : i1 to i32
      %sign3A_86 = arith.constant 0 : i32
      %sign3A_87 = arith.cmpi slt, %scan3A_83, %sign3A_86 : i32
      %sign3A_88 = arith.extui %sign3A_87 : i1 to i32
      %sign3A_89 = arith.subi %sign3A_85, %sign3A_88 : i32
      %sign3A_90 = arith.constant 0 : i32
      %sign3A_91 = arith.cmpi sgt, %jit3A, %sign3A_90 : i32
      %sign3A_92 = arith.extui %sign3A_91 : i1 to i32
      %sign3A_93 = arith.constant 0 : i32
      %sign3A_94 = arith.cmpi slt, %jit3A, %sign3A_93 : i32
      %sign3A_95 = arith.extui %sign3A_94 : i1 to i32
      %sign3A_96 = arith.subi %sign3A_92, %sign3A_95 : i32
      %ne3A = arith.cmpi ne, %sign3A_89, %sign3A_96 : i32
      %rem3A = arith.remsi %scan3A_83, %jit3A : i32
      %ne3A_97 = arith.constant 0 : i32
      %ne3A_98 = arith.cmpi ne, %rem3A, %ne3A_97 : i32
      %and3A = arith.andi %ne3A, %ne3A_98 : i1
      %sub3A = arith.constant 1 : i32
      %sub3A_99 = arith.subi %div3A, %sub3A : i32
      %select_n3A = arith.select %and3A, %sub3A_99, %div3A : i32
      %jit3A_100 = arith.constant 8 : i32
      %eq3A = arith.constant 0 : i32
      %eq3A_101 = arith.cmpi eq, %jit3A_100, %eq3A : i32
      %jit3A_102 = arith.constant 1 : i32
      %select_n3A_103 = arith.select %eq3A_101, %jit3A_102, %jit3A_100 : i32
      %rem3A_104 = arith.remsi %scan3A_83, %select_n3A_103 : i32
      %ne3A_105 = arith.constant 0 : i32
      %ne3A_106 = arith.cmpi ne, %rem3A_104, %ne3A_105 : i32
      %lt3A = arith.constant 0 : i32
      %lt3A_107 = arith.cmpi slt, %rem3A_104, %lt3A : i32
      %lt3A_108 = arith.constant 0 : i32
      %lt3A_109 = arith.cmpi slt, %select_n3A_103, %lt3A_108 : i32
      %ne3A_110 = arith.xori %lt3A_107, %lt3A_109 : i1
      %and3A_111 = arith.andi %ne3A_110, %ne3A_106 : i1
      %add3A = arith.addi %rem3A_104, %select_n3A_103 : i32
      %select_n3A_112 = arith.select %and3A_111, %add3A, %rem3A_104 : i32
      %mul3A_113 = arith.constant 16 : i32
      %mul3A_114 = arith.muli %select_n3A_112, %mul3A_113 : i32
      %swap3A = arith.index_cast %select_n3A : i32 to index
      %swap3A_115 = arith.index_cast %mul3A_114 : i32 to index
      %swap3A_116 = tpu.vector_load %arg8[%swap3A, %swap3A_115] {strides = array<i32>} : memref<125x128xf32, #tpu.memory_space<vmem>>, vector<1x16xf32>,
      %swap3A_117 = vector.shape_cast %swap3A_116 : vector<1x16xf32> to vector<16xf32>
      %swap3A_118 = vector.shape_cast %broadcast_in_dim3A_1 : vector<16xf32> to vector<1x16xf32>
      tpu.vector_store %arg8[%swap3A, %swap3A_115], %swap3A_118 {strides = array<i32>} : memref<125x128xf32, #tpu.memory_space<vmem>>, vector<1x16xf32>,
    }
    %scan3A_6 = arith.constant 1000 : i32
    %scan3A_7 = arith.constant 0 : i32
    %scan3A_8 = arith.constant 0 : i32
    %scan3A_9 = arith.constant 6 : i32
    %scan3A_10 = arith.addi %scan3A_8, %scan3A_9 : i32
    %scan3A_11 = arith.constant 1 : i32
    scf.for %scan3A_83 = %scan3A_8 to %scan3A_10 step %scan3A_11  : i32 {
      %mul3A_84 = arith.constant 120 : i32
      %mul3A_85 = arith.muli %scan3A_83, %mul3A_84 : i32
      %min3A = arith.constant 520 : i32
      %min3A_86 = arith.minsi %mul3A_85, %min3A : i32
      %add3A = arith.addi %mul3A_0, %min3A_86 : i32
      "tpu.region"() ({
        %run_scoped3A_87 = tpu.sem_alloc : memref<!tpu.dma_semaphore, #tpu.memory_space<semaphore_mem>>
        %dma_start3A_88 = arith.constant 0 : i32
        %dma_start3A_89 = arith.constant 0 : i32
        %dma_start3A_90 = tpu.memref_slice %arg8[%dma_start3A_88, %dma_start3A_89] : memref<125x128xf32, #tpu.memory_space<vmem>> -> memref<120x128xf32, #tpu.memory_space<vmem>>
        %dma_start3A_91 = arith.constant 0 : i32
        %dma_start3A_92 = tpu.memref_slice %arg10[%add3A, %dma_start3A_91] : memref<10000x128xf32, #tpu.memory_space<vmem_shared>> -> memref<120x128xf32, #tpu.memory_space<vmem_shared>>
        %dma_start3A_93 = arith.constant 0 : i32
        %dma_start3A_94 = tpu.memref_slice %arg10[%add3A, %dma_start3A_93] : memref<10000x128xf32, #tpu.memory_space<vmem_shared>> -> memref<120x128xf32, #tpu.memory_space<vmem_shared>>
        %dma_start3A_95 = arith.constant 0 : i32
        %dma_start3A_96 = arith.constant 0 : i32
        %dma_start3A_97 = tpu.memref_slice %arg8[%dma_start3A_95, %dma_start3A_96] : memref<125x128xf32, #tpu.memory_space<vmem>> -> memref<120x128xf32, #tpu.memory_space<vmem>>
        tpu.enqueue_dma source(%dma_start3A_97 : memref<120x128xf32, #tpu.memory_space<vmem>>) target(%dma_start3A_94 : memref<120x128xf32, #tpu.memory_space<vmem_shared>>) target_semaphore(%run_scoped3A_87 : memref<!tpu.dma_semaphore, #tpu.memory_space<semaphore_mem>>)
        %dma_wait3A_98 = arith.constant 0 : i32
        %dma_wait3A_99 = arith.constant 0 : i32
        %dma_wait3A_100 = tpu.memref_slice %arg8[%dma_wait3A_98, %dma_wait3A_99] : memref<125x128xf32, #tpu.memory_space<vmem>> -> memref<120x128xf32, #tpu.memory_space<vmem>>
        %dma_wait3A_101 = arith.constant 0 : i32
        %dma_wait3A_102 = tpu.memref_slice %arg10[%add3A, %dma_wait3A_101] : memref<10000x128xf32, #tpu.memory_space<vmem_shared>> -> memref<120x128xf32, #tpu.memory_space<vmem_shared>>
        %dma_wait3A_103 = arith.constant 0 : i32
        %dma_wait3A_104 = tpu.memref_slice %arg10[%add3A, %dma_wait3A_103] : memref<10000x128xf32, #tpu.memory_space<vmem_shared>> -> memref<120x128xf32, #tpu.memory_space<vmem_shared>>
        %dma_wait3A_105 = arith.constant 0 : i32
        %dma_wait3A_106 = arith.constant 0 : i32
        %dma_wait3A_107 = tpu.memref_slice %arg8[%dma_wait3A_105, %dma_wait3A_106] : memref<125x128xf32, #tpu.memory_space<vmem>> -> memref<120x128xf32, #tpu.memory_space<vmem>>
        tpu.wait_dma2 semaphore(%run_scoped3A_87 : memref<!tpu.dma_semaphore, #tpu.memory_space<semaphore_mem>>) src(%dma_wait3A_107 : memref<120x128xf32, #tpu.memory_space<vmem>>) dst(%dma_wait3A_104 : memref<120x128xf32, #tpu.memory_space<vmem_shared>>)
        tpu.yield
      }) : () -> ()
    }
    %scan3A_12 = arith.constant 6 : i32
    %barrier3A = arith.constant 0 : index
    tpu.barrier barrier_id(%barrier3A)
    "tpu.region"() ({
      %run_scoped3A_83 = tpu.sem_alloc : memref<!tpu.dma_semaphore, #tpu.memory_space<semaphore_mem>>
      %dma_start3A_84 = arith.constant 0 : i32
      %dma_start3A_85 = arith.constant 0 : i32
      %dma_start3A_86 = tpu.memref_slice %arg3[%arg0, %arg1, %dma_start3A_84, %dma_start3A_85] : memref<2x16x80x125xi32, #tpu.memory_space<hbm>> -> memref<1x1x40x125xi32, #tpu.memory_space<hbm>>
      %dma_start3A_87 = tpu.memref_squeeze %dma_start3A_86 : memref<1x1x40x125xi32, #tpu.memory_space<hbm>> -> memref<40x125xi32, #tpu.memory_space<hbm>>
      %dma_start3A_88 = arith.constant 0 : i32
      %dma_start3A_89 = arith.constant 0 : i32
      %dma_start3A_90 = tpu.memref_slice %arg3[%arg0, %arg1, %dma_start3A_88, %dma_start3A_89] : memref<2x16x80x125xi32, #tpu.memory_space<hbm>> -> memref<1x1x40x125xi32, #tpu.memory_space<hbm>>
      %dma_start3A_91 = tpu.memref_squeeze %dma_start3A_90 : memref<1x1x40x125xi32, #tpu.memory_space<hbm>> -> memref<40x125xi32, #tpu.memory_space<hbm>>
      tpu.enqueue_dma source(%dma_start3A_91 : memref<40x125xi32, #tpu.memory_space<hbm>>) target(%arg6 : memref<40x125xi32, #tpu.memory_space<vmem>>) target_semaphore(%run_scoped3A_83 : memref<!tpu.dma_semaphore, #tpu.memory_space<semaphore_mem>>)
      %dma_wait3A_92 = arith.constant 0 : i32
      %dma_wait3A_93 = arith.constant 0 : i32
      %dma_wait3A_94 = tpu.memref_slice %arg3[%arg0, %arg1, %dma_wait3A_92, %dma_wait3A_93] : memref<2x16x80x125xi32, #tpu.memory_space<hbm>> -> memref<1x1x40x125xi32, #tpu.memory_space<hbm>>
      %dma_wait3A_95 = tpu.memref_squeeze %dma_wait3A_94 : memref<1x1x40x125xi32, #tpu.memory_space<hbm>> -> memref<40x125xi32, #tpu.memory_space<hbm>>
      %dma_wait3A_96 = arith.constant 0 : i32
      %dma_wait3A_97 = arith.constant 0 : i32
      %dma_wait3A_98 = tpu.memref_slice %arg3[%arg0, %arg1, %dma_wait3A_96, %dma_wait3A_97] : memref<2x16x80x125xi32, #tpu.memory_space<hbm>> -> memref<1x1x40x125xi32, #tpu.memory_space<hbm>>
      %dma_wait3A_99 = tpu.memref_squeeze %dma_wait3A_98 : memref<1x1x40x125xi32, #tpu.memory_space<hbm>> -> memref<40x125xi32, #tpu.memory_space<hbm>>
      tpu.wait_dma2 semaphore(%run_scoped3A_83 : memref<!tpu.dma_semaphore, #tpu.memory_space<semaphore_mem>>) src(%dma_wait3A_99 : memref<40x125xi32, #tpu.memory_space<hbm>>) dst(%arg6 : memref<40x125xi32, #tpu.memory_space<vmem>>)
      tpu.yield
    }) : () -> ()
    "tpu.region"() ({
      %run_scoped3A_83 = tpu.sem_alloc : memref<!tpu.dma_semaphore, #tpu.memory_space<semaphore_mem>>
      %dma_start3A_84 = arith.constant 0 : i32
      %dma_start3A_85 = arith.constant 0 : i32
      %dma_start3A_86 = tpu.memref_slice %arg4[%arg1, %dma_start3A_84, %dma_start3A_85] : memref<16x80x125xi32, #tpu.memory_space<hbm>> -> memref<1x40x125xi32, #tpu.memory_space<hbm>>
      %dma_start3A_87 = tpu.memref_squeeze %dma_start3A_86 : memref<1x40x125xi32, #tpu.memory_space<hbm>> -> memref<40x125xi32, #tpu.memory_space<hbm>>
      %dma_start3A_88 = arith.constant 0 : i32
      %dma_start3A_89 = arith.constant 0 : i32
      %dma_start3A_90 = tpu.memref_slice %arg4[%arg1, %dma_start3A_88, %dma_start3A_89] : memref<16x80x125xi32, #tpu.memory_space<hbm>> -> memref<1x40x125xi32, #tpu.memory_space<hbm>>
      %dma_start3A_91 = tpu.memref_squeeze %dma_start3A_90 : memref<1x40x125xi32, #tpu.memory_space<hbm>> -> memref<40x125xi32, #tpu.memory_space<hbm>>
      tpu.enqueue_dma source(%dma_start3A_91 : memref<40x125xi32, #tpu.memory_space<hbm>>) target(%arg7 : memref<40x125xi32, #tpu.memory_space<vmem>>) target_semaphore(%run_scoped3A_83 : memref<!tpu.dma_semaphore, #tpu.memory_space<semaphore_mem>>)
      %dma_wait3A_92 = arith.constant 0 : i32
      %dma_wait3A_93 = arith.constant 0 : i32
      %dma_wait3A_94 = tpu.memref_slice %arg4[%arg1, %dma_wait3A_92, %dma_wait3A_93] : memref<16x80x125xi32, #tpu.memory_space<hbm>> -> memref<1x40x125xi32, #tpu.memory_space<hbm>>
      %dma_wait3A_95 = tpu.memref_squeeze %dma_wait3A_94 : memref<1x40x125xi32, #tpu.memory_space<hbm>> -> memref<40x125xi32, #tpu.memory_space<hbm>>
      %dma_wait3A_96 = arith.constant 0 : i32
      %dma_wait3A_97 = arith.constant 0 : i32
      %dma_wait3A_98 = tpu.memref_slice %arg4[%arg1, %dma_wait3A_96, %dma_wait3A_97] : memref<16x80x125xi32, #tpu.memory_space<hbm>> -> memref<1x40x125xi32, #tpu.memory_space<hbm>>
      %dma_wait3A_99 = tpu.memref_squeeze %dma_wait3A_98 : memref<1x40x125xi32, #tpu.memory_space<hbm>> -> memref<40x125xi32, #tpu.memory_space<hbm>>
      tpu.wait_dma2 semaphore(%run_scoped3A_83 : memref<!tpu.dma_semaphore, #tpu.memory_space<semaphore_mem>>) src(%dma_wait3A_99 : memref<40x125xi32, #tpu.memory_space<hbm>>) dst(%arg7 : memref<40x125xi32, #tpu.memory_space<vmem>>)
      tpu.yield
    }) : () -> ()
    %dma_start3A = arith.constant 0 : i32
    %dma_start3A_13 = arith.constant 0 : i32
    %dma_start3A_14 = tpu.memref_slice %arg6[%dma_start3A, %dma_start3A_13] : memref<40x125xi32, #tpu.memory_space<vmem>> -> memref<1x125xi32, #tpu.memory_space<vmem>>
    %dma_start3A_15 = tpu.memref_squeeze %dma_start3A_14 : memref<1x125xi32, #tpu.memory_space<vmem>> -> memref<125xi32, #tpu.memory_space<vmem>>
    %dma_start3A_16 = arith.constant 0 : i32
    %dma_start3A_17 = arith.constant 0 : i32
    %dma_start3A_18 = tpu.memref_slice %arg2[%dma_start3A_16, %dma_start3A_17] : memref<20000x128xf32, #tpu.memory_space<hbm>> -> memref<20000x128xf32, #tpu.memory_space<hbm>>
    tpu.enqueue_indirect_dma source(%dma_start3A_18 : memref<20000x128xf32, #tpu.memory_space<hbm>>) target(%arg8 : memref<125x128xf32, #tpu.memory_space<vmem>>) offsets(%dma_start3A_15 : memref<125xi32, #tpu.memory_space<vmem>>) semaphore(%arg11 : memref<!tpu.dma_semaphore, #tpu.memory_space<semaphore_mem>>)
    %dma_start3A_19 = arith.constant 1 : i32
    %dma_start3A_20 = arith.constant 0 : i32
    %dma_start3A_21 = tpu.memref_slice %arg6[%dma_start3A_19, %dma_start3A_20] : memref<40x125xi32, #tpu.memory_space<vmem>> -> memref<1x125xi32, #tpu.memory_space<vmem>>
    %dma_start3A_22 = tpu.memref_squeeze %dma_start3A_21 : memref<1x125xi32, #tpu.memory_space<vmem>> -> memref<125xi32, #tpu.memory_space<vmem>>
    %dma_start3A_23 = arith.constant 0 : i32
    %dma_start3A_24 = arith.constant 0 : i32
    %dma_start3A_25 = tpu.memref_slice %arg2[%dma_start3A_23, %dma_start3A_24] : memref<20000x128xf32, #tpu.memory_space<hbm>> -> memref<20000x128xf32, #tpu.memory_space<hbm>>
    tpu.enqueue_indirect_dma source(%dma_start3A_25 : memref<20000x128xf32, #tpu.memory_space<hbm>>) target(%arg9 : memref<125x128xf32, #tpu.memory_space<vmem>>) offsets(%dma_start3A_22 : memref<125xi32, #tpu.memory_space<vmem>>) semaphore(%arg12 : memref<!tpu.dma_semaphore, #tpu.memory_space<semaphore_mem>>)
    %scan3A_26 = arith.constant 0 : i32
    %scan3A_27 = arith.constant 0 : i32
    %scan3A_28 = arith.constant 19 : i32
    %scan3A_29 = arith.addi %scan3A_27, %scan3A_28 : i32
    %scan3A_30 = arith.constant 1 : i32
    scf.for %scan3A_83 = %scan3A_27 to %scan3A_29 step %scan3A_30  : i32 {
      %mul3A_84 = arith.constant 2 : i32
      %mul3A_85 = arith.muli %mul3A_84, %scan3A_83 : i32
      %dma_wait3A_86 = arith.constant 0 : i32
      %dma_wait3A_87 = tpu.memref_slice %arg6[%mul3A_85, %dma_wait3A_86] : memref<40x125xi32, #tpu.memory_space<vmem>> -> memref<1x125xi32, #tpu.memory_space<vmem>>
      %dma_wait3A_88 = tpu.memref_squeeze %dma_wait3A_87 : memref<1x125xi32, #tpu.memory_space<vmem>> -> memref<125xi32, #tpu.memory_space<vmem>>
      %dma_wait3A_89 = arith.constant 0 : i32
      %dma_wait3A_90 = arith.constant 0 : i32
      %dma_wait3A_91 = tpu.memref_slice %arg2[%dma_wait3A_89, %dma_wait3A_90] : memref<20000x128xf32, #tpu.memory_space<hbm>> -> memref<20000x128xf32, #tpu.memory_space<hbm>>
      tpu.wait_indirect_dma semaphore(%arg11 : memref<!tpu.dma_semaphore, #tpu.memory_space<semaphore_mem>>) src(%dma_wait3A_91 : memref<20000x128xf32, #tpu.memory_space<hbm>>) dst(%arg8 : memref<125x128xf32, #tpu.memory_space<vmem>>)
      "tpu.region"() ({
        %run_scoped3A_117 = tpu.sem_alloc : memref<!tpu.dma_semaphore, #tpu.memory_space<semaphore_mem>>
        %dma_start3A_118 = arith.constant 0 : i32
        %dma_start3A_119 = tpu.memref_slice %arg7[%mul3A_85, %dma_start3A_118] : memref<40x125xi32, #tpu.memory_space<vmem>> -> memref<1x125xi32, #tpu.memory_space<vmem>>
        %dma_start3A_120 = tpu.memref_squeeze %dma_start3A_119 : memref<1x125xi32, #tpu.memory_space<vmem>> -> memref<125xi32, #tpu.memory_space<vmem>>
        %dma_start3A_121 = arith.constant 0 : i32
        %dma_start3A_122 = arith.constant 0 : i32
        %dma_start3A_123 = tpu.memref_slice %arg10[%dma_start3A_121, %dma_start3A_122] : memref<10000x128xf32, #tpu.memory_space<vmem_shared>> -> memref<10000x128xf32, #tpu.memory_space<vmem_shared>>
        tpu.enqueue_indirect_dma source(%arg8 : memref<125x128xf32, #tpu.memory_space<vmem>>) target(%dma_start3A_123 : memref<10000x128xf32, #tpu.memory_space<vmem_shared>>) offsets(%dma_start3A_120 : memref<125xi32, #tpu.memory_space<vmem>>) semaphore(%run_scoped3A_117 : memref<!tpu.dma_semaphore, #tpu.memory_space<semaphore_mem>>) {add = true}
        %dma_wait3A_124 = arith.constant 0 : i32
        %dma_wait3A_125 = tpu.memref_slice %arg7[%mul3A_85, %dma_wait3A_124] : memref<40x125xi32, #tpu.memory_space<vmem>> -> memref<1x125xi32, #tpu.memory_space<vmem>>
        %dma_wait3A_126 = tpu.memref_squeeze %dma_wait3A_125 : memref<1x125xi32, #tpu.memory_space<vmem>> -> memref<125xi32, #tpu.memory_space<vmem>>
        %dma_wait3A_127 = arith.constant 0 : i32
        %dma_wait3A_128 = arith.constant 0 : i32
        %dma_wait3A_129 = tpu.memref_slice %arg10[%dma_wait3A_127, %dma_wait3A_128] : memref<10000x128xf32, #tpu.memory_space<vmem_shared>> -> memref<10000x128xf32, #tpu.memory_space<vmem_shared>>
        tpu.wait_indirect_dma semaphore(%run_scoped3A_117 : memref<!tpu.dma_semaphore, #tpu.memory_space<semaphore_mem>>) src(%arg8 : memref<125x128xf32, #tpu.memory_space<vmem>>) dst(%dma_wait3A_129 : memref<10000x128xf32, #tpu.memory_space<vmem_shared>>)
        tpu.yield
      }) : () -> ()
      %add3A = arith.constant 2 : i32
      %add3A_92 = arith.addi %mul3A_85, %add3A : i32
      %dma_start3A_93 = arith.constant 0 : i32
      %dma_start3A_94 = tpu.memref_slice %arg6[%add3A_92, %dma_start3A_93] : memref<40x125xi32, #tpu.memory_space<vmem>> -> memref<1x125xi32, #tpu.memory_space<vmem>>
      %dma_start3A_95 = tpu.memref_squeeze %dma_start3A_94 : memref<1x125xi32, #tpu.memory_space<vmem>> -> memref<125xi32, #tpu.memory_space<vmem>>
      %dma_start3A_96 = arith.constant 0 : i32
      %dma_start3A_97 = arith.constant 0 : i32
      %dma_start3A_98 = tpu.memref_slice %arg2[%dma_start3A_96, %dma_start3A_97] : memref<20000x128xf32, #tpu.memory_space<hbm>> -> memref<20000x128xf32, #tpu.memory_space<hbm>>
      tpu.enqueue_indirect_dma source(%dma_start3A_98 : memref<20000x128xf32, #tpu.memory_space<hbm>>) target(%arg8 : memref<125x128xf32, #tpu.memory_space<vmem>>) offsets(%dma_start3A_95 : memref<125xi32, #tpu.memory_space<vmem>>) semaphore(%arg11 : memref<!tpu.dma_semaphore, #tpu.memory_space<semaphore_mem>>)
      %add3A_99 = arith.constant 1 : i32
      %add3A_100 = arith.addi %mul3A_85, %add3A_99 : i32
      %dma_wait3A_101 = arith.constant 0 : i32
      %dma_wait3A_102 = tpu.memref_slice %arg6[%add3A_100, %dma_wait3A_101] : memref<40x125xi32, #tpu.memory_space<vmem>> -> memref<1x125xi32, #tpu.memory_space<vmem>>
      %dma_wait3A_103 = tpu.memref_squeeze %dma_wait3A_102 : memref<1x125xi32, #tpu.memory_space<vmem>> -> memref<125xi32, #tpu.memory_space<vmem>>
      %dma_wait3A_104 = arith.constant 0 : i32
      %dma_wait3A_105 = arith.constant 0 : i32
      %dma_wait3A_106 = tpu.memref_slice %arg2[%dma_wait3A_104, %dma_wait3A_105] : memref<20000x128xf32, #tpu.memory_space<hbm>> -> memref<20000x128xf32, #tpu.memory_space<hbm>>
      tpu.wait_indirect_dma semaphore(%arg12 : memref<!tpu.dma_semaphore, #tpu.memory_space<semaphore_mem>>) src(%dma_wait3A_106 : memref<20000x128xf32, #tpu.memory_space<hbm>>) dst(%arg9 : memref<125x128xf32, #tpu.memory_space<vmem>>)
      %add3A_107 = arith.constant 1 : i32
      %add3A_108 = arith.addi %mul3A_85, %add3A_107 : i32
      "tpu.region"() ({
        %run_scoped3A_117 = tpu.sem_alloc : memref<!tpu.dma_semaphore, #tpu.memory_space<semaphore_mem>>
        %dma_start3A_118 = arith.constant 0 : i32
        %dma_start3A_119 = tpu.memref_slice %arg7[%add3A_108, %dma_start3A_118] : memref<40x125xi32, #tpu.memory_space<vmem>> -> memref<1x125xi32, #tpu.memory_space<vmem>>
        %dma_start3A_120 = tpu.memref_squeeze %dma_start3A_119 : memref<1x125xi32, #tpu.memory_space<vmem>> -> memref<125xi32, #tpu.memory_space<vmem>>
        %dma_start3A_121 = arith.constant 0 : i32
        %dma_start3A_122 = arith.constant 0 : i32
        %dma_start3A_123 = tpu.memref_slice %arg10[%dma_start3A_121, %dma_start3A_122] : memref<10000x128xf32, #tpu.memory_space<vmem_shared>> -> memref<10000x128xf32, #tpu.memory_space<vmem_shared>>
        tpu.enqueue_indirect_dma source(%arg9 : memref<125x128xf32, #tpu.memory_space<vmem>>) target(%dma_start3A_123 : memref<10000x128xf32, #tpu.memory_space<vmem_shared>>) offsets(%dma_start3A_120 : memref<125xi32, #tpu.memory_space<vmem>>) semaphore(%run_scoped3A_117 : memref<!tpu.dma_semaphore, #tpu.memory_space<semaphore_mem>>) {add = true}
        %dma_wait3A_124 = arith.constant 0 : i32
        %dma_wait3A_125 = tpu.memref_slice %arg7[%add3A_108, %dma_wait3A_124] : memref<40x125xi32, #tpu.memory_space<vmem>> -> memref<1x125xi32, #tpu.memory_space<vmem>>
        %dma_wait3A_126 = tpu.memref_squeeze %dma_wait3A_125 : memref<1x125xi32, #tpu.memory_space<vmem>> -> memref<125xi32, #tpu.memory_space<vmem>>
        %dma_wait3A_127 = arith.constant 0 : i32
        %dma_wait3A_128 = arith.constant 0 : i32
        %dma_wait3A_129 = tpu.memref_slice %arg10[%dma_wait3A_127, %dma_wait3A_128] : memref<10000x128xf32, #tpu.memory_space<vmem_shared>> -> memref<10000x128xf32, #tpu.memory_space<vmem_shared>>
        tpu.wait_indirect_dma semaphore(%run_scoped3A_117 : memref<!tpu.dma_semaphore, #tpu.memory_space<semaphore_mem>>) src(%arg9 : memref<125x128xf32, #tpu.memory_space<vmem>>) dst(%dma_wait3A_129 : memref<10000x128xf32, #tpu.memory_space<vmem_shared>>)
        tpu.yield
      }) : () -> ()
      %add3A_109 = arith.constant 3 : i32
      %add3A_110 = arith.addi %mul3A_85, %add3A_109 : i32
      %dma_start3A_111 = arith.constant 0 : i32
      %dma_start3A_112 = tpu.memref_slice %arg6[%add3A_110, %dma_start3A_111] : memref<40x125xi32, #tpu.memory_space<vmem>> -> memref<1x125xi32, #tpu.memory_space<vmem>>
      %dma_start3A_113 = tpu.memref_squeeze %dma_start3A_112 : memref<1x125xi32, #tpu.memory_space<vmem>> -> memref<125xi32, #tpu.memory_space<vmem>>
      %dma_start3A_114 = arith.constant 0 : i32
      %dma_start3A_115 = arith.constant 0 : i32
      %dma_start3A_116 = tpu.memref_slice %arg2[%dma_start3A_114, %dma_start3A_115] : memref<20000x128xf32, #tpu.memory_space<hbm>> -> memref<20000x128xf32, #tpu.memory_space<hbm>>
      tpu.enqueue_indirect_dma source(%dma_start3A_116 : memref<20000x128xf32, #tpu.memory_space<hbm>>) target(%arg9 : memref<125x128xf32, #tpu.memory_space<vmem>>) offsets(%dma_start3A_113 : memref<125xi32, #tpu.memory_space<vmem>>) semaphore(%arg12 : memref<!tpu.dma_semaphore, #tpu.memory_space<semaphore_mem>>)
    }
    %scan3A_31 = arith.constant 19 : i32
    %dma_wait3A = arith.constant 38 : i32
    %dma_wait3A_32 = arith.constant 0 : i32
    %dma_wait3A_33 = tpu.memref_slice %arg6[%dma_wait3A, %dma_wait3A_32] : memref<40x125xi32, #tpu.memory_space<vmem>> -> memref<1x125xi32, #tpu.memory_space<vmem>>
    %dma_wait3A_34 = tpu.memref_squeeze %dma_wait3A_33 : memref<1x125xi32, #tpu.memory_space<vmem>> -> memref<125xi32, #tpu.memory_space<vmem>>
    %dma_wait3A_35 = arith.constant 0 : i32
    %dma_wait3A_36 = arith.constant 0 : i32
    %dma_wait3A_37 = tpu.memref_slice %arg2[%dma_wait3A_35, %dma_wait3A_36] : memref<20000x128xf32, #tpu.memory_space<hbm>> -> memref<20000x128xf32, #tpu.memory_space<hbm>>
    tpu.wait_indirect_dma semaphore(%arg11 : memref<!tpu.dma_semaphore, #tpu.memory_space<semaphore_mem>>) src(%dma_wait3A_37 : memref<20000x128xf32, #tpu.memory_space<hbm>>) dst(%arg8 : memref<125x128xf32, #tpu.memory_space<vmem>>)
    %run_scoped3A = arith.constant 38 : i32
    "tpu.region"() ({
      %run_scoped3A_83 = tpu.sem_alloc : memref<!tpu.dma_semaphore, #tpu.memory_space<semaphore_mem>>
      %dma_start3A_84 = arith.constant 0 : i32
      %dma_start3A_85 = tpu.memref_slice %arg7[%run_scoped3A, %dma_start3A_84] : memref<40x125xi32, #tpu.memory_space<vmem>> -> memref<1x125xi32, #tpu.memory_space<vmem>>
      %dma_start3A_86 = tpu.memref_squeeze %dma_start3A_85 : memref<1x125xi32, #tpu.memory_space<vmem>> -> memref<125xi32, #tpu.memory_space<vmem>>
      %dma_start3A_87 = arith.constant 0 : i32
      %dma_start3A_88 = arith.constant 0 : i32
      %dma_start3A_89 = tpu.memref_slice %arg10[%dma_start3A_87, %dma_start3A_88] : memref<10000x128xf32, #tpu.memory_space<vmem_shared>> -> memref<10000x128xf32, #tpu.memory_space<vmem_shared>>
      tpu.enqueue_indirect_dma source(%arg8 : memref<125x128xf32, #tpu.memory_space<vmem>>) target(%dma_start3A_89 : memref<10000x128xf32, #tpu.memory_space<vmem_shared>>) offsets(%dma_start3A_86 : memref<125xi32, #tpu.memory_space<vmem>>) semaphore(%run_scoped3A_83 : memref<!tpu.dma_semaphore, #tpu.memory_space<semaphore_mem>>) {add = true}
      %dma_wait3A_90 = arith.constant 0 : i32
      %dma_wait3A_91 = tpu.memref_slice %arg7[%run_scoped3A, %dma_wait3A_90] : memref<40x125xi32, #tpu.memory_space<vmem>> -> memref<1x125xi32, #tpu.memory_space<vmem>>
      %dma_wait3A_92 = tpu.memref_squeeze %dma_wait3A_91 : memref<1x125xi32, #tpu.memory_space<vmem>> -> memref<125xi32, #tpu.memory_space<vmem>>
      %dma_wait3A_93 = arith.constant 0 : i32
      %dma_wait3A_94 = arith.constant 0 : i32
      %dma_wait3A_95 = tpu.memref_slice %arg10[%dma_wait3A_93, %dma_wait3A_94] : memref<10000x128xf32, #tpu.memory_space<vmem_shared>> -> memref<10000x128xf32, #tpu.memory_space<vmem_shared>>
      tpu.wait_indirect_dma semaphore(%run_scoped3A_83 : memref<!tpu.dma_semaphore, #tpu.memory_space<semaphore_mem>>) src(%arg8 : memref<125x128xf32, #tpu.memory_space<vmem>>) dst(%dma_wait3A_95 : memref<10000x128xf32, #tpu.memory_space<vmem_shared>>)
      tpu.yield
    }) : () -> ()
    %dma_wait3A_38 = arith.constant 39 : i32
    %dma_wait3A_39 = arith.constant 0 : i32
    %dma_wait3A_40 = tpu.memref_slice %arg6[%dma_wait3A_38, %dma_wait3A_39] : memref<40x125xi32, #tpu.memory_space<vmem>> -> memref<1x125xi32, #tpu.memory_space<vmem>>
    %dma_wait3A_41 = tpu.memref_squeeze %dma_wait3A_40 : memref<1x125xi32, #tpu.memory_space<vmem>> -> memref<125xi32, #tpu.memory_space<vmem>>
    %dma_wait3A_42 = arith.constant 0 : i32
    %dma_wait3A_43 = arith.constant 0 : i32
    %dma_wait3A_44 = tpu.memref_slice %arg2[%dma_wait3A_42, %dma_wait3A_43] : memref<20000x128xf32, #tpu.memory_space<hbm>> -> memref<20000x128xf32, #tpu.memory_space<hbm>>
    tpu.wait_indirect_dma semaphore(%arg12 : memref<!tpu.dma_semaphore, #tpu.memory_space<semaphore_mem>>) src(%dma_wait3A_44 : memref<20000x128xf32, #tpu.memory_space<hbm>>) dst(%arg9 : memref<125x128xf32, #tpu.memory_space<vmem>>)
    %run_scoped3A_45 = arith.constant 39 : i32
    "tpu.region"() ({
      %run_scoped3A_83 = tpu.sem_alloc : memref<!tpu.dma_semaphore, #tpu.memory_space<semaphore_mem>>
      %dma_start3A_84 = arith.constant 0 : i32
      %dma_start3A_85 = tpu.memref_slice %arg7[%run_scoped3A_45, %dma_start3A_84] : memref<40x125xi32, #tpu.memory_space<vmem>> -> memref<1x125xi32, #tpu.memory_space<vmem>>
      %dma_start3A_86 = tpu.memref_squeeze %dma_start3A_85 : memref<1x125xi32, #tpu.memory_space<vmem>> -> memref<125xi32, #tpu.memory_space<vmem>>
      %dma_start3A_87 = arith.constant 0 : i32
      %dma_start3A_88 = arith.constant 0 : i32
      %dma_start3A_89 = tpu.memref_slice %arg10[%dma_start3A_87, %dma_start3A_88] : memref<10000x128xf32, #tpu.memory_space<vmem_shared>> -> memref<10000x128xf32, #tpu.memory_space<vmem_shared>>
      tpu.enqueue_indirect_dma source(%arg9 : memref<125x128xf32, #tpu.memory_space<vmem>>) target(%dma_start3A_89 : memref<10000x128xf32, #tpu.memory_space<vmem_shared>>) offsets(%dma_start3A_86 : memref<125xi32, #tpu.memory_space<vmem>>) semaphore(%run_scoped3A_83 : memref<!tpu.dma_semaphore, #tpu.memory_space<semaphore_mem>>) {add = true}
      %dma_wait3A_90 = arith.constant 0 : i32
      %dma_wait3A_91 = tpu.memref_slice %arg7[%run_scoped3A_45, %dma_wait3A_90] : memref<40x125xi32, #tpu.memory_space<vmem>> -> memref<1x125xi32, #tpu.memory_space<vmem>>
      %dma_wait3A_92 = tpu.memref_squeeze %dma_wait3A_91 : memref<1x125xi32, #tpu.memory_space<vmem>> -> memref<125xi32, #tpu.memory_space<vmem>>
      %dma_wait3A_93 = arith.constant 0 : i32
      %dma_wait3A_94 = arith.constant 0 : i32
      %dma_wait3A_95 = tpu.memref_slice %arg10[%dma_wait3A_93, %dma_wait3A_94] : memref<10000x128xf32, #tpu.memory_space<vmem_shared>> -> memref<10000x128xf32, #tpu.memory_space<vmem_shared>>
      tpu.wait_indirect_dma semaphore(%run_scoped3A_83 : memref<!tpu.dma_semaphore, #tpu.memory_space<semaphore_mem>>) src(%arg9 : memref<125x128xf32, #tpu.memory_space<vmem>>) dst(%dma_wait3A_95 : memref<10000x128xf32, #tpu.memory_space<vmem_shared>>)
      tpu.yield
    }) : () -> ()
    "tpu.region"() ({
      %run_scoped3A_83 = tpu.sem_alloc : memref<!tpu.dma_semaphore, #tpu.memory_space<semaphore_mem>>
      %dma_start3A_84 = arith.constant 40 : i32
      %dma_start3A_85 = arith.constant 0 : i32
      %dma_start3A_86 = tpu.memref_slice %arg3[%arg0, %arg1, %dma_start3A_84, %dma_start3A_85] : memref<2x16x80x125xi32, #tpu.memory_space<hbm>> -> memref<1x1x40x125xi32, #tpu.memory_space<hbm>>
      %dma_start3A_87 = tpu.memref_squeeze %dma_start3A_86 : memref<1x1x40x125xi32, #tpu.memory_space<hbm>> -> memref<40x125xi32, #tpu.memory_space<hbm>>
      %dma_start3A_88 = arith.constant 40 : i32
      %dma_start3A_89 = arith.constant 0 : i32
      %dma_start3A_90 = tpu.memref_slice %arg3[%arg0, %arg1, %dma_start3A_88, %dma_start3A_89] : memref<2x16x80x125xi32, #tpu.memory_space<hbm>> -> memref<1x1x40x125xi32, #tpu.memory_space<hbm>>
      %dma_start3A_91 = tpu.memref_squeeze %dma_start3A_90 : memref<1x1x40x125xi32, #tpu.memory_space<hbm>> -> memref<40x125xi32, #tpu.memory_space<hbm>>
      tpu.enqueue_dma source(%dma_start3A_91 : memref<40x125xi32, #tpu.memory_space<hbm>>) target(%arg6 : memref<40x125xi32, #tpu.memory_space<vmem>>) target_semaphore(%run_scoped3A_83 : memref<!tpu.dma_semaphore, #tpu.memory_space<semaphore_mem>>)
      %dma_wait3A_92 = arith.constant 40 : i32
      %dma_wait3A_93 = arith.constant 0 : i32
      %dma_wait3A_94 = tpu.memref_slice %arg3[%arg0, %arg1, %dma_wait3A_92, %dma_wait3A_93] : memref<2x16x80x125xi32, #tpu.memory_space<hbm>> -> memref<1x1x40x125xi32, #tpu.memory_space<hbm>>
      %dma_wait3A_95 = tpu.memref_squeeze %dma_wait3A_94 : memref<1x1x40x125xi32, #tpu.memory_space<hbm>> -> memref<40x125xi32, #tpu.memory_space<hbm>>
      %dma_wait3A_96 = arith.constant 40 : i32
      %dma_wait3A_97 = arith.constant 0 : i32
      %dma_wait3A_98 = tpu.memref_slice %arg3[%arg0, %arg1, %dma_wait3A_96, %dma_wait3A_97] : memref<2x16x80x125xi32, #tpu.memory_space<hbm>> -> memref<1x1x40x125xi32, #tpu.memory_space<hbm>>
      %dma_wait3A_99 = tpu.memref_squeeze %dma_wait3A_98 : memref<1x1x40x125xi32, #tpu.memory_space<hbm>> -> memref<40x125xi32, #tpu.memory_space<hbm>>
      tpu.wait_dma2 semaphore(%run_scoped3A_83 : memref<!tpu.dma_semaphore, #tpu.memory_space<semaphore_mem>>) src(%dma_wait3A_99 : memref<40x125xi32, #tpu.memory_space<hbm>>) dst(%arg6 : memref<40x125xi32, #tpu.memory_space<vmem>>)
      tpu.yield
    }) : () -> ()
    "tpu.region"() ({
      %run_scoped3A_83 = tpu.sem_alloc : memref<!tpu.dma_semaphore, #tpu.memory_space<semaphore_mem>>
      %dma_start3A_84 = arith.constant 40 : i32
      %dma_start3A_85 = arith.constant 0 : i32
      %dma_start3A_86 = tpu.memref_slice %arg4[%arg1, %dma_start3A_84, %dma_start3A_85] : memref<16x80x125xi32, #tpu.memory_space<hbm>> -> memref<1x40x125xi32, #tpu.memory_space<hbm>>
      %dma_start3A_87 = tpu.memref_squeeze %dma_start3A_86 : memref<1x40x125xi32, #tpu.memory_space<hbm>> -> memref<40x125xi32, #tpu.memory_space<hbm>>
      %dma_start3A_88 = arith.constant 40 : i32
      %dma_start3A_89 = arith.constant 0 : i32
      %dma_start3A_90 = tpu.memref_slice %arg4[%arg1, %dma_start3A_88, %dma_start3A_89] : memref<16x80x125xi32, #tpu.memory_space<hbm>> -> memref<1x40x125xi32, #tpu.memory_space<hbm>>
      %dma_start3A_91 = tpu.memref_squeeze %dma_start3A_90 : memref<1x40x125xi32, #tpu.memory_space<hbm>> -> memref<40x125xi32, #tpu.memory_space<hbm>>
      tpu.enqueue_dma source(%dma_start3A_91 : memref<40x125xi32, #tpu.memory_space<hbm>>) target(%arg7 : memref<40x125xi32, #tpu.memory_space<vmem>>) target_semaphore(%run_scoped3A_83 : memref<!tpu.dma_semaphore, #tpu.memory_space<semaphore_mem>>)
      %dma_wait3A_92 = arith.constant 40 : i32
      %dma_wait3A_93 = arith.constant 0 : i32
      %dma_wait3A_94 = tpu.memref_slice %arg4[%arg1, %dma_wait3A_92, %dma_wait3A_93] : memref<16x80x125xi32, #tpu.memory_space<hbm>> -> memref<1x40x125xi32, #tpu.memory_space<hbm>>
      %dma_wait3A_95 = tpu.memref_squeeze %dma_wait3A_94 : memref<1x40x125xi32, #tpu.memory_space<hbm>> -> memref<40x125xi32, #tpu.memory_space<hbm>>
      %dma_wait3A_96 = arith.constant 40 : i32
      %dma_wait3A_97 = arith.constant 0 : i32
      %dma_wait3A_98 = tpu.memref_slice %arg4[%arg1, %dma_wait3A_96, %dma_wait3A_97] : memref<16x80x125xi32, #tpu.memory_space<hbm>> -> memref<1x40x125xi32, #tpu.memory_space<hbm>>
      %dma_wait3A_99 = tpu.memref_squeeze %dma_wait3A_98 : memref<1x40x125xi32, #tpu.memory_space<hbm>> -> memref<40x125xi32, #tpu.memory_space<hbm>>
      tpu.wait_dma2 semaphore(%run_scoped3A_83 : memref<!tpu.dma_semaphore, #tpu.memory_space<semaphore_mem>>) src(%dma_wait3A_99 : memref<40x125xi32, #tpu.memory_space<hbm>>) dst(%arg7 : memref<40x125xi32, #tpu.memory_space<vmem>>)
      tpu.yield
    }) : () -> ()
    %dma_start3A_46 = arith.constant 0 : i32
    %dma_start3A_47 = arith.constant 0 : i32
    %dma_start3A_48 = tpu.memref_slice %arg6[%dma_start3A_46, %dma_start3A_47] : memref<40x125xi32, #tpu.memory_space<vmem>> -> memref<1x125xi32, #tpu.memory_space<vmem>>
    %dma_start3A_49 = tpu.memref_squeeze %dma_start3A_48 : memref<1x125xi32, #tpu.memory_space<vmem>> -> memref<125xi32, #tpu.memory_space<vmem>>
    %dma_start3A_50 = arith.constant 0 : i32
    %dma_start3A_51 = arith.constant 0 : i32
    %dma_start3A_52 = tpu.memref_slice %arg2[%dma_start3A_50, %dma_start3A_51] : memref<20000x128xf32, #tpu.memory_space<hbm>> -> memref<20000x128xf32, #tpu.memory_space<hbm>>
    tpu.enqueue_indirect_dma source(%dma_start3A_52 : memref<20000x128xf32, #tpu.memory_space<hbm>>) target(%arg8 : memref<125x128xf32, #tpu.memory_space<vmem>>) offsets(%dma_start3A_49 : memref<125xi32, #tpu.memory_space<vmem>>) semaphore(%arg11 : memref<!tpu.dma_semaphore, #tpu.memory_space<semaphore_mem>>)
    %dma_start3A_53 = arith.constant 1 : i32
    %dma_start3A_54 = arith.constant 0 : i32
    %dma_start3A_55 = tpu.memref_slice %arg6[%dma_start3A_53, %dma_start3A_54] : memref<40x125xi32, #tpu.memory_space<vmem>> -> memref<1x125xi32, #tpu.memory_space<vmem>>
    %dma_start3A_56 = tpu.memref_squeeze %dma_start3A_55 : memref<1x125xi32, #tpu.memory_space<vmem>> -> memref<125xi32, #tpu.memory_space<vmem>>
    %dma_start3A_57 = arith.constant 0 : i32
    %dma_start3A_58 = arith.constant 0 : i32
    %dma_start3A_59 = tpu.memref_slice %arg2[%dma_start3A_57, %dma_start3A_58] : memref<20000x128xf32, #tpu.memory_space<hbm>> -> memref<20000x128xf32, #tpu.memory_space<hbm>>
    tpu.enqueue_indirect_dma source(%dma_start3A_59 : memref<20000x128xf32, #tpu.memory_space<hbm>>) target(%arg9 : memref<125x128xf32, #tpu.memory_space<vmem>>) offsets(%dma_start3A_56 : memref<125xi32, #tpu.memory_space<vmem>>) semaphore(%arg12 : memref<!tpu.dma_semaphore, #tpu.memory_space<semaphore_mem>>)
    %scan3A_60 = arith.constant 0 : i32
    %scan3A_61 = arith.constant 0 : i32
    %scan3A_62 = arith.constant 19 : i32
    %scan3A_63 = arith.addi %scan3A_61, %scan3A_62 : i32
    %scan3A_64 = arith.constant 1 : i32
    scf.for %scan3A_83 = %scan3A_61 to %scan3A_63 step %scan3A_64  : i32 {
      %mul3A_84 = arith.constant 2 : i32
      %mul3A_85 = arith.muli %mul3A_84, %scan3A_83 : i32
      %dma_wait3A_86 = arith.constant 0 : i32
      %dma_wait3A_87 = tpu.memref_slice %arg6[%mul3A_85, %dma_wait3A_86] : memref<40x125xi32, #tpu.memory_space<vmem>> -> memref<1x125xi32, #tpu.memory_space<vmem>>
      %dma_wait3A_88 = tpu.memref_squeeze %dma_wait3A_87 : memref<1x125xi32, #tpu.memory_space<vmem>> -> memref<125xi32, #tpu.memory_space<vmem>>
      %dma_wait3A_89 = arith.constant 0 : i32
      %dma_wait3A_90 = arith.constant 0 : i32
      %dma_wait3A_91 = tpu.memref_slice %arg2[%dma_wait3A_89, %dma_wait3A_90] : memref<20000x128xf32, #tpu.memory_space<hbm>> -> memref<20000x128xf32, #tpu.memory_space<hbm>>
      tpu.wait_indirect_dma semaphore(%arg11 : memref<!tpu.dma_semaphore, #tpu.memory_space<semaphore_mem>>) src(%dma_wait3A_91 : memref<20000x128xf32, #tpu.memory_space<hbm>>) dst(%arg8 : memref<125x128xf32, #tpu.memory_space<vmem>>)
      "tpu.region"() ({
        %run_scoped3A_117 = tpu.sem_alloc : memref<!tpu.dma_semaphore, #tpu.memory_space<semaphore_mem>>
        %dma_start3A_118 = arith.constant 0 : i32
        %dma_start3A_119 = tpu.memref_slice %arg7[%mul3A_85, %dma_start3A_118] : memref<40x125xi32, #tpu.memory_space<vmem>> -> memref<1x125xi32, #tpu.memory_space<vmem>>
        %dma_start3A_120 = tpu.memref_squeeze %dma_start3A_119 : memref<1x125xi32, #tpu.memory_space<vmem>> -> memref<125xi32, #tpu.memory_space<vmem>>
        %dma_start3A_121 = arith.constant 0 : i32
        %dma_start3A_122 = arith.constant 0 : i32
        %dma_start3A_123 = tpu.memref_slice %arg10[%dma_start3A_121, %dma_start3A_122] : memref<10000x128xf32, #tpu.memory_space<vmem_shared>> -> memref<10000x128xf32, #tpu.memory_space<vmem_shared>>
        tpu.enqueue_indirect_dma source(%arg8 : memref<125x128xf32, #tpu.memory_space<vmem>>) target(%dma_start3A_123 : memref<10000x128xf32, #tpu.memory_space<vmem_shared>>) offsets(%dma_start3A_120 : memref<125xi32, #tpu.memory_space<vmem>>) semaphore(%run_scoped3A_117 : memref<!tpu.dma_semaphore, #tpu.memory_space<semaphore_mem>>) {add = true}
        %dma_wait3A_124 = arith.constant 0 : i32
        %dma_wait3A_125 = tpu.memref_slice %arg7[%mul3A_85, %dma_wait3A_124] : memref<40x125xi32, #tpu.memory_space<vmem>> -> memref<1x125xi32, #tpu.memory_space<vmem>>
        %dma_wait3A_126 = tpu.memref_squeeze %dma_wait3A_125 : memref<1x125xi32, #tpu.memory_space<vmem>> -> memref<125xi32, #tpu.memory_space<vmem>>
        %dma_wait3A_127 = arith.constant 0 : i32
        %dma_wait3A_128 = arith.constant 0 : i32
        %dma_wait3A_129 = tpu.memref_slice %arg10[%dma_wait3A_127, %dma_wait3A_128] : memref<10000x128xf32, #tpu.memory_space<vmem_shared>> -> memref<10000x128xf32, #tpu.memory_space<vmem_shared>>
        tpu.wait_indirect_dma semaphore(%run_scoped3A_117 : memref<!tpu.dma_semaphore, #tpu.memory_space<semaphore_mem>>) src(%arg8 : memref<125x128xf32, #tpu.memory_space<vmem>>) dst(%dma_wait3A_129 : memref<10000x128xf32, #tpu.memory_space<vmem_shared>>)
        tpu.yield
      }) : () -> ()
      %add3A = arith.constant 2 : i32
      %add3A_92 = arith.addi %mul3A_85, %add3A : i32
      %dma_start3A_93 = arith.constant 0 : i32
      %dma_start3A_94 = tpu.memref_slice %arg6[%add3A_92, %dma_start3A_93] : memref<40x125xi32, #tpu.memory_space<vmem>> -> memref<1x125xi32, #tpu.memory_space<vmem>>
      %dma_start3A_95 = tpu.memref_squeeze %dma_start3A_94 : memref<1x125xi32, #tpu.memory_space<vmem>> -> memref<125xi32, #tpu.memory_space<vmem>>
      %dma_start3A_96 = arith.constant 0 : i32
      %dma_start3A_97 = arith.constant 0 : i32
      %dma_start3A_98 = tpu.memref_slice %arg2[%dma_start3A_96, %dma_start3A_97] : memref<20000x128xf32, #tpu.memory_space<hbm>> -> memref<20000x128xf32, #tpu.memory_space<hbm>>
      tpu.enqueue_indirect_dma source(%dma_start3A_98 : memref<20000x128xf32, #tpu.memory_space<hbm>>) target(%arg8 : memref<125x128xf32, #tpu.memory_space<vmem>>) offsets(%dma_start3A_95 : memref<125xi32, #tpu.memory_space<vmem>>) semaphore(%arg11 : memref<!tpu.dma_semaphore, #tpu.memory_space<semaphore_mem>>)
      %add3A_99 = arith.constant 1 : i32
      %add3A_100 = arith.addi %mul3A_85, %add3A_99 : i32
      %dma_wait3A_101 = arith.constant 0 : i32
      %dma_wait3A_102 = tpu.memref_slice %arg6[%add3A_100, %dma_wait3A_101] : memref<40x125xi32, #tpu.memory_space<vmem>> -> memref<1x125xi32, #tpu.memory_space<vmem>>
      %dma_wait3A_103 = tpu.memref_squeeze %dma_wait3A_102 : memref<1x125xi32, #tpu.memory_space<vmem>> -> memref<125xi32, #tpu.memory_space<vmem>>
      %dma_wait3A_104 = arith.constant 0 : i32
      %dma_wait3A_105 = arith.constant 0 : i32
      %dma_wait3A_106 = tpu.memref_slice %arg2[%dma_wait3A_104, %dma_wait3A_105] : memref<20000x128xf32, #tpu.memory_space<hbm>> -> memref<20000x128xf32, #tpu.memory_space<hbm>>
      tpu.wait_indirect_dma semaphore(%arg12 : memref<!tpu.dma_semaphore, #tpu.memory_space<semaphore_mem>>) src(%dma_wait3A_106 : memref<20000x128xf32, #tpu.memory_space<hbm>>) dst(%arg9 : memref<125x128xf32, #tpu.memory_space<vmem>>)
      %add3A_107 = arith.constant 1 : i32
      %add3A_108 = arith.addi %mul3A_85, %add3A_107 : i32
      "tpu.region"() ({
        %run_scoped3A_117 = tpu.sem_alloc : memref<!tpu.dma_semaphore, #tpu.memory_space<semaphore_mem>>
        %dma_start3A_118 = arith.constant 0 : i32
        %dma_start3A_119 = tpu.memref_slice %arg7[%add3A_108, %dma_start3A_118] : memref<40x125xi32, #tpu.memory_space<vmem>> -> memref<1x125xi32, #tpu.memory_space<vmem>>
        %dma_start3A_120 = tpu.memref_squeeze %dma_start3A_119 : memref<1x125xi32, #tpu.memory_space<vmem>> -> memref<125xi32, #tpu.memory_space<vmem>>
        %dma_start3A_121 = arith.constant 0 : i32
        %dma_start3A_122 = arith.constant 0 : i32
        %dma_start3A_123 = tpu.memref_slice %arg10[%dma_start3A_121, %dma_start3A_122] : memref<10000x128xf32, #tpu.memory_space<vmem_shared>> -> memref<10000x128xf32, #tpu.memory_space<vmem_shared>>
        tpu.enqueue_indirect_dma source(%arg9 : memref<125x128xf32, #tpu.memory_space<vmem>>) target(%dma_start3A_123 : memref<10000x128xf32, #tpu.memory_space<vmem_shared>>) offsets(%dma_start3A_120 : memref<125xi32, #tpu.memory_space<vmem>>) semaphore(%run_scoped3A_117 : memref<!tpu.dma_semaphore, #tpu.memory_space<semaphore_mem>>) {add = true}
        %dma_wait3A_124 = arith.constant 0 : i32
        %dma_wait3A_125 = tpu.memref_slice %arg7[%add3A_108, %dma_wait3A_124] : memref<40x125xi32, #tpu.memory_space<vmem>> -> memref<1x125xi32, #tpu.memory_space<vmem>>
        %dma_wait3A_126 = tpu.memref_squeeze %dma_wait3A_125 : memref<1x125xi32, #tpu.memory_space<vmem>> -> memref<125xi32, #tpu.memory_space<vmem>>
        %dma_wait3A_127 = arith.constant 0 : i32
        %dma_wait3A_128 = arith.constant 0 : i32
        %dma_wait3A_129 = tpu.memref_slice %arg10[%dma_wait3A_127, %dma_wait3A_128] : memref<10000x128xf32, #tpu.memory_space<vmem_shared>> -> memref<10000x128xf32, #tpu.memory_space<vmem_shared>>
        tpu.wait_indirect_dma semaphore(%run_scoped3A_117 : memref<!tpu.dma_semaphore, #tpu.memory_space<semaphore_mem>>) src(%arg9 : memref<125x128xf32, #tpu.memory_space<vmem>>) dst(%dma_wait3A_129 : memref<10000x128xf32, #tpu.memory_space<vmem_shared>>)
        tpu.yield
      }) : () -> ()
      %add3A_109 = arith.constant 3 : i32
      %add3A_110 = arith.addi %mul3A_85, %add3A_109 : i32
      %dma_start3A_111 = arith.constant 0 : i32
      %dma_start3A_112 = tpu.memref_slice %arg6[%add3A_110, %dma_start3A_111] : memref<40x125xi32, #tpu.memory_space<vmem>> -> memref<1x125xi32, #tpu.memory_space<vmem>>
      %dma_start3A_113 = tpu.memref_squeeze %dma_start3A_112 : memref<1x125xi32, #tpu.memory_space<vmem>> -> memref<125xi32, #tpu.memory_space<vmem>>
      %dma_start3A_114 = arith.constant 0 : i32
      %dma_start3A_115 = arith.constant 0 : i32
      %dma_start3A_116 = tpu.memref_slice %arg2[%dma_start3A_114, %dma_start3A_115] : memref<20000x128xf32, #tpu.memory_space<hbm>> -> memref<20000x128xf32, #tpu.memory_space<hbm>>
      tpu.enqueue_indirect_dma source(%dma_start3A_116 : memref<20000x128xf32, #tpu.memory_space<hbm>>) target(%arg9 : memref<125x128xf32, #tpu.memory_space<vmem>>) offsets(%dma_start3A_113 : memref<125xi32, #tpu.memory_space<vmem>>) semaphore(%arg12 : memref<!tpu.dma_semaphore, #tpu.memory_space<semaphore_mem>>)
    }
    %scan3A_65 = arith.constant 19 : i32
    %dma_wait3A_66 = arith.constant 38 : i32
    %dma_wait3A_67 = arith.constant 0 : i32
    %dma_wait3A_68 = tpu.memref_slice %arg6[%dma_wait3A_66, %dma_wait3A_67] : memref<40x125xi32, #tpu.memory_space<vmem>> -> memref<1x125xi32, #tpu.memory_space<vmem>>
    %dma_wait3A_69 = tpu.memref_squeeze %dma_wait3A_68 : memref<1x125xi32, #tpu.memory_space<vmem>> -> memref<125xi32, #tpu.memory_space<vmem>>
    %dma_wait3A_70 = arith.constant 0 : i32
    %dma_wait3A_71 = arith.constant 0 : i32
    %dma_wait3A_72 = tpu.memref_slice %arg2[%dma_wait3A_70, %dma_wait3A_71] : memref<20000x128xf32, #tpu.memory_space<hbm>> -> memref<20000x128xf32, #tpu.memory_space<hbm>>
    tpu.wait_indirect_dma semaphore(%arg11 : memref<!tpu.dma_semaphore, #tpu.memory_space<semaphore_mem>>) src(%dma_wait3A_72 : memref<20000x128xf32, #tpu.memory_space<hbm>>) dst(%arg8 : memref<125x128xf32, #tpu.memory_space<vmem>>)
    %run_scoped3A_73 = arith.constant 38 : i32
    "tpu.region"() ({
      %run_scoped3A_83 = tpu.sem_alloc : memref<!tpu.dma_semaphore, #tpu.memory_space<semaphore_mem>>
      %dma_start3A_84 = arith.constant 0 : i32
      %dma_start3A_85 = tpu.memref_slice %arg7[%run_scoped3A_73, %dma_start3A_84] : memref<40x125xi32, #tpu.memory_space<vmem>> -> memref<1x125xi32, #tpu.memory_space<vmem>>
      %dma_start3A_86 = tpu.memref_squeeze %dma_start3A_85 : memref<1x125xi32, #tpu.memory_space<vmem>> -> memref<125xi32, #tpu.memory_space<vmem>>
      %dma_start3A_87 = arith.constant 0 : i32
      %dma_start3A_88 = arith.constant 0 : i32
      %dma_start3A_89 = tpu.memref_slice %arg10[%dma_start3A_87, %dma_start3A_88] : memref<10000x128xf32, #tpu.memory_space<vmem_shared>> -> memref<10000x128xf32, #tpu.memory_space<vmem_shared>>
      tpu.enqueue_indirect_dma source(%arg8 : memref<125x128xf32, #tpu.memory_space<vmem>>) target(%dma_start3A_89 : memref<10000x128xf32, #tpu.memory_space<vmem_shared>>) offsets(%dma_start3A_86 : memref<125xi32, #tpu.memory_space<vmem>>) semaphore(%run_scoped3A_83 : memref<!tpu.dma_semaphore, #tpu.memory_space<semaphore_mem>>) {add = true}
      %dma_wait3A_90 = arith.constant 0 : i32
      %dma_wait3A_91 = tpu.memref_slice %arg7[%run_scoped3A_73, %dma_wait3A_90] : memref<40x125xi32, #tpu.memory_space<vmem>> -> memref<1x125xi32, #tpu.memory_space<vmem>>
      %dma_wait3A_92 = tpu.memref_squeeze %dma_wait3A_91 : memref<1x125xi32, #tpu.memory_space<vmem>> -> memref<125xi32, #tpu.memory_space<vmem>>
      %dma_wait3A_93 = arith.constant 0 : i32
      %dma_wait3A_94 = arith.constant 0 : i32
      %dma_wait3A_95 = tpu.memref_slice %arg10[%dma_wait3A_93, %dma_wait3A_94] : memref<10000x128xf32, #tpu.memory_space<vmem_shared>> -> memref<10000x128xf32, #tpu.memory_space<vmem_shared>>
      tpu.wait_indirect_dma semaphore(%run_scoped3A_83 : memref<!tpu.dma_semaphore, #tpu.memory_space<semaphore_mem>>) src(%arg8 : memref<125x128xf32, #tpu.memory_space<vmem>>) dst(%dma_wait3A_95 : memref<10000x128xf32, #tpu.memory_space<vmem_shared>>)
      tpu.yield
    }) : () -> ()
    %dma_wait3A_74 = arith.constant 39 : i32
    %dma_wait3A_75 = arith.constant 0 : i32
    %dma_wait3A_76 = tpu.memref_slice %arg6[%dma_wait3A_74, %dma_wait3A_75] : memref<40x125xi32, #tpu.memory_space<vmem>> -> memref<1x125xi32, #tpu.memory_space<vmem>>
    %dma_wait3A_77 = tpu.memref_squeeze %dma_wait3A_76 : memref<1x125xi32, #tpu.memory_space<vmem>> -> memref<125xi32, #tpu.memory_space<vmem>>
    %dma_wait3A_78 = arith.constant 0 : i32
    %dma_wait3A_79 = arith.constant 0 : i32
    %dma_wait3A_80 = tpu.memref_slice %arg2[%dma_wait3A_78, %dma_wait3A_79] : memref<20000x128xf32, #tpu.memory_space<hbm>> -> memref<20000x128xf32, #tpu.memory_space<hbm>>
    tpu.wait_indirect_dma semaphore(%arg12 : memref<!tpu.dma_semaphore, #tpu.memory_space<semaphore_mem>>) src(%dma_wait3A_80 : memref<20000x128xf32, #tpu.memory_space<hbm>>) dst(%arg9 : memref<125x128xf32, #tpu.memory_space<vmem>>)
    %run_scoped3A_81 = arith.constant 39 : i32
    "tpu.region"() ({
      %run_scoped3A_83 = tpu.sem_alloc : memref<!tpu.dma_semaphore, #tpu.memory_space<semaphore_mem>>
      %dma_start3A_84 = arith.constant 0 : i32
      %dma_start3A_85 = tpu.memref_slice %arg7[%run_scoped3A_81, %dma_start3A_84] : memref<40x125xi32, #tpu.memory_space<vmem>> -> memref<1x125xi32, #tpu.memory_space<vmem>>
      %dma_start3A_86 = tpu.memref_squeeze %dma_start3A_85 : memref<1x125xi32, #tpu.memory_space<vmem>> -> memref<125xi32, #tpu.memory_space<vmem>>
      %dma_start3A_87 = arith.constant 0 : i32
      %dma_start3A_88 = arith.constant 0 : i32
      %dma_start3A_89 = tpu.memref_slice %arg10[%dma_start3A_87, %dma_start3A_88] : memref<10000x128xf32, #tpu.memory_space<vmem_shared>> -> memref<10000x128xf32, #tpu.memory_space<vmem_shared>>
      tpu.enqueue_indirect_dma source(%arg9 : memref<125x128xf32, #tpu.memory_space<vmem>>) target(%dma_start3A_89 : memref<10000x128xf32, #tpu.memory_space<vmem_shared>>) offsets(%dma_start3A_86 : memref<125xi32, #tpu.memory_space<vmem>>) semaphore(%run_scoped3A_83 : memref<!tpu.dma_semaphore, #tpu.memory_space<semaphore_mem>>) {add = true}
      %dma_wait3A_90 = arith.constant 0 : i32
      %dma_wait3A_91 = tpu.memref_slice %arg7[%run_scoped3A_81, %dma_wait3A_90] : memref<40x125xi32, #tpu.memory_space<vmem>> -> memref<1x125xi32, #tpu.memory_space<vmem>>
      %dma_wait3A_92 = tpu.memref_squeeze %dma_wait3A_91 : memref<1x125xi32, #tpu.memory_space<vmem>> -> memref<125xi32, #tpu.memory_space<vmem>>
      %dma_wait3A_93 = arith.constant 0 : i32
      %dma_wait3A_94 = arith.constant 0 : i32
      %dma_wait3A_95 = tpu.memref_slice %arg10[%dma_wait3A_93, %dma_wait3A_94] : memref<10000x128xf32, #tpu.memory_space<vmem_shared>> -> memref<10000x128xf32, #tpu.memory_space<vmem_shared>>
      tpu.wait_indirect_dma semaphore(%run_scoped3A_83 : memref<!tpu.dma_semaphore, #tpu.memory_space<semaphore_mem>>) src(%arg9 : memref<125x128xf32, #tpu.memory_space<vmem>>) dst(%dma_wait3A_95 : memref<10000x128xf32, #tpu.memory_space<vmem_shared>>)
      tpu.yield
    }) : () -> ()
    %barrier3A_82 = arith.constant 0 : index
    tpu.barrier barrier_id(%barrier3A_82)
    "tpu.region"() ({
      %run_scoped3A_83 = tpu.sem_alloc : memref<!tpu.dma_semaphore, #tpu.memory_space<semaphore_mem>>
      %dma_start3A_84 = arith.constant 0 : i32
      %dma_start3A_85 = tpu.memref_slice %arg5[%arg0, %mul3A_0, %dma_start3A_84] : memref<2x10000x128xf32, #tpu.memory_space<hbm>> -> memref<1x640x128xf32, #tpu.memory_space<hbm>>
      %dma_start3A_86 = tpu.memref_squeeze %dma_start3A_85 : memref<1x640x128xf32, #tpu.memory_space<hbm>> -> memref<640x128xf32, #tpu.memory_space<hbm>>
      %dma_start3A_87 = arith.constant 0 : i32
      %dma_start3A_88 = tpu.memref_slice %arg10[%mul3A_0, %dma_start3A_87] : memref<10000x128xf32, #tpu.memory_space<vmem_shared>> -> memref<640x128xf32, #tpu.memory_space<vmem_shared>>
      tpu.enqueue_dma source(%dma_start3A_88 : memref<640x128xf32, #tpu.memory_space<vmem_shared>>) target(%dma_start3A_86 : memref<640x128xf32, #tpu.memory_space<hbm>>) target_semaphore(%run_scoped3A_83 : memref<!tpu.dma_semaphore, #tpu.memory_space<semaphore_mem>>)
      %dma_wait3A_89 = arith.constant 0 : i32
      %dma_wait3A_90 = tpu.memref_slice %arg5[%arg0, %mul3A_0, %dma_wait3A_89] : memref<2x10000x128xf32, #tpu.memory_space<hbm>> -> memref<1x640x128xf32, #tpu.memory_space<hbm>>
      %dma_wait3A_91 = tpu.memref_squeeze %dma_wait3A_90 : memref<1x640x128xf32, #tpu.memory_space<hbm>> -> memref<640x128xf32, #tpu.memory_space<hbm>>
      %dma_wait3A_92 = arith.constant 0 : i32
      %dma_wait3A_93 = tpu.memref_slice %arg10[%mul3A_0, %dma_wait3A_92] : memref<10000x128xf32, #tpu.memory_space<vmem_shared>> -> memref<640x128xf32, #tpu.memory_space<vmem_shared>>
      tpu.wait_dma2 semaphore(%run_scoped3A_83 : memref<!tpu.dma_semaphore, #tpu.memory_space<semaphore_mem>>) src(%dma_wait3A_93 : memref<640x128xf32, #tpu.memory_space<vmem_shared>>) dst(%dma_wait3A_91 : memref<640x128xf32, #tpu.memory_space<hbm>>)
      tpu.yield
    }) : () -> ()
    return
  }
}

#map = affine_map<(d0, d1) -> (0, 0)>
#map1 = affine_map<(d0, d1) -> (0, 0, 0, 0)>
#map2 = affine_map<(d0, d1) -> (0, 0, 0)>
module attributes {stable_mosaic.version = 14 : i64} {
  func.func @k(%arg0: i32, %arg1: i32, %arg2: memref<20000x128xf32, #tpu.memory_space<hbm>>, %arg3: memref<2x16x80x125xi32, #tpu.memory_space<hbm>>, %arg4: memref<16x80x125xi32, #tpu.memory_space<hbm>>, %arg5: memref<2x10000x128xf32, #tpu.memory_space<hbm>>, %arg6: memref<40x125xi32, #tpu.memory_space<vmem>>, %arg7: memref<40x125xi32, #tpu.memory_space<vmem>>, %arg8: memref<125x128xf32, #tpu.memory_space<vmem>>, %arg9: memref<125x128xf32, #tpu.memory_space<vmem>>, %arg10: memref<10000x128xf32, #tpu.memory_space<vmem_shared>>, %arg11: memref<!tpu.dma_semaphore, #tpu.memory_space<semaphore_mem>>, %arg12: memref<!tpu.dma_semaphore, #tpu.memory_space<semaphore_mem>>) attributes {dimension_semantics = [#tpu.dimension_semantics<core_parallel>, #tpu.dimension_semantics<subcore_parallel>], iteration_bounds = array<i64: 2, 16>, scalar_prefetch = 0 : i64, scratch_operands = 7 : i64, tpu.core_type = #tpu.core_type<sc_vector_subcore>, window_params = [{transform_indices = #map}, {transform_indices = #map1}, {transform_indices = #map2}, {transform_indices = #map2}]} {
    %mul3A = arith.constant 624 : i32
    %mul3A_0 = arith.muli %arg1, %mul3A : i32
    %broadcast_in_dim3A = arith.constant 0.000000e+00 : f32
    %broadcast_in_dim3A_1 = vector.broadcast %broadcast_in_dim3A : f32 to vector<16xf32>
    %scan3A = arith.constant 0 : i32
    %scan3A_2 = arith.constant 0 : i32
    %scan3A_3 = arith.constant 1000 : i32
    %scan3A_4 = arith.addi %scan3A_2, %scan3A_3 : i32
    %scan3A_5 = arith.constant 1 : i32
    scf.for %scan3A_83 = %scan3A_2 to %scan3A_4 step %scan3A_5  : i32 {
      %jit3A = arith.constant 8 : i32
      %div3A = arith.divsi %scan3A_83, %jit3A : i32
      %sign3A = arith.constant 0 : i32
      %sign3A_84 = arith.cmpi sgt, %scan3A_83, %sign3A : i32
      %sign3A_85 = arith.extui %sign3A_84 : i1 to i32
      %sign3A_86 = arith.constant 0 : i32
      %sign3A_87 = arith.cmpi slt, %scan3A_83, %sign3A_86 : i32
      %sign3A_88 = arith.extui %sign3A_87 : i1 to i32
      %sign3A_89 = arith.subi %sign3A_85, %sign3A_88 : i32
      %sign3A_90 = arith.constant 0 : i32
      %sign3A_91 = arith.cmpi sgt, %jit3A, %sign3A_90 : i32
      %sign3A_92 = arith.extui %sign3A_91 : i1 to i32
      %sign3A_93 = arith.constant 0 : i32
      %sign3A_94 = arith.cmpi slt, %jit3A, %sign3A_93 : i32
      %sign3A_95 = arith.extui %sign3A_94 : i1 to i32
      %sign3A_96 = arith.subi %sign3A_92, %sign3A_95 : i32
      %ne3A = arith.cmpi ne, %sign3A_89, %sign3A_96 : i32
      %rem3A = arith.remsi %scan3A_83, %jit3A : i32
      %ne3A_97 = arith.constant 0 : i32
      %ne3A_98 = arith.cmpi ne, %rem3A, %ne3A_97 : i32
      %and3A = arith.andi %ne3A, %ne3A_98 : i1
      %sub3A = arith.constant 1 : i32
      %sub3A_99 = arith.subi %div3A, %sub3A : i32
      %select_n3A = arith.select %and3A, %sub3A_99, %div3A : i32
      %jit3A_100 = arith.constant 8 : i32
      %eq3A = arith.constant 0 : i32
      %eq3A_101 = arith.cmpi eq, %jit3A_100, %eq3A : i32
      %jit3A_102 = arith.constant 1 : i32
      %select_n3A_103 = arith.select %eq3A_101, %jit3A_102, %jit3A_100 : i32
      %rem3A_104 = arith.remsi %scan3A_83, %select_n3A_103 : i32
      %ne3A_105 = arith.constant 0 : i32
      %ne3A_106 = arith.cmpi ne, %rem3A_104, %ne3A_105 : i32
      %lt3A = arith.constant 0 : i32
      %lt3A_107 = arith.cmpi slt, %rem3A_104, %lt3A : i32
      %lt3A_108 = arith.constant 0 : i32
      %lt3A_109 = arith.cmpi slt, %select_n3A_103, %lt3A_108 : i32
      %ne3A_110 = arith.xori %lt3A_107, %lt3A_109 : i1
      %and3A_111 = arith.andi %ne3A_110, %ne3A_106 : i1
      %add3A = arith.addi %rem3A_104, %select_n3A_103 : i32
      %select_n3A_112 = arith.select %and3A_111, %add3A, %rem3A_104 : i32
      %mul3A_113 = arith.constant 16 : i32
      %mul3A_114 = arith.muli %select_n3A_112, %mul3A_113 : i32
      %swap3A = arith.index_cast %select_n3A : i32 to index
      %swap3A_115 = arith.index_cast %mul3A_114 : i32 to index
      %swap3A_116 = tpu.vector_load %arg8[%swap3A, %swap3A_115] {strides = array<i32>} : memref<125x128xf32, #tpu.memory_space<vmem>>, vector<1x16xf32>,
      %swap3A_117 = vector.shape_cast %swap3A_116 : vector<1x16xf32> to vector<16xf32>
      %swap3A_118 = vector.shape_cast %broadcast_in_dim3A_1 : vector<16xf32> to vector<1x16xf32>
      tpu.vector_store %arg8[%swap3A, %swap3A_115], %swap3A_118 {strides = array<i32>} : memref<125x128xf32, #tpu.memory_space<vmem>>, vector<1x16xf32>,
    }
    %scan3A_6 = arith.constant 1000 : i32
    %scan3A_7 = arith.constant 0 : i32
    %scan3A_8 = arith.constant 0 : i32
    %scan3A_9 = arith.constant 6 : i32
    %scan3A_10 = arith.addi %scan3A_8, %scan3A_9 : i32
    %scan3A_11 = arith.constant 1 : i32
    scf.for %scan3A_83 = %scan3A_8 to %scan3A_10 step %scan3A_11  : i32 {
      %mul3A_84 = arith.constant 120 : i32
      %mul3A_85 = arith.muli %scan3A_83, %mul3A_84 : i32
      %min3A = arith.constant 520 : i32
      %min3A_86 = arith.minsi %mul3A_85, %min3A : i32
      %add3A = arith.addi %mul3A_0, %min3A_86 : i32
      "tpu.region"() ({
        %run_scoped3A_87 = tpu.sem_alloc : memref<!tpu.dma_semaphore, #tpu.memory_space<semaphore_mem>>
        %dma_start3A_88 = arith.constant 0 : i32
        %dma_start3A_89 = arith.constant 0 : i32
        %dma_start3A_90 = tpu.memref_slice %arg8[%dma_start3A_88, %dma_start3A_89] : memref<125x128xf32, #tpu.memory_space<vmem>> -> memref<120x128xf32, #tpu.memory_space<vmem>>
        %dma_start3A_91 = arith.constant 0 : i32
        %dma_start3A_92 = tpu.memref_slice %arg10[%add3A, %dma_start3A_91] : memref<10000x128xf32, #tpu.memory_space<vmem_shared>> -> memref<120x128xf32, #tpu.memory_space<vmem_shared>>
        %dma_start3A_93 = arith.constant 0 : i32
        %dma_start3A_94 = tpu.memref_slice %arg10[%add3A, %dma_start3A_93] : memref<10000x128xf32, #tpu.memory_space<vmem_shared>> -> memref<120x128xf32, #tpu.memory_space<vmem_shared>>
        %dma_start3A_95 = arith.constant 0 : i32
        %dma_start3A_96 = arith.constant 0 : i32
        %dma_start3A_97 = tpu.memref_slice %arg8[%dma_start3A_95, %dma_start3A_96] : memref<125x128xf32, #tpu.memory_space<vmem>> -> memref<120x128xf32, #tpu.memory_space<vmem>>
        tpu.enqueue_dma source(%dma_start3A_97 : memref<120x128xf32, #tpu.memory_space<vmem>>) target(%dma_start3A_94 : memref<120x128xf32, #tpu.memory_space<vmem_shared>>) target_semaphore(%run_scoped3A_87 : memref<!tpu.dma_semaphore, #tpu.memory_space<semaphore_mem>>)
        %dma_wait3A_98 = arith.constant 0 : i32
        %dma_wait3A_99 = arith.constant 0 : i32
        %dma_wait3A_100 = tpu.memref_slice %arg8[%dma_wait3A_98, %dma_wait3A_99] : memref<125x128xf32, #tpu.memory_space<vmem>> -> memref<120x128xf32, #tpu.memory_space<vmem>>
        %dma_wait3A_101 = arith.constant 0 : i32
        %dma_wait3A_102 = tpu.memref_slice %arg10[%add3A, %dma_wait3A_101] : memref<10000x128xf32, #tpu.memory_space<vmem_shared>> -> memref<120x128xf32, #tpu.memory_space<vmem_shared>>
        %dma_wait3A_103 = arith.constant 0 : i32
        %dma_wait3A_104 = tpu.memref_slice %arg10[%add3A, %dma_wait3A_103] : memref<10000x128xf32, #tpu.memory_space<vmem_shared>> -> memref<120x128xf32, #tpu.memory_space<vmem_shared>>
        %dma_wait3A_105 = arith.constant 0 : i32
        %dma_wait3A_106 = arith.constant 0 : i32
        %dma_wait3A_107 = tpu.memref_slice %arg8[%dma_wait3A_105, %dma_wait3A_106] : memref<125x128xf32, #tpu.memory_space<vmem>> -> memref<120x128xf32, #tpu.memory_space<vmem>>
        tpu.wait_dma2 semaphore(%run_scoped3A_87 : memref<!tpu.dma_semaphore, #tpu.memory_space<semaphore_mem>>) src(%dma_wait3A_107 : memref<120x128xf32, #tpu.memory_space<vmem>>) dst(%dma_wait3A_104 : memref<120x128xf32, #tpu.memory_space<vmem_shared>>)
        tpu.yield
      }) : () -> ()
    }
    %scan3A_12 = arith.constant 6 : i32
    %barrier3A = arith.constant 0 : index
    tpu.barrier barrier_id(%barrier3A)
    "tpu.region"() ({
      %run_scoped3A_83 = tpu.sem_alloc : memref<!tpu.dma_semaphore, #tpu.memory_space<semaphore_mem>>
      %dma_start3A_84 = arith.constant 0 : i32
      %dma_start3A_85 = arith.constant 0 : i32
      %dma_start3A_86 = tpu.memref_slice %arg3[%arg0, %arg1, %dma_start3A_84, %dma_start3A_85] : memref<2x16x80x125xi32, #tpu.memory_space<hbm>> -> memref<1x1x40x125xi32, #tpu.memory_space<hbm>>
      %dma_start3A_87 = tpu.memref_squeeze %dma_start3A_86 : memref<1x1x40x125xi32, #tpu.memory_space<hbm>> -> memref<40x125xi32, #tpu.memory_space<hbm>>
      %dma_start3A_88 = arith.constant 0 : i32
      %dma_start3A_89 = arith.constant 0 : i32
      %dma_start3A_90 = tpu.memref_slice %arg3[%arg0, %arg1, %dma_start3A_88, %dma_start3A_89] : memref<2x16x80x125xi32, #tpu.memory_space<hbm>> -> memref<1x1x40x125xi32, #tpu.memory_space<hbm>>
      %dma_start3A_91 = tpu.memref_squeeze %dma_start3A_90 : memref<1x1x40x125xi32, #tpu.memory_space<hbm>> -> memref<40x125xi32, #tpu.memory_space<hbm>>
      tpu.enqueue_dma source(%dma_start3A_91 : memref<40x125xi32, #tpu.memory_space<hbm>>) target(%arg6 : memref<40x125xi32, #tpu.memory_space<vmem>>) target_semaphore(%run_scoped3A_83 : memref<!tpu.dma_semaphore, #tpu.memory_space<semaphore_mem>>)
      %dma_wait3A_92 = arith.constant 0 : i32
      %dma_wait3A_93 = arith.constant 0 : i32
      %dma_wait3A_94 = tpu.memref_slice %arg3[%arg0, %arg1, %dma_wait3A_92, %dma_wait3A_93] : memref<2x16x80x125xi32, #tpu.memory_space<hbm>> -> memref<1x1x40x125xi32, #tpu.memory_space<hbm>>
      %dma_wait3A_95 = tpu.memref_squeeze %dma_wait3A_94 : memref<1x1x40x125xi32, #tpu.memory_space<hbm>> -> memref<40x125xi32, #tpu.memory_space<hbm>>
      %dma_wait3A_96 = arith.constant 0 : i32
      %dma_wait3A_97 = arith.constant 0 : i32
      %dma_wait3A_98 = tpu.memref_slice %arg3[%arg0, %arg1, %dma_wait3A_96, %dma_wait3A_97] : memref<2x16x80x125xi32, #tpu.memory_space<hbm>> -> memref<1x1x40x125xi32, #tpu.memory_space<hbm>>
      %dma_wait3A_99 = tpu.memref_squeeze %dma_wait3A_98 : memref<1x1x40x125xi32, #tpu.memory_space<hbm>> -> memref<40x125xi32, #tpu.memory_space<hbm>>
      tpu.wait_dma2 semaphore(%run_scoped3A_83 : memref<!tpu.dma_semaphore, #tpu.memory_space<semaphore_mem>>) src(%dma_wait3A_99 : memref<40x125xi32, #tpu.memory_space<hbm>>) dst(%arg6 : memref<40x125xi32, #tpu.memory_space<vmem>>)
      tpu.yield
    }) : () -> ()
    "tpu.region"() ({
      %run_scoped3A_83 = tpu.sem_alloc : memref<!tpu.dma_semaphore, #tpu.memory_space<semaphore_mem>>
      %dma_start3A_84 = arith.constant 0 : i32
      %dma_start3A_85 = arith.constant 0 : i32
      %dma_start3A_86 = tpu.memref_slice %arg4[%arg1, %dma_start3A_84, %dma_start3A_85] : memref<16x80x125xi32, #tpu.memory_space<hbm>> -> memref<1x40x125xi32, #tpu.memory_space<hbm>>
      %dma_start3A_87 = tpu.memref_squeeze %dma_start3A_86 : memref<1x40x125xi32, #tpu.memory_space<hbm>> -> memref<40x125xi32, #tpu.memory_space<hbm>>
      %dma_start3A_88 = arith.constant 0 : i32
      %dma_start3A_89 = arith.constant 0 : i32
      %dma_start3A_90 = tpu.memref_slice %arg4[%arg1, %dma_start3A_88, %dma_start3A_89] : memref<16x80x125xi32, #tpu.memory_space<hbm>> -> memref<1x40x125xi32, #tpu.memory_space<hbm>>
      %dma_start3A_91 = tpu.memref_squeeze %dma_start3A_90 : memref<1x40x125xi32, #tpu.memory_space<hbm>> -> memref<40x125xi32, #tpu.memory_space<hbm>>
      tpu.enqueue_dma source(%dma_start3A_91 : memref<40x125xi32, #tpu.memory_space<hbm>>) target(%arg7 : memref<40x125xi32, #tpu.memory_space<vmem>>) target_semaphore(%run_scoped3A_83 : memref<!tpu.dma_semaphore, #tpu.memory_space<semaphore_mem>>)
      %dma_wait3A_92 = arith.constant 0 : i32
      %dma_wait3A_93 = arith.constant 0 : i32
      %dma_wait3A_94 = tpu.memref_slice %arg4[%arg1, %dma_wait3A_92, %dma_wait3A_93] : memref<16x80x125xi32, #tpu.memory_space<hbm>> -> memref<1x40x125xi32, #tpu.memory_space<hbm>>
      %dma_wait3A_95 = tpu.memref_squeeze %dma_wait3A_94 : memref<1x40x125xi32, #tpu.memory_space<hbm>> -> memref<40x125xi32, #tpu.memory_space<hbm>>
      %dma_wait3A_96 = arith.constant 0 : i32
      %dma_wait3A_97 = arith.constant 0 : i32
      %dma_wait3A_98 = tpu.memref_slice %arg4[%arg1, %dma_wait3A_96, %dma_wait3A_97] : memref<16x80x125xi32, #tpu.memory_space<hbm>> -> memref<1x40x125xi32, #tpu.memory_space<hbm>>
      %dma_wait3A_99 = tpu.memref_squeeze %dma_wait3A_98 : memref<1x40x125xi32, #tpu.memory_space<hbm>> -> memref<40x125xi32, #tpu.memory_space<hbm>>
      tpu.wait_dma2 semaphore(%run_scoped3A_83 : memref<!tpu.dma_semaphore, #tpu.memory_space<semaphore_mem>>) src(%dma_wait3A_99 : memref<40x125xi32, #tpu.memory_space<hbm>>) dst(%arg7 : memref<40x125xi32, #tpu.memory_space<vmem>>)
      tpu.yield
    }) : () -> ()
    %dma_start3A = arith.constant 0 : i32
    %dma_start3A_13 = arith.constant 0 : i32
    %dma_start3A_14 = tpu.memref_slice %arg6[%dma_start3A, %dma_start3A_13] : memref<40x125xi32, #tpu.memory_space<vmem>> -> memref<1x125xi32, #tpu.memory_space<vmem>>
    %dma_start3A_15 = tpu.memref_squeeze %dma_start3A_14 : memref<1x125xi32, #tpu.memory_space<vmem>> -> memref<125xi32, #tpu.memory_space<vmem>>
    %dma_start3A_16 = arith.constant 0 : i32
    %dma_start3A_17 = arith.constant 0 : i32
    %dma_start3A_18 = tpu.memref_slice %arg2[%dma_start3A_16, %dma_start3A_17] : memref<20000x128xf32, #tpu.memory_space<hbm>> -> memref<20000x128xf32, #tpu.memory_space<hbm>>
    tpu.enqueue_indirect_dma source(%dma_start3A_18 : memref<20000x128xf32, #tpu.memory_space<hbm>>) target(%arg8 : memref<125x128xf32, #tpu.memory_space<vmem>>) offsets(%dma_start3A_15 : memref<125xi32, #tpu.memory_space<vmem>>) semaphore(%arg11 : memref<!tpu.dma_semaphore, #tpu.memory_space<semaphore_mem>>)
    %dma_start3A_19 = arith.constant 1 : i32
    %dma_start3A_20 = arith.constant 0 : i32
    %dma_start3A_21 = tpu.memref_slice %arg6[%dma_start3A_19, %dma_start3A_20] : memref<40x125xi32, #tpu.memory_space<vmem>> -> memref<1x125xi32, #tpu.memory_space<vmem>>
    %dma_start3A_22 = tpu.memref_squeeze %dma_start3A_21 : memref<1x125xi32, #tpu.memory_space<vmem>> -> memref<125xi32, #tpu.memory_space<vmem>>
    %dma_start3A_23 = arith.constant 0 : i32
    %dma_start3A_24 = arith.constant 0 : i32
    %dma_start3A_25 = tpu.memref_slice %arg2[%dma_start3A_23, %dma_start3A_24] : memref<20000x128xf32, #tpu.memory_space<hbm>> -> memref<20000x128xf32, #tpu.memory_space<hbm>>
    tpu.enqueue_indirect_dma source(%dma_start3A_25 : memref<20000x128xf32, #tpu.memory_space<hbm>>) target(%arg9 : memref<125x128xf32, #tpu.memory_space<vmem>>) offsets(%dma_start3A_22 : memref<125xi32, #tpu.memory_space<vmem>>) semaphore(%arg12 : memref<!tpu.dma_semaphore, #tpu.memory_space<semaphore_mem>>)
    %scan3A_26 = arith.constant 0 : i32
    %scan3A_27 = arith.constant 0 : i32
    %scan3A_28 = arith.constant 19 : i32
    %scan3A_29 = arith.addi %scan3A_27, %scan3A_28 : i32
    %scan3A_30 = arith.constant 1 : i32
    scf.for %scan3A_83 = %scan3A_27 to %scan3A_29 step %scan3A_30  : i32 {
      %mul3A_84 = arith.constant 2 : i32
      %mul3A_85 = arith.muli %mul3A_84, %scan3A_83 : i32
      %dma_wait3A_86 = arith.constant 0 : i32
      %dma_wait3A_87 = tpu.memref_slice %arg6[%mul3A_85, %dma_wait3A_86] : memref<40x125xi32, #tpu.memory_space<vmem>> -> memref<1x125xi32, #tpu.memory_space<vmem>>
      %dma_wait3A_88 = tpu.memref_squeeze %dma_wait3A_87 : memref<1x125xi32, #tpu.memory_space<vmem>> -> memref<125xi32, #tpu.memory_space<vmem>>
      %dma_wait3A_89 = arith.constant 0 : i32
      %dma_wait3A_90 = arith.constant 0 : i32
      %dma_wait3A_91 = tpu.memref_slice %arg2[%dma_wait3A_89, %dma_wait3A_90] : memref<20000x128xf32, #tpu.memory_space<hbm>> -> memref<20000x128xf32, #tpu.memory_space<hbm>>
      tpu.wait_indirect_dma semaphore(%arg11 : memref<!tpu.dma_semaphore, #tpu.memory_space<semaphore_mem>>) src(%dma_wait3A_91 : memref<20000x128xf32, #tpu.memory_space<hbm>>) dst(%arg8 : memref<125x128xf32, #tpu.memory_space<vmem>>)
      "tpu.region"() ({
        %run_scoped3A_117 = tpu.sem_alloc : memref<!tpu.dma_semaphore, #tpu.memory_space<semaphore_mem>>
        %dma_start3A_118 = arith.constant 0 : i32
        %dma_start3A_119 = tpu.memref_slice %arg7[%mul3A_85, %dma_start3A_118] : memref<40x125xi32, #tpu.memory_space<vmem>> -> memref<1x125xi32, #tpu.memory_space<vmem>>
        %dma_start3A_120 = tpu.memref_squeeze %dma_start3A_119 : memref<1x125xi32, #tpu.memory_space<vmem>> -> memref<125xi32, #tpu.memory_space<vmem>>
        %dma_start3A_121 = arith.constant 0 : i32
        %dma_start3A_122 = arith.constant 0 : i32
        %dma_start3A_123 = tpu.memref_slice %arg10[%dma_start3A_121, %dma_start3A_122] : memref<10000x128xf32, #tpu.memory_space<vmem_shared>> -> memref<10000x128xf32, #tpu.memory_space<vmem_shared>>
        tpu.enqueue_indirect_dma source(%arg8 : memref<125x128xf32, #tpu.memory_space<vmem>>) target(%dma_start3A_123 : memref<10000x128xf32, #tpu.memory_space<vmem_shared>>) offsets(%dma_start3A_120 : memref<125xi32, #tpu.memory_space<vmem>>) semaphore(%run_scoped3A_117 : memref<!tpu.dma_semaphore, #tpu.memory_space<semaphore_mem>>) {add = true}
        %dma_wait3A_124 = arith.constant 0 : i32
        %dma_wait3A_125 = tpu.memref_slice %arg7[%mul3A_85, %dma_wait3A_124] : memref<40x125xi32, #tpu.memory_space<vmem>> -> memref<1x125xi32, #tpu.memory_space<vmem>>
        %dma_wait3A_126 = tpu.memref_squeeze %dma_wait3A_125 : memref<1x125xi32, #tpu.memory_space<vmem>> -> memref<125xi32, #tpu.memory_space<vmem>>
        %dma_wait3A_127 = arith.constant 0 : i32
        %dma_wait3A_128 = arith.constant 0 : i32
        %dma_wait3A_129 = tpu.memref_slice %arg10[%dma_wait3A_127, %dma_wait3A_128] : memref<10000x128xf32, #tpu.memory_space<vmem_shared>> -> memref<10000x128xf32, #tpu.memory_space<vmem_shared>>
        tpu.wait_indirect_dma semaphore(%run_scoped3A_117 : memref<!tpu.dma_semaphore, #tpu.memory_space<semaphore_mem>>) src(%arg8 : memref<125x128xf32, #tpu.memory_space<vmem>>) dst(%dma_wait3A_129 : memref<10000x128xf32, #tpu.memory_space<vmem_shared>>)
        tpu.yield
      }) : () -> ()
      %add3A = arith.constant 2 : i32
      %add3A_92 = arith.addi %mul3A_85, %add3A : i32
      %dma_start3A_93 = arith.constant 0 : i32
      %dma_start3A_94 = tpu.memref_slice %arg6[%add3A_92, %dma_start3A_93] : memref<40x125xi32, #tpu.memory_space<vmem>> -> memref<1x125xi32, #tpu.memory_space<vmem>>
      %dma_start3A_95 = tpu.memref_squeeze %dma_start3A_94 : memref<1x125xi32, #tpu.memory_space<vmem>> -> memref<125xi32, #tpu.memory_space<vmem>>
      %dma_start3A_96 = arith.constant 0 : i32
      %dma_start3A_97 = arith.constant 0 : i32
      %dma_start3A_98 = tpu.memref_slice %arg2[%dma_start3A_96, %dma_start3A_97] : memref<20000x128xf32, #tpu.memory_space<hbm>> -> memref<20000x128xf32, #tpu.memory_space<hbm>>
      tpu.enqueue_indirect_dma source(%dma_start3A_98 : memref<20000x128xf32, #tpu.memory_space<hbm>>) target(%arg8 : memref<125x128xf32, #tpu.memory_space<vmem>>) offsets(%dma_start3A_95 : memref<125xi32, #tpu.memory_space<vmem>>) semaphore(%arg11 : memref<!tpu.dma_semaphore, #tpu.memory_space<semaphore_mem>>)
      %add3A_99 = arith.constant 1 : i32
      %add3A_100 = arith.addi %mul3A_85, %add3A_99 : i32
      %dma_wait3A_101 = arith.constant 0 : i32
      %dma_wait3A_102 = tpu.memref_slice %arg6[%add3A_100, %dma_wait3A_101] : memref<40x125xi32, #tpu.memory_space<vmem>> -> memref<1x125xi32, #tpu.memory_space<vmem>>
      %dma_wait3A_103 = tpu.memref_squeeze %dma_wait3A_102 : memref<1x125xi32, #tpu.memory_space<vmem>> -> memref<125xi32, #tpu.memory_space<vmem>>
      %dma_wait3A_104 = arith.constant 0 : i32
      %dma_wait3A_105 = arith.constant 0 : i32
      %dma_wait3A_106 = tpu.memref_slice %arg2[%dma_wait3A_104, %dma_wait3A_105] : memref<20000x128xf32, #tpu.memory_space<hbm>> -> memref<20000x128xf32, #tpu.memory_space<hbm>>
      tpu.wait_indirect_dma semaphore(%arg12 : memref<!tpu.dma_semaphore, #tpu.memory_space<semaphore_mem>>) src(%dma_wait3A_106 : memref<20000x128xf32, #tpu.memory_space<hbm>>) dst(%arg9 : memref<125x128xf32, #tpu.memory_space<vmem>>)
      %add3A_107 = arith.constant 1 : i32
      %add3A_108 = arith.addi %mul3A_85, %add3A_107 : i32
      "tpu.region"() ({
        %run_scoped3A_117 = tpu.sem_alloc : memref<!tpu.dma_semaphore, #tpu.memory_space<semaphore_mem>>
        %dma_start3A_118 = arith.constant 0 : i32
        %dma_start3A_119 = tpu.memref_slice %arg7[%add3A_108, %dma_start3A_118] : memref<40x125xi32, #tpu.memory_space<vmem>> -> memref<1x125xi32, #tpu.memory_space<vmem>>
        %dma_start3A_120 = tpu.memref_squeeze %dma_start3A_119 : memref<1x125xi32, #tpu.memory_space<vmem>> -> memref<125xi32, #tpu.memory_space<vmem>>
        %dma_start3A_121 = arith.constant 0 : i32
        %dma_start3A_122 = arith.constant 0 : i32
        %dma_start3A_123 = tpu.memref_slice %arg10[%dma_start3A_121, %dma_start3A_122] : memref<10000x128xf32, #tpu.memory_space<vmem_shared>> -> memref<10000x128xf32, #tpu.memory_space<vmem_shared>>
        tpu.enqueue_indirect_dma source(%arg9 : memref<125x128xf32, #tpu.memory_space<vmem>>) target(%dma_start3A_123 : memref<10000x128xf32, #tpu.memory_space<vmem_shared>>) offsets(%dma_start3A_120 : memref<125xi32, #tpu.memory_space<vmem>>) semaphore(%run_scoped3A_117 : memref<!tpu.dma_semaphore, #tpu.memory_space<semaphore_mem>>) {add = true}
        %dma_wait3A_124 = arith.constant 0 : i32
        %dma_wait3A_125 = tpu.memref_slice %arg7[%add3A_108, %dma_wait3A_124] : memref<40x125xi32, #tpu.memory_space<vmem>> -> memref<1x125xi32, #tpu.memory_space<vmem>>
        %dma_wait3A_126 = tpu.memref_squeeze %dma_wait3A_125 : memref<1x125xi32, #tpu.memory_space<vmem>> -> memref<125xi32, #tpu.memory_space<vmem>>
        %dma_wait3A_127 = arith.constant 0 : i32
        %dma_wait3A_128 = arith.constant 0 : i32
        %dma_wait3A_129 = tpu.memref_slice %arg10[%dma_wait3A_127, %dma_wait3A_128] : memref<10000x128xf32, #tpu.memory_space<vmem_shared>> -> memref<10000x128xf32, #tpu.memory_space<vmem_shared>>
        tpu.wait_indirect_dma semaphore(%run_scoped3A_117 : memref<!tpu.dma_semaphore, #tpu.memory_space<semaphore_mem>>) src(%arg9 : memref<125x128xf32, #tpu.memory_space<vmem>>) dst(%dma_wait3A_129 : memref<10000x128xf32, #tpu.memory_space<vmem_shared>>)
        tpu.yield
      }) : () -> ()
      %add3A_109 = arith.constant 3 : i32
      %add3A_110 = arith.addi %mul3A_85, %add3A_109 : i32
      %dma_start3A_111 = arith.constant 0 : i32
      %dma_start3A_112 = tpu.memref_slice %arg6[%add3A_110, %dma_start3A_111] : memref<40x125xi32, #tpu.memory_space<vmem>> -> memref<1x125xi32, #tpu.memory_space<vmem>>
      %dma_start3A_113 = tpu.memref_squeeze %dma_start3A_112 : memref<1x125xi32, #tpu.memory_space<vmem>> -> memref<125xi32, #tpu.memory_space<vmem>>
      %dma_start3A_114 = arith.constant 0 : i32
      %dma_start3A_115 = arith.constant 0 : i32
      %dma_start3A_116 = tpu.memref_slice %arg2[%dma_start3A_114, %dma_start3A_115] : memref<20000x128xf32, #tpu.memory_space<hbm>> -> memref<20000x128xf32, #tpu.memory_space<hbm>>
      tpu.enqueue_indirect_dma source(%dma_start3A_116 : memref<20000x128xf32, #tpu.memory_space<hbm>>) target(%arg9 : memref<125x128xf32, #tpu.memory_space<vmem>>) offsets(%dma_start3A_113 : memref<125xi32, #tpu.memory_space<vmem>>) semaphore(%arg12 : memref<!tpu.dma_semaphore, #tpu.memory_space<semaphore_mem>>)
    }
    %scan3A_31 = arith.constant 19 : i32
    %dma_wait3A = arith.constant 38 : i32
    %dma_wait3A_32 = arith.constant 0 : i32
    %dma_wait3A_33 = tpu.memref_slice %arg6[%dma_wait3A, %dma_wait3A_32] : memref<40x125xi32, #tpu.memory_space<vmem>> -> memref<1x125xi32, #tpu.memory_space<vmem>>
    %dma_wait3A_34 = tpu.memref_squeeze %dma_wait3A_33 : memref<1x125xi32, #tpu.memory_space<vmem>> -> memref<125xi32, #tpu.memory_space<vmem>>
    %dma_wait3A_35 = arith.constant 0 : i32
    %dma_wait3A_36 = arith.constant 0 : i32
    %dma_wait3A_37 = tpu.memref_slice %arg2[%dma_wait3A_35, %dma_wait3A_36] : memref<20000x128xf32, #tpu.memory_space<hbm>> -> memref<20000x128xf32, #tpu.memory_space<hbm>>
    tpu.wait_indirect_dma semaphore(%arg11 : memref<!tpu.dma_semaphore, #tpu.memory_space<semaphore_mem>>) src(%dma_wait3A_37 : memref<20000x128xf32, #tpu.memory_space<hbm>>) dst(%arg8 : memref<125x128xf32, #tpu.memory_space<vmem>>)
    %run_scoped3A = arith.constant 38 : i32
    "tpu.region"() ({
      %run_scoped3A_83 = tpu.sem_alloc : memref<!tpu.dma_semaphore, #tpu.memory_space<semaphore_mem>>
      %dma_start3A_84 = arith.constant 0 : i32
      %dma_start3A_85 = tpu.memref_slice %arg7[%run_scoped3A, %dma_start3A_84] : memref<40x125xi32, #tpu.memory_space<vmem>> -> memref<1x125xi32, #tpu.memory_space<vmem>>
      %dma_start3A_86 = tpu.memref_squeeze %dma_start3A_85 : memref<1x125xi32, #tpu.memory_space<vmem>> -> memref<125xi32, #tpu.memory_space<vmem>>
      %dma_start3A_87 = arith.constant 0 : i32
      %dma_start3A_88 = arith.constant 0 : i32
      %dma_start3A_89 = tpu.memref_slice %arg10[%dma_start3A_87, %dma_start3A_88] : memref<10000x128xf32, #tpu.memory_space<vmem_shared>> -> memref<10000x128xf32, #tpu.memory_space<vmem_shared>>
      tpu.enqueue_indirect_dma source(%arg8 : memref<125x128xf32, #tpu.memory_space<vmem>>) target(%dma_start3A_89 : memref<10000x128xf32, #tpu.memory_space<vmem_shared>>) offsets(%dma_start3A_86 : memref<125xi32, #tpu.memory_space<vmem>>) semaphore(%run_scoped3A_83 : memref<!tpu.dma_semaphore, #tpu.memory_space<semaphore_mem>>) {add = true}
      %dma_wait3A_90 = arith.constant 0 : i32
      %dma_wait3A_91 = tpu.memref_slice %arg7[%run_scoped3A, %dma_wait3A_90] : memref<40x125xi32, #tpu.memory_space<vmem>> -> memref<1x125xi32, #tpu.memory_space<vmem>>
      %dma_wait3A_92 = tpu.memref_squeeze %dma_wait3A_91 : memref<1x125xi32, #tpu.memory_space<vmem>> -> memref<125xi32, #tpu.memory_space<vmem>>
      %dma_wait3A_93 = arith.constant 0 : i32
      %dma_wait3A_94 = arith.constant 0 : i32
      %dma_wait3A_95 = tpu.memref_slice %arg10[%dma_wait3A_93, %dma_wait3A_94] : memref<10000x128xf32, #tpu.memory_space<vmem_shared>> -> memref<10000x128xf32, #tpu.memory_space<vmem_shared>>
      tpu.wait_indirect_dma semaphore(%run_scoped3A_83 : memref<!tpu.dma_semaphore, #tpu.memory_space<semaphore_mem>>) src(%arg8 : memref<125x128xf32, #tpu.memory_space<vmem>>) dst(%dma_wait3A_95 : memref<10000x128xf32, #tpu.memory_space<vmem_shared>>)
      tpu.yield
    }) : () -> ()
    %dma_wait3A_38 = arith.constant 39 : i32
    %dma_wait3A_39 = arith.constant 0 : i32
    %dma_wait3A_40 = tpu.memref_slice %arg6[%dma_wait3A_38, %dma_wait3A_39] : memref<40x125xi32, #tpu.memory_space<vmem>> -> memref<1x125xi32, #tpu.memory_space<vmem>>
    %dma_wait3A_41 = tpu.memref_squeeze %dma_wait3A_40 : memref<1x125xi32, #tpu.memory_space<vmem>> -> memref<125xi32, #tpu.memory_space<vmem>>
    %dma_wait3A_42 = arith.constant 0 : i32
    %dma_wait3A_43 = arith.constant 0 : i32
    %dma_wait3A_44 = tpu.memref_slice %arg2[%dma_wait3A_42, %dma_wait3A_43] : memref<20000x128xf32, #tpu.memory_space<hbm>> -> memref<20000x128xf32, #tpu.memory_space<hbm>>
    tpu.wait_indirect_dma semaphore(%arg12 : memref<!tpu.dma_semaphore, #tpu.memory_space<semaphore_mem>>) src(%dma_wait3A_44 : memref<20000x128xf32, #tpu.memory_space<hbm>>) dst(%arg9 : memref<125x128xf32, #tpu.memory_space<vmem>>)
    %run_scoped3A_45 = arith.constant 39 : i32
    "tpu.region"() ({
      %run_scoped3A_83 = tpu.sem_alloc : memref<!tpu.dma_semaphore, #tpu.memory_space<semaphore_mem>>
      %dma_start3A_84 = arith.constant 0 : i32
      %dma_start3A_85 = tpu.memref_slice %arg7[%run_scoped3A_45, %dma_start3A_84] : memref<40x125xi32, #tpu.memory_space<vmem>> -> memref<1x125xi32, #tpu.memory_space<vmem>>
      %dma_start3A_86 = tpu.memref_squeeze %dma_start3A_85 : memref<1x125xi32, #tpu.memory_space<vmem>> -> memref<125xi32, #tpu.memory_space<vmem>>
      %dma_start3A_87 = arith.constant 0 : i32
      %dma_start3A_88 = arith.constant 0 : i32
      %dma_start3A_89 = tpu.memref_slice %arg10[%dma_start3A_87, %dma_start3A_88] : memref<10000x128xf32, #tpu.memory_space<vmem_shared>> -> memref<10000x128xf32, #tpu.memory_space<vmem_shared>>
      tpu.enqueue_indirect_dma source(%arg9 : memref<125x128xf32, #tpu.memory_space<vmem>>) target(%dma_start3A_89 : memref<10000x128xf32, #tpu.memory_space<vmem_shared>>) offsets(%dma_start3A_86 : memref<125xi32, #tpu.memory_space<vmem>>) semaphore(%run_scoped3A_83 : memref<!tpu.dma_semaphore, #tpu.memory_space<semaphore_mem>>) {add = true}
      %dma_wait3A_90 = arith.constant 0 : i32
      %dma_wait3A_91 = tpu.memref_slice %arg7[%run_scoped3A_45, %dma_wait3A_90] : memref<40x125xi32, #tpu.memory_space<vmem>> -> memref<1x125xi32, #tpu.memory_space<vmem>>
      %dma_wait3A_92 = tpu.memref_squeeze %dma_wait3A_91 : memref<1x125xi32, #tpu.memory_space<vmem>> -> memref<125xi32, #tpu.memory_space<vmem>>
      %dma_wait3A_93 = arith.constant 0 : i32
      %dma_wait3A_94 = arith.constant 0 : i32
      %dma_wait3A_95 = tpu.memref_slice %arg10[%dma_wait3A_93, %dma_wait3A_94] : memref<10000x128xf32, #tpu.memory_space<vmem_shared>> -> memref<10000x128xf32, #tpu.memory_space<vmem_shared>>
      tpu.wait_indirect_dma semaphore(%run_scoped3A_83 : memref<!tpu.dma_semaphore, #tpu.memory_space<semaphore_mem>>) src(%arg9 : memref<125x128xf32, #tpu.memory_space<vmem>>) dst(%dma_wait3A_95 : memref<10000x128xf32, #tpu.memory_space<vmem_shared>>)
      tpu.yield
    }) : () -> ()
    "tpu.region"() ({
      %run_scoped3A_83 = tpu.sem_alloc : memref<!tpu.dma_semaphore, #tpu.memory_space<semaphore_mem>>
      %dma_start3A_84 = arith.constant 40 : i32
      %dma_start3A_85 = arith.constant 0 : i32
      %dma_start3A_86 = tpu.memref_slice %arg3[%arg0, %arg1, %dma_start3A_84, %dma_start3A_85] : memref<2x16x80x125xi32, #tpu.memory_space<hbm>> -> memref<1x1x40x125xi32, #tpu.memory_space<hbm>>
      %dma_start3A_87 = tpu.memref_squeeze %dma_start3A_86 : memref<1x1x40x125xi32, #tpu.memory_space<hbm>> -> memref<40x125xi32, #tpu.memory_space<hbm>>
      %dma_start3A_88 = arith.constant 40 : i32
      %dma_start3A_89 = arith.constant 0 : i32
      %dma_start3A_90 = tpu.memref_slice %arg3[%arg0, %arg1, %dma_start3A_88, %dma_start3A_89] : memref<2x16x80x125xi32, #tpu.memory_space<hbm>> -> memref<1x1x40x125xi32, #tpu.memory_space<hbm>>
      %dma_start3A_91 = tpu.memref_squeeze %dma_start3A_90 : memref<1x1x40x125xi32, #tpu.memory_space<hbm>> -> memref<40x125xi32, #tpu.memory_space<hbm>>
      tpu.enqueue_dma source(%dma_start3A_91 : memref<40x125xi32, #tpu.memory_space<hbm>>) target(%arg6 : memref<40x125xi32, #tpu.memory_space<vmem>>) target_semaphore(%run_scoped3A_83 : memref<!tpu.dma_semaphore, #tpu.memory_space<semaphore_mem>>)
      %dma_wait3A_92 = arith.constant 40 : i32
      %dma_wait3A_93 = arith.constant 0 : i32
      %dma_wait3A_94 = tpu.memref_slice %arg3[%arg0, %arg1, %dma_wait3A_92, %dma_wait3A_93] : memref<2x16x80x125xi32, #tpu.memory_space<hbm>> -> memref<1x1x40x125xi32, #tpu.memory_space<hbm>>
      %dma_wait3A_95 = tpu.memref_squeeze %dma_wait3A_94 : memref<1x1x40x125xi32, #tpu.memory_space<hbm>> -> memref<40x125xi32, #tpu.memory_space<hbm>>
      %dma_wait3A_96 = arith.constant 40 : i32
      %dma_wait3A_97 = arith.constant 0 : i32
      %dma_wait3A_98 = tpu.memref_slice %arg3[%arg0, %arg1, %dma_wait3A_96, %dma_wait3A_97] : memref<2x16x80x125xi32, #tpu.memory_space<hbm>> -> memref<1x1x40x125xi32, #tpu.memory_space<hbm>>
      %dma_wait3A_99 = tpu.memref_squeeze %dma_wait3A_98 : memref<1x1x40x125xi32, #tpu.memory_space<hbm>> -> memref<40x125xi32, #tpu.memory_space<hbm>>
      tpu.wait_dma2 semaphore(%run_scoped3A_83 : memref<!tpu.dma_semaphore, #tpu.memory_space<semaphore_mem>>) src(%dma_wait3A_99 : memref<40x125xi32, #tpu.memory_space<hbm>>) dst(%arg6 : memref<40x125xi32, #tpu.memory_space<vmem>>)
      tpu.yield
    }) : () -> ()
    "tpu.region"() ({
      %run_scoped3A_83 = tpu.sem_alloc : memref<!tpu.dma_semaphore, #tpu.memory_space<semaphore_mem>>
      %dma_start3A_84 = arith.constant 40 : i32
      %dma_start3A_85 = arith.constant 0 : i32
      %dma_start3A_86 = tpu.memref_slice %arg4[%arg1, %dma_start3A_84, %dma_start3A_85] : memref<16x80x125xi32, #tpu.memory_space<hbm>> -> memref<1x40x125xi32, #tpu.memory_space<hbm>>
      %dma_start3A_87 = tpu.memref_squeeze %dma_start3A_86 : memref<1x40x125xi32, #tpu.memory_space<hbm>> -> memref<40x125xi32, #tpu.memory_space<hbm>>
      %dma_start3A_88 = arith.constant 40 : i32
      %dma_start3A_89 = arith.constant 0 : i32
      %dma_start3A_90 = tpu.memref_slice %arg4[%arg1, %dma_start3A_88, %dma_start3A_89] : memref<16x80x125xi32, #tpu.memory_space<hbm>> -> memref<1x40x125xi32, #tpu.memory_space<hbm>>
      %dma_start3A_91 = tpu.memref_squeeze %dma_start3A_90 : memref<1x40x125xi32, #tpu.memory_space<hbm>> -> memref<40x125xi32, #tpu.memory_space<hbm>>
      tpu.enqueue_dma source(%dma_start3A_91 : memref<40x125xi32, #tpu.memory_space<hbm>>) target(%arg7 : memref<40x125xi32, #tpu.memory_space<vmem>>) target_semaphore(%run_scoped3A_83 : memref<!tpu.dma_semaphore, #tpu.memory_space<semaphore_mem>>)
      %dma_wait3A_92 = arith.constant 40 : i32
      %dma_wait3A_93 = arith.constant 0 : i32
      %dma_wait3A_94 = tpu.memref_slice %arg4[%arg1, %dma_wait3A_92, %dma_wait3A_93] : memref<16x80x125xi32, #tpu.memory_space<hbm>> -> memref<1x40x125xi32, #tpu.memory_space<hbm>>
      %dma_wait3A_95 = tpu.memref_squeeze %dma_wait3A_94 : memref<1x40x125xi32, #tpu.memory_space<hbm>> -> memref<40x125xi32, #tpu.memory_space<hbm>>
      %dma_wait3A_96 = arith.constant 40 : i32
      %dma_wait3A_97 = arith.constant 0 : i32
      %dma_wait3A_98 = tpu.memref_slice %arg4[%arg1, %dma_wait3A_96, %dma_wait3A_97] : memref<16x80x125xi32, #tpu.memory_space<hbm>> -> memref<1x40x125xi32, #tpu.memory_space<hbm>>
      %dma_wait3A_99 = tpu.memref_squeeze %dma_wait3A_98 : memref<1x40x125xi32, #tpu.memory_space<hbm>> -> memref<40x125xi32, #tpu.memory_space<hbm>>
      tpu.wait_dma2 semaphore(%run_scoped3A_83 : memref<!tpu.dma_semaphore, #tpu.memory_space<semaphore_mem>>) src(%dma_wait3A_99 : memref<40x125xi32, #tpu.memory_space<hbm>>) dst(%arg7 : memref<40x125xi32, #tpu.memory_space<vmem>>)
      tpu.yield
    }) : () -> ()
    %dma_start3A_46 = arith.constant 0 : i32
    %dma_start3A_47 = arith.constant 0 : i32
    %dma_start3A_48 = tpu.memref_slice %arg6[%dma_start3A_46, %dma_start3A_47] : memref<40x125xi32, #tpu.memory_space<vmem>> -> memref<1x125xi32, #tpu.memory_space<vmem>>
    %dma_start3A_49 = tpu.memref_squeeze %dma_start3A_48 : memref<1x125xi32, #tpu.memory_space<vmem>> -> memref<125xi32, #tpu.memory_space<vmem>>
    %dma_start3A_50 = arith.constant 0 : i32
    %dma_start3A_51 = arith.constant 0 : i32
    %dma_start3A_52 = tpu.memref_slice %arg2[%dma_start3A_50, %dma_start3A_51] : memref<20000x128xf32, #tpu.memory_space<hbm>> -> memref<20000x128xf32, #tpu.memory_space<hbm>>
    tpu.enqueue_indirect_dma source(%dma_start3A_52 : memref<20000x128xf32, #tpu.memory_space<hbm>>) target(%arg8 : memref<125x128xf32, #tpu.memory_space<vmem>>) offsets(%dma_start3A_49 : memref<125xi32, #tpu.memory_space<vmem>>) semaphore(%arg11 : memref<!tpu.dma_semaphore, #tpu.memory_space<semaphore_mem>>)
    %dma_start3A_53 = arith.constant 1 : i32
    %dma_start3A_54 = arith.constant 0 : i32
    %dma_start3A_55 = tpu.memref_slice %arg6[%dma_start3A_53, %dma_start3A_54] : memref<40x125xi32, #tpu.memory_space<vmem>> -> memref<1x125xi32, #tpu.memory_space<vmem>>
    %dma_start3A_56 = tpu.memref_squeeze %dma_start3A_55 : memref<1x125xi32, #tpu.memory_space<vmem>> -> memref<125xi32, #tpu.memory_space<vmem>>
    %dma_start3A_57 = arith.constant 0 : i32
    %dma_start3A_58 = arith.constant 0 : i32
    %dma_start3A_59 = tpu.memref_slice %arg2[%dma_start3A_57, %dma_start3A_58] : memref<20000x128xf32, #tpu.memory_space<hbm>> -> memref<20000x128xf32, #tpu.memory_space<hbm>>
    tpu.enqueue_indirect_dma source(%dma_start3A_59 : memref<20000x128xf32, #tpu.memory_space<hbm>>) target(%arg9 : memref<125x128xf32, #tpu.memory_space<vmem>>) offsets(%dma_start3A_56 : memref<125xi32, #tpu.memory_space<vmem>>) semaphore(%arg12 : memref<!tpu.dma_semaphore, #tpu.memory_space<semaphore_mem>>)
    %scan3A_60 = arith.constant 0 : i32
    %scan3A_61 = arith.constant 0 : i32
    %scan3A_62 = arith.constant 19 : i32
    %scan3A_63 = arith.addi %scan3A_61, %scan3A_62 : i32
    %scan3A_64 = arith.constant 1 : i32
    scf.for %scan3A_83 = %scan3A_61 to %scan3A_63 step %scan3A_64  : i32 {
      %mul3A_84 = arith.constant 2 : i32
      %mul3A_85 = arith.muli %mul3A_84, %scan3A_83 : i32
      %dma_wait3A_86 = arith.constant 0 : i32
      %dma_wait3A_87 = tpu.memref_slice %arg6[%mul3A_85, %dma_wait3A_86] : memref<40x125xi32, #tpu.memory_space<vmem>> -> memref<1x125xi32, #tpu.memory_space<vmem>>
      %dma_wait3A_88 = tpu.memref_squeeze %dma_wait3A_87 : memref<1x125xi32, #tpu.memory_space<vmem>> -> memref<125xi32, #tpu.memory_space<vmem>>
      %dma_wait3A_89 = arith.constant 0 : i32
      %dma_wait3A_90 = arith.constant 0 : i32
      %dma_wait3A_91 = tpu.memref_slice %arg2[%dma_wait3A_89, %dma_wait3A_90] : memref<20000x128xf32, #tpu.memory_space<hbm>> -> memref<20000x128xf32, #tpu.memory_space<hbm>>
      tpu.wait_indirect_dma semaphore(%arg11 : memref<!tpu.dma_semaphore, #tpu.memory_space<semaphore_mem>>) src(%dma_wait3A_91 : memref<20000x128xf32, #tpu.memory_space<hbm>>) dst(%arg8 : memref<125x128xf32, #tpu.memory_space<vmem>>)
      "tpu.region"() ({
        %run_scoped3A_117 = tpu.sem_alloc : memref<!tpu.dma_semaphore, #tpu.memory_space<semaphore_mem>>
        %dma_start3A_118 = arith.constant 0 : i32
        %dma_start3A_119 = tpu.memref_slice %arg7[%mul3A_85, %dma_start3A_118] : memref<40x125xi32, #tpu.memory_space<vmem>> -> memref<1x125xi32, #tpu.memory_space<vmem>>
        %dma_start3A_120 = tpu.memref_squeeze %dma_start3A_119 : memref<1x125xi32, #tpu.memory_space<vmem>> -> memref<125xi32, #tpu.memory_space<vmem>>
        %dma_start3A_121 = arith.constant 0 : i32
        %dma_start3A_122 = arith.constant 0 : i32
        %dma_start3A_123 = tpu.memref_slice %arg10[%dma_start3A_121, %dma_start3A_122] : memref<10000x128xf32, #tpu.memory_space<vmem_shared>> -> memref<10000x128xf32, #tpu.memory_space<vmem_shared>>
        tpu.enqueue_indirect_dma source(%arg8 : memref<125x128xf32, #tpu.memory_space<vmem>>) target(%dma_start3A_123 : memref<10000x128xf32, #tpu.memory_space<vmem_shared>>) offsets(%dma_start3A_120 : memref<125xi32, #tpu.memory_space<vmem>>) semaphore(%run_scoped3A_117 : memref<!tpu.dma_semaphore, #tpu.memory_space<semaphore_mem>>) {add = true}
        %dma_wait3A_124 = arith.constant 0 : i32
        %dma_wait3A_125 = tpu.memref_slice %arg7[%mul3A_85, %dma_wait3A_124] : memref<40x125xi32, #tpu.memory_space<vmem>> -> memref<1x125xi32, #tpu.memory_space<vmem>>
        %dma_wait3A_126 = tpu.memref_squeeze %dma_wait3A_125 : memref<1x125xi32, #tpu.memory_space<vmem>> -> memref<125xi32, #tpu.memory_space<vmem>>
        %dma_wait3A_127 = arith.constant 0 : i32
        %dma_wait3A_128 = arith.constant 0 : i32
        %dma_wait3A_129 = tpu.memref_slice %arg10[%dma_wait3A_127, %dma_wait3A_128] : memref<10000x128xf32, #tpu.memory_space<vmem_shared>> -> memref<10000x128xf32, #tpu.memory_space<vmem_shared>>
        tpu.wait_indirect_dma semaphore(%run_scoped3A_117 : memref<!tpu.dma_semaphore, #tpu.memory_space<semaphore_mem>>) src(%arg8 : memref<125x128xf32, #tpu.memory_space<vmem>>) dst(%dma_wait3A_129 : memref<10000x128xf32, #tpu.memory_space<vmem_shared>>)
        tpu.yield
      }) : () -> ()
      %add3A = arith.constant 2 : i32
      %add3A_92 = arith.addi %mul3A_85, %add3A : i32
      %dma_start3A_93 = arith.constant 0 : i32
      %dma_start3A_94 = tpu.memref_slice %arg6[%add3A_92, %dma_start3A_93] : memref<40x125xi32, #tpu.memory_space<vmem>> -> memref<1x125xi32, #tpu.memory_space<vmem>>
      %dma_start3A_95 = tpu.memref_squeeze %dma_start3A_94 : memref<1x125xi32, #tpu.memory_space<vmem>> -> memref<125xi32, #tpu.memory_space<vmem>>
      %dma_start3A_96 = arith.constant 0 : i32
      %dma_start3A_97 = arith.constant 0 : i32
      %dma_start3A_98 = tpu.memref_slice %arg2[%dma_start3A_96, %dma_start3A_97] : memref<20000x128xf32, #tpu.memory_space<hbm>> -> memref<20000x128xf32, #tpu.memory_space<hbm>>
      tpu.enqueue_indirect_dma source(%dma_start3A_98 : memref<20000x128xf32, #tpu.memory_space<hbm>>) target(%arg8 : memref<125x128xf32, #tpu.memory_space<vmem>>) offsets(%dma_start3A_95 : memref<125xi32, #tpu.memory_space<vmem>>) semaphore(%arg11 : memref<!tpu.dma_semaphore, #tpu.memory_space<semaphore_mem>>)
      %add3A_99 = arith.constant 1 : i32
      %add3A_100 = arith.addi %mul3A_85, %add3A_99 : i32
      %dma_wait3A_101 = arith.constant 0 : i32
      %dma_wait3A_102 = tpu.memref_slice %arg6[%add3A_100, %dma_wait3A_101] : memref<40x125xi32, #tpu.memory_space<vmem>> -> memref<1x125xi32, #tpu.memory_space<vmem>>
      %dma_wait3A_103 = tpu.memref_squeeze %dma_wait3A_102 : memref<1x125xi32, #tpu.memory_space<vmem>> -> memref<125xi32, #tpu.memory_space<vmem>>
      %dma_wait3A_104 = arith.constant 0 : i32
      %dma_wait3A_105 = arith.constant 0 : i32
      %dma_wait3A_106 = tpu.memref_slice %arg2[%dma_wait3A_104, %dma_wait3A_105] : memref<20000x128xf32, #tpu.memory_space<hbm>> -> memref<20000x128xf32, #tpu.memory_space<hbm>>
      tpu.wait_indirect_dma semaphore(%arg12 : memref<!tpu.dma_semaphore, #tpu.memory_space<semaphore_mem>>) src(%dma_wait3A_106 : memref<20000x128xf32, #tpu.memory_space<hbm>>) dst(%arg9 : memref<125x128xf32, #tpu.memory_space<vmem>>)
      %add3A_107 = arith.constant 1 : i32
      %add3A_108 = arith.addi %mul3A_85, %add3A_107 : i32
      "tpu.region"() ({
        %run_scoped3A_117 = tpu.sem_alloc : memref<!tpu.dma_semaphore, #tpu.memory_space<semaphore_mem>>
        %dma_start3A_118 = arith.constant 0 : i32
        %dma_start3A_119 = tpu.memref_slice %arg7[%add3A_108, %dma_start3A_118] : memref<40x125xi32, #tpu.memory_space<vmem>> -> memref<1x125xi32, #tpu.memory_space<vmem>>
        %dma_start3A_120 = tpu.memref_squeeze %dma_start3A_119 : memref<1x125xi32, #tpu.memory_space<vmem>> -> memref<125xi32, #tpu.memory_space<vmem>>
        %dma_start3A_121 = arith.constant 0 : i32
        %dma_start3A_122 = arith.constant 0 : i32
        %dma_start3A_123 = tpu.memref_slice %arg10[%dma_start3A_121, %dma_start3A_122] : memref<10000x128xf32, #tpu.memory_space<vmem_shared>> -> memref<10000x128xf32, #tpu.memory_space<vmem_shared>>
        tpu.enqueue_indirect_dma source(%arg9 : memref<125x128xf32, #tpu.memory_space<vmem>>) target(%dma_start3A_123 : memref<10000x128xf32, #tpu.memory_space<vmem_shared>>) offsets(%dma_start3A_120 : memref<125xi32, #tpu.memory_space<vmem>>) semaphore(%run_scoped3A_117 : memref<!tpu.dma_semaphore, #tpu.memory_space<semaphore_mem>>) {add = true}
        %dma_wait3A_124 = arith.constant 0 : i32
        %dma_wait3A_125 = tpu.memref_slice %arg7[%add3A_108, %dma_wait3A_124] : memref<40x125xi32, #tpu.memory_space<vmem>> -> memref<1x125xi32, #tpu.memory_space<vmem>>
        %dma_wait3A_126 = tpu.memref_squeeze %dma_wait3A_125 : memref<1x125xi32, #tpu.memory_space<vmem>> -> memref<125xi32, #tpu.memory_space<vmem>>
        %dma_wait3A_127 = arith.constant 0 : i32
        %dma_wait3A_128 = arith.constant 0 : i32
        %dma_wait3A_129 = tpu.memref_slice %arg10[%dma_wait3A_127, %dma_wait3A_128] : memref<10000x128xf32, #tpu.memory_space<vmem_shared>> -> memref<10000x128xf32, #tpu.memory_space<vmem_shared>>
        tpu.wait_indirect_dma semaphore(%run_scoped3A_117 : memref<!tpu.dma_semaphore, #tpu.memory_space<semaphore_mem>>) src(%arg9 : memref<125x128xf32, #tpu.memory_space<vmem>>) dst(%dma_wait3A_129 : memref<10000x128xf32, #tpu.memory_space<vmem_shared>>)
        tpu.yield
      }) : () -> ()
      %add3A_109 = arith.constant 3 : i32
      %add3A_110 = arith.addi %mul3A_85, %add3A_109 : i32
      %dma_start3A_111 = arith.constant 0 : i32
      %dma_start3A_112 = tpu.memref_slice %arg6[%add3A_110, %dma_start3A_111] : memref<40x125xi32, #tpu.memory_space<vmem>> -> memref<1x125xi32, #tpu.memory_space<vmem>>
      %dma_start3A_113 = tpu.memref_squeeze %dma_start3A_112 : memref<1x125xi32, #tpu.memory_space<vmem>> -> memref<125xi32, #tpu.memory_space<vmem>>
      %dma_start3A_114 = arith.constant 0 : i32
      %dma_start3A_115 = arith.constant 0 : i32
      %dma_start3A_116 = tpu.memref_slice %arg2[%dma_start3A_114, %dma_start3A_115] : memref<20000x128xf32, #tpu.memory_space<hbm>> -> memref<20000x128xf32, #tpu.memory_space<hbm>>
      tpu.enqueue_indirect_dma source(%dma_start3A_116 : memref<20000x128xf32, #tpu.memory_space<hbm>>) target(%arg9 : memref<125x128xf32, #tpu.memory_space<vmem>>) offsets(%dma_start3A_113 : memref<125xi32, #tpu.memory_space<vmem>>) semaphore(%arg12 : memref<!tpu.dma_semaphore, #tpu.memory_space<semaphore_mem>>)
    }
    %scan3A_65 = arith.constant 19 : i32
    %dma_wait3A_66 = arith.constant 38 : i32
    %dma_wait3A_67 = arith.constant 0 : i32
    %dma_wait3A_68 = tpu.memref_slice %arg6[%dma_wait3A_66, %dma_wait3A_67] : memref<40x125xi32, #tpu.memory_space<vmem>> -> memref<1x125xi32, #tpu.memory_space<vmem>>
    %dma_wait3A_69 = tpu.memref_squeeze %dma_wait3A_68 : memref<1x125xi32, #tpu.memory_space<vmem>> -> memref<125xi32, #tpu.memory_space<vmem>>
    %dma_wait3A_70 = arith.constant 0 : i32
    %dma_wait3A_71 = arith.constant 0 : i32
    %dma_wait3A_72 = tpu.memref_slice %arg2[%dma_wait3A_70, %dma_wait3A_71] : memref<20000x128xf32, #tpu.memory_space<hbm>> -> memref<20000x128xf32, #tpu.memory_space<hbm>>
    tpu.wait_indirect_dma semaphore(%arg11 : memref<!tpu.dma_semaphore, #tpu.memory_space<semaphore_mem>>) src(%dma_wait3A_72 : memref<20000x128xf32, #tpu.memory_space<hbm>>) dst(%arg8 : memref<125x128xf32, #tpu.memory_space<vmem>>)
    %run_scoped3A_73 = arith.constant 38 : i32
    "tpu.region"() ({
      %run_scoped3A_83 = tpu.sem_alloc : memref<!tpu.dma_semaphore, #tpu.memory_space<semaphore_mem>>
      %dma_start3A_84 = arith.constant 0 : i32
      %dma_start3A_85 = tpu.memref_slice %arg7[%run_scoped3A_73, %dma_start3A_84] : memref<40x125xi32, #tpu.memory_space<vmem>> -> memref<1x125xi32, #tpu.memory_space<vmem>>
      %dma_start3A_86 = tpu.memref_squeeze %dma_start3A_85 : memref<1x125xi32, #tpu.memory_space<vmem>> -> memref<125xi32, #tpu.memory_space<vmem>>
      %dma_start3A_87 = arith.constant 0 : i32
      %dma_start3A_88 = arith.constant 0 : i32
      %dma_start3A_89 = tpu.memref_slice %arg10[%dma_start3A_87, %dma_start3A_88] : memref<10000x128xf32, #tpu.memory_space<vmem_shared>> -> memref<10000x128xf32, #tpu.memory_space<vmem_shared>>
      tpu.enqueue_indirect_dma source(%arg8 : memref<125x128xf32, #tpu.memory_space<vmem>>) target(%dma_start3A_89 : memref<10000x128xf32, #tpu.memory_space<vmem_shared>>) offsets(%dma_start3A_86 : memref<125xi32, #tpu.memory_space<vmem>>) semaphore(%run_scoped3A_83 : memref<!tpu.dma_semaphore, #tpu.memory_space<semaphore_mem>>) {add = true}
      %dma_wait3A_90 = arith.constant 0 : i32
      %dma_wait3A_91 = tpu.memref_slice %arg7[%run_scoped3A_73, %dma_wait3A_90] : memref<40x125xi32, #tpu.memory_space<vmem>> -> memref<1x125xi32, #tpu.memory_space<vmem>>
      %dma_wait3A_92 = tpu.memref_squeeze %dma_wait3A_91 : memref<1x125xi32, #tpu.memory_space<vmem>> -> memref<125xi32, #tpu.memory_space<vmem>>
      %dma_wait3A_93 = arith.constant 0 : i32
      %dma_wait3A_94 = arith.constant 0 : i32
      %dma_wait3A_95 = tpu.memref_slice %arg10[%dma_wait3A_93, %dma_wait3A_94] : memref<10000x128xf32, #tpu.memory_space<vmem_shared>> -> memref<10000x128xf32, #tpu.memory_space<vmem_shared>>
      tpu.wait_indirect_dma semaphore(%run_scoped3A_83 : memref<!tpu.dma_semaphore, #tpu.memory_space<semaphore_mem>>) src(%arg8 : memref<125x128xf32, #tpu.memory_space<vmem>>) dst(%dma_wait3A_95 : memref<10000x128xf32, #tpu.memory_space<vmem_shared>>)
      tpu.yield
    }) : () -> ()
    %dma_wait3A_74 = arith.constant 39 : i32
    %dma_wait3A_75 = arith.constant 0 : i32
    %dma_wait3A_76 = tpu.memref_slice %arg6[%dma_wait3A_74, %dma_wait3A_75] : memref<40x125xi32, #tpu.memory_space<vmem>> -> memref<1x125xi32, #tpu.memory_space<vmem>>
    %dma_wait3A_77 = tpu.memref_squeeze %dma_wait3A_76 : memref<1x125xi32, #tpu.memory_space<vmem>> -> memref<125xi32, #tpu.memory_space<vmem>>
    %dma_wait3A_78 = arith.constant 0 : i32
    %dma_wait3A_79 = arith.constant 0 : i32
    %dma_wait3A_80 = tpu.memref_slice %arg2[%dma_wait3A_78, %dma_wait3A_79] : memref<20000x128xf32, #tpu.memory_space<hbm>> -> memref<20000x128xf32, #tpu.memory_space<hbm>>
    tpu.wait_indirect_dma semaphore(%arg12 : memref<!tpu.dma_semaphore, #tpu.memory_space<semaphore_mem>>) src(%dma_wait3A_80 : memref<20000x128xf32, #tpu.memory_space<hbm>>) dst(%arg9 : memref<125x128xf32, #tpu.memory_space<vmem>>)
    %run_scoped3A_81 = arith.constant 39 : i32
    "tpu.region"() ({
      %run_scoped3A_83 = tpu.sem_alloc : memref<!tpu.dma_semaphore, #tpu.memory_space<semaphore_mem>>
      %dma_start3A_84 = arith.constant 0 : i32
      %dma_start3A_85 = tpu.memref_slice %arg7[%run_scoped3A_81, %dma_start3A_84] : memref<40x125xi32, #tpu.memory_space<vmem>> -> memref<1x125xi32, #tpu.memory_space<vmem>>
      %dma_start3A_86 = tpu.memref_squeeze %dma_start3A_85 : memref<1x125xi32, #tpu.memory_space<vmem>> -> memref<125xi32, #tpu.memory_space<vmem>>
      %dma_start3A_87 = arith.constant 0 : i32
      %dma_start3A_88 = arith.constant 0 : i32
      %dma_start3A_89 = tpu.memref_slice %arg10[%dma_start3A_87, %dma_start3A_88] : memref<10000x128xf32, #tpu.memory_space<vmem_shared>> -> memref<10000x128xf32, #tpu.memory_space<vmem_shared>>
      tpu.enqueue_indirect_dma source(%arg9 : memref<125x128xf32, #tpu.memory_space<vmem>>) target(%dma_start3A_89 : memref<10000x128xf32, #tpu.memory_space<vmem_shared>>) offsets(%dma_start3A_86 : memref<125xi32, #tpu.memory_space<vmem>>) semaphore(%run_scoped3A_83 : memref<!tpu.dma_semaphore, #tpu.memory_space<semaphore_mem>>) {add = true}
      %dma_wait3A_90 = arith.constant 0 : i32
      %dma_wait3A_91 = tpu.memref_slice %arg7[%run_scoped3A_81, %dma_wait3A_90] : memref<40x125xi32, #tpu.memory_space<vmem>> -> memref<1x125xi32, #tpu.memory_space<vmem>>
      %dma_wait3A_92 = tpu.memref_squeeze %dma_wait3A_91 : memref<1x125xi32, #tpu.memory_space<vmem>> -> memref<125xi32, #tpu.memory_space<vmem>>
      %dma_wait3A_93 = arith.constant 0 : i32
      %dma_wait3A_94 = arith.constant 0 : i32
      %dma_wait3A_95 = tpu.memref_slice %arg10[%dma_wait3A_93, %dma_wait3A_94] : memref<10000x128xf32, #tpu.memory_space<vmem_shared>> -> memref<10000x128xf32, #tpu.memory_space<vmem_shared>>
      tpu.wait_indirect_dma semaphore(%run_scoped3A_83 : memref<!tpu.dma_semaphore, #tpu.memory_space<semaphore_mem>>) src(%arg9 : memref<125x128xf32, #tpu.memory_space<vmem>>) dst(%dma_wait3A_95 : memref<10000x128xf32, #tpu.memory_space<vmem_shared>>)
      tpu.yield
    }) : () -> ()
    %barrier3A_82 = arith.constant 0 : index
    tpu.barrier barrier_id(%barrier3A_82)
    "tpu.region"() ({
      %run_scoped3A_83 = tpu.sem_alloc : memref<!tpu.dma_semaphore, #tpu.memory_space<semaphore_mem>>
      %dma_start3A_84 = arith.constant 0 : i32
      %dma_start3A_85 = tpu.memref_slice %arg5[%arg0, %mul3A_0, %dma_start3A_84] : memref<2x10000x128xf32, #tpu.memory_space<hbm>> -> memref<1x640x128xf32, #tpu.memory_space<hbm>>
      %dma_start3A_86 = tpu.memref_squeeze %dma_start3A_85 : memref<1x640x128xf32, #tpu.memory_space<hbm>> -> memref<640x128xf32, #tpu.memory_space<hbm>>
      %dma_start3A_87 = arith.constant 0 : i32
      %dma_start3A_88 = tpu.memref_slice %arg10[%mul3A_0, %dma_start3A_87] : memref<10000x128xf32, #tpu.memory_space<vmem_shared>> -> memref<640x128xf32, #tpu.memory_space<vmem_shared>>
      tpu.enqueue_dma source(%dma_start3A_88 : memref<640x128xf32, #tpu.memory_space<vmem_shared>>) target(%dma_start3A_86 : memref<640x128xf32, #tpu.memory_space<hbm>>) target_semaphore(%run_scoped3A_83 : memref<!tpu.dma_semaphore, #tpu.memory_space<semaphore_mem>>)
      %dma_wait3A_89 = arith.constant 0 : i32
      %dma_wait3A_90 = tpu.memref_slice %arg5[%arg0, %mul3A_0, %dma_wait3A_89] : memref<2x10000x128xf32, #tpu.memory_space<hbm>> -> memref<1x640x128xf32, #tpu.memory_space<hbm>>
      %dma_wait3A_91 = tpu.memref_squeeze %dma_wait3A_90 : memref<1x640x128xf32, #tpu.memory_space<hbm>> -> memref<640x128xf32, #tpu.memory_space<hbm>>
      %dma_wait3A_92 = arith.constant 0 : i32
      %dma_wait3A_93 = tpu.memref_slice %arg10[%mul3A_0, %dma_wait3A_92] : memref<10000x128xf32, #tpu.memory_space<vmem_shared>> -> memref<640x128xf32, #tpu.memory_space<vmem_shared>>
      tpu.wait_dma2 semaphore(%run_scoped3A_83 : memref<!tpu.dma_semaphore, #tpu.memory_space<semaphore_mem>>) src(%dma_wait3A_93 : memref<640x128xf32, #tpu.memory_space<vmem_shared>>) dst(%dma_wait3A_91 : memref<640x128xf32, #tpu.memory_space<hbm>>)
      tpu.yield
    }) : () -> ()
    return
  }
}

#map = affine_map<(d0, d1) -> (0, 0)>
#map1 = affine_map<(d0, d1) -> (0, 0, 0, 0)>
#map2 = affine_map<(d0, d1) -> (0, 0, 0)>
module attributes {stable_mosaic.version = 14 : i64} {
  func.func @k(%arg0: i32, %arg1: i32, %arg2: memref<20000x128xf32, #tpu.memory_space<hbm>>, %arg3: memref<2x16x80x125xi32, #tpu.memory_space<hbm>>, %arg4: memref<16x80x125xi32, #tpu.memory_space<hbm>>, %arg5: memref<2x10000x128xf32, #tpu.memory_space<hbm>>, %arg6: memref<40x125xi32, #tpu.memory_space<vmem>>, %arg7: memref<40x125xi32, #tpu.memory_space<vmem>>, %arg8: memref<125x128xf32, #tpu.memory_space<vmem>>, %arg9: memref<125x128xf32, #tpu.memory_space<vmem>>, %arg10: memref<10000x128xf32, #tpu.memory_space<vmem_shared>>, %arg11: memref<!tpu.dma_semaphore, #tpu.memory_space<semaphore_mem>>, %arg12: memref<!tpu.dma_semaphore, #tpu.memory_space<semaphore_mem>>) attributes {dimension_semantics = [#tpu.dimension_semantics<core_parallel>, #tpu.dimension_semantics<subcore_parallel>], iteration_bounds = array<i64: 2, 16>, scalar_prefetch = 0 : i64, scratch_operands = 7 : i64, tpu.core_type = #tpu.core_type<sc_vector_subcore>, window_params = [{transform_indices = #map}, {transform_indices = #map1}, {transform_indices = #map2}, {transform_indices = #map2}]} {
    %mul3A = arith.constant 624 : i32
    %mul3A_0 = arith.muli %arg1, %mul3A : i32
    %broadcast_in_dim3A = arith.constant 0.000000e+00 : f32
    %broadcast_in_dim3A_1 = vector.broadcast %broadcast_in_dim3A : f32 to vector<16xf32>
    %scan3A = arith.constant 0 : i32
    %scan3A_2 = arith.constant 0 : i32
    %scan3A_3 = arith.constant 1000 : i32
    %scan3A_4 = arith.addi %scan3A_2, %scan3A_3 : i32
    %scan3A_5 = arith.constant 1 : i32
    scf.for %scan3A_83 = %scan3A_2 to %scan3A_4 step %scan3A_5  : i32 {
      %jit3A = arith.constant 8 : i32
      %div3A = arith.divsi %scan3A_83, %jit3A : i32
      %sign3A = arith.constant 0 : i32
      %sign3A_84 = arith.cmpi sgt, %scan3A_83, %sign3A : i32
      %sign3A_85 = arith.extui %sign3A_84 : i1 to i32
      %sign3A_86 = arith.constant 0 : i32
      %sign3A_87 = arith.cmpi slt, %scan3A_83, %sign3A_86 : i32
      %sign3A_88 = arith.extui %sign3A_87 : i1 to i32
      %sign3A_89 = arith.subi %sign3A_85, %sign3A_88 : i32
      %sign3A_90 = arith.constant 0 : i32
      %sign3A_91 = arith.cmpi sgt, %jit3A, %sign3A_90 : i32
      %sign3A_92 = arith.extui %sign3A_91 : i1 to i32
      %sign3A_93 = arith.constant 0 : i32
      %sign3A_94 = arith.cmpi slt, %jit3A, %sign3A_93 : i32
      %sign3A_95 = arith.extui %sign3A_94 : i1 to i32
      %sign3A_96 = arith.subi %sign3A_92, %sign3A_95 : i32
      %ne3A = arith.cmpi ne, %sign3A_89, %sign3A_96 : i32
      %rem3A = arith.remsi %scan3A_83, %jit3A : i32
      %ne3A_97 = arith.constant 0 : i32
      %ne3A_98 = arith.cmpi ne, %rem3A, %ne3A_97 : i32
      %and3A = arith.andi %ne3A, %ne3A_98 : i1
      %sub3A = arith.constant 1 : i32
      %sub3A_99 = arith.subi %div3A, %sub3A : i32
      %select_n3A = arith.select %and3A, %sub3A_99, %div3A : i32
      %jit3A_100 = arith.constant 8 : i32
      %eq3A = arith.constant 0 : i32
      %eq3A_101 = arith.cmpi eq, %jit3A_100, %eq3A : i32
      %jit3A_102 = arith.constant 1 : i32
      %select_n3A_103 = arith.select %eq3A_101, %jit3A_102, %jit3A_100 : i32
      %rem3A_104 = arith.remsi %scan3A_83, %select_n3A_103 : i32
      %ne3A_105 = arith.constant 0 : i32
      %ne3A_106 = arith.cmpi ne, %rem3A_104, %ne3A_105 : i32
      %lt3A = arith.constant 0 : i32
      %lt3A_107 = arith.cmpi slt, %rem3A_104, %lt3A : i32
      %lt3A_108 = arith.constant 0 : i32
      %lt3A_109 = arith.cmpi slt, %select_n3A_103, %lt3A_108 : i32
      %ne3A_110 = arith.xori %lt3A_107, %lt3A_109 : i1
      %and3A_111 = arith.andi %ne3A_110, %ne3A_106 : i1
      %add3A = arith.addi %rem3A_104, %select_n3A_103 : i32
      %select_n3A_112 = arith.select %and3A_111, %add3A, %rem3A_104 : i32
      %mul3A_113 = arith.constant 16 : i32
      %mul3A_114 = arith.muli %select_n3A_112, %mul3A_113 : i32
      %swap3A = arith.index_cast %select_n3A : i32 to index
      %swap3A_115 = arith.index_cast %mul3A_114 : i32 to index
      %swap3A_116 = tpu.vector_load %arg8[%swap3A, %swap3A_115] {strides = array<i32>} : memref<125x128xf32, #tpu.memory_space<vmem>>, vector<1x16xf32>,
      %swap3A_117 = vector.shape_cast %swap3A_116 : vector<1x16xf32> to vector<16xf32>
      %swap3A_118 = vector.shape_cast %broadcast_in_dim3A_1 : vector<16xf32> to vector<1x16xf32>
      tpu.vector_store %arg8[%swap3A, %swap3A_115], %swap3A_118 {strides = array<i32>} : memref<125x128xf32, #tpu.memory_space<vmem>>, vector<1x16xf32>,
    }
    %scan3A_6 = arith.constant 1000 : i32
    %scan3A_7 = arith.constant 0 : i32
    %scan3A_8 = arith.constant 0 : i32
    %scan3A_9 = arith.constant 6 : i32
    %scan3A_10 = arith.addi %scan3A_8, %scan3A_9 : i32
    %scan3A_11 = arith.constant 1 : i32
    scf.for %scan3A_83 = %scan3A_8 to %scan3A_10 step %scan3A_11  : i32 {
      %mul3A_84 = arith.constant 120 : i32
      %mul3A_85 = arith.muli %scan3A_83, %mul3A_84 : i32
      %min3A = arith.constant 520 : i32
      %min3A_86 = arith.minsi %mul3A_85, %min3A : i32
      %add3A = arith.addi %mul3A_0, %min3A_86 : i32
      "tpu.region"() ({
        %run_scoped3A_87 = tpu.sem_alloc : memref<!tpu.dma_semaphore, #tpu.memory_space<semaphore_mem>>
        %dma_start3A_88 = arith.constant 0 : i32
        %dma_start3A_89 = arith.constant 0 : i32
        %dma_start3A_90 = tpu.memref_slice %arg8[%dma_start3A_88, %dma_start3A_89] : memref<125x128xf32, #tpu.memory_space<vmem>> -> memref<120x128xf32, #tpu.memory_space<vmem>>
        %dma_start3A_91 = arith.constant 0 : i32
        %dma_start3A_92 = tpu.memref_slice %arg10[%add3A, %dma_start3A_91] : memref<10000x128xf32, #tpu.memory_space<vmem_shared>> -> memref<120x128xf32, #tpu.memory_space<vmem_shared>>
        %dma_start3A_93 = arith.constant 0 : i32
        %dma_start3A_94 = tpu.memref_slice %arg10[%add3A, %dma_start3A_93] : memref<10000x128xf32, #tpu.memory_space<vmem_shared>> -> memref<120x128xf32, #tpu.memory_space<vmem_shared>>
        %dma_start3A_95 = arith.constant 0 : i32
        %dma_start3A_96 = arith.constant 0 : i32
        %dma_start3A_97 = tpu.memref_slice %arg8[%dma_start3A_95, %dma_start3A_96] : memref<125x128xf32, #tpu.memory_space<vmem>> -> memref<120x128xf32, #tpu.memory_space<vmem>>
        tpu.enqueue_dma source(%dma_start3A_97 : memref<120x128xf32, #tpu.memory_space<vmem>>) target(%dma_start3A_94 : memref<120x128xf32, #tpu.memory_space<vmem_shared>>) target_semaphore(%run_scoped3A_87 : memref<!tpu.dma_semaphore, #tpu.memory_space<semaphore_mem>>)
        %dma_wait3A_98 = arith.constant 0 : i32
        %dma_wait3A_99 = arith.constant 0 : i32
        %dma_wait3A_100 = tpu.memref_slice %arg8[%dma_wait3A_98, %dma_wait3A_99] : memref<125x128xf32, #tpu.memory_space<vmem>> -> memref<120x128xf32, #tpu.memory_space<vmem>>
        %dma_wait3A_101 = arith.constant 0 : i32
        %dma_wait3A_102 = tpu.memref_slice %arg10[%add3A, %dma_wait3A_101] : memref<10000x128xf32, #tpu.memory_space<vmem_shared>> -> memref<120x128xf32, #tpu.memory_space<vmem_shared>>
        %dma_wait3A_103 = arith.constant 0 : i32
        %dma_wait3A_104 = tpu.memref_slice %arg10[%add3A, %dma_wait3A_103] : memref<10000x128xf32, #tpu.memory_space<vmem_shared>> -> memref<120x128xf32, #tpu.memory_space<vmem_shared>>
        %dma_wait3A_105 = arith.constant 0 : i32
        %dma_wait3A_106 = arith.constant 0 : i32
        %dma_wait3A_107 = tpu.memref_slice %arg8[%dma_wait3A_105, %dma_wait3A_106] : memref<125x128xf32, #tpu.memory_space<vmem>> -> memref<120x128xf32, #tpu.memory_space<vmem>>
        tpu.wait_dma2 semaphore(%run_scoped3A_87 : memref<!tpu.dma_semaphore, #tpu.memory_space<semaphore_mem>>) src(%dma_wait3A_107 : memref<120x128xf32, #tpu.memory_space<vmem>>) dst(%dma_wait3A_104 : memref<120x128xf32, #tpu.memory_space<vmem_shared>>)
        tpu.yield
      }) : () -> ()
    }
    %scan3A_12 = arith.constant 6 : i32
    %barrier3A = arith.constant 0 : index
    tpu.barrier barrier_id(%barrier3A)
    "tpu.region"() ({
      %run_scoped3A_83 = tpu.sem_alloc : memref<!tpu.dma_semaphore, #tpu.memory_space<semaphore_mem>>
      %dma_start3A_84 = arith.constant 0 : i32
      %dma_start3A_85 = arith.constant 0 : i32
      %dma_start3A_86 = tpu.memref_slice %arg3[%arg0, %arg1, %dma_start3A_84, %dma_start3A_85] : memref<2x16x80x125xi32, #tpu.memory_space<hbm>> -> memref<1x1x40x125xi32, #tpu.memory_space<hbm>>
      %dma_start3A_87 = tpu.memref_squeeze %dma_start3A_86 : memref<1x1x40x125xi32, #tpu.memory_space<hbm>> -> memref<40x125xi32, #tpu.memory_space<hbm>>
      %dma_start3A_88 = arith.constant 0 : i32
      %dma_start3A_89 = arith.constant 0 : i32
      %dma_start3A_90 = tpu.memref_slice %arg3[%arg0, %arg1, %dma_start3A_88, %dma_start3A_89] : memref<2x16x80x125xi32, #tpu.memory_space<hbm>> -> memref<1x1x40x125xi32, #tpu.memory_space<hbm>>
      %dma_start3A_91 = tpu.memref_squeeze %dma_start3A_90 : memref<1x1x40x125xi32, #tpu.memory_space<hbm>> -> memref<40x125xi32, #tpu.memory_space<hbm>>
      tpu.enqueue_dma source(%dma_start3A_91 : memref<40x125xi32, #tpu.memory_space<hbm>>) target(%arg6 : memref<40x125xi32, #tpu.memory_space<vmem>>) target_semaphore(%run_scoped3A_83 : memref<!tpu.dma_semaphore, #tpu.memory_space<semaphore_mem>>)
      %dma_wait3A_92 = arith.constant 0 : i32
      %dma_wait3A_93 = arith.constant 0 : i32
      %dma_wait3A_94 = tpu.memref_slice %arg3[%arg0, %arg1, %dma_wait3A_92, %dma_wait3A_93] : memref<2x16x80x125xi32, #tpu.memory_space<hbm>> -> memref<1x1x40x125xi32, #tpu.memory_space<hbm>>
      %dma_wait3A_95 = tpu.memref_squeeze %dma_wait3A_94 : memref<1x1x40x125xi32, #tpu.memory_space<hbm>> -> memref<40x125xi32, #tpu.memory_space<hbm>>
      %dma_wait3A_96 = arith.constant 0 : i32
      %dma_wait3A_97 = arith.constant 0 : i32
      %dma_wait3A_98 = tpu.memref_slice %arg3[%arg0, %arg1, %dma_wait3A_96, %dma_wait3A_97] : memref<2x16x80x125xi32, #tpu.memory_space<hbm>> -> memref<1x1x40x125xi32, #tpu.memory_space<hbm>>
      %dma_wait3A_99 = tpu.memref_squeeze %dma_wait3A_98 : memref<1x1x40x125xi32, #tpu.memory_space<hbm>> -> memref<40x125xi32, #tpu.memory_space<hbm>>
      tpu.wait_dma2 semaphore(%run_scoped3A_83 : memref<!tpu.dma_semaphore, #tpu.memory_space<semaphore_mem>>) src(%dma_wait3A_99 : memref<40x125xi32, #tpu.memory_space<hbm>>) dst(%arg6 : memref<40x125xi32, #tpu.memory_space<vmem>>)
      tpu.yield
    }) : () -> ()
    "tpu.region"() ({
      %run_scoped3A_83 = tpu.sem_alloc : memref<!tpu.dma_semaphore, #tpu.memory_space<semaphore_mem>>
      %dma_start3A_84 = arith.constant 0 : i32
      %dma_start3A_85 = arith.constant 0 : i32
      %dma_start3A_86 = tpu.memref_slice %arg4[%arg1, %dma_start3A_84, %dma_start3A_85] : memref<16x80x125xi32, #tpu.memory_space<hbm>> -> memref<1x40x125xi32, #tpu.memory_space<hbm>>
      %dma_start3A_87 = tpu.memref_squeeze %dma_start3A_86 : memref<1x40x125xi32, #tpu.memory_space<hbm>> -> memref<40x125xi32, #tpu.memory_space<hbm>>
      %dma_start3A_88 = arith.constant 0 : i32
      %dma_start3A_89 = arith.constant 0 : i32
      %dma_start3A_90 = tpu.memref_slice %arg4[%arg1, %dma_start3A_88, %dma_start3A_89] : memref<16x80x125xi32, #tpu.memory_space<hbm>> -> memref<1x40x125xi32, #tpu.memory_space<hbm>>
      %dma_start3A_91 = tpu.memref_squeeze %dma_start3A_90 : memref<1x40x125xi32, #tpu.memory_space<hbm>> -> memref<40x125xi32, #tpu.memory_space<hbm>>
      tpu.enqueue_dma source(%dma_start3A_91 : memref<40x125xi32, #tpu.memory_space<hbm>>) target(%arg7 : memref<40x125xi32, #tpu.memory_space<vmem>>) target_semaphore(%run_scoped3A_83 : memref<!tpu.dma_semaphore, #tpu.memory_space<semaphore_mem>>)
      %dma_wait3A_92 = arith.constant 0 : i32
      %dma_wait3A_93 = arith.constant 0 : i32
      %dma_wait3A_94 = tpu.memref_slice %arg4[%arg1, %dma_wait3A_92, %dma_wait3A_93] : memref<16x80x125xi32, #tpu.memory_space<hbm>> -> memref<1x40x125xi32, #tpu.memory_space<hbm>>
      %dma_wait3A_95 = tpu.memref_squeeze %dma_wait3A_94 : memref<1x40x125xi32, #tpu.memory_space<hbm>> -> memref<40x125xi32, #tpu.memory_space<hbm>>
      %dma_wait3A_96 = arith.constant 0 : i32
      %dma_wait3A_97 = arith.constant 0 : i32
      %dma_wait3A_98 = tpu.memref_slice %arg4[%arg1, %dma_wait3A_96, %dma_wait3A_97] : memref<16x80x125xi32, #tpu.memory_space<hbm>> -> memref<1x40x125xi32, #tpu.memory_space<hbm>>
      %dma_wait3A_99 = tpu.memref_squeeze %dma_wait3A_98 : memref<1x40x125xi32, #tpu.memory_space<hbm>> -> memref<40x125xi32, #tpu.memory_space<hbm>>
      tpu.wait_dma2 semaphore(%run_scoped3A_83 : memref<!tpu.dma_semaphore, #tpu.memory_space<semaphore_mem>>) src(%dma_wait3A_99 : memref<40x125xi32, #tpu.memory_space<hbm>>) dst(%arg7 : memref<40x125xi32, #tpu.memory_space<vmem>>)
      tpu.yield
    }) : () -> ()
    %dma_start3A = arith.constant 0 : i32
    %dma_start3A_13 = arith.constant 0 : i32
    %dma_start3A_14 = tpu.memref_slice %arg6[%dma_start3A, %dma_start3A_13] : memref<40x125xi32, #tpu.memory_space<vmem>> -> memref<1x125xi32, #tpu.memory_space<vmem>>
    %dma_start3A_15 = tpu.memref_squeeze %dma_start3A_14 : memref<1x125xi32, #tpu.memory_space<vmem>> -> memref<125xi32, #tpu.memory_space<vmem>>
    %dma_start3A_16 = arith.constant 0 : i32
    %dma_start3A_17 = arith.constant 0 : i32
    %dma_start3A_18 = tpu.memref_slice %arg2[%dma_start3A_16, %dma_start3A_17] : memref<20000x128xf32, #tpu.memory_space<hbm>> -> memref<20000x128xf32, #tpu.memory_space<hbm>>
    tpu.enqueue_indirect_dma source(%dma_start3A_18 : memref<20000x128xf32, #tpu.memory_space<hbm>>) target(%arg8 : memref<125x128xf32, #tpu.memory_space<vmem>>) offsets(%dma_start3A_15 : memref<125xi32, #tpu.memory_space<vmem>>) semaphore(%arg11 : memref<!tpu.dma_semaphore, #tpu.memory_space<semaphore_mem>>)
    %dma_start3A_19 = arith.constant 1 : i32
    %dma_start3A_20 = arith.constant 0 : i32
    %dma_start3A_21 = tpu.memref_slice %arg6[%dma_start3A_19, %dma_start3A_20] : memref<40x125xi32, #tpu.memory_space<vmem>> -> memref<1x125xi32, #tpu.memory_space<vmem>>
    %dma_start3A_22 = tpu.memref_squeeze %dma_start3A_21 : memref<1x125xi32, #tpu.memory_space<vmem>> -> memref<125xi32, #tpu.memory_space<vmem>>
    %dma_start3A_23 = arith.constant 0 : i32
    %dma_start3A_24 = arith.constant 0 : i32
    %dma_start3A_25 = tpu.memref_slice %arg2[%dma_start3A_23, %dma_start3A_24] : memref<20000x128xf32, #tpu.memory_space<hbm>> -> memref<20000x128xf32, #tpu.memory_space<hbm>>
    tpu.enqueue_indirect_dma source(%dma_start3A_25 : memref<20000x128xf32, #tpu.memory_space<hbm>>) target(%arg9 : memref<125x128xf32, #tpu.memory_space<vmem>>) offsets(%dma_start3A_22 : memref<125xi32, #tpu.memory_space<vmem>>) semaphore(%arg12 : memref<!tpu.dma_semaphore, #tpu.memory_space<semaphore_mem>>)
    %scan3A_26 = arith.constant 0 : i32
    %scan3A_27 = arith.constant 0 : i32
    %scan3A_28 = arith.constant 19 : i32
    %scan3A_29 = arith.addi %scan3A_27, %scan3A_28 : i32
    %scan3A_30 = arith.constant 1 : i32
    scf.for %scan3A_83 = %scan3A_27 to %scan3A_29 step %scan3A_30  : i32 {
      %mul3A_84 = arith.constant 2 : i32
      %mul3A_85 = arith.muli %mul3A_84, %scan3A_83 : i32
      %dma_wait3A_86 = arith.constant 0 : i32
      %dma_wait3A_87 = tpu.memref_slice %arg6[%mul3A_85, %dma_wait3A_86] : memref<40x125xi32, #tpu.memory_space<vmem>> -> memref<1x125xi32, #tpu.memory_space<vmem>>
      %dma_wait3A_88 = tpu.memref_squeeze %dma_wait3A_87 : memref<1x125xi32, #tpu.memory_space<vmem>> -> memref<125xi32, #tpu.memory_space<vmem>>
      %dma_wait3A_89 = arith.constant 0 : i32
      %dma_wait3A_90 = arith.constant 0 : i32
      %dma_wait3A_91 = tpu.memref_slice %arg2[%dma_wait3A_89, %dma_wait3A_90] : memref<20000x128xf32, #tpu.memory_space<hbm>> -> memref<20000x128xf32, #tpu.memory_space<hbm>>
      tpu.wait_indirect_dma semaphore(%arg11 : memref<!tpu.dma_semaphore, #tpu.memory_space<semaphore_mem>>) src(%dma_wait3A_91 : memref<20000x128xf32, #tpu.memory_space<hbm>>) dst(%arg8 : memref<125x128xf32, #tpu.memory_space<vmem>>)
      "tpu.region"() ({
        %run_scoped3A_117 = tpu.sem_alloc : memref<!tpu.dma_semaphore, #tpu.memory_space<semaphore_mem>>
        %dma_start3A_118 = arith.constant 0 : i32
        %dma_start3A_119 = tpu.memref_slice %arg7[%mul3A_85, %dma_start3A_118] : memref<40x125xi32, #tpu.memory_space<vmem>> -> memref<1x125xi32, #tpu.memory_space<vmem>>
        %dma_start3A_120 = tpu.memref_squeeze %dma_start3A_119 : memref<1x125xi32, #tpu.memory_space<vmem>> -> memref<125xi32, #tpu.memory_space<vmem>>
        %dma_start3A_121 = arith.constant 0 : i32
        %dma_start3A_122 = arith.constant 0 : i32
        %dma_start3A_123 = tpu.memref_slice %arg10[%dma_start3A_121, %dma_start3A_122] : memref<10000x128xf32, #tpu.memory_space<vmem_shared>> -> memref<10000x128xf32, #tpu.memory_space<vmem_shared>>
        tpu.enqueue_indirect_dma source(%arg8 : memref<125x128xf32, #tpu.memory_space<vmem>>) target(%dma_start3A_123 : memref<10000x128xf32, #tpu.memory_space<vmem_shared>>) offsets(%dma_start3A_120 : memref<125xi32, #tpu.memory_space<vmem>>) semaphore(%run_scoped3A_117 : memref<!tpu.dma_semaphore, #tpu.memory_space<semaphore_mem>>) {add = true}
        %dma_wait3A_124 = arith.constant 0 : i32
        %dma_wait3A_125 = tpu.memref_slice %arg7[%mul3A_85, %dma_wait3A_124] : memref<40x125xi32, #tpu.memory_space<vmem>> -> memref<1x125xi32, #tpu.memory_space<vmem>>
        %dma_wait3A_126 = tpu.memref_squeeze %dma_wait3A_125 : memref<1x125xi32, #tpu.memory_space<vmem>> -> memref<125xi32, #tpu.memory_space<vmem>>
        %dma_wait3A_127 = arith.constant 0 : i32
        %dma_wait3A_128 = arith.constant 0 : i32
        %dma_wait3A_129 = tpu.memref_slice %arg10[%dma_wait3A_127, %dma_wait3A_128] : memref<10000x128xf32, #tpu.memory_space<vmem_shared>> -> memref<10000x128xf32, #tpu.memory_space<vmem_shared>>
        tpu.wait_indirect_dma semaphore(%run_scoped3A_117 : memref<!tpu.dma_semaphore, #tpu.memory_space<semaphore_mem>>) src(%arg8 : memref<125x128xf32, #tpu.memory_space<vmem>>) dst(%dma_wait3A_129 : memref<10000x128xf32, #tpu.memory_space<vmem_shared>>)
        tpu.yield
      }) : () -> ()
      %add3A = arith.constant 2 : i32
      %add3A_92 = arith.addi %mul3A_85, %add3A : i32
      %dma_start3A_93 = arith.constant 0 : i32
      %dma_start3A_94 = tpu.memref_slice %arg6[%add3A_92, %dma_start3A_93] : memref<40x125xi32, #tpu.memory_space<vmem>> -> memref<1x125xi32, #tpu.memory_space<vmem>>
      %dma_start3A_95 = tpu.memref_squeeze %dma_start3A_94 : memref<1x125xi32, #tpu.memory_space<vmem>> -> memref<125xi32, #tpu.memory_space<vmem>>
      %dma_start3A_96 = arith.constant 0 : i32
      %dma_start3A_97 = arith.constant 0 : i32
      %dma_start3A_98 = tpu.memref_slice %arg2[%dma_start3A_96, %dma_start3A_97] : memref<20000x128xf32, #tpu.memory_space<hbm>> -> memref<20000x128xf32, #tpu.memory_space<hbm>>
      tpu.enqueue_indirect_dma source(%dma_start3A_98 : memref<20000x128xf32, #tpu.memory_space<hbm>>) target(%arg8 : memref<125x128xf32, #tpu.memory_space<vmem>>) offsets(%dma_start3A_95 : memref<125xi32, #tpu.memory_space<vmem>>) semaphore(%arg11 : memref<!tpu.dma_semaphore, #tpu.memory_space<semaphore_mem>>)
      %add3A_99 = arith.constant 1 : i32
      %add3A_100 = arith.addi %mul3A_85, %add3A_99 : i32
      %dma_wait3A_101 = arith.constant 0 : i32
      %dma_wait3A_102 = tpu.memref_slice %arg6[%add3A_100, %dma_wait3A_101] : memref<40x125xi32, #tpu.memory_space<vmem>> -> memref<1x125xi32, #tpu.memory_space<vmem>>
      %dma_wait3A_103 = tpu.memref_squeeze %dma_wait3A_102 : memref<1x125xi32, #tpu.memory_space<vmem>> -> memref<125xi32, #tpu.memory_space<vmem>>
      %dma_wait3A_104 = arith.constant 0 : i32
      %dma_wait3A_105 = arith.constant 0 : i32
      %dma_wait3A_106 = tpu.memref_slice %arg2[%dma_wait3A_104, %dma_wait3A_105] : memref<20000x128xf32, #tpu.memory_space<hbm>> -> memref<20000x128xf32, #tpu.memory_space<hbm>>
      tpu.wait_indirect_dma semaphore(%arg12 : memref<!tpu.dma_semaphore, #tpu.memory_space<semaphore_mem>>) src(%dma_wait3A_106 : memref<20000x128xf32, #tpu.memory_space<hbm>>) dst(%arg9 : memref<125x128xf32, #tpu.memory_space<vmem>>)
      %add3A_107 = arith.constant 1 : i32
      %add3A_108 = arith.addi %mul3A_85, %add3A_107 : i32
      "tpu.region"() ({
        %run_scoped3A_117 = tpu.sem_alloc : memref<!tpu.dma_semaphore, #tpu.memory_space<semaphore_mem>>
        %dma_start3A_118 = arith.constant 0 : i32
        %dma_start3A_119 = tpu.memref_slice %arg7[%add3A_108, %dma_start3A_118] : memref<40x125xi32, #tpu.memory_space<vmem>> -> memref<1x125xi32, #tpu.memory_space<vmem>>
        %dma_start3A_120 = tpu.memref_squeeze %dma_start3A_119 : memref<1x125xi32, #tpu.memory_space<vmem>> -> memref<125xi32, #tpu.memory_space<vmem>>
        %dma_start3A_121 = arith.constant 0 : i32
        %dma_start3A_122 = arith.constant 0 : i32
        %dma_start3A_123 = tpu.memref_slice %arg10[%dma_start3A_121, %dma_start3A_122] : memref<10000x128xf32, #tpu.memory_space<vmem_shared>> -> memref<10000x128xf32, #tpu.memory_space<vmem_shared>>
        tpu.enqueue_indirect_dma source(%arg9 : memref<125x128xf32, #tpu.memory_space<vmem>>) target(%dma_start3A_123 : memref<10000x128xf32, #tpu.memory_space<vmem_shared>>) offsets(%dma_start3A_120 : memref<125xi32, #tpu.memory_space<vmem>>) semaphore(%run_scoped3A_117 : memref<!tpu.dma_semaphore, #tpu.memory_space<semaphore_mem>>) {add = true}
        %dma_wait3A_124 = arith.constant 0 : i32
        %dma_wait3A_125 = tpu.memref_slice %arg7[%add3A_108, %dma_wait3A_124] : memref<40x125xi32, #tpu.memory_space<vmem>> -> memref<1x125xi32, #tpu.memory_space<vmem>>
        %dma_wait3A_126 = tpu.memref_squeeze %dma_wait3A_125 : memref<1x125xi32, #tpu.memory_space<vmem>> -> memref<125xi32, #tpu.memory_space<vmem>>
        %dma_wait3A_127 = arith.constant 0 : i32
        %dma_wait3A_128 = arith.constant 0 : i32
        %dma_wait3A_129 = tpu.memref_slice %arg10[%dma_wait3A_127, %dma_wait3A_128] : memref<10000x128xf32, #tpu.memory_space<vmem_shared>> -> memref<10000x128xf32, #tpu.memory_space<vmem_shared>>
        tpu.wait_indirect_dma semaphore(%run_scoped3A_117 : memref<!tpu.dma_semaphore, #tpu.memory_space<semaphore_mem>>) src(%arg9 : memref<125x128xf32, #tpu.memory_space<vmem>>) dst(%dma_wait3A_129 : memref<10000x128xf32, #tpu.memory_space<vmem_shared>>)
        tpu.yield
      }) : () -> ()
      %add3A_109 = arith.constant 3 : i32
      %add3A_110 = arith.addi %mul3A_85, %add3A_109 : i32
      %dma_start3A_111 = arith.constant 0 : i32
      %dma_start3A_112 = tpu.memref_slice %arg6[%add3A_110, %dma_start3A_111] : memref<40x125xi32, #tpu.memory_space<vmem>> -> memref<1x125xi32, #tpu.memory_space<vmem>>
      %dma_start3A_113 = tpu.memref_squeeze %dma_start3A_112 : memref<1x125xi32, #tpu.memory_space<vmem>> -> memref<125xi32, #tpu.memory_space<vmem>>
      %dma_start3A_114 = arith.constant 0 : i32
      %dma_start3A_115 = arith.constant 0 : i32
      %dma_start3A_116 = tpu.memref_slice %arg2[%dma_start3A_114, %dma_start3A_115] : memref<20000x128xf32, #tpu.memory_space<hbm>> -> memref<20000x128xf32, #tpu.memory_space<hbm>>
      tpu.enqueue_indirect_dma source(%dma_start3A_116 : memref<20000x128xf32, #tpu.memory_space<hbm>>) target(%arg9 : memref<125x128xf32, #tpu.memory_space<vmem>>) offsets(%dma_start3A_113 : memref<125xi32, #tpu.memory_space<vmem>>) semaphore(%arg12 : memref<!tpu.dma_semaphore, #tpu.memory_space<semaphore_mem>>)
    }
    %scan3A_31 = arith.constant 19 : i32
    %dma_wait3A = arith.constant 38 : i32
    %dma_wait3A_32 = arith.constant 0 : i32
    %dma_wait3A_33 = tpu.memref_slice %arg6[%dma_wait3A, %dma_wait3A_32] : memref<40x125xi32, #tpu.memory_space<vmem>> -> memref<1x125xi32, #tpu.memory_space<vmem>>
    %dma_wait3A_34 = tpu.memref_squeeze %dma_wait3A_33 : memref<1x125xi32, #tpu.memory_space<vmem>> -> memref<125xi32, #tpu.memory_space<vmem>>
    %dma_wait3A_35 = arith.constant 0 : i32
    %dma_wait3A_36 = arith.constant 0 : i32
    %dma_wait3A_37 = tpu.memref_slice %arg2[%dma_wait3A_35, %dma_wait3A_36] : memref<20000x128xf32, #tpu.memory_space<hbm>> -> memref<20000x128xf32, #tpu.memory_space<hbm>>
    tpu.wait_indirect_dma semaphore(%arg11 : memref<!tpu.dma_semaphore, #tpu.memory_space<semaphore_mem>>) src(%dma_wait3A_37 : memref<20000x128xf32, #tpu.memory_space<hbm>>) dst(%arg8 : memref<125x128xf32, #tpu.memory_space<vmem>>)
    %run_scoped3A = arith.constant 38 : i32
    "tpu.region"() ({
      %run_scoped3A_83 = tpu.sem_alloc : memref<!tpu.dma_semaphore, #tpu.memory_space<semaphore_mem>>
      %dma_start3A_84 = arith.constant 0 : i32
      %dma_start3A_85 = tpu.memref_slice %arg7[%run_scoped3A, %dma_start3A_84] : memref<40x125xi32, #tpu.memory_space<vmem>> -> memref<1x125xi32, #tpu.memory_space<vmem>>
      %dma_start3A_86 = tpu.memref_squeeze %dma_start3A_85 : memref<1x125xi32, #tpu.memory_space<vmem>> -> memref<125xi32, #tpu.memory_space<vmem>>
      %dma_start3A_87 = arith.constant 0 : i32
      %dma_start3A_88 = arith.constant 0 : i32
      %dma_start3A_89 = tpu.memref_slice %arg10[%dma_start3A_87, %dma_start3A_88] : memref<10000x128xf32, #tpu.memory_space<vmem_shared>> -> memref<10000x128xf32, #tpu.memory_space<vmem_shared>>
      tpu.enqueue_indirect_dma source(%arg8 : memref<125x128xf32, #tpu.memory_space<vmem>>) target(%dma_start3A_89 : memref<10000x128xf32, #tpu.memory_space<vmem_shared>>) offsets(%dma_start3A_86 : memref<125xi32, #tpu.memory_space<vmem>>) semaphore(%run_scoped3A_83 : memref<!tpu.dma_semaphore, #tpu.memory_space<semaphore_mem>>) {add = true}
      %dma_wait3A_90 = arith.constant 0 : i32
      %dma_wait3A_91 = tpu.memref_slice %arg7[%run_scoped3A, %dma_wait3A_90] : memref<40x125xi32, #tpu.memory_space<vmem>> -> memref<1x125xi32, #tpu.memory_space<vmem>>
      %dma_wait3A_92 = tpu.memref_squeeze %dma_wait3A_91 : memref<1x125xi32, #tpu.memory_space<vmem>> -> memref<125xi32, #tpu.memory_space<vmem>>
      %dma_wait3A_93 = arith.constant 0 : i32
      %dma_wait3A_94 = arith.constant 0 : i32
      %dma_wait3A_95 = tpu.memref_slice %arg10[%dma_wait3A_93, %dma_wait3A_94] : memref<10000x128xf32, #tpu.memory_space<vmem_shared>> -> memref<10000x128xf32, #tpu.memory_space<vmem_shared>>
      tpu.wait_indirect_dma semaphore(%run_scoped3A_83 : memref<!tpu.dma_semaphore, #tpu.memory_space<semaphore_mem>>) src(%arg8 : memref<125x128xf32, #tpu.memory_space<vmem>>) dst(%dma_wait3A_95 : memref<10000x128xf32, #tpu.memory_space<vmem_shared>>)
      tpu.yield
    }) : () -> ()
    %dma_wait3A_38 = arith.constant 39 : i32
    %dma_wait3A_39 = arith.constant 0 : i32
    %dma_wait3A_40 = tpu.memref_slice %arg6[%dma_wait3A_38, %dma_wait3A_39] : memref<40x125xi32, #tpu.memory_space<vmem>> -> memref<1x125xi32, #tpu.memory_space<vmem>>
    %dma_wait3A_41 = tpu.memref_squeeze %dma_wait3A_40 : memref<1x125xi32, #tpu.memory_space<vmem>> -> memref<125xi32, #tpu.memory_space<vmem>>
    %dma_wait3A_42 = arith.constant 0 : i32
    %dma_wait3A_43 = arith.constant 0 : i32
    %dma_wait3A_44 = tpu.memref_slice %arg2[%dma_wait3A_42, %dma_wait3A_43] : memref<20000x128xf32, #tpu.memory_space<hbm>> -> memref<20000x128xf32, #tpu.memory_space<hbm>>
    tpu.wait_indirect_dma semaphore(%arg12 : memref<!tpu.dma_semaphore, #tpu.memory_space<semaphore_mem>>) src(%dma_wait3A_44 : memref<20000x128xf32, #tpu.memory_space<hbm>>) dst(%arg9 : memref<125x128xf32, #tpu.memory_space<vmem>>)
    %run_scoped3A_45 = arith.constant 39 : i32
    "tpu.region"() ({
      %run_scoped3A_83 = tpu.sem_alloc : memref<!tpu.dma_semaphore, #tpu.memory_space<semaphore_mem>>
      %dma_start3A_84 = arith.constant 0 : i32
      %dma_start3A_85 = tpu.memref_slice %arg7[%run_scoped3A_45, %dma_start3A_84] : memref<40x125xi32, #tpu.memory_space<vmem>> -> memref<1x125xi32, #tpu.memory_space<vmem>>
      %dma_start3A_86 = tpu.memref_squeeze %dma_start3A_85 : memref<1x125xi32, #tpu.memory_space<vmem>> -> memref<125xi32, #tpu.memory_space<vmem>>
      %dma_start3A_87 = arith.constant 0 : i32
      %dma_start3A_88 = arith.constant 0 : i32
      %dma_start3A_89 = tpu.memref_slice %arg10[%dma_start3A_87, %dma_start3A_88] : memref<10000x128xf32, #tpu.memory_space<vmem_shared>> -> memref<10000x128xf32, #tpu.memory_space<vmem_shared>>
      tpu.enqueue_indirect_dma source(%arg9 : memref<125x128xf32, #tpu.memory_space<vmem>>) target(%dma_start3A_89 : memref<10000x128xf32, #tpu.memory_space<vmem_shared>>) offsets(%dma_start3A_86 : memref<125xi32, #tpu.memory_space<vmem>>) semaphore(%run_scoped3A_83 : memref<!tpu.dma_semaphore, #tpu.memory_space<semaphore_mem>>) {add = true}
      %dma_wait3A_90 = arith.constant 0 : i32
      %dma_wait3A_91 = tpu.memref_slice %arg7[%run_scoped3A_45, %dma_wait3A_90] : memref<40x125xi32, #tpu.memory_space<vmem>> -> memref<1x125xi32, #tpu.memory_space<vmem>>
      %dma_wait3A_92 = tpu.memref_squeeze %dma_wait3A_91 : memref<1x125xi32, #tpu.memory_space<vmem>> -> memref<125xi32, #tpu.memory_space<vmem>>
      %dma_wait3A_93 = arith.constant 0 : i32
      %dma_wait3A_94 = arith.constant 0 : i32
      %dma_wait3A_95 = tpu.memref_slice %arg10[%dma_wait3A_93, %dma_wait3A_94] : memref<10000x128xf32, #tpu.memory_space<vmem_shared>> -> memref<10000x128xf32, #tpu.memory_space<vmem_shared>>
      tpu.wait_indirect_dma semaphore(%run_scoped3A_83 : memref<!tpu.dma_semaphore, #tpu.memory_space<semaphore_mem>>) src(%arg9 : memref<125x128xf32, #tpu.memory_space<vmem>>) dst(%dma_wait3A_95 : memref<10000x128xf32, #tpu.memory_space<vmem_shared>>)
      tpu.yield
    }) : () -> ()
    "tpu.region"() ({
      %run_scoped3A_83 = tpu.sem_alloc : memref<!tpu.dma_semaphore, #tpu.memory_space<semaphore_mem>>
      %dma_start3A_84 = arith.constant 40 : i32
      %dma_start3A_85 = arith.constant 0 : i32
      %dma_start3A_86 = tpu.memref_slice %arg3[%arg0, %arg1, %dma_start3A_84, %dma_start3A_85] : memref<2x16x80x125xi32, #tpu.memory_space<hbm>> -> memref<1x1x40x125xi32, #tpu.memory_space<hbm>>
      %dma_start3A_87 = tpu.memref_squeeze %dma_start3A_86 : memref<1x1x40x125xi32, #tpu.memory_space<hbm>> -> memref<40x125xi32, #tpu.memory_space<hbm>>
      %dma_start3A_88 = arith.constant 40 : i32
      %dma_start3A_89 = arith.constant 0 : i32
      %dma_start3A_90 = tpu.memref_slice %arg3[%arg0, %arg1, %dma_start3A_88, %dma_start3A_89] : memref<2x16x80x125xi32, #tpu.memory_space<hbm>> -> memref<1x1x40x125xi32, #tpu.memory_space<hbm>>
      %dma_start3A_91 = tpu.memref_squeeze %dma_start3A_90 : memref<1x1x40x125xi32, #tpu.memory_space<hbm>> -> memref<40x125xi32, #tpu.memory_space<hbm>>
      tpu.enqueue_dma source(%dma_start3A_91 : memref<40x125xi32, #tpu.memory_space<hbm>>) target(%arg6 : memref<40x125xi32, #tpu.memory_space<vmem>>) target_semaphore(%run_scoped3A_83 : memref<!tpu.dma_semaphore, #tpu.memory_space<semaphore_mem>>)
      %dma_wait3A_92 = arith.constant 40 : i32
      %dma_wait3A_93 = arith.constant 0 : i32
      %dma_wait3A_94 = tpu.memref_slice %arg3[%arg0, %arg1, %dma_wait3A_92, %dma_wait3A_93] : memref<2x16x80x125xi32, #tpu.memory_space<hbm>> -> memref<1x1x40x125xi32, #tpu.memory_space<hbm>>
      %dma_wait3A_95 = tpu.memref_squeeze %dma_wait3A_94 : memref<1x1x40x125xi32, #tpu.memory_space<hbm>> -> memref<40x125xi32, #tpu.memory_space<hbm>>
      %dma_wait3A_96 = arith.constant 40 : i32
      %dma_wait3A_97 = arith.constant 0 : i32
      %dma_wait3A_98 = tpu.memref_slice %arg3[%arg0, %arg1, %dma_wait3A_96, %dma_wait3A_97] : memref<2x16x80x125xi32, #tpu.memory_space<hbm>> -> memref<1x1x40x125xi32, #tpu.memory_space<hbm>>
      %dma_wait3A_99 = tpu.memref_squeeze %dma_wait3A_98 : memref<1x1x40x125xi32, #tpu.memory_space<hbm>> -> memref<40x125xi32, #tpu.memory_space<hbm>>
      tpu.wait_dma2 semaphore(%run_scoped3A_83 : memref<!tpu.dma_semaphore, #tpu.memory_space<semaphore_mem>>) src(%dma_wait3A_99 : memref<40x125xi32, #tpu.memory_space<hbm>>) dst(%arg6 : memref<40x125xi32, #tpu.memory_space<vmem>>)
      tpu.yield
    }) : () -> ()
    "tpu.region"() ({
      %run_scoped3A_83 = tpu.sem_alloc : memref<!tpu.dma_semaphore, #tpu.memory_space<semaphore_mem>>
      %dma_start3A_84 = arith.constant 40 : i32
      %dma_start3A_85 = arith.constant 0 : i32
      %dma_start3A_86 = tpu.memref_slice %arg4[%arg1, %dma_start3A_84, %dma_start3A_85] : memref<16x80x125xi32, #tpu.memory_space<hbm>> -> memref<1x40x125xi32, #tpu.memory_space<hbm>>
      %dma_start3A_87 = tpu.memref_squeeze %dma_start3A_86 : memref<1x40x125xi32, #tpu.memory_space<hbm>> -> memref<40x125xi32, #tpu.memory_space<hbm>>
      %dma_start3A_88 = arith.constant 40 : i32
      %dma_start3A_89 = arith.constant 0 : i32
      %dma_start3A_90 = tpu.memref_slice %arg4[%arg1, %dma_start3A_88, %dma_start3A_89] : memref<16x80x125xi32, #tpu.memory_space<hbm>> -> memref<1x40x125xi32, #tpu.memory_space<hbm>>
      %dma_start3A_91 = tpu.memref_squeeze %dma_start3A_90 : memref<1x40x125xi32, #tpu.memory_space<hbm>> -> memref<40x125xi32, #tpu.memory_space<hbm>>
      tpu.enqueue_dma source(%dma_start3A_91 : memref<40x125xi32, #tpu.memory_space<hbm>>) target(%arg7 : memref<40x125xi32, #tpu.memory_space<vmem>>) target_semaphore(%run_scoped3A_83 : memref<!tpu.dma_semaphore, #tpu.memory_space<semaphore_mem>>)
      %dma_wait3A_92 = arith.constant 40 : i32
      %dma_wait3A_93 = arith.constant 0 : i32
      %dma_wait3A_94 = tpu.memref_slice %arg4[%arg1, %dma_wait3A_92, %dma_wait3A_93] : memref<16x80x125xi32, #tpu.memory_space<hbm>> -> memref<1x40x125xi32, #tpu.memory_space<hbm>>
      %dma_wait3A_95 = tpu.memref_squeeze %dma_wait3A_94 : memref<1x40x125xi32, #tpu.memory_space<hbm>> -> memref<40x125xi32, #tpu.memory_space<hbm>>
      %dma_wait3A_96 = arith.constant 40 : i32
      %dma_wait3A_97 = arith.constant 0 : i32
      %dma_wait3A_98 = tpu.memref_slice %arg4[%arg1, %dma_wait3A_96, %dma_wait3A_97] : memref<16x80x125xi32, #tpu.memory_space<hbm>> -> memref<1x40x125xi32, #tpu.memory_space<hbm>>
      %dma_wait3A_99 = tpu.memref_squeeze %dma_wait3A_98 : memref<1x40x125xi32, #tpu.memory_space<hbm>> -> memref<40x125xi32, #tpu.memory_space<hbm>>
      tpu.wait_dma2 semaphore(%run_scoped3A_83 : memref<!tpu.dma_semaphore, #tpu.memory_space<semaphore_mem>>) src(%dma_wait3A_99 : memref<40x125xi32, #tpu.memory_space<hbm>>) dst(%arg7 : memref<40x125xi32, #tpu.memory_space<vmem>>)
      tpu.yield
    }) : () -> ()
    %dma_start3A_46 = arith.constant 0 : i32
    %dma_start3A_47 = arith.constant 0 : i32
    %dma_start3A_48 = tpu.memref_slice %arg6[%dma_start3A_46, %dma_start3A_47] : memref<40x125xi32, #tpu.memory_space<vmem>> -> memref<1x125xi32, #tpu.memory_space<vmem>>
    %dma_start3A_49 = tpu.memref_squeeze %dma_start3A_48 : memref<1x125xi32, #tpu.memory_space<vmem>> -> memref<125xi32, #tpu.memory_space<vmem>>
    %dma_start3A_50 = arith.constant 0 : i32
    %dma_start3A_51 = arith.constant 0 : i32
    %dma_start3A_52 = tpu.memref_slice %arg2[%dma_start3A_50, %dma_start3A_51] : memref<20000x128xf32, #tpu.memory_space<hbm>> -> memref<20000x128xf32, #tpu.memory_space<hbm>>
    tpu.enqueue_indirect_dma source(%dma_start3A_52 : memref<20000x128xf32, #tpu.memory_space<hbm>>) target(%arg8 : memref<125x128xf32, #tpu.memory_space<vmem>>) offsets(%dma_start3A_49 : memref<125xi32, #tpu.memory_space<vmem>>) semaphore(%arg11 : memref<!tpu.dma_semaphore, #tpu.memory_space<semaphore_mem>>)
    %dma_start3A_53 = arith.constant 1 : i32
    %dma_start3A_54 = arith.constant 0 : i32
    %dma_start3A_55 = tpu.memref_slice %arg6[%dma_start3A_53, %dma_start3A_54] : memref<40x125xi32, #tpu.memory_space<vmem>> -> memref<1x125xi32, #tpu.memory_space<vmem>>
    %dma_start3A_56 = tpu.memref_squeeze %dma_start3A_55 : memref<1x125xi32, #tpu.memory_space<vmem>> -> memref<125xi32, #tpu.memory_space<vmem>>
    %dma_start3A_57 = arith.constant 0 : i32
    %dma_start3A_58 = arith.constant 0 : i32
    %dma_start3A_59 = tpu.memref_slice %arg2[%dma_start3A_57, %dma_start3A_58] : memref<20000x128xf32, #tpu.memory_space<hbm>> -> memref<20000x128xf32, #tpu.memory_space<hbm>>
    tpu.enqueue_indirect_dma source(%dma_start3A_59 : memref<20000x128xf32, #tpu.memory_space<hbm>>) target(%arg9 : memref<125x128xf32, #tpu.memory_space<vmem>>) offsets(%dma_start3A_56 : memref<125xi32, #tpu.memory_space<vmem>>) semaphore(%arg12 : memref<!tpu.dma_semaphore, #tpu.memory_space<semaphore_mem>>)
    %scan3A_60 = arith.constant 0 : i32
    %scan3A_61 = arith.constant 0 : i32
    %scan3A_62 = arith.constant 19 : i32
    %scan3A_63 = arith.addi %scan3A_61, %scan3A_62 : i32
    %scan3A_64 = arith.constant 1 : i32
    scf.for %scan3A_83 = %scan3A_61 to %scan3A_63 step %scan3A_64  : i32 {
      %mul3A_84 = arith.constant 2 : i32
      %mul3A_85 = arith.muli %mul3A_84, %scan3A_83 : i32
      %dma_wait3A_86 = arith.constant 0 : i32
      %dma_wait3A_87 = tpu.memref_slice %arg6[%mul3A_85, %dma_wait3A_86] : memref<40x125xi32, #tpu.memory_space<vmem>> -> memref<1x125xi32, #tpu.memory_space<vmem>>
      %dma_wait3A_88 = tpu.memref_squeeze %dma_wait3A_87 : memref<1x125xi32, #tpu.memory_space<vmem>> -> memref<125xi32, #tpu.memory_space<vmem>>
      %dma_wait3A_89 = arith.constant 0 : i32
      %dma_wait3A_90 = arith.constant 0 : i32
      %dma_wait3A_91 = tpu.memref_slice %arg2[%dma_wait3A_89, %dma_wait3A_90] : memref<20000x128xf32, #tpu.memory_space<hbm>> -> memref<20000x128xf32, #tpu.memory_space<hbm>>
      tpu.wait_indirect_dma semaphore(%arg11 : memref<!tpu.dma_semaphore, #tpu.memory_space<semaphore_mem>>) src(%dma_wait3A_91 : memref<20000x128xf32, #tpu.memory_space<hbm>>) dst(%arg8 : memref<125x128xf32, #tpu.memory_space<vmem>>)
      "tpu.region"() ({
        %run_scoped3A_117 = tpu.sem_alloc : memref<!tpu.dma_semaphore, #tpu.memory_space<semaphore_mem>>
        %dma_start3A_118 = arith.constant 0 : i32
        %dma_start3A_119 = tpu.memref_slice %arg7[%mul3A_85, %dma_start3A_118] : memref<40x125xi32, #tpu.memory_space<vmem>> -> memref<1x125xi32, #tpu.memory_space<vmem>>
        %dma_start3A_120 = tpu.memref_squeeze %dma_start3A_119 : memref<1x125xi32, #tpu.memory_space<vmem>> -> memref<125xi32, #tpu.memory_space<vmem>>
        %dma_start3A_121 = arith.constant 0 : i32
        %dma_start3A_122 = arith.constant 0 : i32
        %dma_start3A_123 = tpu.memref_slice %arg10[%dma_start3A_121, %dma_start3A_122] : memref<10000x128xf32, #tpu.memory_space<vmem_shared>> -> memref<10000x128xf32, #tpu.memory_space<vmem_shared>>
        tpu.enqueue_indirect_dma source(%arg8 : memref<125x128xf32, #tpu.memory_space<vmem>>) target(%dma_start3A_123 : memref<10000x128xf32, #tpu.memory_space<vmem_shared>>) offsets(%dma_start3A_120 : memref<125xi32, #tpu.memory_space<vmem>>) semaphore(%run_scoped3A_117 : memref<!tpu.dma_semaphore, #tpu.memory_space<semaphore_mem>>) {add = true}
        %dma_wait3A_124 = arith.constant 0 : i32
        %dma_wait3A_125 = tpu.memref_slice %arg7[%mul3A_85, %dma_wait3A_124] : memref<40x125xi32, #tpu.memory_space<vmem>> -> memref<1x125xi32, #tpu.memory_space<vmem>>
        %dma_wait3A_126 = tpu.memref_squeeze %dma_wait3A_125 : memref<1x125xi32, #tpu.memory_space<vmem>> -> memref<125xi32, #tpu.memory_space<vmem>>
        %dma_wait3A_127 = arith.constant 0 : i32
        %dma_wait3A_128 = arith.constant 0 : i32
        %dma_wait3A_129 = tpu.memref_slice %arg10[%dma_wait3A_127, %dma_wait3A_128] : memref<10000x128xf32, #tpu.memory_space<vmem_shared>> -> memref<10000x128xf32, #tpu.memory_space<vmem_shared>>
        tpu.wait_indirect_dma semaphore(%run_scoped3A_117 : memref<!tpu.dma_semaphore, #tpu.memory_space<semaphore_mem>>) src(%arg8 : memref<125x128xf32, #tpu.memory_space<vmem>>) dst(%dma_wait3A_129 : memref<10000x128xf32, #tpu.memory_space<vmem_shared>>)
        tpu.yield
      }) : () -> ()
      %add3A = arith.constant 2 : i32
      %add3A_92 = arith.addi %mul3A_85, %add3A : i32
      %dma_start3A_93 = arith.constant 0 : i32
      %dma_start3A_94 = tpu.memref_slice %arg6[%add3A_92, %dma_start3A_93] : memref<40x125xi32, #tpu.memory_space<vmem>> -> memref<1x125xi32, #tpu.memory_space<vmem>>
      %dma_start3A_95 = tpu.memref_squeeze %dma_start3A_94 : memref<1x125xi32, #tpu.memory_space<vmem>> -> memref<125xi32, #tpu.memory_space<vmem>>
      %dma_start3A_96 = arith.constant 0 : i32
      %dma_start3A_97 = arith.constant 0 : i32
      %dma_start3A_98 = tpu.memref_slice %arg2[%dma_start3A_96, %dma_start3A_97] : memref<20000x128xf32, #tpu.memory_space<hbm>> -> memref<20000x128xf32, #tpu.memory_space<hbm>>
      tpu.enqueue_indirect_dma source(%dma_start3A_98 : memref<20000x128xf32, #tpu.memory_space<hbm>>) target(%arg8 : memref<125x128xf32, #tpu.memory_space<vmem>>) offsets(%dma_start3A_95 : memref<125xi32, #tpu.memory_space<vmem>>) semaphore(%arg11 : memref<!tpu.dma_semaphore, #tpu.memory_space<semaphore_mem>>)
      %add3A_99 = arith.constant 1 : i32
      %add3A_100 = arith.addi %mul3A_85, %add3A_99 : i32
      %dma_wait3A_101 = arith.constant 0 : i32
      %dma_wait3A_102 = tpu.memref_slice %arg6[%add3A_100, %dma_wait3A_101] : memref<40x125xi32, #tpu.memory_space<vmem>> -> memref<1x125xi32, #tpu.memory_space<vmem>>
      %dma_wait3A_103 = tpu.memref_squeeze %dma_wait3A_102 : memref<1x125xi32, #tpu.memory_space<vmem>> -> memref<125xi32, #tpu.memory_space<vmem>>
      %dma_wait3A_104 = arith.constant 0 : i32
      %dma_wait3A_105 = arith.constant 0 : i32
      %dma_wait3A_106 = tpu.memref_slice %arg2[%dma_wait3A_104, %dma_wait3A_105] : memref<20000x128xf32, #tpu.memory_space<hbm>> -> memref<20000x128xf32, #tpu.memory_space<hbm>>
      tpu.wait_indirect_dma semaphore(%arg12 : memref<!tpu.dma_semaphore, #tpu.memory_space<semaphore_mem>>) src(%dma_wait3A_106 : memref<20000x128xf32, #tpu.memory_space<hbm>>) dst(%arg9 : memref<125x128xf32, #tpu.memory_space<vmem>>)
      %add3A_107 = arith.constant 1 : i32
      %add3A_108 = arith.addi %mul3A_85, %add3A_107 : i32
      "tpu.region"() ({
        %run_scoped3A_117 = tpu.sem_alloc : memref<!tpu.dma_semaphore, #tpu.memory_space<semaphore_mem>>
        %dma_start3A_118 = arith.constant 0 : i32
        %dma_start3A_119 = tpu.memref_slice %arg7[%add3A_108, %dma_start3A_118] : memref<40x125xi32, #tpu.memory_space<vmem>> -> memref<1x125xi32, #tpu.memory_space<vmem>>
        %dma_start3A_120 = tpu.memref_squeeze %dma_start3A_119 : memref<1x125xi32, #tpu.memory_space<vmem>> -> memref<125xi32, #tpu.memory_space<vmem>>
        %dma_start3A_121 = arith.constant 0 : i32
        %dma_start3A_122 = arith.constant 0 : i32
        %dma_start3A_123 = tpu.memref_slice %arg10[%dma_start3A_121, %dma_start3A_122] : memref<10000x128xf32, #tpu.memory_space<vmem_shared>> -> memref<10000x128xf32, #tpu.memory_space<vmem_shared>>
        tpu.enqueue_indirect_dma source(%arg9 : memref<125x128xf32, #tpu.memory_space<vmem>>) target(%dma_start3A_123 : memref<10000x128xf32, #tpu.memory_space<vmem_shared>>) offsets(%dma_start3A_120 : memref<125xi32, #tpu.memory_space<vmem>>) semaphore(%run_scoped3A_117 : memref<!tpu.dma_semaphore, #tpu.memory_space<semaphore_mem>>) {add = true}
        %dma_wait3A_124 = arith.constant 0 : i32
        %dma_wait3A_125 = tpu.memref_slice %arg7[%add3A_108, %dma_wait3A_124] : memref<40x125xi32, #tpu.memory_space<vmem>> -> memref<1x125xi32, #tpu.memory_space<vmem>>
        %dma_wait3A_126 = tpu.memref_squeeze %dma_wait3A_125 : memref<1x125xi32, #tpu.memory_space<vmem>> -> memref<125xi32, #tpu.memory_space<vmem>>
        %dma_wait3A_127 = arith.constant 0 : i32
        %dma_wait3A_128 = arith.constant 0 : i32
        %dma_wait3A_129 = tpu.memref_slice %arg10[%dma_wait3A_127, %dma_wait3A_128] : memref<10000x128xf32, #tpu.memory_space<vmem_shared>> -> memref<10000x128xf32, #tpu.memory_space<vmem_shared>>
        tpu.wait_indirect_dma semaphore(%run_scoped3A_117 : memref<!tpu.dma_semaphore, #tpu.memory_space<semaphore_mem>>) src(%arg9 : memref<125x128xf32, #tpu.memory_space<vmem>>) dst(%dma_wait3A_129 : memref<10000x128xf32, #tpu.memory_space<vmem_shared>>)
        tpu.yield
      }) : () -> ()
      %add3A_109 = arith.constant 3 : i32
      %add3A_110 = arith.addi %mul3A_85, %add3A_109 : i32
      %dma_start3A_111 = arith.constant 0 : i32
      %dma_start3A_112 = tpu.memref_slice %arg6[%add3A_110, %dma_start3A_111] : memref<40x125xi32, #tpu.memory_space<vmem>> -> memref<1x125xi32, #tpu.memory_space<vmem>>
      %dma_start3A_113 = tpu.memref_squeeze %dma_start3A_112 : memref<1x125xi32, #tpu.memory_space<vmem>> -> memref<125xi32, #tpu.memory_space<vmem>>
      %dma_start3A_114 = arith.constant 0 : i32
      %dma_start3A_115 = arith.constant 0 : i32
      %dma_start3A_116 = tpu.memref_slice %arg2[%dma_start3A_114, %dma_start3A_115] : memref<20000x128xf32, #tpu.memory_space<hbm>> -> memref<20000x128xf32, #tpu.memory_space<hbm>>
      tpu.enqueue_indirect_dma source(%dma_start3A_116 : memref<20000x128xf32, #tpu.memory_space<hbm>>) target(%arg9 : memref<125x128xf32, #tpu.memory_space<vmem>>) offsets(%dma_start3A_113 : memref<125xi32, #tpu.memory_space<vmem>>) semaphore(%arg12 : memref<!tpu.dma_semaphore, #tpu.memory_space<semaphore_mem>>)
    }
    %scan3A_65 = arith.constant 19 : i32
    %dma_wait3A_66 = arith.constant 38 : i32
    %dma_wait3A_67 = arith.constant 0 : i32
    %dma_wait3A_68 = tpu.memref_slice %arg6[%dma_wait3A_66, %dma_wait3A_67] : memref<40x125xi32, #tpu.memory_space<vmem>> -> memref<1x125xi32, #tpu.memory_space<vmem>>
    %dma_wait3A_69 = tpu.memref_squeeze %dma_wait3A_68 : memref<1x125xi32, #tpu.memory_space<vmem>> -> memref<125xi32, #tpu.memory_space<vmem>>
    %dma_wait3A_70 = arith.constant 0 : i32
    %dma_wait3A_71 = arith.constant 0 : i32
    %dma_wait3A_72 = tpu.memref_slice %arg2[%dma_wait3A_70, %dma_wait3A_71] : memref<20000x128xf32, #tpu.memory_space<hbm>> -> memref<20000x128xf32, #tpu.memory_space<hbm>>
    tpu.wait_indirect_dma semaphore(%arg11 : memref<!tpu.dma_semaphore, #tpu.memory_space<semaphore_mem>>) src(%dma_wait3A_72 : memref<20000x128xf32, #tpu.memory_space<hbm>>) dst(%arg8 : memref<125x128xf32, #tpu.memory_space<vmem>>)
    %run_scoped3A_73 = arith.constant 38 : i32
    "tpu.region"() ({
      %run_scoped3A_83 = tpu.sem_alloc : memref<!tpu.dma_semaphore, #tpu.memory_space<semaphore_mem>>
      %dma_start3A_84 = arith.constant 0 : i32
      %dma_start3A_85 = tpu.memref_slice %arg7[%run_scoped3A_73, %dma_start3A_84] : memref<40x125xi32, #tpu.memory_space<vmem>> -> memref<1x125xi32, #tpu.memory_space<vmem>>
      %dma_start3A_86 = tpu.memref_squeeze %dma_start3A_85 : memref<1x125xi32, #tpu.memory_space<vmem>> -> memref<125xi32, #tpu.memory_space<vmem>>
      %dma_start3A_87 = arith.constant 0 : i32
      %dma_start3A_88 = arith.constant 0 : i32
      %dma_start3A_89 = tpu.memref_slice %arg10[%dma_start3A_87, %dma_start3A_88] : memref<10000x128xf32, #tpu.memory_space<vmem_shared>> -> memref<10000x128xf32, #tpu.memory_space<vmem_shared>>
      tpu.enqueue_indirect_dma source(%arg8 : memref<125x128xf32, #tpu.memory_space<vmem>>) target(%dma_start3A_89 : memref<10000x128xf32, #tpu.memory_space<vmem_shared>>) offsets(%dma_start3A_86 : memref<125xi32, #tpu.memory_space<vmem>>) semaphore(%run_scoped3A_83 : memref<!tpu.dma_semaphore, #tpu.memory_space<semaphore_mem>>) {add = true}
      %dma_wait3A_90 = arith.constant 0 : i32
      %dma_wait3A_91 = tpu.memref_slice %arg7[%run_scoped3A_73, %dma_wait3A_90] : memref<40x125xi32, #tpu.memory_space<vmem>> -> memref<1x125xi32, #tpu.memory_space<vmem>>
      %dma_wait3A_92 = tpu.memref_squeeze %dma_wait3A_91 : memref<1x125xi32, #tpu.memory_space<vmem>> -> memref<125xi32, #tpu.memory_space<vmem>>
      %dma_wait3A_93 = arith.constant 0 : i32
      %dma_wait3A_94 = arith.constant 0 : i32
      %dma_wait3A_95 = tpu.memref_slice %arg10[%dma_wait3A_93, %dma_wait3A_94] : memref<10000x128xf32, #tpu.memory_space<vmem_shared>> -> memref<10000x128xf32, #tpu.memory_space<vmem_shared>>
      tpu.wait_indirect_dma semaphore(%run_scoped3A_83 : memref<!tpu.dma_semaphore, #tpu.memory_space<semaphore_mem>>) src(%arg8 : memref<125x128xf32, #tpu.memory_space<vmem>>) dst(%dma_wait3A_95 : memref<10000x128xf32, #tpu.memory_space<vmem_shared>>)
      tpu.yield
    }) : () -> ()
    %dma_wait3A_74 = arith.constant 39 : i32
    %dma_wait3A_75 = arith.constant 0 : i32
    %dma_wait3A_76 = tpu.memref_slice %arg6[%dma_wait3A_74, %dma_wait3A_75] : memref<40x125xi32, #tpu.memory_space<vmem>> -> memref<1x125xi32, #tpu.memory_space<vmem>>
    %dma_wait3A_77 = tpu.memref_squeeze %dma_wait3A_76 : memref<1x125xi32, #tpu.memory_space<vmem>> -> memref<125xi32, #tpu.memory_space<vmem>>
    %dma_wait3A_78 = arith.constant 0 : i32
    %dma_wait3A_79 = arith.constant 0 : i32
    %dma_wait3A_80 = tpu.memref_slice %arg2[%dma_wait3A_78, %dma_wait3A_79] : memref<20000x128xf32, #tpu.memory_space<hbm>> -> memref<20000x128xf32, #tpu.memory_space<hbm>>
    tpu.wait_indirect_dma semaphore(%arg12 : memref<!tpu.dma_semaphore, #tpu.memory_space<semaphore_mem>>) src(%dma_wait3A_80 : memref<20000x128xf32, #tpu.memory_space<hbm>>) dst(%arg9 : memref<125x128xf32, #tpu.memory_space<vmem>>)
    %run_scoped3A_81 = arith.constant 39 : i32
    "tpu.region"() ({
      %run_scoped3A_83 = tpu.sem_alloc : memref<!tpu.dma_semaphore, #tpu.memory_space<semaphore_mem>>
      %dma_start3A_84 = arith.constant 0 : i32
      %dma_start3A_85 = tpu.memref_slice %arg7[%run_scoped3A_81, %dma_start3A_84] : memref<40x125xi32, #tpu.memory_space<vmem>> -> memref<1x125xi32, #tpu.memory_space<vmem>>
      %dma_start3A_86 = tpu.memref_squeeze %dma_start3A_85 : memref<1x125xi32, #tpu.memory_space<vmem>> -> memref<125xi32, #tpu.memory_space<vmem>>
      %dma_start3A_87 = arith.constant 0 : i32
      %dma_start3A_88 = arith.constant 0 : i32
      %dma_start3A_89 = tpu.memref_slice %arg10[%dma_start3A_87, %dma_start3A_88] : memref<10000x128xf32, #tpu.memory_space<vmem_shared>> -> memref<10000x128xf32, #tpu.memory_space<vmem_shared>>
      tpu.enqueue_indirect_dma source(%arg9 : memref<125x128xf32, #tpu.memory_space<vmem>>) target(%dma_start3A_89 : memref<10000x128xf32, #tpu.memory_space<vmem_shared>>) offsets(%dma_start3A_86 : memref<125xi32, #tpu.memory_space<vmem>>) semaphore(%run_scoped3A_83 : memref<!tpu.dma_semaphore, #tpu.memory_space<semaphore_mem>>) {add = true}
      %dma_wait3A_90 = arith.constant 0 : i32
      %dma_wait3A_91 = tpu.memref_slice %arg7[%run_scoped3A_81, %dma_wait3A_90] : memref<40x125xi32, #tpu.memory_space<vmem>> -> memref<1x125xi32, #tpu.memory_space<vmem>>
      %dma_wait3A_92 = tpu.memref_squeeze %dma_wait3A_91 : memref<1x125xi32, #tpu.memory_space<vmem>> -> memref<125xi32, #tpu.memory_space<vmem>>
      %dma_wait3A_93 = arith.constant 0 : i32
      %dma_wait3A_94 = arith.constant 0 : i32
      %dma_wait3A_95 = tpu.memref_slice %arg10[%dma_wait3A_93, %dma_wait3A_94] : memref<10000x128xf32, #tpu.memory_space<vmem_shared>> -> memref<10000x128xf32, #tpu.memory_space<vmem_shared>>
      tpu.wait_indirect_dma semaphore(%run_scoped3A_83 : memref<!tpu.dma_semaphore, #tpu.memory_space<semaphore_mem>>) src(%arg9 : memref<125x128xf32, #tpu.memory_space<vmem>>) dst(%dma_wait3A_95 : memref<10000x128xf32, #tpu.memory_space<vmem_shared>>)
      tpu.yield
    }) : () -> ()
    %barrier3A_82 = arith.constant 0 : index
    tpu.barrier barrier_id(%barrier3A_82)
    "tpu.region"() ({
      %run_scoped3A_83 = tpu.sem_alloc : memref<!tpu.dma_semaphore, #tpu.memory_space<semaphore_mem>>
      %dma_start3A_84 = arith.constant 0 : i32
      %dma_start3A_85 = tpu.memref_slice %arg5[%arg0, %mul3A_0, %dma_start3A_84] : memref<2x10000x128xf32, #tpu.memory_space<hbm>> -> memref<1x640x128xf32, #tpu.memory_space<hbm>>
      %dma_start3A_86 = tpu.memref_squeeze %dma_start3A_85 : memref<1x640x128xf32, #tpu.memory_space<hbm>> -> memref<640x128xf32, #tpu.memory_space<hbm>>
      %dma_start3A_87 = arith.constant 0 : i32
      %dma_start3A_88 = tpu.memref_slice %arg10[%mul3A_0, %dma_start3A_87] : memref<10000x128xf32, #tpu.memory_space<vmem_shared>> -> memref<640x128xf32, #tpu.memory_space<vmem_shared>>
      tpu.enqueue_dma source(%dma_start3A_88 : memref<640x128xf32, #tpu.memory_space<vmem_shared>>) target(%dma_start3A_86 : memref<640x128xf32, #tpu.memory_space<hbm>>) target_semaphore(%run_scoped3A_83 : memref<!tpu.dma_semaphore, #tpu.memory_space<semaphore_mem>>)
      %dma_wait3A_89 = arith.constant 0 : i32
      %dma_wait3A_90 = tpu.memref_slice %arg5[%arg0, %mul3A_0, %dma_wait3A_89] : memref<2x10000x128xf32, #tpu.memory_space<hbm>> -> memref<1x640x128xf32, #tpu.memory_space<hbm>>
      %dma_wait3A_91 = tpu.memref_squeeze %dma_wait3A_90 : memref<1x640x128xf32, #tpu.memory_space<hbm>> -> memref<640x128xf32, #tpu.memory_space<hbm>>
      %dma_wait3A_92 = arith.constant 0 : i32
      %dma_wait3A_93 = tpu.memref_slice %arg10[%mul3A_0, %dma_wait3A_92] : memref<10000x128xf32, #tpu.memory_space<vmem_shared>> -> memref<640x128xf32, #tpu.memory_space<vmem_shared>>
      tpu.wait_dma2 semaphore(%run_scoped3A_83 : memref<!tpu.dma_semaphore, #tpu.memory_space<semaphore_mem>>) src(%dma_wait3A_93 : memref<640x128xf32, #tpu.memory_space<vmem_shared>>) dst(%dma_wait3A_91 : memref<640x128xf32, #tpu.memory_space<hbm>>)
      tpu.yield
    }) : () -> ()
    return
  }
}

#map = affine_map<(d0, d1) -> (0, 0)>
#map1 = affine_map<(d0, d1) -> (0, 0, 0, 0)>
#map2 = affine_map<(d0, d1) -> (0, 0, 0)>
module attributes {stable_mosaic.version = 14 : i64} {
  func.func @k(%arg0: i32, %arg1: i32, %arg2: memref<20000x128xf32, #tpu.memory_space<hbm>>, %arg3: memref<2x16x80x125xi32, #tpu.memory_space<hbm>>, %arg4: memref<16x80x125xi32, #tpu.memory_space<hbm>>, %arg5: memref<2x10000x128xf32, #tpu.memory_space<hbm>>, %arg6: memref<40x125xi32, #tpu.memory_space<vmem>>, %arg7: memref<40x125xi32, #tpu.memory_space<vmem>>, %arg8: memref<125x128xf32, #tpu.memory_space<vmem>>, %arg9: memref<125x128xf32, #tpu.memory_space<vmem>>, %arg10: memref<10000x128xf32, #tpu.memory_space<vmem_shared>>, %arg11: memref<!tpu.dma_semaphore, #tpu.memory_space<semaphore_mem>>, %arg12: memref<!tpu.dma_semaphore, #tpu.memory_space<semaphore_mem>>) attributes {dimension_semantics = [#tpu.dimension_semantics<core_parallel>, #tpu.dimension_semantics<subcore_parallel>], iteration_bounds = array<i64: 2, 16>, scalar_prefetch = 0 : i64, scratch_operands = 7 : i64, tpu.core_type = #tpu.core_type<sc_vector_subcore>, window_params = [{transform_indices = #map}, {transform_indices = #map1}, {transform_indices = #map2}, {transform_indices = #map2}]} {
    %mul3A = arith.constant 624 : i32
    %mul3A_0 = arith.muli %arg1, %mul3A : i32
    %broadcast_in_dim3A = arith.constant 0.000000e+00 : f32
    %broadcast_in_dim3A_1 = vector.broadcast %broadcast_in_dim3A : f32 to vector<16xf32>
    %scan3A = arith.constant 0 : i32
    %scan3A_2 = arith.constant 0 : i32
    %scan3A_3 = arith.constant 1000 : i32
    %scan3A_4 = arith.addi %scan3A_2, %scan3A_3 : i32
    %scan3A_5 = arith.constant 1 : i32
    scf.for %scan3A_83 = %scan3A_2 to %scan3A_4 step %scan3A_5  : i32 {
      %jit3A = arith.constant 8 : i32
      %div3A = arith.divsi %scan3A_83, %jit3A : i32
      %sign3A = arith.constant 0 : i32
      %sign3A_84 = arith.cmpi sgt, %scan3A_83, %sign3A : i32
      %sign3A_85 = arith.extui %sign3A_84 : i1 to i32
      %sign3A_86 = arith.constant 0 : i32
      %sign3A_87 = arith.cmpi slt, %scan3A_83, %sign3A_86 : i32
      %sign3A_88 = arith.extui %sign3A_87 : i1 to i32
      %sign3A_89 = arith.subi %sign3A_85, %sign3A_88 : i32
      %sign3A_90 = arith.constant 0 : i32
      %sign3A_91 = arith.cmpi sgt, %jit3A, %sign3A_90 : i32
      %sign3A_92 = arith.extui %sign3A_91 : i1 to i32
      %sign3A_93 = arith.constant 0 : i32
      %sign3A_94 = arith.cmpi slt, %jit3A, %sign3A_93 : i32
      %sign3A_95 = arith.extui %sign3A_94 : i1 to i32
      %sign3A_96 = arith.subi %sign3A_92, %sign3A_95 : i32
      %ne3A = arith.cmpi ne, %sign3A_89, %sign3A_96 : i32
      %rem3A = arith.remsi %scan3A_83, %jit3A : i32
      %ne3A_97 = arith.constant 0 : i32
      %ne3A_98 = arith.cmpi ne, %rem3A, %ne3A_97 : i32
      %and3A = arith.andi %ne3A, %ne3A_98 : i1
      %sub3A = arith.constant 1 : i32
      %sub3A_99 = arith.subi %div3A, %sub3A : i32
      %select_n3A = arith.select %and3A, %sub3A_99, %div3A : i32
      %jit3A_100 = arith.constant 8 : i32
      %eq3A = arith.constant 0 : i32
      %eq3A_101 = arith.cmpi eq, %jit3A_100, %eq3A : i32
      %jit3A_102 = arith.constant 1 : i32
      %select_n3A_103 = arith.select %eq3A_101, %jit3A_102, %jit3A_100 : i32
      %rem3A_104 = arith.remsi %scan3A_83, %select_n3A_103 : i32
      %ne3A_105 = arith.constant 0 : i32
      %ne3A_106 = arith.cmpi ne, %rem3A_104, %ne3A_105 : i32
      %lt3A = arith.constant 0 : i32
      %lt3A_107 = arith.cmpi slt, %rem3A_104, %lt3A : i32
      %lt3A_108 = arith.constant 0 : i32
      %lt3A_109 = arith.cmpi slt, %select_n3A_103, %lt3A_108 : i32
      %ne3A_110 = arith.xori %lt3A_107, %lt3A_109 : i1
      %and3A_111 = arith.andi %ne3A_110, %ne3A_106 : i1
      %add3A = arith.addi %rem3A_104, %select_n3A_103 : i32
      %select_n3A_112 = arith.select %and3A_111, %add3A, %rem3A_104 : i32
      %mul3A_113 = arith.constant 16 : i32
      %mul3A_114 = arith.muli %select_n3A_112, %mul3A_113 : i32
      %swap3A = arith.index_cast %select_n3A : i32 to index
      %swap3A_115 = arith.index_cast %mul3A_114 : i32 to index
      %swap3A_116 = tpu.vector_load %arg8[%swap3A, %swap3A_115] {strides = array<i32>} : memref<125x128xf32, #tpu.memory_space<vmem>>, vector<1x16xf32>,
      %swap3A_117 = vector.shape_cast %swap3A_116 : vector<1x16xf32> to vector<16xf32>
      %swap3A_118 = vector.shape_cast %broadcast_in_dim3A_1 : vector<16xf32> to vector<1x16xf32>
      tpu.vector_store %arg8[%swap3A, %swap3A_115], %swap3A_118 {strides = array<i32>} : memref<125x128xf32, #tpu.memory_space<vmem>>, vector<1x16xf32>,
    }
    %scan3A_6 = arith.constant 1000 : i32
    %scan3A_7 = arith.constant 0 : i32
    %scan3A_8 = arith.constant 0 : i32
    %scan3A_9 = arith.constant 6 : i32
    %scan3A_10 = arith.addi %scan3A_8, %scan3A_9 : i32
    %scan3A_11 = arith.constant 1 : i32
    scf.for %scan3A_83 = %scan3A_8 to %scan3A_10 step %scan3A_11  : i32 {
      %mul3A_84 = arith.constant 120 : i32
      %mul3A_85 = arith.muli %scan3A_83, %mul3A_84 : i32
      %min3A = arith.constant 520 : i32
      %min3A_86 = arith.minsi %mul3A_85, %min3A : i32
      %add3A = arith.addi %mul3A_0, %min3A_86 : i32
      "tpu.region"() ({
        %run_scoped3A_87 = tpu.sem_alloc : memref<!tpu.dma_semaphore, #tpu.memory_space<semaphore_mem>>
        %dma_start3A_88 = arith.constant 0 : i32
        %dma_start3A_89 = arith.constant 0 : i32
        %dma_start3A_90 = tpu.memref_slice %arg8[%dma_start3A_88, %dma_start3A_89] : memref<125x128xf32, #tpu.memory_space<vmem>> -> memref<120x128xf32, #tpu.memory_space<vmem>>
        %dma_start3A_91 = arith.constant 0 : i32
        %dma_start3A_92 = tpu.memref_slice %arg10[%add3A, %dma_start3A_91] : memref<10000x128xf32, #tpu.memory_space<vmem_shared>> -> memref<120x128xf32, #tpu.memory_space<vmem_shared>>
        %dma_start3A_93 = arith.constant 0 : i32
        %dma_start3A_94 = tpu.memref_slice %arg10[%add3A, %dma_start3A_93] : memref<10000x128xf32, #tpu.memory_space<vmem_shared>> -> memref<120x128xf32, #tpu.memory_space<vmem_shared>>
        %dma_start3A_95 = arith.constant 0 : i32
        %dma_start3A_96 = arith.constant 0 : i32
        %dma_start3A_97 = tpu.memref_slice %arg8[%dma_start3A_95, %dma_start3A_96] : memref<125x128xf32, #tpu.memory_space<vmem>> -> memref<120x128xf32, #tpu.memory_space<vmem>>
        tpu.enqueue_dma source(%dma_start3A_97 : memref<120x128xf32, #tpu.memory_space<vmem>>) target(%dma_start3A_94 : memref<120x128xf32, #tpu.memory_space<vmem_shared>>) target_semaphore(%run_scoped3A_87 : memref<!tpu.dma_semaphore, #tpu.memory_space<semaphore_mem>>)
        %dma_wait3A_98 = arith.constant 0 : i32
        %dma_wait3A_99 = arith.constant 0 : i32
        %dma_wait3A_100 = tpu.memref_slice %arg8[%dma_wait3A_98, %dma_wait3A_99] : memref<125x128xf32, #tpu.memory_space<vmem>> -> memref<120x128xf32, #tpu.memory_space<vmem>>
        %dma_wait3A_101 = arith.constant 0 : i32
        %dma_wait3A_102 = tpu.memref_slice %arg10[%add3A, %dma_wait3A_101] : memref<10000x128xf32, #tpu.memory_space<vmem_shared>> -> memref<120x128xf32, #tpu.memory_space<vmem_shared>>
        %dma_wait3A_103 = arith.constant 0 : i32
        %dma_wait3A_104 = tpu.memref_slice %arg10[%add3A, %dma_wait3A_103] : memref<10000x128xf32, #tpu.memory_space<vmem_shared>> -> memref<120x128xf32, #tpu.memory_space<vmem_shared>>
        %dma_wait3A_105 = arith.constant 0 : i32
        %dma_wait3A_106 = arith.constant 0 : i32
        %dma_wait3A_107 = tpu.memref_slice %arg8[%dma_wait3A_105, %dma_wait3A_106] : memref<125x128xf32, #tpu.memory_space<vmem>> -> memref<120x128xf32, #tpu.memory_space<vmem>>
        tpu.wait_dma2 semaphore(%run_scoped3A_87 : memref<!tpu.dma_semaphore, #tpu.memory_space<semaphore_mem>>) src(%dma_wait3A_107 : memref<120x128xf32, #tpu.memory_space<vmem>>) dst(%dma_wait3A_104 : memref<120x128xf32, #tpu.memory_space<vmem_shared>>)
        tpu.yield
      }) : () -> ()
    }
    %scan3A_12 = arith.constant 6 : i32
    %barrier3A = arith.constant 0 : index
    tpu.barrier barrier_id(%barrier3A)
    "tpu.region"() ({
      %run_scoped3A_83 = tpu.sem_alloc : memref<!tpu.dma_semaphore, #tpu.memory_space<semaphore_mem>>
      %dma_start3A_84 = arith.constant 0 : i32
      %dma_start3A_85 = arith.constant 0 : i32
      %dma_start3A_86 = tpu.memref_slice %arg3[%arg0, %arg1, %dma_start3A_84, %dma_start3A_85] : memref<2x16x80x125xi32, #tpu.memory_space<hbm>> -> memref<1x1x40x125xi32, #tpu.memory_space<hbm>>
      %dma_start3A_87 = tpu.memref_squeeze %dma_start3A_86 : memref<1x1x40x125xi32, #tpu.memory_space<hbm>> -> memref<40x125xi32, #tpu.memory_space<hbm>>
      %dma_start3A_88 = arith.constant 0 : i32
      %dma_start3A_89 = arith.constant 0 : i32
      %dma_start3A_90 = tpu.memref_slice %arg3[%arg0, %arg1, %dma_start3A_88, %dma_start3A_89] : memref<2x16x80x125xi32, #tpu.memory_space<hbm>> -> memref<1x1x40x125xi32, #tpu.memory_space<hbm>>
      %dma_start3A_91 = tpu.memref_squeeze %dma_start3A_90 : memref<1x1x40x125xi32, #tpu.memory_space<hbm>> -> memref<40x125xi32, #tpu.memory_space<hbm>>
      tpu.enqueue_dma source(%dma_start3A_91 : memref<40x125xi32, #tpu.memory_space<hbm>>) target(%arg6 : memref<40x125xi32, #tpu.memory_space<vmem>>) target_semaphore(%run_scoped3A_83 : memref<!tpu.dma_semaphore, #tpu.memory_space<semaphore_mem>>)
      %dma_wait3A_92 = arith.constant 0 : i32
      %dma_wait3A_93 = arith.constant 0 : i32
      %dma_wait3A_94 = tpu.memref_slice %arg3[%arg0, %arg1, %dma_wait3A_92, %dma_wait3A_93] : memref<2x16x80x125xi32, #tpu.memory_space<hbm>> -> memref<1x1x40x125xi32, #tpu.memory_space<hbm>>
      %dma_wait3A_95 = tpu.memref_squeeze %dma_wait3A_94 : memref<1x1x40x125xi32, #tpu.memory_space<hbm>> -> memref<40x125xi32, #tpu.memory_space<hbm>>
      %dma_wait3A_96 = arith.constant 0 : i32
      %dma_wait3A_97 = arith.constant 0 : i32
      %dma_wait3A_98 = tpu.memref_slice %arg3[%arg0, %arg1, %dma_wait3A_96, %dma_wait3A_97] : memref<2x16x80x125xi32, #tpu.memory_space<hbm>> -> memref<1x1x40x125xi32, #tpu.memory_space<hbm>>
      %dma_wait3A_99 = tpu.memref_squeeze %dma_wait3A_98 : memref<1x1x40x125xi32, #tpu.memory_space<hbm>> -> memref<40x125xi32, #tpu.memory_space<hbm>>
      tpu.wait_dma2 semaphore(%run_scoped3A_83 : memref<!tpu.dma_semaphore, #tpu.memory_space<semaphore_mem>>) src(%dma_wait3A_99 : memref<40x125xi32, #tpu.memory_space<hbm>>) dst(%arg6 : memref<40x125xi32, #tpu.memory_space<vmem>>)
      tpu.yield
    }) : () -> ()
    "tpu.region"() ({
      %run_scoped3A_83 = tpu.sem_alloc : memref<!tpu.dma_semaphore, #tpu.memory_space<semaphore_mem>>
      %dma_start3A_84 = arith.constant 0 : i32
      %dma_start3A_85 = arith.constant 0 : i32
      %dma_start3A_86 = tpu.memref_slice %arg4[%arg1, %dma_start3A_84, %dma_start3A_85] : memref<16x80x125xi32, #tpu.memory_space<hbm>> -> memref<1x40x125xi32, #tpu.memory_space<hbm>>
      %dma_start3A_87 = tpu.memref_squeeze %dma_start3A_86 : memref<1x40x125xi32, #tpu.memory_space<hbm>> -> memref<40x125xi32, #tpu.memory_space<hbm>>
      %dma_start3A_88 = arith.constant 0 : i32
      %dma_start3A_89 = arith.constant 0 : i32
      %dma_start3A_90 = tpu.memref_slice %arg4[%arg1, %dma_start3A_88, %dma_start3A_89] : memref<16x80x125xi32, #tpu.memory_space<hbm>> -> memref<1x40x125xi32, #tpu.memory_space<hbm>>
      %dma_start3A_91 = tpu.memref_squeeze %dma_start3A_90 : memref<1x40x125xi32, #tpu.memory_space<hbm>> -> memref<40x125xi32, #tpu.memory_space<hbm>>
      tpu.enqueue_dma source(%dma_start3A_91 : memref<40x125xi32, #tpu.memory_space<hbm>>) target(%arg7 : memref<40x125xi32, #tpu.memory_space<vmem>>) target_semaphore(%run_scoped3A_83 : memref<!tpu.dma_semaphore, #tpu.memory_space<semaphore_mem>>)
      %dma_wait3A_92 = arith.constant 0 : i32
      %dma_wait3A_93 = arith.constant 0 : i32
      %dma_wait3A_94 = tpu.memref_slice %arg4[%arg1, %dma_wait3A_92, %dma_wait3A_93] : memref<16x80x125xi32, #tpu.memory_space<hbm>> -> memref<1x40x125xi32, #tpu.memory_space<hbm>>
      %dma_wait3A_95 = tpu.memref_squeeze %dma_wait3A_94 : memref<1x40x125xi32, #tpu.memory_space<hbm>> -> memref<40x125xi32, #tpu.memory_space<hbm>>
      %dma_wait3A_96 = arith.constant 0 : i32
      %dma_wait3A_97 = arith.constant 0 : i32
      %dma_wait3A_98 = tpu.memref_slice %arg4[%arg1, %dma_wait3A_96, %dma_wait3A_97] : memref<16x80x125xi32, #tpu.memory_space<hbm>> -> memref<1x40x125xi32, #tpu.memory_space<hbm>>
      %dma_wait3A_99 = tpu.memref_squeeze %dma_wait3A_98 : memref<1x40x125xi32, #tpu.memory_space<hbm>> -> memref<40x125xi32, #tpu.memory_space<hbm>>
      tpu.wait_dma2 semaphore(%run_scoped3A_83 : memref<!tpu.dma_semaphore, #tpu.memory_space<semaphore_mem>>) src(%dma_wait3A_99 : memref<40x125xi32, #tpu.memory_space<hbm>>) dst(%arg7 : memref<40x125xi32, #tpu.memory_space<vmem>>)
      tpu.yield
    }) : () -> ()
    %dma_start3A = arith.constant 0 : i32
    %dma_start3A_13 = arith.constant 0 : i32
    %dma_start3A_14 = tpu.memref_slice %arg6[%dma_start3A, %dma_start3A_13] : memref<40x125xi32, #tpu.memory_space<vmem>> -> memref<1x125xi32, #tpu.memory_space<vmem>>
    %dma_start3A_15 = tpu.memref_squeeze %dma_start3A_14 : memref<1x125xi32, #tpu.memory_space<vmem>> -> memref<125xi32, #tpu.memory_space<vmem>>
    %dma_start3A_16 = arith.constant 0 : i32
    %dma_start3A_17 = arith.constant 0 : i32
    %dma_start3A_18 = tpu.memref_slice %arg2[%dma_start3A_16, %dma_start3A_17] : memref<20000x128xf32, #tpu.memory_space<hbm>> -> memref<20000x128xf32, #tpu.memory_space<hbm>>
    tpu.enqueue_indirect_dma source(%dma_start3A_18 : memref<20000x128xf32, #tpu.memory_space<hbm>>) target(%arg8 : memref<125x128xf32, #tpu.memory_space<vmem>>) offsets(%dma_start3A_15 : memref<125xi32, #tpu.memory_space<vmem>>) semaphore(%arg11 : memref<!tpu.dma_semaphore, #tpu.memory_space<semaphore_mem>>)
    %dma_start3A_19 = arith.constant 1 : i32
    %dma_start3A_20 = arith.constant 0 : i32
    %dma_start3A_21 = tpu.memref_slice %arg6[%dma_start3A_19, %dma_start3A_20] : memref<40x125xi32, #tpu.memory_space<vmem>> -> memref<1x125xi32, #tpu.memory_space<vmem>>
    %dma_start3A_22 = tpu.memref_squeeze %dma_start3A_21 : memref<1x125xi32, #tpu.memory_space<vmem>> -> memref<125xi32, #tpu.memory_space<vmem>>
    %dma_start3A_23 = arith.constant 0 : i32
    %dma_start3A_24 = arith.constant 0 : i32
    %dma_start3A_25 = tpu.memref_slice %arg2[%dma_start3A_23, %dma_start3A_24] : memref<20000x128xf32, #tpu.memory_space<hbm>> -> memref<20000x128xf32, #tpu.memory_space<hbm>>
    tpu.enqueue_indirect_dma source(%dma_start3A_25 : memref<20000x128xf32, #tpu.memory_space<hbm>>) target(%arg9 : memref<125x128xf32, #tpu.memory_space<vmem>>) offsets(%dma_start3A_22 : memref<125xi32, #tpu.memory_space<vmem>>) semaphore(%arg12 : memref<!tpu.dma_semaphore, #tpu.memory_space<semaphore_mem>>)
    %scan3A_26 = arith.constant 0 : i32
    %scan3A_27 = arith.constant 0 : i32
    %scan3A_28 = arith.constant 19 : i32
    %scan3A_29 = arith.addi %scan3A_27, %scan3A_28 : i32
    %scan3A_30 = arith.constant 1 : i32
    scf.for %scan3A_83 = %scan3A_27 to %scan3A_29 step %scan3A_30  : i32 {
      %mul3A_84 = arith.constant 2 : i32
      %mul3A_85 = arith.muli %mul3A_84, %scan3A_83 : i32
      %dma_wait3A_86 = arith.constant 0 : i32
      %dma_wait3A_87 = tpu.memref_slice %arg6[%mul3A_85, %dma_wait3A_86] : memref<40x125xi32, #tpu.memory_space<vmem>> -> memref<1x125xi32, #tpu.memory_space<vmem>>
      %dma_wait3A_88 = tpu.memref_squeeze %dma_wait3A_87 : memref<1x125xi32, #tpu.memory_space<vmem>> -> memref<125xi32, #tpu.memory_space<vmem>>
      %dma_wait3A_89 = arith.constant 0 : i32
      %dma_wait3A_90 = arith.constant 0 : i32
      %dma_wait3A_91 = tpu.memref_slice %arg2[%dma_wait3A_89, %dma_wait3A_90] : memref<20000x128xf32, #tpu.memory_space<hbm>> -> memref<20000x128xf32, #tpu.memory_space<hbm>>
      tpu.wait_indirect_dma semaphore(%arg11 : memref<!tpu.dma_semaphore, #tpu.memory_space<semaphore_mem>>) src(%dma_wait3A_91 : memref<20000x128xf32, #tpu.memory_space<hbm>>) dst(%arg8 : memref<125x128xf32, #tpu.memory_space<vmem>>)
      "tpu.region"() ({
        %run_scoped3A_117 = tpu.sem_alloc : memref<!tpu.dma_semaphore, #tpu.memory_space<semaphore_mem>>
        %dma_start3A_118 = arith.constant 0 : i32
        %dma_start3A_119 = tpu.memref_slice %arg7[%mul3A_85, %dma_start3A_118] : memref<40x125xi32, #tpu.memory_space<vmem>> -> memref<1x125xi32, #tpu.memory_space<vmem>>
        %dma_start3A_120 = tpu.memref_squeeze %dma_start3A_119 : memref<1x125xi32, #tpu.memory_space<vmem>> -> memref<125xi32, #tpu.memory_space<vmem>>
        %dma_start3A_121 = arith.constant 0 : i32
        %dma_start3A_122 = arith.constant 0 : i32
        %dma_start3A_123 = tpu.memref_slice %arg10[%dma_start3A_121, %dma_start3A_122] : memref<10000x128xf32, #tpu.memory_space<vmem_shared>> -> memref<10000x128xf32, #tpu.memory_space<vmem_shared>>
        tpu.enqueue_indirect_dma source(%arg8 : memref<125x128xf32, #tpu.memory_space<vmem>>) target(%dma_start3A_123 : memref<10000x128xf32, #tpu.memory_space<vmem_shared>>) offsets(%dma_start3A_120 : memref<125xi32, #tpu.memory_space<vmem>>) semaphore(%run_scoped3A_117 : memref<!tpu.dma_semaphore, #tpu.memory_space<semaphore_mem>>) {add = true}
        %dma_wait3A_124 = arith.constant 0 : i32
        %dma_wait3A_125 = tpu.memref_slice %arg7[%mul3A_85, %dma_wait3A_124] : memref<40x125xi32, #tpu.memory_space<vmem>> -> memref<1x125xi32, #tpu.memory_space<vmem>>
        %dma_wait3A_126 = tpu.memref_squeeze %dma_wait3A_125 : memref<1x125xi32, #tpu.memory_space<vmem>> -> memref<125xi32, #tpu.memory_space<vmem>>
        %dma_wait3A_127 = arith.constant 0 : i32
        %dma_wait3A_128 = arith.constant 0 : i32
        %dma_wait3A_129 = tpu.memref_slice %arg10[%dma_wait3A_127, %dma_wait3A_128] : memref<10000x128xf32, #tpu.memory_space<vmem_shared>> -> memref<10000x128xf32, #tpu.memory_space<vmem_shared>>
        tpu.wait_indirect_dma semaphore(%run_scoped3A_117 : memref<!tpu.dma_semaphore, #tpu.memory_space<semaphore_mem>>) src(%arg8 : memref<125x128xf32, #tpu.memory_space<vmem>>) dst(%dma_wait3A_129 : memref<10000x128xf32, #tpu.memory_space<vmem_shared>>)
        tpu.yield
      }) : () -> ()
      %add3A = arith.constant 2 : i32
      %add3A_92 = arith.addi %mul3A_85, %add3A : i32
      %dma_start3A_93 = arith.constant 0 : i32
      %dma_start3A_94 = tpu.memref_slice %arg6[%add3A_92, %dma_start3A_93] : memref<40x125xi32, #tpu.memory_space<vmem>> -> memref<1x125xi32, #tpu.memory_space<vmem>>
      %dma_start3A_95 = tpu.memref_squeeze %dma_start3A_94 : memref<1x125xi32, #tpu.memory_space<vmem>> -> memref<125xi32, #tpu.memory_space<vmem>>
      %dma_start3A_96 = arith.constant 0 : i32
      %dma_start3A_97 = arith.constant 0 : i32
      %dma_start3A_98 = tpu.memref_slice %arg2[%dma_start3A_96, %dma_start3A_97] : memref<20000x128xf32, #tpu.memory_space<hbm>> -> memref<20000x128xf32, #tpu.memory_space<hbm>>
      tpu.enqueue_indirect_dma source(%dma_start3A_98 : memref<20000x128xf32, #tpu.memory_space<hbm>>) target(%arg8 : memref<125x128xf32, #tpu.memory_space<vmem>>) offsets(%dma_start3A_95 : memref<125xi32, #tpu.memory_space<vmem>>) semaphore(%arg11 : memref<!tpu.dma_semaphore, #tpu.memory_space<semaphore_mem>>)
      %add3A_99 = arith.constant 1 : i32
      %add3A_100 = arith.addi %mul3A_85, %add3A_99 : i32
      %dma_wait3A_101 = arith.constant 0 : i32
      %dma_wait3A_102 = tpu.memref_slice %arg6[%add3A_100, %dma_wait3A_101] : memref<40x125xi32, #tpu.memory_space<vmem>> -> memref<1x125xi32, #tpu.memory_space<vmem>>
      %dma_wait3A_103 = tpu.memref_squeeze %dma_wait3A_102 : memref<1x125xi32, #tpu.memory_space<vmem>> -> memref<125xi32, #tpu.memory_space<vmem>>
      %dma_wait3A_104 = arith.constant 0 : i32
      %dma_wait3A_105 = arith.constant 0 : i32
      %dma_wait3A_106 = tpu.memref_slice %arg2[%dma_wait3A_104, %dma_wait3A_105] : memref<20000x128xf32, #tpu.memory_space<hbm>> -> memref<20000x128xf32, #tpu.memory_space<hbm>>
      tpu.wait_indirect_dma semaphore(%arg12 : memref<!tpu.dma_semaphore, #tpu.memory_space<semaphore_mem>>) src(%dma_wait3A_106 : memref<20000x128xf32, #tpu.memory_space<hbm>>) dst(%arg9 : memref<125x128xf32, #tpu.memory_space<vmem>>)
      %add3A_107 = arith.constant 1 : i32
      %add3A_108 = arith.addi %mul3A_85, %add3A_107 : i32
      "tpu.region"() ({
        %run_scoped3A_117 = tpu.sem_alloc : memref<!tpu.dma_semaphore, #tpu.memory_space<semaphore_mem>>
        %dma_start3A_118 = arith.constant 0 : i32
        %dma_start3A_119 = tpu.memref_slice %arg7[%add3A_108, %dma_start3A_118] : memref<40x125xi32, #tpu.memory_space<vmem>> -> memref<1x125xi32, #tpu.memory_space<vmem>>
        %dma_start3A_120 = tpu.memref_squeeze %dma_start3A_119 : memref<1x125xi32, #tpu.memory_space<vmem>> -> memref<125xi32, #tpu.memory_space<vmem>>
        %dma_start3A_121 = arith.constant 0 : i32
        %dma_start3A_122 = arith.constant 0 : i32
        %dma_start3A_123 = tpu.memref_slice %arg10[%dma_start3A_121, %dma_start3A_122] : memref<10000x128xf32, #tpu.memory_space<vmem_shared>> -> memref<10000x128xf32, #tpu.memory_space<vmem_shared>>
        tpu.enqueue_indirect_dma source(%arg9 : memref<125x128xf32, #tpu.memory_space<vmem>>) target(%dma_start3A_123 : memref<10000x128xf32, #tpu.memory_space<vmem_shared>>) offsets(%dma_start3A_120 : memref<125xi32, #tpu.memory_space<vmem>>) semaphore(%run_scoped3A_117 : memref<!tpu.dma_semaphore, #tpu.memory_space<semaphore_mem>>) {add = true}
        %dma_wait3A_124 = arith.constant 0 : i32
        %dma_wait3A_125 = tpu.memref_slice %arg7[%add3A_108, %dma_wait3A_124] : memref<40x125xi32, #tpu.memory_space<vmem>> -> memref<1x125xi32, #tpu.memory_space<vmem>>
        %dma_wait3A_126 = tpu.memref_squeeze %dma_wait3A_125 : memref<1x125xi32, #tpu.memory_space<vmem>> -> memref<125xi32, #tpu.memory_space<vmem>>
        %dma_wait3A_127 = arith.constant 0 : i32
        %dma_wait3A_128 = arith.constant 0 : i32
        %dma_wait3A_129 = tpu.memref_slice %arg10[%dma_wait3A_127, %dma_wait3A_128] : memref<10000x128xf32, #tpu.memory_space<vmem_shared>> -> memref<10000x128xf32, #tpu.memory_space<vmem_shared>>
        tpu.wait_indirect_dma semaphore(%run_scoped3A_117 : memref<!tpu.dma_semaphore, #tpu.memory_space<semaphore_mem>>) src(%arg9 : memref<125x128xf32, #tpu.memory_space<vmem>>) dst(%dma_wait3A_129 : memref<10000x128xf32, #tpu.memory_space<vmem_shared>>)
        tpu.yield
      }) : () -> ()
      %add3A_109 = arith.constant 3 : i32
      %add3A_110 = arith.addi %mul3A_85, %add3A_109 : i32
      %dma_start3A_111 = arith.constant 0 : i32
      %dma_start3A_112 = tpu.memref_slice %arg6[%add3A_110, %dma_start3A_111] : memref<40x125xi32, #tpu.memory_space<vmem>> -> memref<1x125xi32, #tpu.memory_space<vmem>>
      %dma_start3A_113 = tpu.memref_squeeze %dma_start3A_112 : memref<1x125xi32, #tpu.memory_space<vmem>> -> memref<125xi32, #tpu.memory_space<vmem>>
      %dma_start3A_114 = arith.constant 0 : i32
      %dma_start3A_115 = arith.constant 0 : i32
      %dma_start3A_116 = tpu.memref_slice %arg2[%dma_start3A_114, %dma_start3A_115] : memref<20000x128xf32, #tpu.memory_space<hbm>> -> memref<20000x128xf32, #tpu.memory_space<hbm>>
      tpu.enqueue_indirect_dma source(%dma_start3A_116 : memref<20000x128xf32, #tpu.memory_space<hbm>>) target(%arg9 : memref<125x128xf32, #tpu.memory_space<vmem>>) offsets(%dma_start3A_113 : memref<125xi32, #tpu.memory_space<vmem>>) semaphore(%arg12 : memref<!tpu.dma_semaphore, #tpu.memory_space<semaphore_mem>>)
    }
    %scan3A_31 = arith.constant 19 : i32
    %dma_wait3A = arith.constant 38 : i32
    %dma_wait3A_32 = arith.constant 0 : i32
    %dma_wait3A_33 = tpu.memref_slice %arg6[%dma_wait3A, %dma_wait3A_32] : memref<40x125xi32, #tpu.memory_space<vmem>> -> memref<1x125xi32, #tpu.memory_space<vmem>>
    %dma_wait3A_34 = tpu.memref_squeeze %dma_wait3A_33 : memref<1x125xi32, #tpu.memory_space<vmem>> -> memref<125xi32, #tpu.memory_space<vmem>>
    %dma_wait3A_35 = arith.constant 0 : i32
    %dma_wait3A_36 = arith.constant 0 : i32
    %dma_wait3A_37 = tpu.memref_slice %arg2[%dma_wait3A_35, %dma_wait3A_36] : memref<20000x128xf32, #tpu.memory_space<hbm>> -> memref<20000x128xf32, #tpu.memory_space<hbm>>
    tpu.wait_indirect_dma semaphore(%arg11 : memref<!tpu.dma_semaphore, #tpu.memory_space<semaphore_mem>>) src(%dma_wait3A_37 : memref<20000x128xf32, #tpu.memory_space<hbm>>) dst(%arg8 : memref<125x128xf32, #tpu.memory_space<vmem>>)
    %run_scoped3A = arith.constant 38 : i32
    "tpu.region"() ({
      %run_scoped3A_83 = tpu.sem_alloc : memref<!tpu.dma_semaphore, #tpu.memory_space<semaphore_mem>>
      %dma_start3A_84 = arith.constant 0 : i32
      %dma_start3A_85 = tpu.memref_slice %arg7[%run_scoped3A, %dma_start3A_84] : memref<40x125xi32, #tpu.memory_space<vmem>> -> memref<1x125xi32, #tpu.memory_space<vmem>>
      %dma_start3A_86 = tpu.memref_squeeze %dma_start3A_85 : memref<1x125xi32, #tpu.memory_space<vmem>> -> memref<125xi32, #tpu.memory_space<vmem>>
      %dma_start3A_87 = arith.constant 0 : i32
      %dma_start3A_88 = arith.constant 0 : i32
      %dma_start3A_89 = tpu.memref_slice %arg10[%dma_start3A_87, %dma_start3A_88] : memref<10000x128xf32, #tpu.memory_space<vmem_shared>> -> memref<10000x128xf32, #tpu.memory_space<vmem_shared>>
      tpu.enqueue_indirect_dma source(%arg8 : memref<125x128xf32, #tpu.memory_space<vmem>>) target(%dma_start3A_89 : memref<10000x128xf32, #tpu.memory_space<vmem_shared>>) offsets(%dma_start3A_86 : memref<125xi32, #tpu.memory_space<vmem>>) semaphore(%run_scoped3A_83 : memref<!tpu.dma_semaphore, #tpu.memory_space<semaphore_mem>>) {add = true}
      %dma_wait3A_90 = arith.constant 0 : i32
      %dma_wait3A_91 = tpu.memref_slice %arg7[%run_scoped3A, %dma_wait3A_90] : memref<40x125xi32, #tpu.memory_space<vmem>> -> memref<1x125xi32, #tpu.memory_space<vmem>>
      %dma_wait3A_92 = tpu.memref_squeeze %dma_wait3A_91 : memref<1x125xi32, #tpu.memory_space<vmem>> -> memref<125xi32, #tpu.memory_space<vmem>>
      %dma_wait3A_93 = arith.constant 0 : i32
      %dma_wait3A_94 = arith.constant 0 : i32
      %dma_wait3A_95 = tpu.memref_slice %arg10[%dma_wait3A_93, %dma_wait3A_94] : memref<10000x128xf32, #tpu.memory_space<vmem_shared>> -> memref<10000x128xf32, #tpu.memory_space<vmem_shared>>
      tpu.wait_indirect_dma semaphore(%run_scoped3A_83 : memref<!tpu.dma_semaphore, #tpu.memory_space<semaphore_mem>>) src(%arg8 : memref<125x128xf32, #tpu.memory_space<vmem>>) dst(%dma_wait3A_95 : memref<10000x128xf32, #tpu.memory_space<vmem_shared>>)
      tpu.yield
    }) : () -> ()
    %dma_wait3A_38 = arith.constant 39 : i32
    %dma_wait3A_39 = arith.constant 0 : i32
    %dma_wait3A_40 = tpu.memref_slice %arg6[%dma_wait3A_38, %dma_wait3A_39] : memref<40x125xi32, #tpu.memory_space<vmem>> -> memref<1x125xi32, #tpu.memory_space<vmem>>
    %dma_wait3A_41 = tpu.memref_squeeze %dma_wait3A_40 : memref<1x125xi32, #tpu.memory_space<vmem>> -> memref<125xi32, #tpu.memory_space<vmem>>
    %dma_wait3A_42 = arith.constant 0 : i32
    %dma_wait3A_43 = arith.constant 0 : i32
    %dma_wait3A_44 = tpu.memref_slice %arg2[%dma_wait3A_42, %dma_wait3A_43] : memref<20000x128xf32, #tpu.memory_space<hbm>> -> memref<20000x128xf32, #tpu.memory_space<hbm>>
    tpu.wait_indirect_dma semaphore(%arg12 : memref<!tpu.dma_semaphore, #tpu.memory_space<semaphore_mem>>) src(%dma_wait3A_44 : memref<20000x128xf32, #tpu.memory_space<hbm>>) dst(%arg9 : memref<125x128xf32, #tpu.memory_space<vmem>>)
    %run_scoped3A_45 = arith.constant 39 : i32
    "tpu.region"() ({
      %run_scoped3A_83 = tpu.sem_alloc : memref<!tpu.dma_semaphore, #tpu.memory_space<semaphore_mem>>
      %dma_start3A_84 = arith.constant 0 : i32
      %dma_start3A_85 = tpu.memref_slice %arg7[%run_scoped3A_45, %dma_start3A_84] : memref<40x125xi32, #tpu.memory_space<vmem>> -> memref<1x125xi32, #tpu.memory_space<vmem>>
      %dma_start3A_86 = tpu.memref_squeeze %dma_start3A_85 : memref<1x125xi32, #tpu.memory_space<vmem>> -> memref<125xi32, #tpu.memory_space<vmem>>
      %dma_start3A_87 = arith.constant 0 : i32
      %dma_start3A_88 = arith.constant 0 : i32
      %dma_start3A_89 = tpu.memref_slice %arg10[%dma_start3A_87, %dma_start3A_88] : memref<10000x128xf32, #tpu.memory_space<vmem_shared>> -> memref<10000x128xf32, #tpu.memory_space<vmem_shared>>
      tpu.enqueue_indirect_dma source(%arg9 : memref<125x128xf32, #tpu.memory_space<vmem>>) target(%dma_start3A_89 : memref<10000x128xf32, #tpu.memory_space<vmem_shared>>) offsets(%dma_start3A_86 : memref<125xi32, #tpu.memory_space<vmem>>) semaphore(%run_scoped3A_83 : memref<!tpu.dma_semaphore, #tpu.memory_space<semaphore_mem>>) {add = true}
      %dma_wait3A_90 = arith.constant 0 : i32
      %dma_wait3A_91 = tpu.memref_slice %arg7[%run_scoped3A_45, %dma_wait3A_90] : memref<40x125xi32, #tpu.memory_space<vmem>> -> memref<1x125xi32, #tpu.memory_space<vmem>>
      %dma_wait3A_92 = tpu.memref_squeeze %dma_wait3A_91 : memref<1x125xi32, #tpu.memory_space<vmem>> -> memref<125xi32, #tpu.memory_space<vmem>>
      %dma_wait3A_93 = arith.constant 0 : i32
      %dma_wait3A_94 = arith.constant 0 : i32
      %dma_wait3A_95 = tpu.memref_slice %arg10[%dma_wait3A_93, %dma_wait3A_94] : memref<10000x128xf32, #tpu.memory_space<vmem_shared>> -> memref<10000x128xf32, #tpu.memory_space<vmem_shared>>
      tpu.wait_indirect_dma semaphore(%run_scoped3A_83 : memref<!tpu.dma_semaphore, #tpu.memory_space<semaphore_mem>>) src(%arg9 : memref<125x128xf32, #tpu.memory_space<vmem>>) dst(%dma_wait3A_95 : memref<10000x128xf32, #tpu.memory_space<vmem_shared>>)
      tpu.yield
    }) : () -> ()
    "tpu.region"() ({
      %run_scoped3A_83 = tpu.sem_alloc : memref<!tpu.dma_semaphore, #tpu.memory_space<semaphore_mem>>
      %dma_start3A_84 = arith.constant 40 : i32
      %dma_start3A_85 = arith.constant 0 : i32
      %dma_start3A_86 = tpu.memref_slice %arg3[%arg0, %arg1, %dma_start3A_84, %dma_start3A_85] : memref<2x16x80x125xi32, #tpu.memory_space<hbm>> -> memref<1x1x40x125xi32, #tpu.memory_space<hbm>>
      %dma_start3A_87 = tpu.memref_squeeze %dma_start3A_86 : memref<1x1x40x125xi32, #tpu.memory_space<hbm>> -> memref<40x125xi32, #tpu.memory_space<hbm>>
      %dma_start3A_88 = arith.constant 40 : i32
      %dma_start3A_89 = arith.constant 0 : i32
      %dma_start3A_90 = tpu.memref_slice %arg3[%arg0, %arg1, %dma_start3A_88, %dma_start3A_89] : memref<2x16x80x125xi32, #tpu.memory_space<hbm>> -> memref<1x1x40x125xi32, #tpu.memory_space<hbm>>
      %dma_start3A_91 = tpu.memref_squeeze %dma_start3A_90 : memref<1x1x40x125xi32, #tpu.memory_space<hbm>> -> memref<40x125xi32, #tpu.memory_space<hbm>>
      tpu.enqueue_dma source(%dma_start3A_91 : memref<40x125xi32, #tpu.memory_space<hbm>>) target(%arg6 : memref<40x125xi32, #tpu.memory_space<vmem>>) target_semaphore(%run_scoped3A_83 : memref<!tpu.dma_semaphore, #tpu.memory_space<semaphore_mem>>)
      %dma_wait3A_92 = arith.constant 40 : i32
      %dma_wait3A_93 = arith.constant 0 : i32
      %dma_wait3A_94 = tpu.memref_slice %arg3[%arg0, %arg1, %dma_wait3A_92, %dma_wait3A_93] : memref<2x16x80x125xi32, #tpu.memory_space<hbm>> -> memref<1x1x40x125xi32, #tpu.memory_space<hbm>>
      %dma_wait3A_95 = tpu.memref_squeeze %dma_wait3A_94 : memref<1x1x40x125xi32, #tpu.memory_space<hbm>> -> memref<40x125xi32, #tpu.memory_space<hbm>>
      %dma_wait3A_96 = arith.constant 40 : i32
      %dma_wait3A_97 = arith.constant 0 : i32
      %dma_wait3A_98 = tpu.memref_slice %arg3[%arg0, %arg1, %dma_wait3A_96, %dma_wait3A_97] : memref<2x16x80x125xi32, #tpu.memory_space<hbm>> -> memref<1x1x40x125xi32, #tpu.memory_space<hbm>>
      %dma_wait3A_99 = tpu.memref_squeeze %dma_wait3A_98 : memref<1x1x40x125xi32, #tpu.memory_space<hbm>> -> memref<40x125xi32, #tpu.memory_space<hbm>>
      tpu.wait_dma2 semaphore(%run_scoped3A_83 : memref<!tpu.dma_semaphore, #tpu.memory_space<semaphore_mem>>) src(%dma_wait3A_99 : memref<40x125xi32, #tpu.memory_space<hbm>>) dst(%arg6 : memref<40x125xi32, #tpu.memory_space<vmem>>)
      tpu.yield
    }) : () -> ()
    "tpu.region"() ({
      %run_scoped3A_83 = tpu.sem_alloc : memref<!tpu.dma_semaphore, #tpu.memory_space<semaphore_mem>>
      %dma_start3A_84 = arith.constant 40 : i32
      %dma_start3A_85 = arith.constant 0 : i32
      %dma_start3A_86 = tpu.memref_slice %arg4[%arg1, %dma_start3A_84, %dma_start3A_85] : memref<16x80x125xi32, #tpu.memory_space<hbm>> -> memref<1x40x125xi32, #tpu.memory_space<hbm>>
      %dma_start3A_87 = tpu.memref_squeeze %dma_start3A_86 : memref<1x40x125xi32, #tpu.memory_space<hbm>> -> memref<40x125xi32, #tpu.memory_space<hbm>>
      %dma_start3A_88 = arith.constant 40 : i32
      %dma_start3A_89 = arith.constant 0 : i32
      %dma_start3A_90 = tpu.memref_slice %arg4[%arg1, %dma_start3A_88, %dma_start3A_89] : memref<16x80x125xi32, #tpu.memory_space<hbm>> -> memref<1x40x125xi32, #tpu.memory_space<hbm>>
      %dma_start3A_91 = tpu.memref_squeeze %dma_start3A_90 : memref<1x40x125xi32, #tpu.memory_space<hbm>> -> memref<40x125xi32, #tpu.memory_space<hbm>>
      tpu.enqueue_dma source(%dma_start3A_91 : memref<40x125xi32, #tpu.memory_space<hbm>>) target(%arg7 : memref<40x125xi32, #tpu.memory_space<vmem>>) target_semaphore(%run_scoped3A_83 : memref<!tpu.dma_semaphore, #tpu.memory_space<semaphore_mem>>)
      %dma_wait3A_92 = arith.constant 40 : i32
      %dma_wait3A_93 = arith.constant 0 : i32
      %dma_wait3A_94 = tpu.memref_slice %arg4[%arg1, %dma_wait3A_92, %dma_wait3A_93] : memref<16x80x125xi32, #tpu.memory_space<hbm>> -> memref<1x40x125xi32, #tpu.memory_space<hbm>>
      %dma_wait3A_95 = tpu.memref_squeeze %dma_wait3A_94 : memref<1x40x125xi32, #tpu.memory_space<hbm>> -> memref<40x125xi32, #tpu.memory_space<hbm>>
      %dma_wait3A_96 = arith.constant 40 : i32
      %dma_wait3A_97 = arith.constant 0 : i32
      %dma_wait3A_98 = tpu.memref_slice %arg4[%arg1, %dma_wait3A_96, %dma_wait3A_97] : memref<16x80x125xi32, #tpu.memory_space<hbm>> -> memref<1x40x125xi32, #tpu.memory_space<hbm>>
      %dma_wait3A_99 = tpu.memref_squeeze %dma_wait3A_98 : memref<1x40x125xi32, #tpu.memory_space<hbm>> -> memref<40x125xi32, #tpu.memory_space<hbm>>
      tpu.wait_dma2 semaphore(%run_scoped3A_83 : memref<!tpu.dma_semaphore, #tpu.memory_space<semaphore_mem>>) src(%dma_wait3A_99 : memref<40x125xi32, #tpu.memory_space<hbm>>) dst(%arg7 : memref<40x125xi32, #tpu.memory_space<vmem>>)
      tpu.yield
    }) : () -> ()
    %dma_start3A_46 = arith.constant 0 : i32
    %dma_start3A_47 = arith.constant 0 : i32
    %dma_start3A_48 = tpu.memref_slice %arg6[%dma_start3A_46, %dma_start3A_47] : memref<40x125xi32, #tpu.memory_space<vmem>> -> memref<1x125xi32, #tpu.memory_space<vmem>>
    %dma_start3A_49 = tpu.memref_squeeze %dma_start3A_48 : memref<1x125xi32, #tpu.memory_space<vmem>> -> memref<125xi32, #tpu.memory_space<vmem>>
    %dma_start3A_50 = arith.constant 0 : i32
    %dma_start3A_51 = arith.constant 0 : i32
    %dma_start3A_52 = tpu.memref_slice %arg2[%dma_start3A_50, %dma_start3A_51] : memref<20000x128xf32, #tpu.memory_space<hbm>> -> memref<20000x128xf32, #tpu.memory_space<hbm>>
    tpu.enqueue_indirect_dma source(%dma_start3A_52 : memref<20000x128xf32, #tpu.memory_space<hbm>>) target(%arg8 : memref<125x128xf32, #tpu.memory_space<vmem>>) offsets(%dma_start3A_49 : memref<125xi32, #tpu.memory_space<vmem>>) semaphore(%arg11 : memref<!tpu.dma_semaphore, #tpu.memory_space<semaphore_mem>>)
    %dma_start3A_53 = arith.constant 1 : i32
    %dma_start3A_54 = arith.constant 0 : i32
    %dma_start3A_55 = tpu.memref_slice %arg6[%dma_start3A_53, %dma_start3A_54] : memref<40x125xi32, #tpu.memory_space<vmem>> -> memref<1x125xi32, #tpu.memory_space<vmem>>
    %dma_start3A_56 = tpu.memref_squeeze %dma_start3A_55 : memref<1x125xi32, #tpu.memory_space<vmem>> -> memref<125xi32, #tpu.memory_space<vmem>>
    %dma_start3A_57 = arith.constant 0 : i32
    %dma_start3A_58 = arith.constant 0 : i32
    %dma_start3A_59 = tpu.memref_slice %arg2[%dma_start3A_57, %dma_start3A_58] : memref<20000x128xf32, #tpu.memory_space<hbm>> -> memref<20000x128xf32, #tpu.memory_space<hbm>>
    tpu.enqueue_indirect_dma source(%dma_start3A_59 : memref<20000x128xf32, #tpu.memory_space<hbm>>) target(%arg9 : memref<125x128xf32, #tpu.memory_space<vmem>>) offsets(%dma_start3A_56 : memref<125xi32, #tpu.memory_space<vmem>>) semaphore(%arg12 : memref<!tpu.dma_semaphore, #tpu.memory_space<semaphore_mem>>)
    %scan3A_60 = arith.constant 0 : i32
    %scan3A_61 = arith.constant 0 : i32
    %scan3A_62 = arith.constant 19 : i32
    %scan3A_63 = arith.addi %scan3A_61, %scan3A_62 : i32
    %scan3A_64 = arith.constant 1 : i32
    scf.for %scan3A_83 = %scan3A_61 to %scan3A_63 step %scan3A_64  : i32 {
      %mul3A_84 = arith.constant 2 : i32
      %mul3A_85 = arith.muli %mul3A_84, %scan3A_83 : i32
      %dma_wait3A_86 = arith.constant 0 : i32
      %dma_wait3A_87 = tpu.memref_slice %arg6[%mul3A_85, %dma_wait3A_86] : memref<40x125xi32, #tpu.memory_space<vmem>> -> memref<1x125xi32, #tpu.memory_space<vmem>>
      %dma_wait3A_88 = tpu.memref_squeeze %dma_wait3A_87 : memref<1x125xi32, #tpu.memory_space<vmem>> -> memref<125xi32, #tpu.memory_space<vmem>>
      %dma_wait3A_89 = arith.constant 0 : i32
      %dma_wait3A_90 = arith.constant 0 : i32
      %dma_wait3A_91 = tpu.memref_slice %arg2[%dma_wait3A_89, %dma_wait3A_90] : memref<20000x128xf32, #tpu.memory_space<hbm>> -> memref<20000x128xf32, #tpu.memory_space<hbm>>
      tpu.wait_indirect_dma semaphore(%arg11 : memref<!tpu.dma_semaphore, #tpu.memory_space<semaphore_mem>>) src(%dma_wait3A_91 : memref<20000x128xf32, #tpu.memory_space<hbm>>) dst(%arg8 : memref<125x128xf32, #tpu.memory_space<vmem>>)
      "tpu.region"() ({
        %run_scoped3A_117 = tpu.sem_alloc : memref<!tpu.dma_semaphore, #tpu.memory_space<semaphore_mem>>
        %dma_start3A_118 = arith.constant 0 : i32
        %dma_start3A_119 = tpu.memref_slice %arg7[%mul3A_85, %dma_start3A_118] : memref<40x125xi32, #tpu.memory_space<vmem>> -> memref<1x125xi32, #tpu.memory_space<vmem>>
        %dma_start3A_120 = tpu.memref_squeeze %dma_start3A_119 : memref<1x125xi32, #tpu.memory_space<vmem>> -> memref<125xi32, #tpu.memory_space<vmem>>
        %dma_start3A_121 = arith.constant 0 : i32
        %dma_start3A_122 = arith.constant 0 : i32
        %dma_start3A_123 = tpu.memref_slice %arg10[%dma_start3A_121, %dma_start3A_122] : memref<10000x128xf32, #tpu.memory_space<vmem_shared>> -> memref<10000x128xf32, #tpu.memory_space<vmem_shared>>
        tpu.enqueue_indirect_dma source(%arg8 : memref<125x128xf32, #tpu.memory_space<vmem>>) target(%dma_start3A_123 : memref<10000x128xf32, #tpu.memory_space<vmem_shared>>) offsets(%dma_start3A_120 : memref<125xi32, #tpu.memory_space<vmem>>) semaphore(%run_scoped3A_117 : memref<!tpu.dma_semaphore, #tpu.memory_space<semaphore_mem>>) {add = true}
        %dma_wait3A_124 = arith.constant 0 : i32
        %dma_wait3A_125 = tpu.memref_slice %arg7[%mul3A_85, %dma_wait3A_124] : memref<40x125xi32, #tpu.memory_space<vmem>> -> memref<1x125xi32, #tpu.memory_space<vmem>>
        %dma_wait3A_126 = tpu.memref_squeeze %dma_wait3A_125 : memref<1x125xi32, #tpu.memory_space<vmem>> -> memref<125xi32, #tpu.memory_space<vmem>>
        %dma_wait3A_127 = arith.constant 0 : i32
        %dma_wait3A_128 = arith.constant 0 : i32
        %dma_wait3A_129 = tpu.memref_slice %arg10[%dma_wait3A_127, %dma_wait3A_128] : memref<10000x128xf32, #tpu.memory_space<vmem_shared>> -> memref<10000x128xf32, #tpu.memory_space<vmem_shared>>
        tpu.wait_indirect_dma semaphore(%run_scoped3A_117 : memref<!tpu.dma_semaphore, #tpu.memory_space<semaphore_mem>>) src(%arg8 : memref<125x128xf32, #tpu.memory_space<vmem>>) dst(%dma_wait3A_129 : memref<10000x128xf32, #tpu.memory_space<vmem_shared>>)
        tpu.yield
      }) : () -> ()
      %add3A = arith.constant 2 : i32
      %add3A_92 = arith.addi %mul3A_85, %add3A : i32
      %dma_start3A_93 = arith.constant 0 : i32
      %dma_start3A_94 = tpu.memref_slice %arg6[%add3A_92, %dma_start3A_93] : memref<40x125xi32, #tpu.memory_space<vmem>> -> memref<1x125xi32, #tpu.memory_space<vmem>>
      %dma_start3A_95 = tpu.memref_squeeze %dma_start3A_94 : memref<1x125xi32, #tpu.memory_space<vmem>> -> memref<125xi32, #tpu.memory_space<vmem>>
      %dma_start3A_96 = arith.constant 0 : i32
      %dma_start3A_97 = arith.constant 0 : i32
      %dma_start3A_98 = tpu.memref_slice %arg2[%dma_start3A_96, %dma_start3A_97] : memref<20000x128xf32, #tpu.memory_space<hbm>> -> memref<20000x128xf32, #tpu.memory_space<hbm>>
      tpu.enqueue_indirect_dma source(%dma_start3A_98 : memref<20000x128xf32, #tpu.memory_space<hbm>>) target(%arg8 : memref<125x128xf32, #tpu.memory_space<vmem>>) offsets(%dma_start3A_95 : memref<125xi32, #tpu.memory_space<vmem>>) semaphore(%arg11 : memref<!tpu.dma_semaphore, #tpu.memory_space<semaphore_mem>>)
      %add3A_99 = arith.constant 1 : i32
      %add3A_100 = arith.addi %mul3A_85, %add3A_99 : i32
      %dma_wait3A_101 = arith.constant 0 : i32
      %dma_wait3A_102 = tpu.memref_slice %arg6[%add3A_100, %dma_wait3A_101] : memref<40x125xi32, #tpu.memory_space<vmem>> -> memref<1x125xi32, #tpu.memory_space<vmem>>
      %dma_wait3A_103 = tpu.memref_squeeze %dma_wait3A_102 : memref<1x125xi32, #tpu.memory_space<vmem>> -> memref<125xi32, #tpu.memory_space<vmem>>
      %dma_wait3A_104 = arith.constant 0 : i32
      %dma_wait3A_105 = arith.constant 0 : i32
      %dma_wait3A_106 = tpu.memref_slice %arg2[%dma_wait3A_104, %dma_wait3A_105] : memref<20000x128xf32, #tpu.memory_space<hbm>> -> memref<20000x128xf32, #tpu.memory_space<hbm>>
      tpu.wait_indirect_dma semaphore(%arg12 : memref<!tpu.dma_semaphore, #tpu.memory_space<semaphore_mem>>) src(%dma_wait3A_106 : memref<20000x128xf32, #tpu.memory_space<hbm>>) dst(%arg9 : memref<125x128xf32, #tpu.memory_space<vmem>>)
      %add3A_107 = arith.constant 1 : i32
      %add3A_108 = arith.addi %mul3A_85, %add3A_107 : i32
      "tpu.region"() ({
        %run_scoped3A_117 = tpu.sem_alloc : memref<!tpu.dma_semaphore, #tpu.memory_space<semaphore_mem>>
        %dma_start3A_118 = arith.constant 0 : i32
        %dma_start3A_119 = tpu.memref_slice %arg7[%add3A_108, %dma_start3A_118] : memref<40x125xi32, #tpu.memory_space<vmem>> -> memref<1x125xi32, #tpu.memory_space<vmem>>
        %dma_start3A_120 = tpu.memref_squeeze %dma_start3A_119 : memref<1x125xi32, #tpu.memory_space<vmem>> -> memref<125xi32, #tpu.memory_space<vmem>>
        %dma_start3A_121 = arith.constant 0 : i32
        %dma_start3A_122 = arith.constant 0 : i32
        %dma_start3A_123 = tpu.memref_slice %arg10[%dma_start3A_121, %dma_start3A_122] : memref<10000x128xf32, #tpu.memory_space<vmem_shared>> -> memref<10000x128xf32, #tpu.memory_space<vmem_shared>>
        tpu.enqueue_indirect_dma source(%arg9 : memref<125x128xf32, #tpu.memory_space<vmem>>) target(%dma_start3A_123 : memref<10000x128xf32, #tpu.memory_space<vmem_shared>>) offsets(%dma_start3A_120 : memref<125xi32, #tpu.memory_space<vmem>>) semaphore(%run_scoped3A_117 : memref<!tpu.dma_semaphore, #tpu.memory_space<semaphore_mem>>) {add = true}
        %dma_wait3A_124 = arith.constant 0 : i32
        %dma_wait3A_125 = tpu.memref_slice %arg7[%add3A_108, %dma_wait3A_124] : memref<40x125xi32, #tpu.memory_space<vmem>> -> memref<1x125xi32, #tpu.memory_space<vmem>>
        %dma_wait3A_126 = tpu.memref_squeeze %dma_wait3A_125 : memref<1x125xi32, #tpu.memory_space<vmem>> -> memref<125xi32, #tpu.memory_space<vmem>>
        %dma_wait3A_127 = arith.constant 0 : i32
        %dma_wait3A_128 = arith.constant 0 : i32
        %dma_wait3A_129 = tpu.memref_slice %arg10[%dma_wait3A_127, %dma_wait3A_128] : memref<10000x128xf32, #tpu.memory_space<vmem_shared>> -> memref<10000x128xf32, #tpu.memory_space<vmem_shared>>
        tpu.wait_indirect_dma semaphore(%run_scoped3A_117 : memref<!tpu.dma_semaphore, #tpu.memory_space<semaphore_mem>>) src(%arg9 : memref<125x128xf32, #tpu.memory_space<vmem>>) dst(%dma_wait3A_129 : memref<10000x128xf32, #tpu.memory_space<vmem_shared>>)
        tpu.yield
      }) : () -> ()
      %add3A_109 = arith.constant 3 : i32
      %add3A_110 = arith.addi %mul3A_85, %add3A_109 : i32
      %dma_start3A_111 = arith.constant 0 : i32
      %dma_start3A_112 = tpu.memref_slice %arg6[%add3A_110, %dma_start3A_111] : memref<40x125xi32, #tpu.memory_space<vmem>> -> memref<1x125xi32, #tpu.memory_space<vmem>>
      %dma_start3A_113 = tpu.memref_squeeze %dma_start3A_112 : memref<1x125xi32, #tpu.memory_space<vmem>> -> memref<125xi32, #tpu.memory_space<vmem>>
      %dma_start3A_114 = arith.constant 0 : i32
      %dma_start3A_115 = arith.constant 0 : i32
      %dma_start3A_116 = tpu.memref_slice %arg2[%dma_start3A_114, %dma_start3A_115] : memref<20000x128xf32, #tpu.memory_space<hbm>> -> memref<20000x128xf32, #tpu.memory_space<hbm>>
      tpu.enqueue_indirect_dma source(%dma_start3A_116 : memref<20000x128xf32, #tpu.memory_space<hbm>>) target(%arg9 : memref<125x128xf32, #tpu.memory_space<vmem>>) offsets(%dma_start3A_113 : memref<125xi32, #tpu.memory_space<vmem>>) semaphore(%arg12 : memref<!tpu.dma_semaphore, #tpu.memory_space<semaphore_mem>>)
    }
    %scan3A_65 = arith.constant 19 : i32
    %dma_wait3A_66 = arith.constant 38 : i32
    %dma_wait3A_67 = arith.constant 0 : i32
    %dma_wait3A_68 = tpu.memref_slice %arg6[%dma_wait3A_66, %dma_wait3A_67] : memref<40x125xi32, #tpu.memory_space<vmem>> -> memref<1x125xi32, #tpu.memory_space<vmem>>
    %dma_wait3A_69 = tpu.memref_squeeze %dma_wait3A_68 : memref<1x125xi32, #tpu.memory_space<vmem>> -> memref<125xi32, #tpu.memory_space<vmem>>
    %dma_wait3A_70 = arith.constant 0 : i32
    %dma_wait3A_71 = arith.constant 0 : i32
    %dma_wait3A_72 = tpu.memref_slice %arg2[%dma_wait3A_70, %dma_wait3A_71] : memref<20000x128xf32, #tpu.memory_space<hbm>> -> memref<20000x128xf32, #tpu.memory_space<hbm>>
    tpu.wait_indirect_dma semaphore(%arg11 : memref<!tpu.dma_semaphore, #tpu.memory_space<semaphore_mem>>) src(%dma_wait3A_72 : memref<20000x128xf32, #tpu.memory_space<hbm>>) dst(%arg8 : memref<125x128xf32, #tpu.memory_space<vmem>>)
    %run_scoped3A_73 = arith.constant 38 : i32
    "tpu.region"() ({
      %run_scoped3A_83 = tpu.sem_alloc : memref<!tpu.dma_semaphore, #tpu.memory_space<semaphore_mem>>
      %dma_start3A_84 = arith.constant 0 : i32
      %dma_start3A_85 = tpu.memref_slice %arg7[%run_scoped3A_73, %dma_start3A_84] : memref<40x125xi32, #tpu.memory_space<vmem>> -> memref<1x125xi32, #tpu.memory_space<vmem>>
      %dma_start3A_86 = tpu.memref_squeeze %dma_start3A_85 : memref<1x125xi32, #tpu.memory_space<vmem>> -> memref<125xi32, #tpu.memory_space<vmem>>
      %dma_start3A_87 = arith.constant 0 : i32
      %dma_start3A_88 = arith.constant 0 : i32
      %dma_start3A_89 = tpu.memref_slice %arg10[%dma_start3A_87, %dma_start3A_88] : memref<10000x128xf32, #tpu.memory_space<vmem_shared>> -> memref<10000x128xf32, #tpu.memory_space<vmem_shared>>
      tpu.enqueue_indirect_dma source(%arg8 : memref<125x128xf32, #tpu.memory_space<vmem>>) target(%dma_start3A_89 : memref<10000x128xf32, #tpu.memory_space<vmem_shared>>) offsets(%dma_start3A_86 : memref<125xi32, #tpu.memory_space<vmem>>) semaphore(%run_scoped3A_83 : memref<!tpu.dma_semaphore, #tpu.memory_space<semaphore_mem>>) {add = true}
      %dma_wait3A_90 = arith.constant 0 : i32
      %dma_wait3A_91 = tpu.memref_slice %arg7[%run_scoped3A_73, %dma_wait3A_90] : memref<40x125xi32, #tpu.memory_space<vmem>> -> memref<1x125xi32, #tpu.memory_space<vmem>>
      %dma_wait3A_92 = tpu.memref_squeeze %dma_wait3A_91 : memref<1x125xi32, #tpu.memory_space<vmem>> -> memref<125xi32, #tpu.memory_space<vmem>>
      %dma_wait3A_93 = arith.constant 0 : i32
      %dma_wait3A_94 = arith.constant 0 : i32
      %dma_wait3A_95 = tpu.memref_slice %arg10[%dma_wait3A_93, %dma_wait3A_94] : memref<10000x128xf32, #tpu.memory_space<vmem_shared>> -> memref<10000x128xf32, #tpu.memory_space<vmem_shared>>
      tpu.wait_indirect_dma semaphore(%run_scoped3A_83 : memref<!tpu.dma_semaphore, #tpu.memory_space<semaphore_mem>>) src(%arg8 : memref<125x128xf32, #tpu.memory_space<vmem>>) dst(%dma_wait3A_95 : memref<10000x128xf32, #tpu.memory_space<vmem_shared>>)
      tpu.yield
    }) : () -> ()
    %dma_wait3A_74 = arith.constant 39 : i32
    %dma_wait3A_75 = arith.constant 0 : i32
    %dma_wait3A_76 = tpu.memref_slice %arg6[%dma_wait3A_74, %dma_wait3A_75] : memref<40x125xi32, #tpu.memory_space<vmem>> -> memref<1x125xi32, #tpu.memory_space<vmem>>
    %dma_wait3A_77 = tpu.memref_squeeze %dma_wait3A_76 : memref<1x125xi32, #tpu.memory_space<vmem>> -> memref<125xi32, #tpu.memory_space<vmem>>
    %dma_wait3A_78 = arith.constant 0 : i32
    %dma_wait3A_79 = arith.constant 0 : i32
    %dma_wait3A_80 = tpu.memref_slice %arg2[%dma_wait3A_78, %dma_wait3A_79] : memref<20000x128xf32, #tpu.memory_space<hbm>> -> memref<20000x128xf32, #tpu.memory_space<hbm>>
    tpu.wait_indirect_dma semaphore(%arg12 : memref<!tpu.dma_semaphore, #tpu.memory_space<semaphore_mem>>) src(%dma_wait3A_80 : memref<20000x128xf32, #tpu.memory_space<hbm>>) dst(%arg9 : memref<125x128xf32, #tpu.memory_space<vmem>>)
    %run_scoped3A_81 = arith.constant 39 : i32
    "tpu.region"() ({
      %run_scoped3A_83 = tpu.sem_alloc : memref<!tpu.dma_semaphore, #tpu.memory_space<semaphore_mem>>
      %dma_start3A_84 = arith.constant 0 : i32
      %dma_start3A_85 = tpu.memref_slice %arg7[%run_scoped3A_81, %dma_start3A_84] : memref<40x125xi32, #tpu.memory_space<vmem>> -> memref<1x125xi32, #tpu.memory_space<vmem>>
      %dma_start3A_86 = tpu.memref_squeeze %dma_start3A_85 : memref<1x125xi32, #tpu.memory_space<vmem>> -> memref<125xi32, #tpu.memory_space<vmem>>
      %dma_start3A_87 = arith.constant 0 : i32
      %dma_start3A_88 = arith.constant 0 : i32
      %dma_start3A_89 = tpu.memref_slice %arg10[%dma_start3A_87, %dma_start3A_88] : memref<10000x128xf32, #tpu.memory_space<vmem_shared>> -> memref<10000x128xf32, #tpu.memory_space<vmem_shared>>
      tpu.enqueue_indirect_dma source(%arg9 : memref<125x128xf32, #tpu.memory_space<vmem>>) target(%dma_start3A_89 : memref<10000x128xf32, #tpu.memory_space<vmem_shared>>) offsets(%dma_start3A_86 : memref<125xi32, #tpu.memory_space<vmem>>) semaphore(%run_scoped3A_83 : memref<!tpu.dma_semaphore, #tpu.memory_space<semaphore_mem>>) {add = true}
      %dma_wait3A_90 = arith.constant 0 : i32
      %dma_wait3A_91 = tpu.memref_slice %arg7[%run_scoped3A_81, %dma_wait3A_90] : memref<40x125xi32, #tpu.memory_space<vmem>> -> memref<1x125xi32, #tpu.memory_space<vmem>>
      %dma_wait3A_92 = tpu.memref_squeeze %dma_wait3A_91 : memref<1x125xi32, #tpu.memory_space<vmem>> -> memref<125xi32, #tpu.memory_space<vmem>>
      %dma_wait3A_93 = arith.constant 0 : i32
      %dma_wait3A_94 = arith.constant 0 : i32
      %dma_wait3A_95 = tpu.memref_slice %arg10[%dma_wait3A_93, %dma_wait3A_94] : memref<10000x128xf32, #tpu.memory_space<vmem_shared>> -> memref<10000x128xf32, #tpu.memory_space<vmem_shared>>
      tpu.wait_indirect_dma semaphore(%run_scoped3A_83 : memref<!tpu.dma_semaphore, #tpu.memory_space<semaphore_mem>>) src(%arg9 : memref<125x128xf32, #tpu.memory_space<vmem>>) dst(%dma_wait3A_95 : memref<10000x128xf32, #tpu.memory_space<vmem_shared>>)
      tpu.yield
    }) : () -> ()
    %barrier3A_82 = arith.constant 0 : index
    tpu.barrier barrier_id(%barrier3A_82)
    "tpu.region"() ({
      %run_scoped3A_83 = tpu.sem_alloc : memref<!tpu.dma_semaphore, #tpu.memory_space<semaphore_mem>>
      %dma_start3A_84 = arith.constant 0 : i32
      %dma_start3A_85 = tpu.memref_slice %arg5[%arg0, %mul3A_0, %dma_start3A_84] : memref<2x10000x128xf32, #tpu.memory_space<hbm>> -> memref<1x640x128xf32, #tpu.memory_space<hbm>>
      %dma_start3A_86 = tpu.memref_squeeze %dma_start3A_85 : memref<1x640x128xf32, #tpu.memory_space<hbm>> -> memref<640x128xf32, #tpu.memory_space<hbm>>
      %dma_start3A_87 = arith.constant 0 : i32
      %dma_start3A_88 = tpu.memref_slice %arg10[%mul3A_0, %dma_start3A_87] : memref<10000x128xf32, #tpu.memory_space<vmem_shared>> -> memref<640x128xf32, #tpu.memory_space<vmem_shared>>
      tpu.enqueue_dma source(%dma_start3A_88 : memref<640x128xf32, #tpu.memory_space<vmem_shared>>) target(%dma_start3A_86 : memref<640x128xf32, #tpu.memory_space<hbm>>) target_semaphore(%run_scoped3A_83 : memref<!tpu.dma_semaphore, #tpu.memory_space<semaphore_mem>>)
      %dma_wait3A_89 = arith.constant 0 : i32
      %dma_wait3A_90 = tpu.memref_slice %arg5[%arg0, %mul3A_0, %dma_wait3A_89] : memref<2x10000x128xf32, #tpu.memory_space<hbm>> -> memref<1x640x128xf32, #tpu.memory_space<hbm>>
      %dma_wait3A_91 = tpu.memref_squeeze %dma_wait3A_90 : memref<1x640x128xf32, #tpu.memory_space<hbm>> -> memref<640x128xf32, #tpu.memory_space<hbm>>
      %dma_wait3A_92 = arith.constant 0 : i32
      %dma_wait3A_93 = tpu.memref_slice %arg10[%mul3A_0, %dma_wait3A_92] : memref<10000x128xf32, #tpu.memory_space<vmem_shared>> -> memref<640x128xf32, #tpu.memory_space<vmem_shared>>
      tpu.wait_dma2 semaphore(%run_scoped3A_83 : memref<!tpu.dma_semaphore, #tpu.memory_space<semaphore_mem>>) src(%dma_wait3A_93 : memref<640x128xf32, #tpu.memory_space<vmem_shared>>) dst(%dma_wait3A_91 : memref<640x128xf32, #tpu.memory_space<hbm>>)
      tpu.yield
    }) : () -> ()
    return
  }
}

module attributes {stable_mosaic.version = 14 : i64} {
  func.func @_tc_layer_body(%arg0: i32, %arg1: memref<2x1000x128xf32, #tpu.memory_space<vmem>>, %arg2: memref<1000x256xf32, #tpu.memory_space<vmem>>, %arg3: memref<256x256xf32, #tpu.memory_space<vmem>>, %arg4: memref<256x256xf32, #tpu.memory_space<vmem>>, %arg5: memref<1x256xf32, #tpu.memory_space<vmem>>, %arg6: memref<1000x256xf32, #tpu.memory_space<vmem>>) attributes {dimension_semantics = [#tpu.dimension_semantics<arbitrary>], iteration_bounds = array<i64: 10>, scalar_prefetch = 0 : i64, scratch_operands = 0 : i64, tpu.core_type = #tpu.core_type<tc>, window_params = [{transform_indices = @transform_0, window_bounds = array<i64: 2, 1000, 128>}, {transform_indices = @transform_1, window_bounds = array<i64: 1000, 256>}, {pipeline_mode = #tpu.pipeline_mode<synchronous>, transform_indices = @transform_2, window_bounds = array<i64: 256, 256>}, {pipeline_mode = #tpu.pipeline_mode<synchronous>, transform_indices = @transform_3, window_bounds = array<i64: 256, 256>}, {pipeline_mode = #tpu.pipeline_mode<synchronous>, transform_indices = @transform_4, window_bounds = array<i64: 1, 256>}, {transform_indices = @transform_5, window_bounds = array<i64: 1000, 256>}]} {
    %get3A = arith.constant 0 : index
    %get3A_0 = arith.constant 0 : index
    %get3A_1 = vector.load %arg3[%get3A, %get3A_0] : memref<256x256xf32, #tpu.memory_space<vmem>>, vector<256x256xf32>
    %get3A_2 = arith.constant 0 : index
    %get3A_3 = arith.constant 0 : index
    %get3A_4 = arith.constant 0 : index
    %get3A_5 = vector.load %arg1[%get3A_2, %get3A_3, %get3A_4] : memref<2x1000x128xf32, #tpu.memory_space<vmem>>, vector<1x1000x128xf32>
    %get3A_6 = vector.shape_cast %get3A_5 : vector<1x1000x128xf32> to vector<1000x128xf32>
    %slice3A = vector.extract_strided_slice %get3A_1 {offsets = [0, 0], sizes = [128, 256], strides = [1, 1]} : vector<256x256xf32> to vector<128x256xf32>
    %dot_general3A = arith.constant dense<0.000000e+00> : vector<1000x256xf32>
    %dot_general3A_7 = tpu.matmul %get3A_6, %slice3A, %dot_general3A {dimension_numbers = #tpu.dot_dimension_numbers<[1], [0], [0], [1], [0, 0, 1, 1], [], []>, transpose_lhs_hint = false} : vector<1000x128xf32>, vector<128x256xf32>, vector<1000x256xf32> -> vector<1000x256xf32>
    %get3A_8 = arith.constant 1 : index
    %get3A_9 = arith.constant 0 : index
    %get3A_10 = arith.constant 0 : index
    %get3A_11 = vector.load %arg1[%get3A_8, %get3A_9, %get3A_10] : memref<2x1000x128xf32, #tpu.memory_space<vmem>>, vector<1x1000x128xf32>
    %get3A_12 = vector.shape_cast %get3A_11 : vector<1x1000x128xf32> to vector<1000x128xf32>
    %slice3A_13 = vector.extract_strided_slice %get3A_1 {offsets = [128, 0], sizes = [128, 256], strides = [1, 1]} : vector<256x256xf32> to vector<128x256xf32>
    %dot_general3A_14 = arith.constant dense<0.000000e+00> : vector<1000x256xf32>
    %dot_general3A_15 = tpu.matmul %get3A_12, %slice3A_13, %dot_general3A_14 {dimension_numbers = #tpu.dot_dimension_numbers<[1], [0], [0], [1], [0, 0, 1, 1], [], []>, transpose_lhs_hint = false} : vector<1000x128xf32>, vector<128x256xf32>, vector<1000x256xf32> -> vector<1000x256xf32>
    %add3A = arith.addf %dot_general3A_7, %dot_general3A_15 : vector<1000x256xf32>
    %get3A_16 = arith.constant 0 : index
    %get3A_17 = arith.constant 0 : index
    %get3A_18 = vector.load %arg2[%get3A_16, %get3A_17] : memref<1000x256xf32, #tpu.memory_space<vmem>>, vector<1000x256xf32>
    %get3A_19 = arith.constant 0 : index
    %get3A_20 = arith.constant 0 : index
    %get3A_21 = vector.load %arg4[%get3A_19, %get3A_20] : memref<256x256xf32, #tpu.memory_space<vmem>>, vector<256x256xf32>
    %dot_general3A_22 = arith.constant dense<0.000000e+00> : vector<1000x256xf32>
    %dot_general3A_23 = tpu.matmul %get3A_18, %get3A_21, %dot_general3A_22 {dimension_numbers = #tpu.dot_dimension_numbers<[1], [0], [0], [1], [0, 0, 1, 1], [], []>, transpose_lhs_hint = false} : vector<1000x256xf32>, vector<256x256xf32>, vector<1000x256xf32> -> vector<1000x256xf32>
    %add3A_24 = arith.addf %add3A, %dot_general3A_23 : vector<1000x256xf32>
    %get3A_25 = arith.constant 0 : index
    %get3A_26 = arith.constant 0 : index
    %get3A_27 = vector.load %arg5[%get3A_25, %get3A_26] : memref<1x256xf32, #tpu.memory_space<vmem>>, vector<1x256xf32>
    %add3A_28 = vector.broadcast %get3A_27 : vector<1x256xf32> to vector<1000x256xf32>
    %add3A_29 = arith.addf %add3A_24, %add3A_28 : vector<1000x256xf32>
    %gt3A = arith.constant 0.000000e+00 : f32
    %gt3A_30 = vector.broadcast %gt3A : f32 to vector<1000x256xf32>
    %gt3A_31 = arith.cmpf ogt, %add3A_29, %gt3A_30 : vector<1000x256xf32>
    %mul3A = arith.constant 1.000000e-01 : f32
    %mul3A_32 = vector.broadcast %mul3A : f32 to vector<1000x256xf32>
    %mul3A_33 = arith.mulf %mul3A_32, %add3A_29 : vector<1000x256xf32>
    %select_n3A = arith.select %gt3A_31, %add3A_29, %mul3A_33 : vector<1000x256xi1>, vector<1000x256xf32>
    %swap3A = arith.constant 0 : index
    %swap3A_34 = arith.constant 0 : index
    %swap3A_35 = vector.load %arg6[%swap3A, %swap3A_34] : memref<1000x256xf32, #tpu.memory_space<vmem>>, vector<1000x256xf32>
    tpu.vector_store %arg6[%swap3A, %swap3A_34], %select_n3A {strides = array<i32>} : memref<1000x256xf32, #tpu.memory_space<vmem>>, vector<1000x256xf32>,
    return
  }
  func.func @transform_0(%arg0: i32) -> (i32, i32, i32) {
    %c0_i32 = arith.constant 0 : i32
    %c0_i32_0 = arith.constant 0 : i32
    %c0_i32_1 = arith.constant 0 : i32
    return %c0_i32, %arg0, %c0_i32_0 : i32, i32, i32
  }
  func.func @transform_1(%arg0: i32) -> (i32, i32) {
    %c0_i32 = arith.constant 0 : i32
    %c0_i32_0 = arith.constant 0 : i32
    return %arg0, %c0_i32 : i32, i32
  }
  func.func @transform_2(%arg0: i32) -> (i32, i32) {
    %c0_i32 = arith.constant 0 : i32
    %c0_i32_0 = arith.constant 0 : i32
    %c0_i32_1 = arith.constant 0 : i32
    return %c0_i32, %c0_i32_0 : i32, i32
  }
  func.func @transform_3(%arg0: i32) -> (i32, i32) {
    %c0_i32 = arith.constant 0 : i32
    %c0_i32_0 = arith.constant 0 : i32
    %c0_i32_1 = arith.constant 0 : i32
    return %c0_i32, %c0_i32_0 : i32, i32
  }
  func.func @transform_4(%arg0: i32) -> (i32, i32) {
    %c0_i32 = arith.constant 0 : i32
    %c0_i32_0 = arith.constant 0 : i32
    %c0_i32_1 = arith.constant 0 : i32
    return %c0_i32, %c0_i32_0 : i32, i32
  }
  func.func @transform_5(%arg0: i32) -> (i32, i32) {
    %c0_i32 = arith.constant 0 : i32
    %c0_i32_0 = arith.constant 0 : i32
    return %arg0, %c0_i32 : i32, i32
  }
}

module attributes {stable_mosaic.version = 14 : i64} {
  func.func @_tc_layer_body(%arg0: i32, %arg1: memref<2x1000x128xf32, #tpu.memory_space<vmem>>, %arg2: memref<1000x256xf32, #tpu.memory_space<vmem>>, %arg3: memref<256x256xf32, #tpu.memory_space<vmem>>, %arg4: memref<256x256xf32, #tpu.memory_space<vmem>>, %arg5: memref<1x256xf32, #tpu.memory_space<vmem>>, %arg6: memref<1000x256xf32, #tpu.memory_space<vmem>>) attributes {dimension_semantics = [#tpu.dimension_semantics<arbitrary>], iteration_bounds = array<i64: 10>, scalar_prefetch = 0 : i64, scratch_operands = 0 : i64, tpu.core_type = #tpu.core_type<tc>, window_params = [{transform_indices = @transform_0, window_bounds = array<i64: 2, 1000, 128>}, {transform_indices = @transform_1, window_bounds = array<i64: 1000, 256>}, {pipeline_mode = #tpu.pipeline_mode<synchronous>, transform_indices = @transform_2, window_bounds = array<i64: 256, 256>}, {pipeline_mode = #tpu.pipeline_mode<synchronous>, transform_indices = @transform_3, window_bounds = array<i64: 256, 256>}, {pipeline_mode = #tpu.pipeline_mode<synchronous>, transform_indices = @transform_4, window_bounds = array<i64: 1, 256>}, {transform_indices = @transform_5, window_bounds = array<i64: 1000, 256>}]} {
    %get3A = arith.constant 0 : index
    %get3A_0 = arith.constant 0 : index
    %get3A_1 = vector.load %arg3[%get3A, %get3A_0] : memref<256x256xf32, #tpu.memory_space<vmem>>, vector<256x256xf32>
    %get3A_2 = arith.constant 0 : index
    %get3A_3 = arith.constant 0 : index
    %get3A_4 = arith.constant 0 : index
    %get3A_5 = vector.load %arg1[%get3A_2, %get3A_3, %get3A_4] : memref<2x1000x128xf32, #tpu.memory_space<vmem>>, vector<1x1000x128xf32>
    %get3A_6 = vector.shape_cast %get3A_5 : vector<1x1000x128xf32> to vector<1000x128xf32>
    %slice3A = vector.extract_strided_slice %get3A_1 {offsets = [0, 0], sizes = [128, 256], strides = [1, 1]} : vector<256x256xf32> to vector<128x256xf32>
    %dot_general3A = arith.constant dense<0.000000e+00> : vector<1000x256xf32>
    %dot_general3A_7 = tpu.matmul %get3A_6, %slice3A, %dot_general3A {dimension_numbers = #tpu.dot_dimension_numbers<[1], [0], [0], [1], [0, 0, 1, 1], [], []>, transpose_lhs_hint = false} : vector<1000x128xf32>, vector<128x256xf32>, vector<1000x256xf32> -> vector<1000x256xf32>
    %get3A_8 = arith.constant 1 : index
    %get3A_9 = arith.constant 0 : index
    %get3A_10 = arith.constant 0 : index
    %get3A_11 = vector.load %arg1[%get3A_8, %get3A_9, %get3A_10] : memref<2x1000x128xf32, #tpu.memory_space<vmem>>, vector<1x1000x128xf32>
    %get3A_12 = vector.shape_cast %get3A_11 : vector<1x1000x128xf32> to vector<1000x128xf32>
    %slice3A_13 = vector.extract_strided_slice %get3A_1 {offsets = [128, 0], sizes = [128, 256], strides = [1, 1]} : vector<256x256xf32> to vector<128x256xf32>
    %dot_general3A_14 = arith.constant dense<0.000000e+00> : vector<1000x256xf32>
    %dot_general3A_15 = tpu.matmul %get3A_12, %slice3A_13, %dot_general3A_14 {dimension_numbers = #tpu.dot_dimension_numbers<[1], [0], [0], [1], [0, 0, 1, 1], [], []>, transpose_lhs_hint = false} : vector<1000x128xf32>, vector<128x256xf32>, vector<1000x256xf32> -> vector<1000x256xf32>
    %add3A = arith.addf %dot_general3A_7, %dot_general3A_15 : vector<1000x256xf32>
    %get3A_16 = arith.constant 0 : index
    %get3A_17 = arith.constant 0 : index
    %get3A_18 = vector.load %arg2[%get3A_16, %get3A_17] : memref<1000x256xf32, #tpu.memory_space<vmem>>, vector<1000x256xf32>
    %get3A_19 = arith.constant 0 : index
    %get3A_20 = arith.constant 0 : index
    %get3A_21 = vector.load %arg4[%get3A_19, %get3A_20] : memref<256x256xf32, #tpu.memory_space<vmem>>, vector<256x256xf32>
    %dot_general3A_22 = arith.constant dense<0.000000e+00> : vector<1000x256xf32>
    %dot_general3A_23 = tpu.matmul %get3A_18, %get3A_21, %dot_general3A_22 {dimension_numbers = #tpu.dot_dimension_numbers<[1], [0], [0], [1], [0, 0, 1, 1], [], []>, transpose_lhs_hint = false} : vector<1000x256xf32>, vector<256x256xf32>, vector<1000x256xf32> -> vector<1000x256xf32>
    %add3A_24 = arith.addf %add3A, %dot_general3A_23 : vector<1000x256xf32>
    %get3A_25 = arith.constant 0 : index
    %get3A_26 = arith.constant 0 : index
    %get3A_27 = vector.load %arg5[%get3A_25, %get3A_26] : memref<1x256xf32, #tpu.memory_space<vmem>>, vector<1x256xf32>
    %add3A_28 = vector.broadcast %get3A_27 : vector<1x256xf32> to vector<1000x256xf32>
    %add3A_29 = arith.addf %add3A_24, %add3A_28 : vector<1000x256xf32>
    %swap3A = arith.constant 0 : index
    %swap3A_30 = arith.constant 0 : index
    %swap3A_31 = vector.load %arg6[%swap3A, %swap3A_30] : memref<1000x256xf32, #tpu.memory_space<vmem>>, vector<1000x256xf32>
    tpu.vector_store %arg6[%swap3A, %swap3A_30], %add3A_29 {strides = array<i32>} : memref<1000x256xf32, #tpu.memory_space<vmem>>, vector<1000x256xf32>,
    return
  }
  func.func @transform_0(%arg0: i32) -> (i32, i32, i32) {
    %c0_i32 = arith.constant 0 : i32
    %c0_i32_0 = arith.constant 0 : i32
    %c0_i32_1 = arith.constant 0 : i32
    return %c0_i32, %arg0, %c0_i32_0 : i32, i32, i32
  }
  func.func @transform_1(%arg0: i32) -> (i32, i32) {
    %c0_i32 = arith.constant 0 : i32
    %c0_i32_0 = arith.constant 0 : i32
    return %arg0, %c0_i32 : i32, i32
  }
  func.func @transform_2(%arg0: i32) -> (i32, i32) {
    %c0_i32 = arith.constant 0 : i32
    %c0_i32_0 = arith.constant 0 : i32
    %c0_i32_1 = arith.constant 0 : i32
    return %c0_i32, %c0_i32_0 : i32, i32
  }
  func.func @transform_3(%arg0: i32) -> (i32, i32) {
    %c0_i32 = arith.constant 0 : i32
    %c0_i32_0 = arith.constant 0 : i32
    %c0_i32_1 = arith.constant 0 : i32
    return %c0_i32, %c0_i32_0 : i32, i32
  }
  func.func @transform_4(%arg0: i32) -> (i32, i32) {
    %c0_i32 = arith.constant 0 : i32
    %c0_i32_0 = arith.constant 0 : i32
    %c0_i32_1 = arith.constant 0 : i32
    return %c0_i32, %c0_i32_0 : i32, i32
  }
  func.func @transform_5(%arg0: i32) -> (i32, i32) {
    %c0_i32 = arith.constant 0 : i32
    %c0_i32_0 = arith.constant 0 : i32
    return %arg0, %c0_i32 : i32, i32
  }
}

</mosaic_0001>

<sc_bundles>
// kernel: kernel.10.cloned.1.call-start
scs
__scs_entry_jumppad:
0x0: {  	(pc) =	sbr.rel $0x88, $3  }
0x1: {  	(tag) =	ssettag $0x0;
	lr =	simm.s32 $0x1  }
0x2: {  	[smem:$0x3F93] =	sst lr;
	_ =	strace $0xD0000000  }
0x3: {  	_ = 	snop  }
0x4: {  	_ = 	snop  }
0x5: {  	_ = 	snop  }
0x6: {  	_ = 	snop  }
0x7: {  	_ = 	snop  }
__scs_overlays_trampoline_lowered:
0x8: {  	[smem:$0x3FA2] =	sst s0  }
0x9: {  	[smem:$0x3FA3] =	sst s1  }
0xa: {  	[smem:$0x3FA4] =	sst s2  }
0xb: {  	[smem:$0x3FA5] =	sst s3  }
0xc: {  	[smem:$0x3FA6] =	sst s4  }
0xd: {  	[smem:$0x3FA7] =	sst s5  }
0xe: {  	[smem:$0x3FA8] =	sst s6  }
0xf: {  	[smem:$0x3FA9] =	sst s7  }
0x10: {  	[smem:$0x3FAA] =	sst s8  }
0x11: {  	[smem:$0x3FAB] =	sst s9;
	s0 =	simm.s32 @!p0 $0x0  }
0x12: {  	s1 =	sld [smem:$0x3F91];
	s0 =	simm.s32 @p0 $0x1  }
0x13: {  	[smem:$0x3FAC] =	sst s0;
	s0 =	simm.s32 @!p1 $0x0  }
0x14: {  	s2 =	sld [smem:$0x3F90];
	s0 =	simm.s32 @p1 $0x1  }
0x15: {  	[smem:$0x3FAD] =	sst s0;
	s0 =	simm.s32 @!p2 $0x0  }
0x16: {  	s3 =	sld [smem:$0x3FDB];
	s0 =	simm.s32 @p2 $0x1  }
0x17: {  	s4 =	simm.s32 $0x1BF5;
	[smem:$0x3FAF] =	sst s0  }
0x18: {  	s0 =	sld [smem:$0x3F92];
	_ =	swait.ge [sflag:s4], $0x0  }
0x19: {  	s7 =	sld [smem:$0x3F93]  }
0x1a: {  	s8 =	sadd.s32 $0xFFFFE003, lr  }
0x1b: {  	s9 =	sadd.s32 $0xFFFFFEF7, lr;
	s5 =	simm.s32 $0xFFFFFFFF;
	p2 =	slt.u32 s8, $0xFFFFF086  }
0x1c: {  	p1 =	slt.u32 s9, $0xF7A;
	s5 =	simm.s32 @!p2 $0x0  }
0x1d: {  	s5 =	simm.s32 @p1 $0x1;
	p0 =	seq.s32 s7, s2  }
0x1e: {  	s7 =	smul.u32 @!p0 $0xF7A, s2;
	p2 =	seq.s32 @!p0 s5, $0x0  }
0x1f: {  	s9 =	smul.u32 $0xF7A, s1;
	s8 =	simm.s32 @!p0 $0x1BF5;
	p2 =	por !p2, p0  }
0x20: {  	[sflag:s8] =	ssyncset.s32 @!p0 $0xFFFFF086;
	s6 =	sadd.s32 @!p0 s3, s7;
	s7 =	simm.s32 @!p0 $0x108  }
0x21: {  	s3 =	sadd.s32 s3, s9;
	s6 =	sadd.s32 @!p0 $0x88, s6;
	s7 =	simm.s32 @p2 $0x1082  }
0x22: {  	[simem:s7], [sflag:s8] =	dma.local @!p0 [hbm:s6], $0xF7A  }
0x23: {  	s9 =	sor.u32 $0xD0000000, s2;
	s6 =	simm.s32 $0x108;
	_ =	swait.ge @!p0 [sflag:s8], $0x0  }
0x24: {  	s3 =	sadd.s32 $0x88, s3;
	s6 =	simm.s32 @!p1 $0x1082;
	[sflag:s4] =	ssyncset.s32 $0xFFFFF086  }
0x25: {  	[simem:s6], [sflag:s4] =	dma.local [hbm:s3], $0xF7A  }
0x26: {  	[smem:$0x3F93] =	sst s1;
	(tag) =	ssettag s2;
	_ =	strace s9  }
0x27: {  	s1 =	sld [smem:$0x3FA3]  }
0x28: {  	s2 =	sld [smem:$0x3FA4]  }
0x29: {  	s4 =	sld [smem:$0x3FA6]  }
0x2a: {  	p0 =	seq.s32 s5, $0x0;
	s5 =	sld [smem:$0x3FA7]  }
0x2b: {  	s6 =	sld [smem:$0x3FA8]  }
0x2c: {  	s7 =	sld [smem:$0x3FA9]  }
0x2d: {  	s3 =	simm.s32 $0x108;
	s8 =	sld [smem:$0x3FAA]  }
0x2e: {  	s3 =	simm.s32 @!p0 $0x1082;
	s9 =	sld [smem:$0x3FAB]  }
0x2f: {  	lr =	sadd.s32 s0, s3;
	s0 =	sld [smem:$0x3FA2]  }
0x30: {  	s3 =	sld [smem:$0x3FA5]  }
0x31: {  	[smem:$0x3FAE] =	sst s10  }
0x32: {  	s10 =	sld [smem:$0x3FAC];
	_ =	sdelay $0x3  }
0x33: {  	p0 =	seq.s32 s10, $0x1;
	s10 =	sld [smem:$0x3FAE];
	_ =	sdelay $0x3  }
0x34: {  	[smem:$0x3FAE] =	sst s10  }
0x35: {  	s10 =	sld [smem:$0x3FAD];
	_ =	sdelay $0x3  }
0x36: {  	p1 =	seq.s32 s10, $0x1;
	s10 =	sld [smem:$0x3FAE];
	_ =	sdelay $0x3  }
0x37: {  	[smem:$0x3FAE] =	sst s10  }
0x38: {  	s10 =	sld [smem:$0x3FAF]  }
0x39: {  	_ = 	snop;
	(pc) =	sbr.ind lr, $3  }
0x3a: {  	_ = 	snop  }
0x3b: {  	_ = 	snop  }
0x3c: {  	p2 =	seq.s32 s10, $0x1;
	s10 =	sld [smem:$0x3FAE]  }
0x3d: {  	_ =	shalt  }
0x3e: {  	_ =	shalt  }
0x3f: {  	_ =	shalt  }
0x40: {  	_ =	shalt  }
0x41: {  	_ =	shalt  }
0x42: {  	_ =	shalt  }
0x43: {  	_ =	shalt  }
0x44: {  	_ =	shalt  }
0x45: {  	_ =	shalt  }
0x46: {  	_ =	shalt  }
0x47: {  	_ =	shalt  }
0x48: {  	_ =	shalt  }
0x49: {  	_ =	shalt  }
0x4a: {  	_ =	shalt  }
0x4b: {  	_ =	shalt  }
0x4c: {  	_ =	shalt  }
0x4d: {  	_ =	shalt  }
0x4e: {  	_ =	shalt  }
0x4f: {  	_ =	shalt  }
0x50: {  	_ =	shalt  }
0x51: {  	_ =	shalt  }
0x52: {  	_ =	shalt  }
0x53: {  	_ =	shalt  }
0x54: {  	_ =	shalt  }
0x55: {  	_ =	shalt  }
0x56: {  	_ =	shalt  }
0x57: {  	_ =	shalt  }
0x58: {  	_ =	shalt  }
0x59: {  	_ =	shalt  }
0x5a: {  	_ =	shalt  }
0x5b: {  	_ =	shalt  }
0x5c: {  	_ =	shalt  }
0x5d: {  	_ =	shalt  }
0x5e: {  	_ =	shalt  }
0x5f: {  	_ =	shalt  }
0x60: {  	_ =	shalt  }
0x61: {  	_ =	shalt  }
0x62: {  	_ =	shalt  }
0x63: {  	_ =	shalt  }
0x64: {  	_ =	shalt  }
0x65: {  	_ =	shalt  }
0x66: {  	_ =	shalt  }
0x67: {  	_ =	shalt  }
0x68: {  	_ =	shalt  }
0x69: {  	_ =	shalt  }
0x6a: {  	_ =	shalt  }
0x6b: {  	_ =	shalt  }
0x6c: {  	_ =	shalt  }
0x6d: {  	_ =	shalt  }
0x6e: {  	_ =	shalt  }
0x6f: {  	_ =	shalt  }
0x70: {  	_ =	shalt  }
0x71: {  	_ =	shalt  }
0x72: {  	_ =	shalt  }
0x73: {  	_ =	shalt  }
0x74: {  	_ =	shalt  }
0x75: {  	_ =	shalt  }
0x76: {  	_ =	shalt  }
0x77: {  	_ =	shalt  }
0x78: {  	_ =	shalt  }
0x79: {  	_ =	shalt  }
0x7a: {  	_ =	shalt  }
0x7b: {  	_ =	shalt  }
0x7c: {  	_ =	shalt  }
0x7d: {  	_ =	shalt  }
0x7e: {  	_ =	shalt  }
0x7f: {  	_ =	shalt  }
0x80: {  	_ =	shalt  }
0x81: {  	_ =	shalt  }
0x82: {  	_ =	shalt  }
0x83: {  	_ =	shalt  }
0x84: {  	_ =	shalt  }
0x85: {  	_ =	shalt  }
0x86: {  	_ =	shalt  }
0x87: {  	_ =	shalt  }
.Lfunc_end0:
.L_simem_size_0:
called_computation_lowered:
.L_overlay_start_0:
0x88: {  	s2 =	sld [smem:$0x3FD9]  }
0x89: {  	s3 =	sld [smem:$0x3FFE];
	_ =	sdelay $0x1  }
0x8a: {  	s1 =	srdreg.scid  }
0x8b: {  	s0 =	sand.u32 $0x1, s1  }
0x8c: {  	s17 =	sshll.u32 s0, $0xA;
	s2 =	sadd.s32 s3, s2  }
0x8d: {  	s2 =	sadd.s32 s2, s17  }
0x8e: {  	[smem:$0x3FBA] =	sst s2  }
0x8f: {  	_ = 	snop  }
0x90: {  	s2 =	sld [smem:$0x3FD0];
	(tm) =	ssettm $0x1  }
0x91: {  	s18 =	sld [smem:$0x3FFB];
	_ =	sdelay $0x3  }
0x92: {  	_ =	strace s18  }
0x93: {  	s3 =	sld [smem:$0x3FFC];
	_ =	sdelay $0x3  }
0x94: {  	_ =	strace s3  }
0x95: {  	s3 =	sld [smem:$0x3FFD];
	_ =	sdelay $0x3  }
0x96: {  	_ =	strace s3  }
0x97: {  	_ =	strace $0x8FFFFFFF  }
0x98: {  	s19 =	sld [smem:$0x3FDB];
	_ =	sdelay $0x1  }
0x99: {  	s4 =	simm.s32 $_scs_section_size  }
0x9a: {  	s5 =	simm.s32 $_size__tile_overlayer_lowered;
	s6 =	simm.s32 $_tile_overlayer_lowered  }
0x9b: {  	s22 =	simm.s32 $0x1BFF;
	s21 =	sshll.u32 s6, $0x1;
	s3 =	sadd.s32 s4, s19  }
0x9c: {  	s7 =	simm.s32 $0x0;
	s20 =	sshll.u32 s5, $0x1;
	s5 =	sadd.s32 s21, s3  }
0x9d: {  	[timem:s7], [sflag:s22] =	dma.local [hbm:s5], s20  }
0x9e: {  	_ =	swait.ge [sflag:s22], s20  }
0x9f: {  	s4 =	ssub.s32 $0x0, s20;
	[sflag:s22] =	ssyncset.done $0x0  }
0xa0: {  	[sflag:s22] =	ssyncadd.s32 s4;
	_ =	sdelay $0x1  }
0xa1: {  	s23 =	simm.s32 $0x1B8B  }
0xa2: {  	_ =	swait.ge [sflag:s23], $0x1  }
0xa3: {  	[sflag:s23] =	ssyncset.done $0x0  }
0xa4: {  	s25 =	simm.s32 $0x1B8E;
	s24 =	sld [smem:$0x3FFE];
	[sflag:s23] =	ssyncadd.s32 $0xFFFFFFFF  }
0xa5: {  	s26 =	simm.s32 $execute0_lowered;
	[smem:$0x3FD2] =	sst s25  }
0xa6: {  	s5 =	sshll.u32 s26, $0x1;
	_ =	strace $0x80000046;
	[dreg:$0x1] =	wrdreg $0xFFFFFFFF  }
0xa7: {  	s28 =	simm.s32 $_size_execute0_lowered;
	s3 =	sadd.s32 s3, s5;
	[dreg:$0x0] =	wrdreg $0x0  }
0xa8: {  	s5 =	sshll.u32 s28, $0x1;
	[dreg:$0x2] =	wrdreg s3  }
0xa9: {  	[dreg:$0x3] =	wrdreg s5  }
0xaa: {  	[dreg:$0x4] =	wrdreg $0xC0  }
0xab: {  	_ =	task [dreg:s7], $0x5FFFF  }
0xac: {  	[dreg:$0x1] =	wrdreg $0xFFFFFFFF  }
0xad: {  	[dreg:$0x0] =	wrdreg $0x60  }
0xae: {  	[dreg:$0x2] =	wrdreg s2  }
0xaf: {  	[dreg:$0x3] =	wrdreg s24  }
0xb0: {  	[dreg:$0x4] =	wrdreg $0xA8000  }
0xb1: {  	[dreg:$0x5] =	wrdreg $0x9  }
0xb2: {  	_ =	task.clear_ibuf [dreg:s7], $0x6FFFF;
	_ =	strace $0x90000046  }
0xb3: {  	s29 =	simm.s32 $0x9;
	_ =	strace $0x80000048  }
0xb4: {  	_ =	swait.ge [sflag:s29], $0x1  }
0xb5: {  	[sflag:s29] =	ssyncadd.s32 $0xFFFFFFFF  }
0xb6: {  	_ =	strace $0x90000048  }
0xb7: {  	_ =	sfence  }
0xb8: {  	s30 =	sld [smem:$0x0];
	_ =	sdelay $0x2  }
0xb9: {  	s31 =	sshll.u32 s1, $0xD;
	s1 =	sshrl.u32 s1, $0x2  }
0xba: {  	s3 =	sand.u32 $0x4000, s31;
	s1 =	sadd.s32 s1, s30  }
0xbb: {  	s0 =	sor.u32 s3, s0;
	s1 =	sshll.u32 s1, $0x11  }
0xbc: {  	s0 =	sor.u32 s1, s0  }
0xbd: {  	s0 =	sadd.s32 $0x8F2B, s0  }
0xbe: {  	[sflag:s0] =	ssyncadd.remote.s32 $0x1  }
0xbf: {  	_ =	sfence.sel $0xFFFF  }
0xc0: {  	[dreg:$0x0] =	wrdreg $0xFFFFFFFF;
	(pc) =	sbr.abs _section_cstart, $3  }
0xc1: {  	[dreg:$0x1] =	wrdreg $0xFFFFFFFF  }
0xc2: {  	_ =	task.clear_ibuf [dreg:s7], $0x2FFFF;
	_ =	strace $0x9FFFFFFF  }
0xc3: {  	(tm) =	ssettm $0x7FFFFFFF  }
tec
execute0_lowered:
.L_overlay_start_1:
0x0: {  	(tag) =	ssettag $0x1  }
0x1: {  	s1 =	rddreg [dreg:$0x0]  }
0x2: {  	s5 =	rddreg [dreg:$0x1]  }
0x3: {  	s0 =	srdreg.scid;
	s3 =	rddreg [dreg:$0x2]  }
0x4: {  	s4 =	simm.s32 $0x0;
	s17 =	simm.s32 $0x2800;
	s18 =	simm.s32 $0x3  }
0x5: {  	s19 =	simm.s32 $0x1400;
	s20 =	simm.s32 $0x7D;
	s21 =	simm.s32 $0x80  }
0x6: {  	s22 =	simm.s32 $0x6800;
	s23 =	simm.s32 $0x1;
	s6 =	sand.u32 $0x1, s0  }
0x7: {  	s24 =	simm.s32 $0x2;
	s0 =	stileid.u32;
	s7 =	smul.u32 $0x28000, s6  }
0x8: {  	s25 =	simm.s32 $0x2700;
	s26 =	simm.s32 $0x2780;
	s8 =	smul.u32 $0x2800, s0  }
0x9: {  	s28 =	simm.s32 $0x0;
	[smem:$0x7FF] =	sst s4;
	s9 =	smul.u32 $0x138800, s6  }
0xa: {  	s10 =	smul.u32 $0x13800, s0;
	_ =	strace $0x80000047;
	s6 =	ssub.s32 $0x2, s6  }
0xb: {  	s11 =	smul.u32 $0x4E000, s0;
	s30 =	sshrl.u32 s6, $0x1;
	s7 =	sadd.s32 s8, s7  }
0xc: {  	s8 =	sshrl.u32 s8, $0x3;
	s9 =	sadd.s32 s10, s9;
	s13 =	ssub.s32 s6, s30  }
0xd: {  	s31 =	sshrl.u32 s11, $0x2;
	s7 =	sshrl.u32 s7, $0x3;
	s9 =	sshrl.u32 s9, $0x3  }
0xe: {  	s8 =	sadd.s32 s8, s5;
	s11 =	smax.u32 s13, $0x1;
	s7 =	sadd.s32 s7, s5  }
0xf: {  	s12 =	sadd.s32 s9, s5;
	s6 =	sadd.s32 $0x2800, s8;
	s8 =	sadd.s32 $0x2A80, s8  }
0x10: {  	s9 =	sadd.s32 s31, s3;
	s5 =	sadd.s32 $0x7800, s7;
	s7 =	sadd.s32 $0x7A80, s7  }
0x11: {  	s10 =	sadd.s32 $0x11800, s12;
	s12 =	sadd.s32 $0x3C00, s9;
	s13 =	sadd.s32 $0x7800, s9  }
0x12: {  	v0 =	vimm.f32 $0.0e+00;
	s14 =	sadd.s32 $0xB400, s9;
	s15 =	sadd.s32 $0xF000, s9;
	s16 =	sadd.s32 $0x10400, s9  }
.LBB2_1:
0x13: {  	s29 =	sand.u32 $0xFE00, s4  }
0x14: {  	s30 =	sand.u32 $0x70, s4;
	s31 =	sshrl.u32 s29, $0x2  }
0x15: {  	s29 =	simm.s32 $0x40;
	s31 =	sor.u32 s30, s31;
	s30 =	simm.s32 $0x0  }
.LBB2_2:
0x16: {  	p0 =	sne.s32 s29, $0xF9C0  }
0x17: {  	[tilespmem:s31+$0x2800] =	vst v0;
	s30 =	sadd.s32 $0x10, s30;
	s31 =	smov.u32 s29;
	s29 =	sadd.s32 $0x40, s29  }
.Ltmp0:
0x18: {  	(pc) =	sbr.rel @p0 .LBB2_2-.Ltmp0, $4  }
0x19: {  	_ = 	snop  }
0x1a: {  	s31 =	sand.u32 $0xFE00, s31  }
0x1b: {  	s2 =	sand.u32 $0x70, s30;
	s31 =	sshrl.u32 s31, $0x2  }
0x1c: {  	s31 =	sor.u32 s2, s31  }
0x1d: {  	[tilespmem:s31+$0x2800] =	vst v0  }
0x1e: {  	[spmem:s9] =	stream.linear.scatter [tilespmem:s17], [sflag:$0x3], $0x3C00, $0x38;
	[tilespmem:$0x1E080] =	vst v63  }
0x1f: {  	_ =	swait.ge [sflag:s18], $0x3C00  }
0x20: {  	[sflag:s18] =	ssyncset.done $0x0  }
0x21: {  	[sflag:s18] =	ssyncadd.s32 $0xFFFFC400  }
0x22: {  	[spmem:s12] =	stream.linear.scatter [tilespmem:s17], [sflag:$0x3], $0x3C00, $0x38;
	[tilespmem:$0x1E080] =	vst v63  }
0x23: {  	_ =	swait.ge [sflag:s18], $0x3C00  }
0x24: {  	[sflag:s18] =	ssyncset.done $0x0  }
0x25: {  	[sflag:s18] =	ssyncadd.s32 $0xFFFFC400  }
0x26: {  	[spmem:s13] =	stream.linear.scatter [tilespmem:s17], [sflag:$0x3], $0x3C00, $0x38;
	[tilespmem:$0x1E080] =	vst v63  }
0x27: {  	_ =	swait.ge [sflag:s18], $0x3C00  }
0x28: {  	[sflag:s18] =	ssyncset.done $0x0  }
0x29: {  	[sflag:s18] =	ssyncadd.s32 $0xFFFFC400  }
0x2a: {  	[spmem:s14] =	stream.linear.scatter [tilespmem:s17], [sflag:$0x3], $0x3C00, $0x38;
	[tilespmem:$0x1E080] =	vst v63  }
0x2b: {  	_ =	swait.ge [sflag:s18], $0x3C00  }
0x2c: {  	[sflag:s18] =	ssyncset.done $0x0  }
0x2d: {  	[sflag:s18] =	ssyncadd.s32 $0xFFFFC400  }
0x2e: {  	[spmem:s15] =	stream.linear.scatter [tilespmem:s17], [sflag:$0x3], $0x3C00, $0x38;
	[tilespmem:$0x1E080] =	vst v63  }
0x2f: {  	_ =	swait.ge [sflag:s18], $0x3C00  }
0x30: {  	[sflag:s18] =	ssyncset.done $0x0  }
0x31: {  	[sflag:s18] =	ssyncadd.s32 $0xFFFFC400  }
0x32: {  	[spmem:s16] =	stream.linear.scatter [tilespmem:s17], [sflag:$0x3], $0x3C00, $0x38;
	[tilespmem:$0x1E080] =	vst v63  }
0x33: {  	_ =	swait.ge [sflag:s18], $0x3C00  }
0x34: {  	[sflag:s18] =	ssyncset.done $0x0  }
0x35: {  	[sflag:s18] =	ssyncadd.s32 $0xFFFFC400  }
0x36: {  	s2 =	simm.s32 $0x0;
	[bflag:$0x0] =	sbarrier.arrive $0xFFFF  }
0x37: {  	[tilespmem:s2], [sflag:$0x3] =	stream.linear.gather [hbm4b:s5+s2], $0x1400, $0x38;
	[tilespmem:$0x1E080] =	vst v63  }
0x38: {  	_ =	swait.ge [sflag:s18], $0x1400  }
0x39: {  	[sflag:s18] =	ssyncset.done $0x0  }
0x3a: {  	[sflag:s18] =	ssyncadd.s32 $0xFFFFEC00  }
0x3b: {  	[tilespmem:s19], [sflag:$0x3] =	stream.linear.gather [hbm4b:s6+s2], $0x1400, $0x38;
	[tilespmem:$0x1E080] =	vst v63  }
0x3c: {  	_ =	swait.ge [sflag:s18], $0x1400  }
0x3d: {  	[sflag:s18] =	ssyncset.done $0x0  }
0x3e: {  	[sflag:s18] =	ssyncadd.s32 $0xFFFFEC00  }
0x3f: {  	[tilespmem:s17], [sflag:$0x1] =	stream.indirect.gather [hbm4b:s1+s20], $0x80, s2, s20, $0xb8;
	[tilespmem:$0x1E080] =	vst v63  }
0x40: {  	_ = 	snop  }
0x41: {  	[tilespmem:s22], [sflag:$0x2] =	stream.indirect.gather [hbm4b:s1+s20], $0x80, s21, s20, $0xb8;
	[tilespmem:$0x1E080] =	vst v63  }
0x42: {  	_ =	swait.ge [sflag:s23], $0x3E80  }
0x43: {  	[sflag:s23] =	ssyncset.done $0x0  }
0x44: {  	s31 =	simm.s32 $0x1400;
	[sflag:s23] =	ssyncadd.s32 $0xFFFFC180  }
0x45: {  	[spmem:s3] =	stream.indirect.scatter.add.f32 [tilespmem:s17], [sflag:$0x3], $0x80, s31, s20, $0xb8;
	[tilespmem:$0x1E080] =	vst v63  }
0x46: {  	_ =	swait.ge [sflag:s18], $0x3E80  }
0x47: {  	[sflag:s18] =	ssyncset.done $0x0  }
0x48: {  	s31 =	simm.s32 $0x100;
	[sflag:s18] =	ssyncadd.s32 $0xFFFFC180  }
0x49: {  	[tilespmem:s17], [sflag:$0x1] =	stream.indirect.gather [hbm4b:s1+s20], $0x80, s31, s20, $0xb8;
	[tilespmem:$0x1E080] =	vst v63  }
0x4a: {  	_ =	swait.ge [sflag:s24], $0x3E80  }
0x4b: {  	[sflag:s24] =	ssyncset.done $0x0  }
0x4c: {  	s31 =	simm.s32 $0x1480;
	[sflag:s24] =	ssyncadd.s32 $0xFFFFC180  }
0x4d: {  	[spmem:s3] =	stream.indirect.scatter.add.f32 [tilespmem:s22], [sflag:$0x3], $0x80, s31, s20, $0xb8;
	[tilespmem:$0x1E080] =	vst v63  }
0x4e: {  	_ =	swait.ge [sflag:s18], $0x3E80  }
0x4f: {  	[sflag:s18] =	ssyncset.done $0x0  }
0x50: {  	s29 =	simm.s32 $0x400;
	s30 =	simm.s32 $0x180;
	[sflag:s18] =	ssyncadd.s32 $0xFFFFC180  }
.LBB2_4:
0x51: {  	[tilespmem:s22], [sflag:$0x2] =	stream.indirect.gather [hbm4b:s1+s20], $0x80, s30, s20, $0xb8;
	[tilespmem:$0x1E080] =	vst v63  }
0x52: {  	s2 =	smov.u32 s29  }
0x53: {  	p0 =	sne.s32 s29, $0x4800;
	s29 =	sadd.s32 $0x400, s29;
	_ =	swait.ge [sflag:s23], $0x3E80  }
0x54: {  	s2 =	sshra.s32 s2, $0x2;
	[sflag:s23] =	ssyncset.done $0x0  }
0x55: {  	s30 =	sadd.s32 $0x1400, s2;
	[sflag:s23] =	ssyncadd.s32 $0xFFFFC180  }
0x56: {  	[spmem:s3] =	stream.indirect.scatter.add.f32 [tilespmem:s17], [sflag:$0x3], $0x80, s30, s20, $0xb8;
	[tilespmem:$0x1E080] =	vst v63  }
0x57: {  	_ =	swait.ge [sflag:s18], $0x3E80  }
0x58: {  	[sflag:s18] =	ssyncset.done $0x0  }
0x59: {  	s30 =	sadd.s32 $0x100, s2;
	[sflag:s18] =	ssyncadd.s32 $0xFFFFC180  }
0x5a: {  	[tilespmem:s17], [sflag:$0x1] =	stream.indirect.gather [hbm4b:s1+s20], $0x80, s30, s20, $0xb8;
	[tilespmem:$0x1E080] =	vst v63  }
0x5b: {  	_ =	swait.ge [sflag:s24], $0x3E80  }
0x5c: {  	[sflag:s24] =	ssyncset.done $0x0  }
.Ltmp1:
0x5d: {  	s30 =	sadd.s32 $0x1480, s2;
	[sflag:s24] =	ssyncadd.s32 $0xFFFFC180;
	(pc) =	sbr.rel @p0 .LBB2_4-.Ltmp1, $4  }
0x5e: {  	[spmem:s3] =	stream.indirect.scatter.add.f32 [tilespmem:s22], [sflag:$0x3], $0x80, s30, s20, $0xb8;
	[tilespmem:$0x1E080] =	vst v63  }
0x5f: {  	_ =	swait.ge [sflag:s18], $0x3E80  }
0x60: {  	[sflag:s18] =	ssyncset.done $0x0  }
0x61: {  	s30 =	sadd.s32 $0x180, s2;
	[sflag:s18] =	ssyncadd.s32 $0xFFFFC180  }
0x62: {  	[tilespmem:s22], [sflag:$0x2] =	stream.indirect.gather [hbm4b:s1+s20], $0x80, s30, s20, $0xb8;
	[tilespmem:$0x1E080] =	vst v63  }
0x63: {  	_ =	swait.ge [sflag:s23], $0x3E80  }
0x64: {  	[sflag:s23] =	ssyncset.done $0x0  }
0x65: {  	[sflag:s23] =	ssyncadd.s32 $0xFFFFC180  }
0x66: {  	[spmem:s3] =	stream.indirect.scatter.add.f32 [tilespmem:s17], [sflag:$0x3], $0x80, s25, s20, $0xb8;
	[tilespmem:$0x1E080] =	vst v63  }
0x67: {  	_ =	swait.ge [sflag:s18], $0x3E80  }
0x68: {  	[sflag:s18] =	ssyncset.done $0x0  }
0x69: {  	[sflag:s18] =	ssyncadd.s32 $0xFFFFC180  }
0x6a: {  	_ =	swait.ge [sflag:s24], $0x3E80  }
0x6b: {  	[sflag:s24] =	ssyncset.done $0x0  }
0x6c: {  	[sflag:s24] =	ssyncadd.s32 $0xFFFFC180  }
0x6d: {  	[spmem:s3] =	stream.indirect.scatter.add.f32 [tilespmem:s22], [sflag:$0x3], $0x80, s26, s20, $0xb8;
	[tilespmem:$0x1E080] =	vst v63  }
0x6e: {  	_ =	swait.ge [sflag:s18], $0x3E80  }
0x6f: {  	[sflag:s18] =	ssyncset.done $0x0  }
0x70: {  	s2 =	simm.s32 $0x0;
	[sflag:s18] =	ssyncadd.s32 $0xFFFFC180  }
0x71: {  	[tilespmem:s2], [sflag:$0x3] =	stream.linear.gather [hbm4b:s7+s2], $0x1400, $0x38;
	[tilespmem:$0x1E080] =	vst v63  }
0x72: {  	_ =	swait.ge [sflag:s18], $0x1400  }
0x73: {  	[sflag:s18] =	ssyncset.done $0x0  }
0x74: {  	[sflag:s18] =	ssyncadd.s32 $0xFFFFEC00  }
0x75: {  	[tilespmem:s19], [sflag:$0x3] =	stream.linear.gather [hbm4b:s8+s2], $0x1400, $0x38;
	[tilespmem:$0x1E080] =	vst v63  }
0x76: {  	_ =	swait.ge [sflag:s18], $0x1400  }
0x77: {  	[sflag:s18] =	ssyncset.done $0x0  }
0x78: {  	[sflag:s18] =	ssyncadd.s32 $0xFFFFEC00  }
0x79: {  	[tilespmem:s17], [sflag:$0x1] =	stream.indirect.gather [hbm4b:s1+s20], $0x80, s2, s20, $0xb8;
	[tilespmem:$0x1E080] =	vst v63  }
0x7a: {  	_ = 	snop  }
0x7b: {  	[tilespmem:s22], [sflag:$0x2] =	stream.indirect.gather [hbm4b:s1+s20], $0x80, s21, s20, $0xb8;
	[tilespmem:$0x1E080] =	vst v63  }
0x7c: {  	_ =	swait.ge [sflag:s23], $0x3E80  }
0x7d: {  	[sflag:s23] =	ssyncset.done $0x0  }
0x7e: {  	s31 =	simm.s32 $0x1400;
	[sflag:s23] =	ssyncadd.s32 $0xFFFFC180  }
0x7f: {  	[spmem:s3] =	stream.indirect.scatter.add.f32 [tilespmem:s17], [sflag:$0x3], $0x80, s31, s20, $0xb8;
	[tilespmem:$0x1E080] =	vst v63  }
0x80: {  	_ =	swait.ge [sflag:s18], $0x3E80  }
0x81: {  	[sflag:s18] =	ssyncset.done $0x0  }
0x82: {  	s31 =	simm.s32 $0x100;
	[sflag:s18] =	ssyncadd.s32 $0xFFFFC180  }
0x83: {  	[tilespmem:s17], [sflag:$0x1] =	stream.indirect.gather [hbm4b:s1+s20], $0x80, s31, s20, $0xb8;
	[tilespmem:$0x1E080] =	vst v63  }
0x84: {  	_ =	swait.ge [sflag:s24], $0x3E80  }
0x85: {  	[sflag:s24] =	ssyncset.done $0x0  }
0x86: {  	s31 =	simm.s32 $0x1480;
	[sflag:s24] =	ssyncadd.s32 $0xFFFFC180  }
0x87: {  	[spmem:s3] =	stream.indirect.scatter.add.f32 [tilespmem:s22], [sflag:$0x3], $0x80, s31, s20, $0xb8;
	[tilespmem:$0x1E080] =	vst v63  }
0x88: {  	_ =	swait.ge [sflag:s18], $0x3E80  }
0x89: {  	[sflag:s18] =	ssyncset.done $0x0  }
0x8a: {  	s29 =	simm.s32 $0x400;
	s30 =	simm.s32 $0x180;
	[sflag:s18] =	ssyncadd.s32 $0xFFFFC180  }
.LBB2_6:
0x8b: {  	[tilespmem:s22], [sflag:$0x2] =	stream.indirect.gather [hbm4b:s1+s20], $0x80, s30, s20, $0xb8;
	[tilespmem:$0x1E080] =	vst v63  }
0x8c: {  	s2 =	smov.u32 s29  }
0x8d: {  	p0 =	sne.s32 s29, $0x4800;
	s29 =	sadd.s32 $0x400, s29;
	_ =	swait.ge [sflag:s23], $0x3E80  }
0x8e: {  	s2 =	sshra.s32 s2, $0x2;
	[sflag:s23] =	ssyncset.done $0x0  }
0x8f: {  	s30 =	sadd.s32 $0x1400, s2;
	[sflag:s23] =	ssyncadd.s32 $0xFFFFC180  }
0x90: {  	[spmem:s3] =	stream.indirect.scatter.add.f32 [tilespmem:s17], [sflag:$0x3], $0x80, s30, s20, $0xb8;
	[tilespmem:$0x1E080] =	vst v63  }
0x91: {  	_ =	swait.ge [sflag:s18], $0x3E80  }
0x92: {  	[sflag:s18] =	ssyncset.done $0x0  }
0x93: {  	s30 =	sadd.s32 $0x100, s2;
	[sflag:s18] =	ssyncadd.s32 $0xFFFFC180  }
0x94: {  	[tilespmem:s17], [sflag:$0x1] =	stream.indirect.gather [hbm4b:s1+s20], $0x80, s30, s20, $0xb8;
	[tilespmem:$0x1E080] =	vst v63  }
0x95: {  	_ =	swait.ge [sflag:s24], $0x3E80  }
0x96: {  	[sflag:s24] =	ssyncset.done $0x0  }
.Ltmp2:
0x97: {  	s30 =	sadd.s32 $0x1480, s2;
	[sflag:s24] =	ssyncadd.s32 $0xFFFFC180;
	(pc) =	sbr.rel @p0 .LBB2_6-.Ltmp2, $4  }
0x98: {  	[spmem:s3] =	stream.indirect.scatter.add.f32 [tilespmem:s22], [sflag:$0x3], $0x80, s30, s20, $0xb8;
	[tilespmem:$0x1E080] =	vst v63  }
0x99: {  	_ =	swait.ge [sflag:s18], $0x3E80  }
0x9a: {  	[sflag:s18] =	ssyncset.done $0x0  }
0x9b: {  	s30 =	sadd.s32 $0x180, s2;
	[sflag:s18] =	ssyncadd.s32 $0xFFFFC180  }
0x9c: {  	[tilespmem:s22], [sflag:$0x2] =	stream.indirect.gather [hbm4b:s1+s20], $0x80, s30, s20, $0xb8;
	[tilespmem:$0x1E080] =	vst v63  }
0x9d: {  	_ =	swait.ge [sflag:s23], $0x3E80  }
0x9e: {  	[sflag:s23] =	ssyncset.done $0x0  }
0x9f: {  	[sflag:s23] =	ssyncadd.s32 $0xFFFFC180  }
0xa0: {  	[spmem:s3] =	stream.indirect.scatter.add.f32 [tilespmem:s17], [sflag:$0x3], $0x80, s25, s20, $0xb8;
	[tilespmem:$0x1E080] =	vst v63  }
0xa1: {  	_ =	swait.ge [sflag:s18], $0x3E80  }
0xa2: {  	[sflag:s18] =	ssyncset.done $0x0  }
0xa3: {  	[sflag:s18] =	ssyncadd.s32 $0xFFFFC180  }
0xa4: {  	_ =	swait.ge [sflag:s24], $0x3E80  }
0xa5: {  	[sflag:s24] =	ssyncset.done $0x0  }
0xa6: {  	[sflag:s24] =	ssyncadd.s32 $0xFFFFC180  }
0xa7: {  	[spmem:s3] =	stream.indirect.scatter.add.f32 [tilespmem:s22], [sflag:$0x3], $0x80, s26, s20, $0xb8;
	[tilespmem:$0x1E080] =	vst v63  }
0xa8: {  	_ =	swait.ge [sflag:s18], $0x3E80  }
0xa9: {  	s2 =	sshll.u32 s0, $0x6;
	s28 =	sadd.s32 $0x1, s28;
	[sflag:s18] =	ssyncset.done $0x0  }
0xaa: {  	s29 =	sshrl.u32 s9, $0x3;
	p0 =	sne.s32 s28, s11;
	[sflag:s18] =	ssyncadd.s32 $0xFFFFC180  }
.Ltmp3:
0xab: {  	s2 =	sor.u32 $0x1C03, s2;
	[bflag:$0x0] =	sbarrier.arrive $0xFFFF;
	(pc) =	sbr.rel @p0 .LBB2_1-.Ltmp3, $4  }
0xac: {  	[hbm:s10], [sflag:s2] =	dma.local [spmem:s29], $0x2800  }
0xad: {  	_ =	swait.ge [sflag:s18], $0x2800  }
0xae: {  	[sflag:s18] =	ssyncset.done $0x0  }
0xaf: {  	[sflag:s18] =	ssyncadd.s32 $0xFFFFD800  }
0xb0: {  	_ =	sfence.sel $0x180000  }
0xb1: {  	[bflag:$0x0] =	sbarrier.arrive $0xFFFF  }
0xb2: {  	_ =	strace $0x90000047  }
0xb3: {  	[bflag:$0x2] =	sbarrier.arrive $0xFFFF  }
0xb4: {  	p0 =	sne.s32 s0, $0x0;
	s0 =	rddreg [dreg:$0x3]  }
0xb5: {  	s0 =	sadd.s32 @!p0 $0x100000, s0  }
0xb6: {  	[sflag:s0] =	ssyncadd.tile.s32 @!p0 $0x1;
	_ =	shalt  }
.Lfunc_end2:
_tile_overlayer_lowered:
.L_overlay_start_2:
0xb7: {  	(tag) =	ssettag $0x2  }
0xb8: {  	s0 =	rddreg [dreg:$0x0];
	s2 =	stileid.u32  }
0xb9: {  	s1 =	rddreg [dreg:$0x1];
	p0 =	sne.s32 s2, $0x0  }
0xba: {  	s3 =	rddreg [dreg:$0x2];
	[bflag:$0x3] =	sbarrier.arrive $0xFFFF;
	s2 =	simm.s32 @!p0 $0x1C03  }
0xbb: {  	[timem:s3], [sflag:s2] =	dma.local @!p0 [hbm:s0], s1  }
0xbc: {  	s0 =	simm.s32 @!p0 $0x3  }
0xbd: {  	_ =	swait.ge @!p0 [sflag:s0], s1  }
0xbe: {  	s1 =	ssub.s32 @!p0 $0x0, s1;
	[sflag:s0] =	ssyncset.done @!p0 $0x0  }
0xbf: {  	[sflag:s0] =	ssyncadd.s32 @!p0 s1  }
0xc0: {  	[bflag:$0x3] =	sbarrier.arrive $0xFFFF  }
0xc1: {  	_ =	shalt  }

// kernel: kernel.13.cloned.1.call-start
scs
__scs_entry_jumppad:
0x0: {  	(pc) =	sbr.rel $0x88, $3  }
0x1: {  	(tag) =	ssettag $0x0;
	lr =	simm.s32 $0x1  }
0x2: {  	[smem:$0x3F93] =	sst lr;
	_ =	strace $0xD0000000  }
0x3: {  	_ = 	snop  }
0x4: {  	_ = 	snop  }
0x5: {  	_ = 	snop  }
0x6: {  	_ = 	snop  }
0x7: {  	_ = 	snop  }
__scs_overlays_trampoline_lowered:
0x8: {  	[smem:$0x3FA2] =	sst s0  }
0x9: {  	[smem:$0x3FA3] =	sst s1  }
0xa: {  	[smem:$0x3FA4] =	sst s2  }
0xb: {  	[smem:$0x3FA5] =	sst s3  }
0xc: {  	[smem:$0x3FA6] =	sst s4  }
0xd: {  	[smem:$0x3FA7] =	sst s5  }
0xe: {  	[smem:$0x3FA8] =	sst s6  }
0xf: {  	[smem:$0x3FA9] =	sst s7  }
0x10: {  	[smem:$0x3FAA] =	sst s8  }
0x11: {  	[smem:$0x3FAB] =	sst s9;
	s0 =	simm.s32 @!p0 $0x0  }
0x12: {  	s1 =	sld [smem:$0x3F91];
	s0 =	simm.s32 @p0 $0x1  }
0x13: {  	[smem:$0x3FAC] =	sst s0;
	s0 =	simm.s32 @!p1 $0x0  }
0x14: {  	s2 =	sld [smem:$0x3F90];
	s0 =	simm.s32 @p1 $0x1  }
0x15: {  	[smem:$0x3FAD] =	sst s0;
	s0 =	simm.s32 @!p2 $0x0  }
0x16: {  	s3 =	sld [smem:$0x3FDB];
	s0 =	simm.s32 @p2 $0x1  }
0x17: {  	s4 =	simm.s32 $0x1BF5;
	[smem:$0x3FAF] =	sst s0  }
0x18: {  	s0 =	sld [smem:$0x3F92];
	_ =	swait.ge [sflag:s4], $0x0  }
0x19: {  	s7 =	sld [smem:$0x3F93]  }
0x1a: {  	s8 =	sadd.s32 $0xFFFFE003, lr  }
0x1b: {  	s9 =	sadd.s32 $0xFFFFFEF7, lr;
	s5 =	simm.s32 $0xFFFFFFFF;
	p2 =	slt.u32 s8, $0xFFFFF086  }
0x1c: {  	p1 =	slt.u32 s9, $0xF7A;
	s5 =	simm.s32 @!p2 $0x0  }
0x1d: {  	s5 =	simm.s32 @p1 $0x1;
	p0 =	seq.s32 s7, s2  }
0x1e: {  	s7 =	smul.u32 @!p0 $0xF7A, s2;
	p2 =	seq.s32 @!p0 s5, $0x0  }
0x1f: {  	s9 =	smul.u32 $0xF7A, s1;
	s8 =	simm.s32 @!p0 $0x1BF5;
	p2 =	por !p2, p0  }
0x20: {  	[sflag:s8] =	ssyncset.s32 @!p0 $0xFFFFF086;
	s6 =	sadd.s32 @!p0 s3, s7;
	s7 =	simm.s32 @!p0 $0x108  }
0x21: {  	s3 =	sadd.s32 s3, s9;
	s6 =	sadd.s32 @!p0 $0x88, s6;
	s7 =	simm.s32 @p2 $0x1082  }
0x22: {  	[simem:s7], [sflag:s8] =	dma.local @!p0 [hbm:s6], $0xF7A  }
0x23: {  	s9 =	sor.u32 $0xD0000000, s2;
	s6 =	simm.s32 $0x108;
	_ =	swait.ge @!p0 [sflag:s8], $0x0  }
0x24: {  	s3 =	sadd.s32 $0x88, s3;
	s6 =	simm.s32 @!p1 $0x1082;
	[sflag:s4] =	ssyncset.s32 $0xFFFFF086  }
0x25: {  	[simem:s6], [sflag:s4] =	dma.local [hbm:s3], $0xF7A  }
0x26: {  	[smem:$0x3F93] =	sst s1;
	(tag) =	ssettag s2;
	_ =	strace s9  }
0x27: {  	s1 =	sld [smem:$0x3FA3]  }
0x28: {  	s2 =	sld [smem:$0x3FA4]  }
0x29: {  	s4 =	sld [smem:$0x3FA6]  }
0x2a: {  	p0 =	seq.s32 s5, $0x0;
	s5 =	sld [smem:$0x3FA7]  }
0x2b: {  	s6 =	sld [smem:$0x3FA8]  }
0x2c: {  	s7 =	sld [smem:$0x3FA9]  }
0x2d: {  	s3 =	simm.s32 $0x108;
	s8 =	sld [smem:$0x3FAA]  }
0x2e: {  	s3 =	simm.s32 @!p0 $0x1082;
	s9 =	sld [smem:$0x3FAB]  }
0x2f: {  	lr =	sadd.s32 s0, s3;
	s0 =	sld [smem:$0x3FA2]  }
0x30: {  	s3 =	sld [smem:$0x3FA5]  }
0x31: {  	[smem:$0x3FAE] =	sst s10  }
0x32: {  	s10 =	sld [smem:$0x3FAC];
	_ =	sdelay $0x3  }
0x33: {  	p0 =	seq.s32 s10, $0x1;
	s10 =	sld [smem:$0x3FAE];
	_ =	sdelay $0x3  }
0x34: {  	[smem:$0x3FAE] =	sst s10  }
0x35: {  	s10 =	sld [smem:$0x3FAD];
	_ =	sdelay $0x3  }
0x36: {  	p1 =	seq.s32 s10, $0x1;
	s10 =	sld [smem:$0x3FAE];
	_ =	sdelay $0x3  }
0x37: {  	[smem:$0x3FAE] =	sst s10  }
0x38: {  	s10 =	sld [smem:$0x3FAF]  }
0x39: {  	_ = 	snop;
	(pc) =	sbr.ind lr, $3  }
0x3a: {  	_ = 	snop  }
0x3b: {  	_ = 	snop  }
0x3c: {  	p2 =	seq.s32 s10, $0x1;
	s10 =	sld [smem:$0x3FAE]  }
0x3d: {  	_ =	shalt  }
0x3e: {  	_ =	shalt  }
0x3f: {  	_ =	shalt  }
0x40: {  	_ =	shalt  }
0x41: {  	_ =	shalt  }
0x42: {  	_ =	shalt  }
0x43: {  	_ =	shalt  }
0x44: {  	_ =	shalt  }
0x45: {  	_ =	shalt  }
0x46: {  	_ =	shalt  }
0x47: {  	_ =	shalt  }
0x48: {  	_ =	shalt  }
0x49: {  	_ =	shalt  }
0x4a: {  	_ =	shalt  }
0x4b: {  	_ =	shalt  }
0x4c: {  	_ =	shalt  }
0x4d: {  	_ =	shalt  }
0x4e: {  	_ =	shalt  }
0x4f: {  	_ =	shalt  }
0x50: {  	_ =	shalt  }
0x51: {  	_ =	shalt  }
0x52: {  	_ =	shalt  }
0x53: {  	_ =	shalt  }
0x54: {  	_ =	shalt  }
0x55: {  	_ =	shalt  }
0x56: {  	_ =	shalt  }
0x57: {  	_ =	shalt  }
0x58: {  	_ =	shalt  }
0x59: {  	_ =	shalt  }
0x5a: {  	_ =	shalt  }
0x5b: {  	_ =	shalt  }
0x5c: {  	_ =	shalt  }
0x5d: {  	_ =	shalt  }
0x5e: {  	_ =	shalt  }
0x5f: {  	_ =	shalt  }
0x60: {  	_ =	shalt  }
0x61: {  	_ =	shalt  }
0x62: {  	_ =	shalt  }
0x63: {  	_ =	shalt  }
0x64: {  	_ =	shalt  }
0x65: {  	_ =	shalt  }
0x66: {  	_ =	shalt  }
0x67: {  	_ =	shalt  }
0x68: {  	_ =	shalt  }
0x69: {  	_ =	shalt  }
0x6a: {  	_ =	shalt  }
0x6b: {  	_ =	shalt  }
0x6c: {  	_ =	shalt  }
0x6d: {  	_ =	shalt  }
0x6e: {  	_ =	shalt  }
0x6f: {  	_ =	shalt  }
0x70: {  	_ =	shalt  }
0x71: {  	_ =	shalt  }
0x72: {  	_ =	shalt  }
0x73: {  	_ =	shalt  }
0x74: {  	_ =	shalt  }
0x75: {  	_ =	shalt  }
0x76: {  	_ =	shalt  }
0x77: {  	_ =	shalt  }
0x78: {  	_ =	shalt  }
0x79: {  	_ =	shalt  }
0x7a: {  	_ =	shalt  }
0x7b: {  	_ =	shalt  }
0x7c: {  	_ =	shalt  }
0x7d: {  	_ =	shalt  }
0x7e: {  	_ =	shalt  }
0x7f: {  	_ =	shalt  }
0x80: {  	_ =	shalt  }
0x81: {  	_ =	shalt  }
0x82: {  	_ =	shalt  }
0x83: {  	_ =	shalt  }
0x84: {  	_ =	shalt  }
0x85: {  	_ =	shalt  }
0x86: {  	_ =	shalt  }
0x87: {  	_ =	shalt  }
.Lfunc_end0:
.L_simem_size_0:
called_computation.1_lowered:
.L_overlay_start_0:
0x88: {  	s2 =	sld [smem:$0x3FD9]  }
0x89: {  	s3 =	sld [smem:$0x3FFE];
	_ =	sdelay $0x1  }
0x8a: {  	s1 =	srdreg.scid  }
0x8b: {  	s0 =	sand.u32 $0x1, s1  }
0x8c: {  	s17 =	sshll.u32 s0, $0xA;
	s2 =	sadd.s32 s3, s2  }
0x8d: {  	s2 =	sadd.s32 s2, s17  }
0x8e: {  	[smem:$0x3FBA] =	sst s2  }
0x8f: {  	_ = 	snop  }
0x90: {  	s2 =	sld [smem:$0x3FD0];
	(tm) =	ssettm $0x1  }
0x91: {  	s18 =	sld [smem:$0x3FFB];
	_ =	sdelay $0x3  }
0x92: {  	_ =	strace s18  }
0x93: {  	s3 =	sld [smem:$0x3FFC];
	_ =	sdelay $0x3  }
0x94: {  	_ =	strace s3  }
0x95: {  	s3 =	sld [smem:$0x3FFD];
	_ =	sdelay $0x3  }
0x96: {  	_ =	strace s3  }
0x97: {  	_ =	strace $0x8FFFFFFF  }
0x98: {  	s19 =	sld [smem:$0x3FDB];
	_ =	sdelay $0x1  }
0x99: {  	s4 =	simm.s32 $_scs_section_size  }
0x9a: {  	s5 =	simm.s32 $_size__tile_overlayer_lowered;
	s6 =	simm.s32 $_tile_overlayer_lowered  }
0x9b: {  	s22 =	simm.s32 $0x1BFF;
	s21 =	sshll.u32 s6, $0x1;
	s3 =	sadd.s32 s4, s19  }
0x9c: {  	s7 =	simm.s32 $0x0;
	s20 =	sshll.u32 s5, $0x1;
	s5 =	sadd.s32 s21, s3  }
0x9d: {  	[timem:s7], [sflag:s22] =	dma.local [hbm:s5], s20  }
0x9e: {  	_ =	swait.ge [sflag:s22], s20  }
0x9f: {  	s4 =	ssub.s32 $0x0, s20;
	[sflag:s22] =	ssyncset.done $0x0  }
0xa0: {  	[sflag:s22] =	ssyncadd.s32 s4;
	_ =	sdelay $0x1  }
0xa1: {  	s23 =	simm.s32 $0x1B8B  }
0xa2: {  	_ =	swait.ge [sflag:s23], $0x1  }
0xa3: {  	[sflag:s23] =	ssyncset.done $0x0  }
0xa4: {  	s25 =	simm.s32 $0x1B8E;
	s24 =	sld [smem:$0x3FFE];
	[sflag:s23] =	ssyncadd.s32 $0xFFFFFFFF  }
0xa5: {  	s26 =	simm.s32 $execute0_lowered;
	[smem:$0x3FD2] =	sst s25  }
0xa6: {  	s5 =	sshll.u32 s26, $0x1;
	_ =	strace $0x80000049;
	[dreg:$0x1] =	wrdreg $0xFFFFFFFF  }
0xa7: {  	s28 =	simm.s32 $_size_execute0_lowered;
	s3 =	sadd.s32 s3, s5;
	[dreg:$0x0] =	wrdreg $0x0  }
0xa8: {  	s5 =	sshll.u32 s28, $0x1;
	[dreg:$0x2] =	wrdreg s3  }
0xa9: {  	[dreg:$0x3] =	wrdreg s5  }
0xaa: {  	[dreg:$0x4] =	wrdreg $0xC0  }
0xab: {  	_ =	task [dreg:s7], $0x5FFFF  }
0xac: {  	[dreg:$0x1] =	wrdreg $0xFFFFFFFF  }
0xad: {  	[dreg:$0x0] =	wrdreg $0x60  }
0xae: {  	[dreg:$0x2] =	wrdreg s2  }
0xaf: {  	[dreg:$0x3] =	wrdreg s24  }
0xb0: {  	[dreg:$0x4] =	wrdreg $0xA8000  }
0xb1: {  	[dreg:$0x5] =	wrdreg $0x9  }
0xb2: {  	_ =	task.clear_ibuf [dreg:s7], $0x6FFFF;
	_ =	strace $0x90000049  }
0xb3: {  	s29 =	simm.s32 $0x9;
	_ =	strace $0x8000004B  }
0xb4: {  	_ =	swait.ge [sflag:s29], $0x1  }
0xb5: {  	[sflag:s29] =	ssyncadd.s32 $0xFFFFFFFF  }
0xb6: {  	_ =	strace $0x9000004B  }
0xb7: {  	_ =	sfence  }
0xb8: {  	s30 =	sld [smem:$0x0];
	_ =	sdelay $0x2  }
0xb9: {  	s31 =	sshll.u32 s1, $0xD;
	s1 =	sshrl.u32 s1, $0x2  }
0xba: {  	s3 =	sand.u32 $0x4000, s31;
	s1 =	sadd.s32 s1, s30  }
0xbb: {  	s0 =	sor.u32 s3, s0;
	s1 =	sshll.u32 s1, $0x11  }
0xbc: {  	s0 =	sor.u32 s1, s0  }
0xbd: {  	s0 =	sadd.s32 $0x8F2B, s0  }
0xbe: {  	[sflag:s0] =	ssyncadd.remote.s32 $0x1  }
0xbf: {  	_ =	sfence.sel $0xFFFF  }
0xc0: {  	[dreg:$0x0] =	wrdreg $0xFFFFFFFF;
	(pc) =	sbr.abs _section_cstart, $3  }
0xc1: {  	[dreg:$0x1] =	wrdreg $0xFFFFFFFF  }
0xc2: {  	_ =	task.clear_ibuf [dreg:s7], $0x2FFFF;
	_ =	strace $0x9FFFFFFF  }
0xc3: {  	(tm) =	ssettm $0x7FFFFFFF  }
tec
execute0_lowered:
.L_overlay_start_1:
0x0: {  	(tag) =	ssettag $0x1  }
0x1: {  	s1 =	rddreg [dreg:$0x0]  }
0x2: {  	s5 =	rddreg [dreg:$0x1]  }
0x3: {  	s0 =	srdreg.scid;
	s3 =	rddreg [dreg:$0x2]  }
0x4: {  	s4 =	simm.s32 $0x0;
	s17 =	simm.s32 $0x2800;
	s18 =	simm.s32 $0x3  }
0x5: {  	s19 =	simm.s32 $0x1400;
	s20 =	simm.s32 $0x7D;
	s21 =	simm.s32 $0x80  }
0x6: {  	s22 =	simm.s32 $0x6800;
	s23 =	simm.s32 $0x1;
	s6 =	sand.u32 $0x1, s0  }
0x7: {  	s24 =	simm.s32 $0x2;
	s0 =	stileid.u32;
	s7 =	smul.u32 $0x28000, s6  }
0x8: {  	s25 =	simm.s32 $0x2700;
	s26 =	simm.s32 $0x2780;
	s8 =	smul.u32 $0x2800, s0  }
0x9: {  	s28 =	simm.s32 $0x0;
	[smem:$0x7FF] =	sst s4;
	s9 =	smul.u32 $0x138800, s6  }
0xa: {  	s10 =	smul.u32 $0x13800, s0;
	_ =	strace $0x8000004A;
	s6 =	ssub.s32 $0x2, s6  }
0xb: {  	s11 =	smul.u32 $0x4E000, s0;
	s30 =	sshrl.u32 s6, $0x1;
	s7 =	sadd.s32 s8, s7  }
0xc: {  	s8 =	sshrl.u32 s8, $0x3;
	s9 =	sadd.s32 s10, s9;
	s13 =	ssub.s32 s6, s30  }
0xd: {  	s31 =	sshrl.u32 s11, $0x2;
	s7 =	sshrl.u32 s7, $0x3;
	s9 =	sshrl.u32 s9, $0x3  }
0xe: {  	s8 =	sadd.s32 s8, s5;
	s11 =	smax.u32 s13, $0x1;
	s7 =	sadd.s32 s7, s5  }
0xf: {  	s12 =	sadd.s32 s9, s5;
	s6 =	sadd.s32 $0x2800, s8;
	s8 =	sadd.s32 $0x2A80, s8  }
0x10: {  	s9 =	sadd.s32 s31, s3;
	s5 =	sadd.s32 $0x7800, s7;
	s7 =	sadd.s32 $0x7A80, s7  }
0x11: {  	s10 =	sadd.s32 $0x5FA00, s12;
	s12 =	sadd.s32 $0x3C00, s9;
	s13 =	sadd.s32 $0x7800, s9  }
0x12: {  	v0 =	vimm.f32 $0.0e+00;
	s14 =	sadd.s32 $0xB400, s9;
	s15 =	sadd.s32 $0xF000, s9;
	s16 =	sadd.s32 $0x10400, s9  }
.LBB2_1:
0x13: {  	s29 =	sand.u32 $0xFE00, s4  }
0x14: {  	s30 =	sand.u32 $0x70, s4;
	s31 =	sshrl.u32 s29, $0x2  }
0x15: {  	s29 =	simm.s32 $0x40;
	s31 =	sor.u32 s30, s31;
	s30 =	simm.s32 $0x0  }
.LBB2_2:
0x16: {  	p0 =	sne.s32 s29, $0xF9C0  }
0x17: {  	[tilespmem:s31+$0x2800] =	vst v0;
	s30 =	sadd.s32 $0x10, s30;
	s31 =	smov.u32 s29;
	s29 =	sadd.s32 $0x40, s29  }
.Ltmp0:
0x18: {  	(pc) =	sbr.rel @p0 .LBB2_2-.Ltmp0, $4  }
0x19: {  	_ = 	snop  }
0x1a: {  	s31 =	sand.u32 $0xFE00, s31  }
0x1b: {  	s2 =	sand.u32 $0x70, s30;
	s31 =	sshrl.u32 s31, $0x2  }
0x1c: {  	s31 =	sor.u32 s2, s31  }
0x1d: {  	[tilespmem:s31+$0x2800] =	vst v0  }
0x1e: {  	[spmem:s9] =	stream.linear.scatter [tilespmem:s17], [sflag:$0x3], $0x3C00, $0x38;
	[tilespmem:$0x1E080] =	vst v63  }
0x1f: {  	_ =	swait.ge [sflag:s18], $0x3C00  }
0x20: {  	[sflag:s18] =	ssyncset.done $0x0  }
0x21: {  	[sflag:s18] =	ssyncadd.s32 $0xFFFFC400  }
0x22: {  	[spmem:s12] =	stream.linear.scatter [tilespmem:s17], [sflag:$0x3], $0x3C00, $0x38;
	[tilespmem:$0x1E080] =	vst v63  }
0x23: {  	_ =	swait.ge [sflag:s18], $0x3C00  }
0x24: {  	[sflag:s18] =	ssyncset.done $0x0  }
0x25: {  	[sflag:s18] =	ssyncadd.s32 $0xFFFFC400  }
0x26: {  	[spmem:s13] =	stream.linear.scatter [tilespmem:s17], [sflag:$0x3], $0x3C00, $0x38;
	[tilespmem:$0x1E080] =	vst v63  }
0x27: {  	_ =	swait.ge [sflag:s18], $0x3C00  }
0x28: {  	[sflag:s18] =	ssyncset.done $0x0  }
0x29: {  	[sflag:s18] =	ssyncadd.s32 $0xFFFFC400  }
0x2a: {  	[spmem:s14] =	stream.linear.scatter [tilespmem:s17], [sflag:$0x3], $0x3C00, $0x38;
	[tilespmem:$0x1E080] =	vst v63  }
0x2b: {  	_ =	swait.ge [sflag:s18], $0x3C00  }
0x2c: {  	[sflag:s18] =	ssyncset.done $0x0  }
0x2d: {  	[sflag:s18] =	ssyncadd.s32 $0xFFFFC400  }
0x2e: {  	[spmem:s15] =	stream.linear.scatter [tilespmem:s17], [sflag:$0x3], $0x3C00, $0x38;
	[tilespmem:$0x1E080] =	vst v63  }
0x2f: {  	_ =	swait.ge [sflag:s18], $0x3C00  }
0x30: {  	[sflag:s18] =	ssyncset.done $0x0  }
0x31: {  	[sflag:s18] =	ssyncadd.s32 $0xFFFFC400  }
0x32: {  	[spmem:s16] =	stream.linear.scatter [tilespmem:s17], [sflag:$0x3], $0x3C00, $0x38;
	[tilespmem:$0x1E080] =	vst v63  }
0x33: {  	_ =	swait.ge [sflag:s18], $0x3C00  }
0x34: {  	[sflag:s18] =	ssyncset.done $0x0  }
0x35: {  	[sflag:s18] =	ssyncadd.s32 $0xFFFFC400  }
0x36: {  	s2 =	simm.s32 $0x0;
	[bflag:$0x0] =	sbarrier.arrive $0xFFFF  }
0x37: {  	[tilespmem:s2], [sflag:$0x3] =	stream.linear.gather [hbm4b:s5+s2], $0x1400, $0x38;
	[tilespmem:$0x1E080] =	vst v63  }
0x38: {  	_ =	swait.ge [sflag:s18], $0x1400  }
0x39: {  	[sflag:s18] =	ssyncset.done $0x0  }
0x3a: {  	[sflag:s18] =	ssyncadd.s32 $0xFFFFEC00  }
0x3b: {  	[tilespmem:s19], [sflag:$0x3] =	stream.linear.gather [hbm4b:s6+s2], $0x1400, $0x38;
	[tilespmem:$0x1E080] =	vst v63  }
0x3c: {  	_ =	swait.ge [sflag:s18], $0x1400  }
0x3d: {  	[sflag:s18] =	ssyncset.done $0x0  }
0x3e: {  	[sflag:s18] =	ssyncadd.s32 $0xFFFFEC00  }
0x3f: {  	[tilespmem:s17], [sflag:$0x1] =	stream.indirect.gather [hbm4b:s1+s20], $0x80, s2, s20, $0xb8;
	[tilespmem:$0x1E080] =	vst v63  }
0x40: {  	_ = 	snop  }
0x41: {  	[tilespmem:s22], [sflag:$0x2] =	stream.indirect.gather [hbm4b:s1+s20], $0x80, s21, s20, $0xb8;
	[tilespmem:$0x1E080] =	vst v63  }
0x42: {  	_ =	swait.ge [sflag:s23], $0x3E80  }
0x43: {  	[sflag:s23] =	ssyncset.done $0x0  }
0x44: {  	s31 =	simm.s32 $0x1400;
	[sflag:s23] =	ssyncadd.s32 $0xFFFFC180  }
0x45: {  	[spmem:s3] =	stream.indirect.scatter.add.f32 [tilespmem:s17], [sflag:$0x3], $0x80, s31, s20, $0xb8;
	[tilespmem:$0x1E080] =	vst v63  }
0x46: {  	_ =	swait.ge [sflag:s18], $0x3E80  }
0x47: {  	[sflag:s18] =	ssyncset.done $0x0  }
0x48: {  	s31 =	simm.s32 $0x100;
	[sflag:s18] =	ssyncadd.s32 $0xFFFFC180  }
0x49: {  	[tilespmem:s17], [sflag:$0x1] =	stream.indirect.gather [hbm4b:s1+s20], $0x80, s31, s20, $0xb8;
	[tilespmem:$0x1E080] =	vst v63  }
0x4a: {  	_ =	swait.ge [sflag:s24], $0x3E80  }
0x4b: {  	[sflag:s24] =	ssyncset.done $0x0  }
0x4c: {  	s31 =	simm.s32 $0x1480;
	[sflag:s24] =	ssyncadd.s32 $0xFFFFC180  }
0x4d: {  	[spmem:s3] =	stream.indirect.scatter.add.f32 [tilespmem:s22], [sflag:$0x3], $0x80, s31, s20, $0xb8;
	[tilespmem:$0x1E080] =	vst v63  }
0x4e: {  	_ =	swait.ge [sflag:s18], $0x3E80  }
0x4f: {  	[sflag:s18] =	ssyncset.done $0x0  }
0x50: {  	s29 =	simm.s32 $0x400;
	s30 =	simm.s32 $0x180;
	[sflag:s18] =	ssyncadd.s32 $0xFFFFC180  }
.LBB2_4:
0x51: {  	[tilespmem:s22], [sflag:$0x2] =	stream.indirect.gather [hbm4b:s1+s20], $0x80, s30, s20, $0xb8;
	[tilespmem:$0x1E080] =	vst v63  }
0x52: {  	s2 =	smov.u32 s29  }
0x53: {  	p0 =	sne.s32 s29, $0x4800;
	s29 =	sadd.s32 $0x400, s29;
	_ =	swait.ge [sflag:s23], $0x3E80  }
0x54: {  	s2 =	sshra.s32 s2, $0x2;
	[sflag:s23] =	ssyncset.done $0x0  }
0x55: {  	s30 =	sadd.s32 $0x1400, s2;
	[sflag:s23] =	ssyncadd.s32 $0xFFFFC180  }
0x56: {  	[spmem:s3] =	stream.indirect.scatter.add.f32 [tilespmem:s17], [sflag:$0x3], $0x80, s30, s20, $0xb8;
	[tilespmem:$0x1E080] =	vst v63  }
0x57: {  	_ =	swait.ge [sflag:s18], $0x3E80  }
0x58: {  	[sflag:s18] =	ssyncset.done $0x0  }
0x59: {  	s30 =	sadd.s32 $0x100, s2;
	[sflag:s18] =	ssyncadd.s32 $0xFFFFC180  }
0x5a: {  	[tilespmem:s17], [sflag:$0x1] =	stream.indirect.gather [hbm4b:s1+s20], $0x80, s30, s20, $0xb8;
	[tilespmem:$0x1E080] =	vst v63  }
0x5b: {  	_ =	swait.ge [sflag:s24], $0x3E80  }
0x5c: {  	[sflag:s24] =	ssyncset.done $0x0  }
.Ltmp1:
0x5d: {  	s30 =	sadd.s32 $0x1480, s2;
	[sflag:s24] =	ssyncadd.s32 $0xFFFFC180;
	(pc) =	sbr.rel @p0 .LBB2_4-.Ltmp1, $4  }
0x5e: {  	[spmem:s3] =	stream.indirect.scatter.add.f32 [tilespmem:s22], [sflag:$0x3], $0x80, s30, s20, $0xb8;
	[tilespmem:$0x1E080] =	vst v63  }
0x5f: {  	_ =	swait.ge [sflag:s18], $0x3E80  }
0x60: {  	[sflag:s18] =	ssyncset.done $0x0  }
0x61: {  	s30 =	sadd.s32 $0x180, s2;
	[sflag:s18] =	ssyncadd.s32 $0xFFFFC180  }
0x62: {  	[tilespmem:s22], [sflag:$0x2] =	stream.indirect.gather [hbm4b:s1+s20], $0x80, s30, s20, $0xb8;
	[tilespmem:$0x1E080] =	vst v63  }
0x63: {  	_ =	swait.ge [sflag:s23], $0x3E80  }
0x64: {  	[sflag:s23] =	ssyncset.done $0x0  }
0x65: {  	[sflag:s23] =	ssyncadd.s32 $0xFFFFC180  }
0x66: {  	[spmem:s3] =	stream.indirect.scatter.add.f32 [tilespmem:s17], [sflag:$0x3], $0x80, s25, s20, $0xb8;
	[tilespmem:$0x1E080] =	vst v63  }
0x67: {  	_ =	swait.ge [sflag:s18], $0x3E80  }
0x68: {  	[sflag:s18] =	ssyncset.done $0x0  }
0x69: {  	[sflag:s18] =	ssyncadd.s32 $0xFFFFC180  }
0x6a: {  	_ =	swait.ge [sflag:s24], $0x3E80  }
0x6b: {  	[sflag:s24] =	ssyncset.done $0x0  }
0x6c: {  	[sflag:s24] =	ssyncadd.s32 $0xFFFFC180  }
0x6d: {  	[spmem:s3] =	stream.indirect.scatter.add.f32 [tilespmem:s22], [sflag:$0x3], $0x80, s26, s20, $0xb8;
	[tilespmem:$0x1E080] =	vst v63  }
0x6e: {  	_ =	swait.ge [sflag:s18], $0x3E80  }
0x6f: {  	[sflag:s18] =	ssyncset.done $0x0  }
0x70: {  	s2 =	simm.s32 $0x0;
	[sflag:s18] =	ssyncadd.s32 $0xFFFFC180  }
0x71: {  	[tilespmem:s2], [sflag:$0x3] =	stream.linear.gather [hbm4b:s7+s2], $0x1400, $0x38;
	[tilespmem:$0x1E080] =	vst v63  }
0x72: {  	_ =	swait.ge [sflag:s18], $0x1400  }
0x73: {  	[sflag:s18] =	ssyncset.done $0x0  }
0x74: {  	[sflag:s18] =	ssyncadd.s32 $0xFFFFEC00  }
0x75: {  	[tilespmem:s19], [sflag:$0x3] =	stream.linear.gather [hbm4b:s8+s2], $0x1400, $0x38;
	[tilespmem:$0x1E080] =	vst v63  }
0x76: {  	_ =	swait.ge [sflag:s18], $0x1400  }
0x77: {  	[sflag:s18] =	ssyncset.done $0x0  }
0x78: {  	[sflag:s18] =	ssyncadd.s32 $0xFFFFEC00  }
0x79: {  	[tilespmem:s17], [sflag:$0x1] =	stream.indirect.gather [hbm4b:s1+s20], $0x80, s2, s20, $0xb8;
	[tilespmem:$0x1E080] =	vst v63  }
0x7a: {  	_ = 	snop  }
0x7b: {  	[tilespmem:s22], [sflag:$0x2] =	stream.indirect.gather [hbm4b:s1+s20], $0x80, s21, s20, $0xb8;
	[tilespmem:$0x1E080] =	vst v63  }
0x7c: {  	_ =	swait.ge [sflag:s23], $0x3E80  }
0x7d: {  	[sflag:s23] =	ssyncset.done $0x0  }
0x7e: {  	s31 =	simm.s32 $0x1400;
	[sflag:s23] =	ssyncadd.s32 $0xFFFFC180  }
0x7f: {  	[spmem:s3] =	stream.indirect.scatter.add.f32 [tilespmem:s17], [sflag:$0x3], $0x80, s31, s20, $0xb8;
	[tilespmem:$0x1E080] =	vst v63  }
0x80: {  	_ =	swait.ge [sflag:s18], $0x3E80  }
0x81: {  	[sflag:s18] =	ssyncset.done $0x0  }
0x82: {  	s31 =	simm.s32 $0x100;
	[sflag:s18] =	ssyncadd.s32 $0xFFFFC180  }
0x83: {  	[tilespmem:s17], [sflag:$0x1] =	stream.indirect.gather [hbm4b:s1+s20], $0x80, s31, s20, $0xb8;
	[tilespmem:$0x1E080] =	vst v63  }
0x84: {  	_ =	swait.ge [sflag:s24], $0x3E80  }
0x85: {  	[sflag:s24] =	ssyncset.done $0x0  }
0x86: {  	s31 =	simm.s32 $0x1480;
	[sflag:s24] =	ssyncadd.s32 $0xFFFFC180  }
0x87: {  	[spmem:s3] =	stream.indirect.scatter.add.f32 [tilespmem:s22], [sflag:$0x3], $0x80, s31, s20, $0xb8;
	[tilespmem:$0x1E080] =	vst v63  }
0x88: {  	_ =	swait.ge [sflag:s18], $0x3E80  }
0x89: {  	[sflag:s18] =	ssyncset.done $0x0  }
0x8a: {  	s29 =	simm.s32 $0x400;
	s30 =	simm.s32 $0x180;
	[sflag:s18] =	ssyncadd.s32 $0xFFFFC180  }
.LBB2_6:
0x8b: {  	[tilespmem:s22], [sflag:$0x2] =	stream.indirect.gather [hbm4b:s1+s20], $0x80, s30, s20, $0xb8;
	[tilespmem:$0x1E080] =	vst v63  }
0x8c: {  	s2 =	smov.u32 s29  }
0x8d: {  	p0 =	sne.s32 s29, $0x4800;
	s29 =	sadd.s32 $0x400, s29;
	_ =	swait.ge [sflag:s23], $0x3E80  }
0x8e: {  	s2 =	sshra.s32 s2, $0x2;
	[sflag:s23] =	ssyncset.done $0x0  }
0x8f: {  	s30 =	sadd.s32 $0x1400, s2;
	[sflag:s23] =	ssyncadd.s32 $0xFFFFC180  }
0x90: {  	[spmem:s3] =	stream.indirect.scatter.add.f32 [tilespmem:s17], [sflag:$0x3], $0x80, s30, s20, $0xb8;
	[tilespmem:$0x1E080] =	vst v63  }
0x91: {  	_ =	swait.ge [sflag:s18], $0x3E80  }
0x92: {  	[sflag:s18] =	ssyncset.done $0x0  }
0x93: {  	s30 =	sadd.s32 $0x100, s2;
	[sflag:s18] =	ssyncadd.s32 $0xFFFFC180  }
0x94: {  	[tilespmem:s17], [sflag:$0x1] =	stream.indirect.gather [hbm4b:s1+s20], $0x80, s30, s20, $0xb8;
	[tilespmem:$0x1E080] =	vst v63  }
0x95: {  	_ =	swait.ge [sflag:s24], $0x3E80  }
0x96: {  	[sflag:s24] =	ssyncset.done $0x0  }
.Ltmp2:
0x97: {  	s30 =	sadd.s32 $0x1480, s2;
	[sflag:s24] =	ssyncadd.s32 $0xFFFFC180;
	(pc) =	sbr.rel @p0 .LBB2_6-.Ltmp2, $4  }
0x98: {  	[spmem:s3] =	stream.indirect.scatter.add.f32 [tilespmem:s22], [sflag:$0x3], $0x80, s30, s20, $0xb8;
	[tilespmem:$0x1E080] =	vst v63  }
0x99: {  	_ =	swait.ge [sflag:s18], $0x3E80  }
0x9a: {  	[sflag:s18] =	ssyncset.done $0x0  }
0x9b: {  	s30 =	sadd.s32 $0x180, s2;
	[sflag:s18] =	ssyncadd.s32 $0xFFFFC180  }
0x9c: {  	[tilespmem:s22], [sflag:$0x2] =	stream.indirect.gather [hbm4b:s1+s20], $0x80, s30, s20, $0xb8;
	[tilespmem:$0x1E080] =	vst v63  }
0x9d: {  	_ =	swait.ge [sflag:s23], $0x3E80  }
0x9e: {  	[sflag:s23] =	ssyncset.done $0x0  }
0x9f: {  	[sflag:s23] =	ssyncadd.s32 $0xFFFFC180  }
0xa0: {  	[spmem:s3] =	stream.indirect.scatter.add.f32 [tilespmem:s17], [sflag:$0x3], $0x80, s25, s20, $0xb8;
	[tilespmem:$0x1E080] =	vst v63  }
0xa1: {  	_ =	swait.ge [sflag:s18], $0x3E80  }
0xa2: {  	[sflag:s18] =	ssyncset.done $0x0  }
0xa3: {  	[sflag:s18] =	ssyncadd.s32 $0xFFFFC180  }
0xa4: {  	_ =	swait.ge [sflag:s24], $0x3E80  }
0xa5: {  	[sflag:s24] =	ssyncset.done $0x0  }
0xa6: {  	[sflag:s24] =	ssyncadd.s32 $0xFFFFC180  }
0xa7: {  	[spmem:s3] =	stream.indirect.scatter.add.f32 [tilespmem:s22], [sflag:$0x3], $0x80, s26, s20, $0xb8;
	[tilespmem:$0x1E080] =	vst v63  }
0xa8: {  	_ =	swait.ge [sflag:s18], $0x3E80  }
0xa9: {  	s2 =	sshll.u32 s0, $0x6;
	s28 =	sadd.s32 $0x1, s28;
	[sflag:s18] =	ssyncset.done $0x0  }
0xaa: {  	s29 =	sshrl.u32 s9, $0x3;
	p0 =	sne.s32 s28, s11;
	[sflag:s18] =	ssyncadd.s32 $0xFFFFC180  }
.Ltmp3:
0xab: {  	s2 =	sor.u32 $0x1C03, s2;
	[bflag:$0x0] =	sbarrier.arrive $0xFFFF;
	(pc) =	sbr.rel @p0 .LBB2_1-.Ltmp3, $4  }
0xac: {  	[hbm:s10], [sflag:s2] =	dma.local [spmem:s29], $0x2800  }
0xad: {  	_ =	swait.ge [sflag:s18], $0x2800  }
0xae: {  	[sflag:s18] =	ssyncset.done $0x0  }
0xaf: {  	[sflag:s18] =	ssyncadd.s32 $0xFFFFD800  }
0xb0: {  	_ =	sfence.sel $0x180000  }
0xb1: {  	[bflag:$0x0] =	sbarrier.arrive $0xFFFF  }
0xb2: {  	_ =	strace $0x9000004A  }
0xb3: {  	[bflag:$0x2] =	sbarrier.arrive $0xFFFF  }
0xb4: {  	p0 =	sne.s32 s0, $0x0;
	s0 =	rddreg [dreg:$0x3]  }
0xb5: {  	s0 =	sadd.s32 @!p0 $0x100000, s0  }
0xb6: {  	[sflag:s0] =	ssyncadd.tile.s32 @!p0 $0x1;
	_ =	shalt  }
.Lfunc_end2:
_tile_overlayer_lowered:
.L_overlay_start_2:
0xb7: {  	(tag) =	ssettag $0x2  }
0xb8: {  	s0 =	rddreg [dreg:$0x0];
	s2 =	stileid.u32  }
0xb9: {  	s1 =	rddreg [dreg:$0x1];
	p0 =	sne.s32 s2, $0x0  }
0xba: {  	s3 =	rddreg [dreg:$0x2];
	[bflag:$0x3] =	sbarrier.arrive $0xFFFF;
	s2 =	simm.s32 @!p0 $0x1C03  }
0xbb: {  	[timem:s3], [sflag:s2] =	dma.local @!p0 [hbm:s0], s1  }
0xbc: {  	s0 =	simm.s32 @!p0 $0x3  }
0xbd: {  	_ =	swait.ge @!p0 [sflag:s0], s1  }
0xbe: {  	s1 =	ssub.s32 @!p0 $0x0, s1;
	[sflag:s0] =	ssyncset.done @!p0 $0x0  }
0xbf: {  	[sflag:s0] =	ssyncadd.s32 @!p0 s1  }
0xc0: {  	[bflag:$0x3] =	sbarrier.arrive $0xFFFF  }
0xc1: {  	_ =	shalt  }

// kernel: kernel.16.cloned.1.call-start
scs
__scs_entry_jumppad:
0x0: {  	(pc) =	sbr.rel $0x88, $3  }
0x1: {  	(tag) =	ssettag $0x0;
	lr =	simm.s32 $0x1  }
0x2: {  	[smem:$0x3F93] =	sst lr;
	_ =	strace $0xD0000000  }
0x3: {  	_ = 	snop  }
0x4: {  	_ = 	snop  }
0x5: {  	_ = 	snop  }
0x6: {  	_ = 	snop  }
0x7: {  	_ = 	snop  }
__scs_overlays_trampoline_lowered:
0x8: {  	[smem:$0x3FA2] =	sst s0  }
0x9: {  	[smem:$0x3FA3] =	sst s1  }
0xa: {  	[smem:$0x3FA4] =	sst s2  }
0xb: {  	[smem:$0x3FA5] =	sst s3  }
0xc: {  	[smem:$0x3FA6] =	sst s4  }
0xd: {  	[smem:$0x3FA7] =	sst s5  }
0xe: {  	[smem:$0x3FA8] =	sst s6  }
0xf: {  	[smem:$0x3FA9] =	sst s7  }
0x10: {  	[smem:$0x3FAA] =	sst s8  }
0x11: {  	[smem:$0x3FAB] =	sst s9;
	s0 =	simm.s32 @!p0 $0x0  }
0x12: {  	s1 =	sld [smem:$0x3F91];
	s0 =	simm.s32 @p0 $0x1  }
0x13: {  	[smem:$0x3FAC] =	sst s0;
	s0 =	simm.s32 @!p1 $0x0  }
0x14: {  	s2 =	sld [smem:$0x3F90];
	s0 =	simm.s32 @p1 $0x1  }
0x15: {  	[smem:$0x3FAD] =	sst s0;
	s0 =	simm.s32 @!p2 $0x0  }
0x16: {  	s3 =	sld [smem:$0x3FDB];
	s0 =	simm.s32 @p2 $0x1  }
0x17: {  	s4 =	simm.s32 $0x1BF5;
	[smem:$0x3FAF] =	sst s0  }
0x18: {  	s0 =	sld [smem:$0x3F92];
	_ =	swait.ge [sflag:s4], $0x0  }
0x19: {  	s7 =	sld [smem:$0x3F93]  }
0x1a: {  	s8 =	sadd.s32 $0xFFFFE003, lr  }
0x1b: {  	s9 =	sadd.s32 $0xFFFFFEF7, lr;
	s5 =	simm.s32 $0xFFFFFFFF;
	p2 =	slt.u32 s8, $0xFFFFF086  }
0x1c: {  	p1 =	slt.u32 s9, $0xF7A;
	s5 =	simm.s32 @!p2 $0x0  }
0x1d: {  	s5 =	simm.s32 @p1 $0x1;
	p0 =	seq.s32 s7, s2  }
0x1e: {  	s7 =	smul.u32 @!p0 $0xF7A, s2;
	p2 =	seq.s32 @!p0 s5, $0x0  }
0x1f: {  	s9 =	smul.u32 $0xF7A, s1;
	s8 =	simm.s32 @!p0 $0x1BF5;
	p2 =	por !p2, p0  }
0x20: {  	[sflag:s8] =	ssyncset.s32 @!p0 $0xFFFFF086;
	s6 =	sadd.s32 @!p0 s3, s7;
	s7 =	simm.s32 @!p0 $0x108  }
0x21: {  	s3 =	sadd.s32 s3, s9;
	s6 =	sadd.s32 @!p0 $0x88, s6;
	s7 =	simm.s32 @p2 $0x1082  }
0x22: {  	[simem:s7], [sflag:s8] =	dma.local @!p0 [hbm:s6], $0xF7A  }
0x23: {  	s9 =	sor.u32 $0xD0000000, s2;
	s6 =	simm.s32 $0x108;
	_ =	swait.ge @!p0 [sflag:s8], $0x0  }
0x24: {  	s3 =	sadd.s32 $0x88, s3;
	s6 =	simm.s32 @!p1 $0x1082;
	[sflag:s4] =	ssyncset.s32 $0xFFFFF086  }
0x25: {  	[simem:s6], [sflag:s4] =	dma.local [hbm:s3], $0xF7A  }
0x26: {  	[smem:$0x3F93] =	sst s1;
	(tag) =	ssettag s2;
	_ =	strace s9  }
0x27: {  	s1 =	sld [smem:$0x3FA3]  }
0x28: {  	s2 =	sld [smem:$0x3FA4]  }
0x29: {  	s4 =	sld [smem:$0x3FA6]  }
0x2a: {  	p0 =	seq.s32 s5, $0x0;
	s5 =	sld [smem:$0x3FA7]  }
0x2b: {  	s6 =	sld [smem:$0x3FA8]  }
0x2c: {  	s7 =	sld [smem:$0x3FA9]  }
0x2d: {  	s3 =	simm.s32 $0x108;
	s8 =	sld [smem:$0x3FAA]  }
0x2e: {  	s3 =	simm.s32 @!p0 $0x1082;
	s9 =	sld [smem:$0x3FAB]  }
0x2f: {  	lr =	sadd.s32 s0, s3;
	s0 =	sld [smem:$0x3FA2]  }
0x30: {  	s3 =	sld [smem:$0x3FA5]  }
0x31: {  	[smem:$0x3FAE] =	sst s10  }
0x32: {  	s10 =	sld [smem:$0x3FAC];
	_ =	sdelay $0x3  }
0x33: {  	p0 =	seq.s32 s10, $0x1;
	s10 =	sld [smem:$0x3FAE];
	_ =	sdelay $0x3  }
0x34: {  	[smem:$0x3FAE] =	sst s10  }
0x35: {  	s10 =	sld [smem:$0x3FAD];
	_ =	sdelay $0x3  }
0x36: {  	p1 =	seq.s32 s10, $0x1;
	s10 =	sld [smem:$0x3FAE];
	_ =	sdelay $0x3  }
0x37: {  	[smem:$0x3FAE] =	sst s10  }
0x38: {  	s10 =	sld [smem:$0x3FAF]  }
0x39: {  	_ = 	snop;
	(pc) =	sbr.ind lr, $3  }
0x3a: {  	_ = 	snop  }
0x3b: {  	_ = 	snop  }
0x3c: {  	p2 =	seq.s32 s10, $0x1;
	s10 =	sld [smem:$0x3FAE]  }
0x3d: {  	_ =	shalt  }
0x3e: {  	_ =	shalt  }
0x3f: {  	_ =	shalt  }
0x40: {  	_ =	shalt  }
0x41: {  	_ =	shalt  }
0x42: {  	_ =	shalt  }
0x43: {  	_ =	shalt  }
0x44: {  	_ =	shalt  }
0x45: {  	_ =	shalt  }
0x46: {  	_ =	shalt  }
0x47: {  	_ =	shalt  }
0x48: {  	_ =	shalt  }
0x49: {  	_ =	shalt  }
0x4a: {  	_ =	shalt  }
0x4b: {  	_ =	shalt  }
0x4c: {  	_ =	shalt  }
0x4d: {  	_ =	shalt  }
0x4e: {  	_ =	shalt  }
0x4f: {  	_ =	shalt  }
0x50: {  	_ =	shalt  }
0x51: {  	_ =	shalt  }
0x52: {  	_ =	shalt  }
0x53: {  	_ =	shalt  }
0x54: {  	_ =	shalt  }
0x55: {  	_ =	shalt  }
0x56: {  	_ =	shalt  }
0x57: {  	_ =	shalt  }
0x58: {  	_ =	shalt  }
0x59: {  	_ =	shalt  }
0x5a: {  	_ =	shalt  }
0x5b: {  	_ =	shalt  }
0x5c: {  	_ =	shalt  }
0x5d: {  	_ =	shalt  }
0x5e: {  	_ =	shalt  }
0x5f: {  	_ =	shalt  }
0x60: {  	_ =	shalt  }
0x61: {  	_ =	shalt  }
0x62: {  	_ =	shalt  }
0x63: {  	_ =	shalt  }
0x64: {  	_ =	shalt  }
0x65: {  	_ =	shalt  }
0x66: {  	_ =	shalt  }
0x67: {  	_ =	shalt  }
0x68: {  	_ =	shalt  }
0x69: {  	_ =	shalt  }
0x6a: {  	_ =	shalt  }
0x6b: {  	_ =	shalt  }
0x6c: {  	_ =	shalt  }
0x6d: {  	_ =	shalt  }
0x6e: {  	_ =	shalt  }
0x6f: {  	_ =	shalt  }
0x70: {  	_ =	shalt  }
0x71: {  	_ =	shalt  }
0x72: {  	_ =	shalt  }
0x73: {  	_ =	shalt  }
0x74: {  	_ =	shalt  }
0x75: {  	_ =	shalt  }
0x76: {  	_ =	shalt  }
0x77: {  	_ =	shalt  }
0x78: {  	_ =	shalt  }
0x79: {  	_ =	shalt  }
0x7a: {  	_ =	shalt  }
0x7b: {  	_ =	shalt  }
0x7c: {  	_ =	shalt  }
0x7d: {  	_ =	shalt  }
0x7e: {  	_ =	shalt  }
0x7f: {  	_ =	shalt  }
0x80: {  	_ =	shalt  }
0x81: {  	_ =	shalt  }
0x82: {  	_ =	shalt  }
0x83: {  	_ =	shalt  }
0x84: {  	_ =	shalt  }
0x85: {  	_ =	shalt  }
0x86: {  	_ =	shalt  }
0x87: {  	_ =	shalt  }
.Lfunc_end0:
.L_simem_size_0:
called_computation.2_lowered:
.L_overlay_start_0:
0x88: {  	s2 =	sld [smem:$0x3FD9]  }
0x89: {  	s3 =	sld [smem:$0x3FFE];
	_ =	sdelay $0x1  }
0x8a: {  	s1 =	srdreg.scid  }
0x8b: {  	s0 =	sand.u32 $0x1, s1  }
0x8c: {  	s17 =	sshll.u32 s0, $0xA;
	s2 =	sadd.s32 s3, s2  }
0x8d: {  	s2 =	sadd.s32 s2, s17  }
0x8e: {  	[smem:$0x3FBA] =	sst s2  }
0x8f: {  	_ = 	snop  }
0x90: {  	s2 =	sld [smem:$0x3FD0];
	(tm) =	ssettm $0x1  }
0x91: {  	s18 =	sld [smem:$0x3FFB];
	_ =	sdelay $0x3  }
0x92: {  	_ =	strace s18  }
0x93: {  	s3 =	sld [smem:$0x3FFC];
	_ =	sdelay $0x3  }
0x94: {  	_ =	strace s3  }
0x95: {  	s3 =	sld [smem:$0x3FFD];
	_ =	sdelay $0x3  }
0x96: {  	_ =	strace s3  }
0x97: {  	_ =	strace $0x8FFFFFFF  }
0x98: {  	s19 =	sld [smem:$0x3FDB];
	_ =	sdelay $0x1  }
0x99: {  	s4 =	simm.s32 $_scs_section_size  }
0x9a: {  	s5 =	simm.s32 $_size__tile_overlayer_lowered;
	s6 =	simm.s32 $_tile_overlayer_lowered  }
0x9b: {  	s22 =	simm.s32 $0x1BFF;
	s21 =	sshll.u32 s6, $0x1;
	s3 =	sadd.s32 s4, s19  }
0x9c: {  	s7 =	simm.s32 $0x0;
	s20 =	sshll.u32 s5, $0x1;
	s5 =	sadd.s32 s21, s3  }
0x9d: {  	[timem:s7], [sflag:s22] =	dma.local [hbm:s5], s20  }
0x9e: {  	_ =	swait.ge [sflag:s22], s20  }
0x9f: {  	s4 =	ssub.s32 $0x0, s20;
	[sflag:s22] =	ssyncset.done $0x0  }
0xa0: {  	[sflag:s22] =	ssyncadd.s32 s4;
	_ =	sdelay $0x1  }
0xa1: {  	s23 =	simm.s32 $0x1B8B  }
0xa2: {  	_ =	swait.ge [sflag:s23], $0x1  }
0xa3: {  	[sflag:s23] =	ssyncset.done $0x0  }
0xa4: {  	s25 =	simm.s32 $0x1B8E;
	s24 =	sld [smem:$0x3FFE];
	[sflag:s23] =	ssyncadd.s32 $0xFFFFFFFF  }
0xa5: {  	s26 =	simm.s32 $execute0_lowered;
	[smem:$0x3FD2] =	sst s25  }
0xa6: {  	s5 =	sshll.u32 s26, $0x1;
	_ =	strace $0x8000004C;
	[dreg:$0x1] =	wrdreg $0xFFFFFFFF  }
0xa7: {  	s28 =	simm.s32 $_size_execute0_lowered;
	s3 =	sadd.s32 s3, s5;
	[dreg:$0x0] =	wrdreg $0x0  }
0xa8: {  	s5 =	sshll.u32 s28, $0x1;
	[dreg:$0x2] =	wrdreg s3  }
0xa9: {  	[dreg:$0x3] =	wrdreg s5  }
0xaa: {  	[dreg:$0x4] =	wrdreg $0xC0  }
0xab: {  	_ =	task [dreg:s7], $0x5FFFF  }
0xac: {  	[dreg:$0x1] =	wrdreg $0xFFFFFFFF  }
0xad: {  	[dreg:$0x0] =	wrdreg $0x60  }
0xae: {  	[dreg:$0x2] =	wrdreg s2  }
0xaf: {  	[dreg:$0x3] =	wrdreg s24  }
0xb0: {  	[dreg:$0x4] =	wrdreg $0xA8000  }
0xb1: {  	[dreg:$0x5] =	wrdreg $0x9  }
0xb2: {  	_ =	task.clear_ibuf [dreg:s7], $0x6FFFF;
	_ =	strace $0x9000004C  }
0xb3: {  	s29 =	simm.s32 $0x9;
	_ =	strace $0x8000004E  }
0xb4: {  	_ =	swait.ge [sflag:s29], $0x1  }
0xb5: {  	[sflag:s29] =	ssyncadd.s32 $0xFFFFFFFF  }
0xb6: {  	_ =	strace $0x9000004E  }
0xb7: {  	_ =	sfence  }
0xb8: {  	s30 =	sld [smem:$0x0];
	_ =	sdelay $0x2  }
0xb9: {  	s31 =	sshll.u32 s1, $0xD;
	s1 =	sshrl.u32 s1, $0x2  }
0xba: {  	s3 =	sand.u32 $0x4000, s31;
	s1 =	sadd.s32 s1, s30  }
0xbb: {  	s0 =	sor.u32 s3, s0;
	s1 =	sshll.u32 s1, $0x11  }
0xbc: {  	s0 =	sor.u32 s1, s0  }
0xbd: {  	s0 =	sadd.s32 $0x8F2B, s0  }
0xbe: {  	[sflag:s0] =	ssyncadd.remote.s32 $0x1  }
0xbf: {  	_ =	sfence.sel $0xFFFF  }
0xc0: {  	[dreg:$0x0] =	wrdreg $0xFFFFFFFF;
	(pc) =	sbr.abs _section_cstart, $3  }
0xc1: {  	[dreg:$0x1] =	wrdreg $0xFFFFFFFF  }
0xc2: {  	_ =	task.clear_ibuf [dreg:s7], $0x2FFFF;
	_ =	strace $0x9FFFFFFF  }
0xc3: {  	(tm) =	ssettm $0x7FFFFFFF  }
tec
execute0_lowered:
.L_overlay_start_1:
0x0: {  	(tag) =	ssettag $0x1  }
0x1: {  	s1 =	rddreg [dreg:$0x0]  }
0x2: {  	s5 =	rddreg [dreg:$0x1]  }
0x3: {  	s0 =	srdreg.scid;
	s3 =	rddreg [dreg:$0x2]  }
0x4: {  	s4 =	simm.s32 $0x0;
	s17 =	simm.s32 $0x2800;
	s18 =	simm.s32 $0x3  }
0x5: {  	s19 =	simm.s32 $0x1400;
	s20 =	simm.s32 $0x7D;
	s21 =	simm.s32 $0x80  }
0x6: {  	s22 =	simm.s32 $0x6800;
	s23 =	simm.s32 $0x1;
	s6 =	sand.u32 $0x1, s0  }
0x7: {  	s24 =	simm.s32 $0x2;
	s0 =	stileid.u32;
	s7 =	smul.u32 $0x28000, s6  }
0x8: {  	s25 =	simm.s32 $0x2700;
	s26 =	simm.s32 $0x2780;
	s8 =	smul.u32 $0x2800, s0  }
0x9: {  	s28 =	simm.s32 $0x0;
	[smem:$0x7FF] =	sst s4;
	s9 =	smul.u32 $0x138800, s6  }
0xa: {  	s10 =	smul.u32 $0x13800, s0;
	_ =	strace $0x8000004D;
	s6 =	ssub.s32 $0x2, s6  }
0xb: {  	s11 =	smul.u32 $0x4E000, s0;
	s30 =	sshrl.u32 s6, $0x1;
	s7 =	sadd.s32 s8, s7  }
0xc: {  	s8 =	sshrl.u32 s8, $0x3;
	s9 =	sadd.s32 s10, s9;
	s13 =	ssub.s32 s6, s30  }
0xd: {  	s31 =	sshrl.u32 s11, $0x2;
	s7 =	sshrl.u32 s7, $0x3;
	s9 =	sshrl.u32 s9, $0x3  }
0xe: {  	s8 =	sadd.s32 s8, s5;
	s11 =	smax.u32 s13, $0x1;
	s7 =	sadd.s32 s7, s5  }
0xf: {  	s12 =	sadd.s32 s9, s5;
	s6 =	sadd.s32 $0x2800, s8;
	s8 =	sadd.s32 $0x2A80, s8  }
0x10: {  	s9 =	sadd.s32 s31, s3;
	s5 =	sadd.s32 $0x7800, s7;
	s7 =	sadd.s32 $0x7A80, s7  }
0x11: {  	s10 =	sadd.s32 $0x5FA00, s12;
	s12 =	sadd.s32 $0x3C00, s9;
	s13 =	sadd.s32 $0x7800, s9  }
0x12: {  	v0 =	vimm.f32 $0.0e+00;
	s14 =	sadd.s32 $0xB400, s9;
	s15 =	sadd.s32 $0xF000, s9;
	s16 =	sadd.s32 $0x10400, s9  }
.LBB2_1:
0x13: {  	s29 =	sand.u32 $0xFE00, s4  }
0x14: {  	s30 =	sand.u32 $0x70, s4;
	s31 =	sshrl.u32 s29, $0x2  }
0x15: {  	s29 =	simm.s32 $0x40;
	s31 =	sor.u32 s30, s31;
	s30 =	simm.s32 $0x0  }
.LBB2_2:
0x16: {  	p0 =	sne.s32 s29, $0xF9C0  }
0x17: {  	[tilespmem:s31+$0x2800] =	vst v0;
	s30 =	sadd.s32 $0x10, s30;
	s31 =	smov.u32 s29;
	s29 =	sadd.s32 $0x40, s29  }
.Ltmp0:
0x18: {  	(pc) =	sbr.rel @p0 .LBB2_2-.Ltmp0, $4  }
0x19: {  	_ = 	snop  }
0x1a: {  	s31 =	sand.u32 $0xFE00, s31  }
0x1b: {  	s2 =	sand.u32 $0x70, s30;
	s31 =	sshrl.u32 s31, $0x2  }
0x1c: {  	s31 =	sor.u32 s2, s31  }
0x1d: {  	[tilespmem:s31+$0x2800] =	vst v0  }
0x1e: {  	[spmem:s9] =	stream.linear.scatter [tilespmem:s17], [sflag:$0x3], $0x3C00, $0x38;
	[tilespmem:$0x1E080] =	vst v63  }
0x1f: {  	_ =	swait.ge [sflag:s18], $0x3C00  }
0x20: {  	[sflag:s18] =	ssyncset.done $0x0  }
0x21: {  	[sflag:s18] =	ssyncadd.s32 $0xFFFFC400  }
0x22: {  	[spmem:s12] =	stream.linear.scatter [tilespmem:s17], [sflag:$0x3], $0x3C00, $0x38;
	[tilespmem:$0x1E080] =	vst v63  }
0x23: {  	_ =	swait.ge [sflag:s18], $0x3C00  }
0x24: {  	[sflag:s18] =	ssyncset.done $0x0  }
0x25: {  	[sflag:s18] =	ssyncadd.s32 $0xFFFFC400  }
0x26: {  	[spmem:s13] =	stream.linear.scatter [tilespmem:s17], [sflag:$0x3], $0x3C00, $0x38;
	[tilespmem:$0x1E080] =	vst v63  }
0x27: {  	_ =	swait.ge [sflag:s18], $0x3C00  }
0x28: {  	[sflag:s18] =	ssyncset.done $0x0  }
0x29: {  	[sflag:s18] =	ssyncadd.s32 $0xFFFFC400  }
0x2a: {  	[spmem:s14] =	stream.linear.scatter [tilespmem:s17], [sflag:$0x3], $0x3C00, $0x38;
	[tilespmem:$0x1E080] =	vst v63  }
0x2b: {  	_ =	swait.ge [sflag:s18], $0x3C00  }
0x2c: {  	[sflag:s18] =	ssyncset.done $0x0  }
0x2d: {  	[sflag:s18] =	ssyncadd.s32 $0xFFFFC400  }
0x2e: {  	[spmem:s15] =	stream.linear.scatter [tilespmem:s17], [sflag:$0x3], $0x3C00, $0x38;
	[tilespmem:$0x1E080] =	vst v63  }
0x2f: {  	_ =	swait.ge [sflag:s18], $0x3C00  }
0x30: {  	[sflag:s18] =	ssyncset.done $0x0  }
0x31: {  	[sflag:s18] =	ssyncadd.s32 $0xFFFFC400  }
0x32: {  	[spmem:s16] =	stream.linear.scatter [tilespmem:s17], [sflag:$0x3], $0x3C00, $0x38;
	[tilespmem:$0x1E080] =	vst v63  }
0x33: {  	_ =	swait.ge [sflag:s18], $0x3C00  }
0x34: {  	[sflag:s18] =	ssyncset.done $0x0  }
0x35: {  	[sflag:s18] =	ssyncadd.s32 $0xFFFFC400  }
0x36: {  	s2 =	simm.s32 $0x0;
	[bflag:$0x0] =	sbarrier.arrive $0xFFFF  }
0x37: {  	[tilespmem:s2], [sflag:$0x3] =	stream.linear.gather [hbm4b:s5+s2], $0x1400, $0x38;
	[tilespmem:$0x1E080] =	vst v63  }
0x38: {  	_ =	swait.ge [sflag:s18], $0x1400  }
0x39: {  	[sflag:s18] =	ssyncset.done $0x0  }
0x3a: {  	[sflag:s18] =	ssyncadd.s32 $0xFFFFEC00  }
0x3b: {  	[tilespmem:s19], [sflag:$0x3] =	stream.linear.gather [hbm4b:s6+s2], $0x1400, $0x38;
	[tilespmem:$0x1E080] =	vst v63  }
0x3c: {  	_ =	swait.ge [sflag:s18], $0x1400  }
0x3d: {  	[sflag:s18] =	ssyncset.done $0x0  }
0x3e: {  	[sflag:s18] =	ssyncadd.s32 $0xFFFFEC00  }
0x3f: {  	[tilespmem:s17], [sflag:$0x1] =	stream.indirect.gather [hbm4b:s1+s20], $0x80, s2, s20, $0xb8;
	[tilespmem:$0x1E080] =	vst v63  }
0x40: {  	_ = 	snop  }
0x41: {  	[tilespmem:s22], [sflag:$0x2] =	stream.indirect.gather [hbm4b:s1+s20], $0x80, s21, s20, $0xb8;
	[tilespmem:$0x1E080] =	vst v63  }
0x42: {  	_ =	swait.ge [sflag:s23], $0x3E80  }
0x43: {  	[sflag:s23] =	ssyncset.done $0x0  }
0x44: {  	s31 =	simm.s32 $0x1400;
	[sflag:s23] =	ssyncadd.s32 $0xFFFFC180  }
0x45: {  	[spmem:s3] =	stream.indirect.scatter.add.f32 [tilespmem:s17], [sflag:$0x3], $0x80, s31, s20, $0xb8;
	[tilespmem:$0x1E080] =	vst v63  }
0x46: {  	_ =	swait.ge [sflag:s18], $0x3E80  }
0x47: {  	[sflag:s18] =	ssyncset.done $0x0  }
0x48: {  	s31 =	simm.s32 $0x100;
	[sflag:s18] =	ssyncadd.s32 $0xFFFFC180  }
0x49: {  	[tilespmem:s17], [sflag:$0x1] =	stream.indirect.gather [hbm4b:s1+s20], $0x80, s31, s20, $0xb8;
	[tilespmem:$0x1E080] =	vst v63  }
0x4a: {  	_ =	swait.ge [sflag:s24], $0x3E80  }
0x4b: {  	[sflag:s24] =	ssyncset.done $0x0  }
0x4c: {  	s31 =	simm.s32 $0x1480;
	[sflag:s24] =	ssyncadd.s32 $0xFFFFC180  }
0x4d: {  	[spmem:s3] =	stream.indirect.scatter.add.f32 [tilespmem:s22], [sflag:$0x3], $0x80, s31, s20, $0xb8;
	[tilespmem:$0x1E080] =	vst v63  }
0x4e: {  	_ =	swait.ge [sflag:s18], $0x3E80  }
0x4f: {  	[sflag:s18] =	ssyncset.done $0x0  }
0x50: {  	s29 =	simm.s32 $0x400;
	s30 =	simm.s32 $0x180;
	[sflag:s18] =	ssyncadd.s32 $0xFFFFC180  }
.LBB2_4:
0x51: {  	[tilespmem:s22], [sflag:$0x2] =	stream.indirect.gather [hbm4b:s1+s20], $0x80, s30, s20, $0xb8;
	[tilespmem:$0x1E080] =	vst v63  }
0x52: {  	s2 =	smov.u32 s29  }
0x53: {  	p0 =	sne.s32 s29, $0x4800;
	s29 =	sadd.s32 $0x400, s29;
	_ =	swait.ge [sflag:s23], $0x3E80  }
0x54: {  	s2 =	sshra.s32 s2, $0x2;
	[sflag:s23] =	ssyncset.done $0x0  }
0x55: {  	s30 =	sadd.s32 $0x1400, s2;
	[sflag:s23] =	ssyncadd.s32 $0xFFFFC180  }
0x56: {  	[spmem:s3] =	stream.indirect.scatter.add.f32 [tilespmem:s17], [sflag:$0x3], $0x80, s30, s20, $0xb8;
	[tilespmem:$0x1E080] =	vst v63  }
0x57: {  	_ =	swait.ge [sflag:s18], $0x3E80  }
0x58: {  	[sflag:s18] =	ssyncset.done $0x0  }
0x59: {  	s30 =	sadd.s32 $0x100, s2;
	[sflag:s18] =	ssyncadd.s32 $0xFFFFC180  }
0x5a: {  	[tilespmem:s17], [sflag:$0x1] =	stream.indirect.gather [hbm4b:s1+s20], $0x80, s30, s20, $0xb8;
	[tilespmem:$0x1E080] =	vst v63  }
0x5b: {  	_ =	swait.ge [sflag:s24], $0x3E80  }
0x5c: {  	[sflag:s24] =	ssyncset.done $0x0  }
.Ltmp1:
0x5d: {  	s30 =	sadd.s32 $0x1480, s2;
	[sflag:s24] =	ssyncadd.s32 $0xFFFFC180;
	(pc) =	sbr.rel @p0 .LBB2_4-.Ltmp1, $4  }
0x5e: {  	[spmem:s3] =	stream.indirect.scatter.add.f32 [tilespmem:s22], [sflag:$0x3], $0x80, s30, s20, $0xb8;
	[tilespmem:$0x1E080] =	vst v63  }
0x5f: {  	_ =	swait.ge [sflag:s18], $0x3E80  }
0x60: {  	[sflag:s18] =	ssyncset.done $0x0  }
0x61: {  	s30 =	sadd.s32 $0x180, s2;
	[sflag:s18] =	ssyncadd.s32 $0xFFFFC180  }
0x62: {  	[tilespmem:s22], [sflag:$0x2] =	stream.indirect.gather [hbm4b:s1+s20], $0x80, s30, s20, $0xb8;
	[tilespmem:$0x1E080] =	vst v63  }
0x63: {  	_ =	swait.ge [sflag:s23], $0x3E80  }
0x64: {  	[sflag:s23] =	ssyncset.done $0x0  }
0x65: {  	[sflag:s23] =	ssyncadd.s32 $0xFFFFC180  }
0x66: {  	[spmem:s3] =	stream.indirect.scatter.add.f32 [tilespmem:s17], [sflag:$0x3], $0x80, s25, s20, $0xb8;
	[tilespmem:$0x1E080] =	vst v63  }
0x67: {  	_ =	swait.ge [sflag:s18], $0x3E80  }
0x68: {  	[sflag:s18] =	ssyncset.done $0x0  }
0x69: {  	[sflag:s18] =	ssyncadd.s32 $0xFFFFC180  }
0x6a: {  	_ =	swait.ge [sflag:s24], $0x3E80  }
0x6b: {  	[sflag:s24] =	ssyncset.done $0x0  }
0x6c: {  	[sflag:s24] =	ssyncadd.s32 $0xFFFFC180  }
0x6d: {  	[spmem:s3] =	stream.indirect.scatter.add.f32 [tilespmem:s22], [sflag:$0x3], $0x80, s26, s20, $0xb8;
	[tilespmem:$0x1E080] =	vst v63  }
0x6e: {  	_ =	swait.ge [sflag:s18], $0x3E80  }
0x6f: {  	[sflag:s18] =	ssyncset.done $0x0  }
0x70: {  	s2 =	simm.s32 $0x0;
	[sflag:s18] =	ssyncadd.s32 $0xFFFFC180  }
0x71: {  	[tilespmem:s2], [sflag:$0x3] =	stream.linear.gather [hbm4b:s7+s2], $0x1400, $0x38;
	[tilespmem:$0x1E080] =	vst v63  }
0x72: {  	_ =	swait.ge [sflag:s18], $0x1400  }
0x73: {  	[sflag:s18] =	ssyncset.done $0x0  }
0x74: {  	[sflag:s18] =	ssyncadd.s32 $0xFFFFEC00  }
0x75: {  	[tilespmem:s19], [sflag:$0x3] =	stream.linear.gather [hbm4b:s8+s2], $0x1400, $0x38;
	[tilespmem:$0x1E080] =	vst v63  }
0x76: {  	_ =	swait.ge [sflag:s18], $0x1400  }
0x77: {  	[sflag:s18] =	ssyncset.done $0x0  }
0x78: {  	[sflag:s18] =	ssyncadd.s32 $0xFFFFEC00  }
0x79: {  	[tilespmem:s17], [sflag:$0x1] =	stream.indirect.gather [hbm4b:s1+s20], $0x80, s2, s20, $0xb8;
	[tilespmem:$0x1E080] =	vst v63  }
0x7a: {  	_ = 	snop  }
0x7b: {  	[tilespmem:s22], [sflag:$0x2] =	stream.indirect.gather [hbm4b:s1+s20], $0x80, s21, s20, $0xb8;
	[tilespmem:$0x1E080] =	vst v63  }
0x7c: {  	_ =	swait.ge [sflag:s23], $0x3E80  }
0x7d: {  	[sflag:s23] =	ssyncset.done $0x0  }
0x7e: {  	s31 =	simm.s32 $0x1400;
	[sflag:s23] =	ssyncadd.s32 $0xFFFFC180  }
0x7f: {  	[spmem:s3] =	stream.indirect.scatter.add.f32 [tilespmem:s17], [sflag:$0x3], $0x80, s31, s20, $0xb8;
	[tilespmem:$0x1E080] =	vst v63  }
0x80: {  	_ =	swait.ge [sflag:s18], $0x3E80  }
0x81: {  	[sflag:s18] =	ssyncset.done $0x0  }
0x82: {  	s31 =	simm.s32 $0x100;
	[sflag:s18] =	ssyncadd.s32 $0xFFFFC180  }
0x83: {  	[tilespmem:s17], [sflag:$0x1] =	stream.indirect.gather [hbm4b:s1+s20], $0x80, s31, s20, $0xb8;
	[tilespmem:$0x1E080] =	vst v63  }
0x84: {  	_ =	swait.ge [sflag:s24], $0x3E80  }
0x85: {  	[sflag:s24] =	ssyncset.done $0x0  }
0x86: {  	s31 =	simm.s32 $0x1480;
	[sflag:s24] =	ssyncadd.s32 $0xFFFFC180  }
0x87: {  	[spmem:s3] =	stream.indirect.scatter.add.f32 [tilespmem:s22], [sflag:$0x3], $0x80, s31, s20, $0xb8;
	[tilespmem:$0x1E080] =	vst v63  }
0x88: {  	_ =	swait.ge [sflag:s18], $0x3E80  }
0x89: {  	[sflag:s18] =	ssyncset.done $0x0  }
0x8a: {  	s29 =	simm.s32 $0x400;
	s30 =	simm.s32 $0x180;
	[sflag:s18] =	ssyncadd.s32 $0xFFFFC180  }
.LBB2_6:
0x8b: {  	[tilespmem:s22], [sflag:$0x2] =	stream.indirect.gather [hbm4b:s1+s20], $0x80, s30, s20, $0xb8;
	[tilespmem:$0x1E080] =	vst v63  }
0x8c: {  	s2 =	smov.u32 s29  }
0x8d: {  	p0 =	sne.s32 s29, $0x4800;
	s29 =	sadd.s32 $0x400, s29;
	_ =	swait.ge [sflag:s23], $0x3E80  }
0x8e: {  	s2 =	sshra.s32 s2, $0x2;
	[sflag:s23] =	ssyncset.done $0x0  }
0x8f: {  	s30 =	sadd.s32 $0x1400, s2;
	[sflag:s23] =	ssyncadd.s32 $0xFFFFC180  }
0x90: {  	[spmem:s3] =	stream.indirect.scatter.add.f32 [tilespmem:s17], [sflag:$0x3], $0x80, s30, s20, $0xb8;
	[tilespmem:$0x1E080] =	vst v63  }
0x91: {  	_ =	swait.ge [sflag:s18], $0x3E80  }
0x92: {  	[sflag:s18] =	ssyncset.done $0x0  }
0x93: {  	s30 =	sadd.s32 $0x100, s2;
	[sflag:s18] =	ssyncadd.s32 $0xFFFFC180  }
0x94: {  	[tilespmem:s17], [sflag:$0x1] =	stream.indirect.gather [hbm4b:s1+s20], $0x80, s30, s20, $0xb8;
	[tilespmem:$0x1E080] =	vst v63  }
0x95: {  	_ =	swait.ge [sflag:s24], $0x3E80  }
0x96: {  	[sflag:s24] =	ssyncset.done $0x0  }
.Ltmp2:
0x97: {  	s30 =	sadd.s32 $0x1480, s2;
	[sflag:s24] =	ssyncadd.s32 $0xFFFFC180;
	(pc) =	sbr.rel @p0 .LBB2_6-.Ltmp2, $4  }
0x98: {  	[spmem:s3] =	stream.indirect.scatter.add.f32 [tilespmem:s22], [sflag:$0x3], $0x80, s30, s20, $0xb8;
	[tilespmem:$0x1E080] =	vst v63  }
0x99: {  	_ =	swait.ge [sflag:s18], $0x3E80  }
0x9a: {  	[sflag:s18] =	ssyncset.done $0x0  }
0x9b: {  	s30 =	sadd.s32 $0x180, s2;
	[sflag:s18] =	ssyncadd.s32 $0xFFFFC180  }
0x9c: {  	[tilespmem:s22], [sflag:$0x2] =	stream.indirect.gather [hbm4b:s1+s20], $0x80, s30, s20, $0xb8;
	[tilespmem:$0x1E080] =	vst v63  }
0x9d: {  	_ =	swait.ge [sflag:s23], $0x3E80  }
0x9e: {  	[sflag:s23] =	ssyncset.done $0x0  }
0x9f: {  	[sflag:s23] =	ssyncadd.s32 $0xFFFFC180  }
0xa0: {  	[spmem:s3] =	stream.indirect.scatter.add.f32 [tilespmem:s17], [sflag:$0x3], $0x80, s25, s20, $0xb8;
	[tilespmem:$0x1E080] =	vst v63  }
0xa1: {  	_ =	swait.ge [sflag:s18], $0x3E80  }
0xa2: {  	[sflag:s18] =	ssyncset.done $0x0  }
0xa3: {  	[sflag:s18] =	ssyncadd.s32 $0xFFFFC180  }
0xa4: {  	_ =	swait.ge [sflag:s24], $0x3E80  }
0xa5: {  	[sflag:s24] =	ssyncset.done $0x0  }
0xa6: {  	[sflag:s24] =	ssyncadd.s32 $0xFFFFC180  }
0xa7: {  	[spmem:s3] =	stream.indirect.scatter.add.f32 [tilespmem:s22], [sflag:$0x3], $0x80, s26, s20, $0xb8;
	[tilespmem:$0x1E080] =	vst v63  }
0xa8: {  	_ =	swait.ge [sflag:s18], $0x3E80  }
0xa9: {  	s2 =	sshll.u32 s0, $0x6;
	s28 =	sadd.s32 $0x1, s28;
	[sflag:s18] =	ssyncset.done $0x0  }
0xaa: {  	s29 =	sshrl.u32 s9, $0x3;
	p0 =	sne.s32 s28, s11;
	[sflag:s18] =	ssyncadd.s32 $0xFFFFC180  }
.Ltmp3:
0xab: {  	s2 =	sor.u32 $0x1C03, s2;
	[bflag:$0x0] =	sbarrier.arrive $0xFFFF;
	(pc) =	sbr.rel @p0 .LBB2_1-.Ltmp3, $4  }
0xac: {  	[hbm:s10], [sflag:s2] =	dma.local [spmem:s29], $0x2800  }
0xad: {  	_ =	swait.ge [sflag:s18], $0x2800  }
0xae: {  	[sflag:s18] =	ssyncset.done $0x0  }
0xaf: {  	[sflag:s18] =	ssyncadd.s32 $0xFFFFD800  }
0xb0: {  	_ =	sfence.sel $0x180000  }
0xb1: {  	[bflag:$0x0] =	sbarrier.arrive $0xFFFF  }
0xb2: {  	_ =	strace $0x9000004D  }
0xb3: {  	[bflag:$0x2] =	sbarrier.arrive $0xFFFF  }
0xb4: {  	p0 =	sne.s32 s0, $0x0;
	s0 =	rddreg [dreg:$0x3]  }
0xb5: {  	s0 =	sadd.s32 @!p0 $0x100000, s0  }
0xb6: {  	[sflag:s0] =	ssyncadd.tile.s32 @!p0 $0x1;
	_ =	shalt  }
.Lfunc_end2:
_tile_overlayer_lowered:
.L_overlay_start_2:
0xb7: {  	(tag) =	ssettag $0x2  }
0xb8: {  	s0 =	rddreg [dreg:$0x0];
	s2 =	stileid.u32  }
0xb9: {  	s1 =	rddreg [dreg:$0x1];
	p0 =	sne.s32 s2, $0x0  }
0xba: {  	s3 =	rddreg [dreg:$0x2];
	[bflag:$0x3] =	sbarrier.arrive $0xFFFF;
	s2 =	simm.s32 @!p0 $0x1C03  }
0xbb: {  	[timem:s3], [sflag:s2] =	dma.local @!p0 [hbm:s0], s1  }
0xbc: {  	s0 =	simm.s32 @!p0 $0x3  }
0xbd: {  	_ =	swait.ge @!p0 [sflag:s0], s1  }
0xbe: {  	s1 =	ssub.s32 @!p0 $0x0, s1;
	[sflag:s0] =	ssyncset.done @!p0 $0x0  }
0xbf: {  	[sflag:s0] =	ssyncadd.s32 @!p0 s1  }
0xc0: {  	[bflag:$0x3] =	sbarrier.arrive $0xFFFF  }
0xc1: {  	_ =	shalt  }

// kernel: kernel.19.cloned.1.call-start
scs
__scs_entry_jumppad:
0x0: {  	(pc) =	sbr.rel $0x88, $3  }
0x1: {  	(tag) =	ssettag $0x0;
	lr =	simm.s32 $0x1  }
0x2: {  	[smem:$0x3F93] =	sst lr;
	_ =	strace $0xD0000000  }
0x3: {  	_ = 	snop  }
0x4: {  	_ = 	snop  }
0x5: {  	_ = 	snop  }
0x6: {  	_ = 	snop  }
0x7: {  	_ = 	snop  }
__scs_overlays_trampoline_lowered:
0x8: {  	[smem:$0x3FA2] =	sst s0  }
0x9: {  	[smem:$0x3FA3] =	sst s1  }
0xa: {  	[smem:$0x3FA4] =	sst s2  }
0xb: {  	[smem:$0x3FA5] =	sst s3  }
0xc: {  	[smem:$0x3FA6] =	sst s4  }
0xd: {  	[smem:$0x3FA7] =	sst s5  }
0xe: {  	[smem:$0x3FA8] =	sst s6  }
0xf: {  	[smem:$0x3FA9] =	sst s7  }
0x10: {  	[smem:$0x3FAA] =	sst s8  }
0x11: {  	[smem:$0x3FAB] =	sst s9;
	s0 =	simm.s32 @!p0 $0x0  }
0x12: {  	s1 =	sld [smem:$0x3F91];
	s0 =	simm.s32 @p0 $0x1  }
0x13: {  	[smem:$0x3FAC] =	sst s0;
	s0 =	simm.s32 @!p1 $0x0  }
0x14: {  	s2 =	sld [smem:$0x3F90];
	s0 =	simm.s32 @p1 $0x1  }
0x15: {  	[smem:$0x3FAD] =	sst s0;
	s0 =	simm.s32 @!p2 $0x0  }
0x16: {  	s3 =	sld [smem:$0x3FDB];
	s0 =	simm.s32 @p2 $0x1  }
0x17: {  	s4 =	simm.s32 $0x1BF5;
	[smem:$0x3FAF] =	sst s0  }
0x18: {  	s0 =	sld [smem:$0x3F92];
	_ =	swait.ge [sflag:s4], $0x0  }
0x19: {  	s7 =	sld [smem:$0x3F93]  }
0x1a: {  	s8 =	sadd.s32 $0xFFFFE003, lr  }
0x1b: {  	s9 =	sadd.s32 $0xFFFFFEF7, lr;
	s5 =	simm.s32 $0xFFFFFFFF;
	p2 =	slt.u32 s8, $0xFFFFF086  }
0x1c: {  	p1 =	slt.u32 s9, $0xF7A;
	s5 =	simm.s32 @!p2 $0x0  }
0x1d: {  	s5 =	simm.s32 @p1 $0x1;
	p0 =	seq.s32 s7, s2  }
0x1e: {  	s7 =	smul.u32 @!p0 $0xF7A, s2;
	p2 =	seq.s32 @!p0 s5, $0x0  }
0x1f: {  	s9 =	smul.u32 $0xF7A, s1;
	s8 =	simm.s32 @!p0 $0x1BF5;
	p2 =	por !p2, p0  }
0x20: {  	[sflag:s8] =	ssyncset.s32 @!p0 $0xFFFFF086;
	s6 =	sadd.s32 @!p0 s3, s7;
	s7 =	simm.s32 @!p0 $0x108  }
0x21: {  	s3 =	sadd.s32 s3, s9;
	s6 =	sadd.s32 @!p0 $0x88, s6;
	s7 =	simm.s32 @p2 $0x1082  }
0x22: {  	[simem:s7], [sflag:s8] =	dma.local @!p0 [hbm:s6], $0xF7A  }
0x23: {  	s9 =	sor.u32 $0xD0000000, s2;
	s6 =	simm.s32 $0x108;
	_ =	swait.ge @!p0 [sflag:s8], $0x0  }
0x24: {  	s3 =	sadd.s32 $0x88, s3;
	s6 =	simm.s32 @!p1 $0x1082;
	[sflag:s4] =	ssyncset.s32 $0xFFFFF086  }
0x25: {  	[simem:s6], [sflag:s4] =	dma.local [hbm:s3], $0xF7A  }
0x26: {  	[smem:$0x3F93] =	sst s1;
	(tag) =	ssettag s2;
	_ =	strace s9  }
0x27: {  	s1 =	sld [smem:$0x3FA3]  }
0x28: {  	s2 =	sld [smem:$0x3FA4]  }
0x29: {  	s4 =	sld [smem:$0x3FA6]  }
0x2a: {  	p0 =	seq.s32 s5, $0x0;
	s5 =	sld [smem:$0x3FA7]  }
0x2b: {  	s6 =	sld [smem:$0x3FA8]  }
0x2c: {  	s7 =	sld [smem:$0x3FA9]  }
0x2d: {  	s3 =	simm.s32 $0x108;
	s8 =	sld [smem:$0x3FAA]  }
0x2e: {  	s3 =	simm.s32 @!p0 $0x1082;
	s9 =	sld [smem:$0x3FAB]  }
0x2f: {  	lr =	sadd.s32 s0, s3;
	s0 =	sld [smem:$0x3FA2]  }
0x30: {  	s3 =	sld [smem:$0x3FA5]  }
0x31: {  	[smem:$0x3FAE] =	sst s10  }
0x32: {  	s10 =	sld [smem:$0x3FAC];
	_ =	sdelay $0x3  }
0x33: {  	p0 =	seq.s32 s10, $0x1;
	s10 =	sld [smem:$0x3FAE];
	_ =	sdelay $0x3  }
0x34: {  	[smem:$0x3FAE] =	sst s10  }
0x35: {  	s10 =	sld [smem:$0x3FAD];
	_ =	sdelay $0x3  }
0x36: {  	p1 =	seq.s32 s10, $0x1;
	s10 =	sld [smem:$0x3FAE];
	_ =	sdelay $0x3  }
0x37: {  	[smem:$0x3FAE] =	sst s10  }
0x38: {  	s10 =	sld [smem:$0x3FAF]  }
0x39: {  	_ = 	snop;
	(pc) =	sbr.ind lr, $3  }
0x3a: {  	_ = 	snop  }
0x3b: {  	_ = 	snop  }
0x3c: {  	p2 =	seq.s32 s10, $0x1;
	s10 =	sld [smem:$0x3FAE]  }
0x3d: {  	_ =	shalt  }
0x3e: {  	_ =	shalt  }
0x3f: {  	_ =	shalt  }
0x40: {  	_ =	shalt  }
0x41: {  	_ =	shalt  }
0x42: {  	_ =	shalt  }
0x43: {  	_ =	shalt  }
0x44: {  	_ =	shalt  }
0x45: {  	_ =	shalt  }
0x46: {  	_ =	shalt  }
0x47: {  	_ =	shalt  }
0x48: {  	_ =	shalt  }
0x49: {  	_ =	shalt  }
0x4a: {  	_ =	shalt  }
0x4b: {  	_ =	shalt  }
0x4c: {  	_ =	shalt  }
0x4d: {  	_ =	shalt  }
0x4e: {  	_ =	shalt  }
0x4f: {  	_ =	shalt  }
0x50: {  	_ =	shalt  }
0x51: {  	_ =	shalt  }
0x52: {  	_ =	shalt  }
0x53: {  	_ =	shalt  }
0x54: {  	_ =	shalt  }
0x55: {  	_ =	shalt  }
0x56: {  	_ =	shalt  }
0x57: {  	_ =	shalt  }
0x58: {  	_ =	shalt  }
0x59: {  	_ =	shalt  }
0x5a: {  	_ =	shalt  }
0x5b: {  	_ =	shalt  }
0x5c: {  	_ =	shalt  }
0x5d: {  	_ =	shalt  }
0x5e: {  	_ =	shalt  }
0x5f: {  	_ =	shalt  }
0x60: {  	_ =	shalt  }
0x61: {  	_ =	shalt  }
0x62: {  	_ =	shalt  }
0x63: {  	_ =	shalt  }
0x64: {  	_ =	shalt  }
0x65: {  	_ =	shalt  }
0x66: {  	_ =	shalt  }
0x67: {  	_ =	shalt  }
0x68: {  	_ =	shalt  }
0x69: {  	_ =	shalt  }
0x6a: {  	_ =	shalt  }
0x6b: {  	_ =	shalt  }
0x6c: {  	_ =	shalt  }
0x6d: {  	_ =	shalt  }
0x6e: {  	_ =	shalt  }
0x6f: {  	_ =	shalt  }
0x70: {  	_ =	shalt  }
0x71: {  	_ =	shalt  }
0x72: {  	_ =	shalt  }
0x73: {  	_ =	shalt  }
0x74: {  	_ =	shalt  }
0x75: {  	_ =	shalt  }
0x76: {  	_ =	shalt  }
0x77: {  	_ =	shalt  }
0x78: {  	_ =	shalt  }
0x79: {  	_ =	shalt  }
0x7a: {  	_ =	shalt  }
0x7b: {  	_ =	shalt  }
0x7c: {  	_ =	shalt  }
0x7d: {  	_ =	shalt  }
0x7e: {  	_ =	shalt  }
0x7f: {  	_ =	shalt  }
0x80: {  	_ =	shalt  }
0x81: {  	_ =	shalt  }
0x82: {  	_ =	shalt  }
0x83: {  	_ =	shalt  }
0x84: {  	_ =	shalt  }
0x85: {  	_ =	shalt  }
0x86: {  	_ =	shalt  }
0x87: {  	_ =	shalt  }
.Lfunc_end0:
.L_simem_size_0:
called_computation.3_lowered:
.L_overlay_start_0:
0x88: {  	s2 =	sld [smem:$0x3FD9]  }
0x89: {  	s3 =	sld [smem:$0x3FFE];
	_ =	sdelay $0x1  }
0x8a: {  	s1 =	srdreg.scid  }
0x8b: {  	s0 =	sand.u32 $0x1, s1  }
0x8c: {  	s17 =	sshll.u32 s0, $0xA;
	s2 =	sadd.s32 s3, s2  }
0x8d: {  	s2 =	sadd.s32 s2, s17  }
0x8e: {  	[smem:$0x3FBA] =	sst s2  }
0x8f: {  	_ = 	snop  }
0x90: {  	s2 =	sld [smem:$0x3FD0];
	(tm) =	ssettm $0x1  }
0x91: {  	s18 =	sld [smem:$0x3FFB];
	_ =	sdelay $0x3  }
0x92: {  	_ =	strace s18  }
0x93: {  	s3 =	sld [smem:$0x3FFC];
	_ =	sdelay $0x3  }
0x94: {  	_ =	strace s3  }
0x95: {  	s3 =	sld [smem:$0x3FFD];
	_ =	sdelay $0x3  }
0x96: {  	_ =	strace s3  }
0x97: {  	_ =	strace $0x8FFFFFFF  }
0x98: {  	s19 =	sld [smem:$0x3FDB];
	_ =	sdelay $0x1  }
0x99: {  	s4 =	simm.s32 $_scs_section_size  }
0x9a: {  	s5 =	simm.s32 $_size__tile_overlayer_lowered;
	s6 =	simm.s32 $_tile_overlayer_lowered  }
0x9b: {  	s22 =	simm.s32 $0x1BFF;
	s21 =	sshll.u32 s6, $0x1;
	s3 =	sadd.s32 s4, s19  }
0x9c: {  	s7 =	simm.s32 $0x0;
	s20 =	sshll.u32 s5, $0x1;
	s5 =	sadd.s32 s21, s3  }
0x9d: {  	[timem:s7], [sflag:s22] =	dma.local [hbm:s5], s20  }
0x9e: {  	_ =	swait.ge [sflag:s22], s20  }
0x9f: {  	s4 =	ssub.s32 $0x0, s20;
	[sflag:s22] =	ssyncset.done $0x0  }
0xa0: {  	[sflag:s22] =	ssyncadd.s32 s4;
	_ =	sdelay $0x1  }
0xa1: {  	s23 =	simm.s32 $0x1B8B  }
0xa2: {  	_ =	swait.ge [sflag:s23], $0x1  }
0xa3: {  	[sflag:s23] =	ssyncset.done $0x0  }
0xa4: {  	s25 =	simm.s32 $0x1B8E;
	s24 =	sld [smem:$0x3FFE];
	[sflag:s23] =	ssyncadd.s32 $0xFFFFFFFF  }
0xa5: {  	s26 =	simm.s32 $execute0_lowered;
	[smem:$0x3FD2] =	sst s25  }
0xa6: {  	s5 =	sshll.u32 s26, $0x1;
	_ =	strace $0x8000004F;
	[dreg:$0x1] =	wrdreg $0xFFFFFFFF  }
0xa7: {  	s28 =	simm.s32 $_size_execute0_lowered;
	s3 =	sadd.s32 s3, s5;
	[dreg:$0x0] =	wrdreg $0x0  }
0xa8: {  	s5 =	sshll.u32 s28, $0x1;
	[dreg:$0x2] =	wrdreg s3  }
0xa9: {  	[dreg:$0x3] =	wrdreg s5  }
0xaa: {  	[dreg:$0x4] =	wrdreg $0xC0  }
0xab: {  	_ =	task [dreg:s7], $0x5FFFF  }
0xac: {  	[dreg:$0x1] =	wrdreg $0xFFFFFFFF  }
0xad: {  	[dreg:$0x0] =	wrdreg $0x60  }
0xae: {  	[dreg:$0x2] =	wrdreg s2  }
0xaf: {  	[dreg:$0x3] =	wrdreg s24  }
0xb0: {  	[dreg:$0x4] =	wrdreg $0xA8000  }
0xb1: {  	[dreg:$0x5] =	wrdreg $0x9  }
0xb2: {  	_ =	task.clear_ibuf [dreg:s7], $0x6FFFF;
	_ =	strace $0x9000004F  }
0xb3: {  	s29 =	simm.s32 $0x9;
	_ =	strace $0x80000051  }
0xb4: {  	_ =	swait.ge [sflag:s29], $0x1  }
0xb5: {  	[sflag:s29] =	ssyncadd.s32 $0xFFFFFFFF  }
0xb6: {  	_ =	strace $0x90000051  }
0xb7: {  	_ =	sfence  }
0xb8: {  	s30 =	sld [smem:$0x0];
	_ =	sdelay $0x2  }
0xb9: {  	s31 =	sshll.u32 s1, $0xD;
	s1 =	sshrl.u32 s1, $0x2  }
0xba: {  	s3 =	sand.u32 $0x4000, s31;
	s1 =	sadd.s32 s1, s30  }
0xbb: {  	s0 =	sor.u32 s3, s0;
	s1 =	sshll.u32 s1, $0x11  }
0xbc: {  	s0 =	sor.u32 s1, s0  }
0xbd: {  	s0 =	sadd.s32 $0x8F2B, s0  }
0xbe: {  	[sflag:s0] =	ssyncadd.remote.s32 $0x1  }
0xbf: {  	_ =	sfence.sel $0xFFFF  }
0xc0: {  	[dreg:$0x0] =	wrdreg $0xFFFFFFFF;
	(pc) =	sbr.abs _section_cstart, $3  }
0xc1: {  	[dreg:$0x1] =	wrdreg $0xFFFFFFFF  }
0xc2: {  	_ =	task.clear_ibuf [dreg:s7], $0x2FFFF;
	_ =	strace $0x9FFFFFFF  }
0xc3: {  	(tm) =	ssettm $0x7FFFFFFF  }
tec
execute0_lowered:
.L_overlay_start_1:
0x0: {  	(tag) =	ssettag $0x1  }
0x1: {  	s1 =	rddreg [dreg:$0x0]  }
0x2: {  	s5 =	rddreg [dreg:$0x1]  }
0x3: {  	s0 =	srdreg.scid;
	s3 =	rddreg [dreg:$0x2]  }
0x4: {  	s4 =	simm.s32 $0x0;
	s17 =	simm.s32 $0x2800;
	s18 =	simm.s32 $0x3  }
0x5: {  	s19 =	simm.s32 $0x1400;
	s20 =	simm.s32 $0x7D;
	s21 =	simm.s32 $0x80  }
0x6: {  	s22 =	simm.s32 $0x6800;
	s23 =	simm.s32 $0x1;
	s6 =	sand.u32 $0x1, s0  }
0x7: {  	s24 =	simm.s32 $0x2;
	s0 =	stileid.u32;
	s7 =	smul.u32 $0x28000, s6  }
0x8: {  	s25 =	simm.s32 $0x2700;
	s26 =	simm.s32 $0x2780;
	s8 =	smul.u32 $0x2800, s0  }
0x9: {  	s28 =	simm.s32 $0x0;
	[smem:$0x7FF] =	sst s4;
	s9 =	smul.u32 $0x138800, s6  }
0xa: {  	s10 =	smul.u32 $0x13800, s0;
	_ =	strace $0x80000050;
	s6 =	ssub.s32 $0x2, s6  }
0xb: {  	s11 =	smul.u32 $0x4E000, s0;
	s30 =	sshrl.u32 s6, $0x1;
	s7 =	sadd.s32 s8, s7  }
0xc: {  	s8 =	sshrl.u32 s8, $0x3;
	s9 =	sadd.s32 s10, s9;
	s13 =	ssub.s32 s6, s30  }
0xd: {  	s31 =	sshrl.u32 s11, $0x2;
	s7 =	sshrl.u32 s7, $0x3;
	s9 =	sshrl.u32 s9, $0x3  }
0xe: {  	s8 =	sadd.s32 s8, s5;
	s11 =	smax.u32 s13, $0x1;
	s7 =	sadd.s32 s7, s5  }
0xf: {  	s12 =	sadd.s32 s9, s5;
	s6 =	sadd.s32 $0x2800, s8;
	s8 =	sadd.s32 $0x2A80, s8  }
0x10: {  	s9 =	sadd.s32 s31, s3;
	s5 =	sadd.s32 $0x7800, s7;
	s7 =	sadd.s32 $0x7A80, s7  }
0x11: {  	s10 =	sadd.s32 $0x11800, s12;
	s12 =	sadd.s32 $0x3C00, s9;
	s13 =	sadd.s32 $0x7800, s9  }
0x12: {  	v0 =	vimm.f32 $0.0e+00;
	s14 =	sadd.s32 $0xB400, s9;
	s15 =	sadd.s32 $0xF000, s9;
	s16 =	sadd.s32 $0x10400, s9  }
.LBB2_1:
0x13: {  	s29 =	sand.u32 $0xFE00, s4  }
0x14: {  	s30 =	sand.u32 $0x70, s4;
	s31 =	sshrl.u32 s29, $0x2  }
0x15: {  	s29 =	simm.s32 $0x40;
	s31 =	sor.u32 s30, s31;
	s30 =	simm.s32 $0x0  }
.LBB2_2:
0x16: {  	p0 =	sne.s32 s29, $0xF9C0  }
0x17: {  	[tilespmem:s31+$0x2800] =	vst v0;
	s30 =	sadd.s32 $0x10, s30;
	s31 =	smov.u32 s29;
	s29 =	sadd.s32 $0x40, s29  }
.Ltmp0:
0x18: {  	(pc) =	sbr.rel @p0 .LBB2_2-.Ltmp0, $4  }
0x19: {  	_ = 	snop  }
0x1a: {  	s31 =	sand.u32 $0xFE00, s31  }
0x1b: {  	s2 =	sand.u32 $0x70, s30;
	s31 =	sshrl.u32 s31, $0x2  }
0x1c: {  	s31 =	sor.u32 s2, s31  }
0x1d: {  	[tilespmem:s31+$0x2800] =	vst v0  }
0x1e: {  	[spmem:s9] =	stream.linear.scatter [tilespmem:s17], [sflag:$0x3], $0x3C00, $0x38;
	[tilespmem:$0x1E080] =	vst v63  }
0x1f: {  	_ =	swait.ge [sflag:s18], $0x3C00  }
0x20: {  	[sflag:s18] =	ssyncset.done $0x0  }
0x21: {  	[sflag:s18] =	ssyncadd.s32 $0xFFFFC400  }
0x22: {  	[spmem:s12] =	stream.linear.scatter [tilespmem:s17], [sflag:$0x3], $0x3C00, $0x38;
	[tilespmem:$0x1E080] =	vst v63  }
0x23: {  	_ =	swait.ge [sflag:s18], $0x3C00  }
0x24: {  	[sflag:s18] =	ssyncset.done $0x0  }
0x25: {  	[sflag:s18] =	ssyncadd.s32 $0xFFFFC400  }
0x26: {  	[spmem:s13] =	stream.linear.scatter [tilespmem:s17], [sflag:$0x3], $0x3C00, $0x38;
	[tilespmem:$0x1E080] =	vst v63  }
0x27: {  	_ =	swait.ge [sflag:s18], $0x3C00  }
0x28: {  	[sflag:s18] =	ssyncset.done $0x0  }
0x29: {  	[sflag:s18] =	ssyncadd.s32 $0xFFFFC400  }
0x2a: {  	[spmem:s14] =	stream.linear.scatter [tilespmem:s17], [sflag:$0x3], $0x3C00, $0x38;
	[tilespmem:$0x1E080] =	vst v63  }
0x2b: {  	_ =	swait.ge [sflag:s18], $0x3C00  }
0x2c: {  	[sflag:s18] =	ssyncset.done $0x0  }
0x2d: {  	[sflag:s18] =	ssyncadd.s32 $0xFFFFC400  }
0x2e: {  	[spmem:s15] =	stream.linear.scatter [tilespmem:s17], [sflag:$0x3], $0x3C00, $0x38;
	[tilespmem:$0x1E080] =	vst v63  }
0x2f: {  	_ =	swait.ge [sflag:s18], $0x3C00  }
0x30: {  	[sflag:s18] =	ssyncset.done $0x0  }
0x31: {  	[sflag:s18] =	ssyncadd.s32 $0xFFFFC400  }
0x32: {  	[spmem:s16] =	stream.linear.scatter [tilespmem:s17], [sflag:$0x3], $0x3C00, $0x38;
	[tilespmem:$0x1E080] =	vst v63  }
0x33: {  	_ =	swait.ge [sflag:s18], $0x3C00  }
0x34: {  	[sflag:s18] =	ssyncset.done $0x0  }
0x35: {  	[sflag:s18] =	ssyncadd.s32 $0xFFFFC400  }
0x36: {  	s2 =	simm.s32 $0x0;
	[bflag:$0x0] =	sbarrier.arrive $0xFFFF  }
0x37: {  	[tilespmem:s2], [sflag:$0x3] =	stream.linear.gather [hbm4b:s5+s2], $0x1400, $0x38;
	[tilespmem:$0x1E080] =	vst v63  }
0x38: {  	_ =	swait.ge [sflag:s18], $0x1400  }
0x39: {  	[sflag:s18] =	ssyncset.done $0x0  }
0x3a: {  	[sflag:s18] =	ssyncadd.s32 $0xFFFFEC00  }
0x3b: {  	[tilespmem:s19], [sflag:$0x3] =	stream.linear.gather [hbm4b:s6+s2], $0x1400, $0x38;
	[tilespmem:$0x1E080] =	vst v63  }
0x3c: {  	_ =	swait.ge [sflag:s18], $0x1400  }
0x3d: {  	[sflag:s18] =	ssyncset.done $0x0  }
0x3e: {  	[sflag:s18] =	ssyncadd.s32 $0xFFFFEC00  }
0x3f: {  	[tilespmem:s17], [sflag:$0x1] =	stream.indirect.gather [hbm4b:s1+s20], $0x80, s2, s20, $0xb8;
	[tilespmem:$0x1E080] =	vst v63  }
0x40: {  	_ = 	snop  }
0x41: {  	[tilespmem:s22], [sflag:$0x2] =	stream.indirect.gather [hbm4b:s1+s20], $0x80, s21, s20, $0xb8;
	[tilespmem:$0x1E080] =	vst v63  }
0x42: {  	_ =	swait.ge [sflag:s23], $0x3E80  }
0x43: {  	[sflag:s23] =	ssyncset.done $0x0  }
0x44: {  	s31 =	simm.s32 $0x1400;
	[sflag:s23] =	ssyncadd.s32 $0xFFFFC180  }
0x45: {  	[spmem:s3] =	stream.indirect.scatter.add.f32 [tilespmem:s17], [sflag:$0x3], $0x80, s31, s20, $0xb8;
	[tilespmem:$0x1E080] =	vst v63  }
0x46: {  	_ =	swait.ge [sflag:s18], $0x3E80  }
0x47: {  	[sflag:s18] =	ssyncset.done $0x0  }
0x48: {  	s31 =	simm.s32 $0x100;
	[sflag:s18] =	ssyncadd.s32 $0xFFFFC180  }
0x49: {  	[tilespmem:s17], [sflag:$0x1] =	stream.indirect.gather [hbm4b:s1+s20], $0x80, s31, s20, $0xb8;
	[tilespmem:$0x1E080] =	vst v63  }
0x4a: {  	_ =	swait.ge [sflag:s24], $0x3E80  }
0x4b: {  	[sflag:s24] =	ssyncset.done $0x0  }
0x4c: {  	s31 =	simm.s32 $0x1480;
	[sflag:s24] =	ssyncadd.s32 $0xFFFFC180  }
0x4d: {  	[spmem:s3] =	stream.indirect.scatter.add.f32 [tilespmem:s22], [sflag:$0x3], $0x80, s31, s20, $0xb8;
	[tilespmem:$0x1E080] =	vst v63  }
0x4e: {  	_ =	swait.ge [sflag:s18], $0x3E80  }
0x4f: {  	[sflag:s18] =	ssyncset.done $0x0  }
0x50: {  	s29 =	simm.s32 $0x400;
	s30 =	simm.s32 $0x180;
	[sflag:s18] =	ssyncadd.s32 $0xFFFFC180  }
.LBB2_4:
0x51: {  	[tilespmem:s22], [sflag:$0x2] =	stream.indirect.gather [hbm4b:s1+s20], $0x80, s30, s20, $0xb8;
	[tilespmem:$0x1E080] =	vst v63  }
0x52: {  	s2 =	smov.u32 s29  }
0x53: {  	p0 =	sne.s32 s29, $0x4800;
	s29 =	sadd.s32 $0x400, s29;
	_ =	swait.ge [sflag:s23], $0x3E80  }
0x54: {  	s2 =	sshra.s32 s2, $0x2;
	[sflag:s23] =	ssyncset.done $0x0  }
0x55: {  	s30 =	sadd.s32 $0x1400, s2;
	[sflag:s23] =	ssyncadd.s32 $0xFFFFC180  }
0x56: {  	[spmem:s3] =	stream.indirect.scatter.add.f32 [tilespmem:s17], [sflag:$0x3], $0x80, s30, s20, $0xb8;
	[tilespmem:$0x1E080] =	vst v63  }
0x57: {  	_ =	swait.ge [sflag:s18], $0x3E80  }
0x58: {  	[sflag:s18] =	ssyncset.done $0x0  }
0x59: {  	s30 =	sadd.s32 $0x100, s2;
	[sflag:s18] =	ssyncadd.s32 $0xFFFFC180  }
0x5a: {  	[tilespmem:s17], [sflag:$0x1] =	stream.indirect.gather [hbm4b:s1+s20], $0x80, s30, s20, $0xb8;
	[tilespmem:$0x1E080] =	vst v63  }
0x5b: {  	_ =	swait.ge [sflag:s24], $0x3E80  }
0x5c: {  	[sflag:s24] =	ssyncset.done $0x0  }
.Ltmp1:
0x5d: {  	s30 =	sadd.s32 $0x1480, s2;
	[sflag:s24] =	ssyncadd.s32 $0xFFFFC180;
	(pc) =	sbr.rel @p0 .LBB2_4-.Ltmp1, $4  }
0x5e: {  	[spmem:s3] =	stream.indirect.scatter.add.f32 [tilespmem:s22], [sflag:$0x3], $0x80, s30, s20, $0xb8;
	[tilespmem:$0x1E080] =	vst v63  }
0x5f: {  	_ =	swait.ge [sflag:s18], $0x3E80  }
0x60: {  	[sflag:s18] =	ssyncset.done $0x0  }
0x61: {  	s30 =	sadd.s32 $0x180, s2;
	[sflag:s18] =	ssyncadd.s32 $0xFFFFC180  }
0x62: {  	[tilespmem:s22], [sflag:$0x2] =	stream.indirect.gather [hbm4b:s1+s20], $0x80, s30, s20, $0xb8;
	[tilespmem:$0x1E080] =	vst v63  }
0x63: {  	_ =	swait.ge [sflag:s23], $0x3E80  }
0x64: {  	[sflag:s23] =	ssyncset.done $0x0  }
0x65: {  	[sflag:s23] =	ssyncadd.s32 $0xFFFFC180  }
0x66: {  	[spmem:s3] =	stream.indirect.scatter.add.f32 [tilespmem:s17], [sflag:$0x3], $0x80, s25, s20, $0xb8;
	[tilespmem:$0x1E080] =	vst v63  }
0x67: {  	_ =	swait.ge [sflag:s18], $0x3E80  }
0x68: {  	[sflag:s18] =	ssyncset.done $0x0  }
0x69: {  	[sflag:s18] =	ssyncadd.s32 $0xFFFFC180  }
0x6a: {  	_ =	swait.ge [sflag:s24], $0x3E80  }
0x6b: {  	[sflag:s24] =	ssyncset.done $0x0  }
0x6c: {  	[sflag:s24] =	ssyncadd.s32 $0xFFFFC180  }
0x6d: {  	[spmem:s3] =	stream.indirect.scatter.add.f32 [tilespmem:s22], [sflag:$0x3], $0x80, s26, s20, $0xb8;
	[tilespmem:$0x1E080] =	vst v63  }
0x6e: {  	_ =	swait.ge [sflag:s18], $0x3E80  }
0x6f: {  	[sflag:s18] =	ssyncset.done $0x0  }
0x70: {  	s2 =	simm.s32 $0x0;
	[sflag:s18] =	ssyncadd.s32 $0xFFFFC180  }
0x71: {  	[tilespmem:s2], [sflag:$0x3] =	stream.linear.gather [hbm4b:s7+s2], $0x1400, $0x38;
	[tilespmem:$0x1E080] =	vst v63  }
0x72: {  	_ =	swait.ge [sflag:s18], $0x1400  }
0x73: {  	[sflag:s18] =	ssyncset.done $0x0  }
0x74: {  	[sflag:s18] =	ssyncadd.s32 $0xFFFFEC00  }
0x75: {  	[tilespmem:s19], [sflag:$0x3] =	stream.linear.gather [hbm4b:s8+s2], $0x1400, $0x38;
	[tilespmem:$0x1E080] =	vst v63  }
0x76: {  	_ =	swait.ge [sflag:s18], $0x1400  }
0x77: {  	[sflag:s18] =	ssyncset.done $0x0  }
0x78: {  	[sflag:s18] =	ssyncadd.s32 $0xFFFFEC00  }
0x79: {  	[tilespmem:s17], [sflag:$0x1] =	stream.indirect.gather [hbm4b:s1+s20], $0x80, s2, s20, $0xb8;
	[tilespmem:$0x1E080] =	vst v63  }
0x7a: {  	_ = 	snop  }
0x7b: {  	[tilespmem:s22], [sflag:$0x2] =	stream.indirect.gather [hbm4b:s1+s20], $0x80, s21, s20, $0xb8;
	[tilespmem:$0x1E080] =	vst v63  }
0x7c: {  	_ =	swait.ge [sflag:s23], $0x3E80  }
0x7d: {  	[sflag:s23] =	ssyncset.done $0x0  }
0x7e: {  	s31 =	simm.s32 $0x1400;
	[sflag:s23] =	ssyncadd.s32 $0xFFFFC180  }
0x7f: {  	[spmem:s3] =	stream.indirect.scatter.add.f32 [tilespmem:s17], [sflag:$0x3], $0x80, s31, s20, $0xb8;
	[tilespmem:$0x1E080] =	vst v63  }
0x80: {  	_ =	swait.ge [sflag:s18], $0x3E80  }
0x81: {  	[sflag:s18] =	ssyncset.done $0x0  }
0x82: {  	s31 =	simm.s32 $0x100;
	[sflag:s18] =	ssyncadd.s32 $0xFFFFC180  }
0x83: {  	[tilespmem:s17], [sflag:$0x1] =	stream.indirect.gather [hbm4b:s1+s20], $0x80, s31, s20, $0xb8;
	[tilespmem:$0x1E080] =	vst v63  }
0x84: {  	_ =	swait.ge [sflag:s24], $0x3E80  }
0x85: {  	[sflag:s24] =	ssyncset.done $0x0  }
0x86: {  	s31 =	simm.s32 $0x1480;
	[sflag:s24] =	ssyncadd.s32 $0xFFFFC180  }
0x87: {  	[spmem:s3] =	stream.indirect.scatter.add.f32 [tilespmem:s22], [sflag:$0x3], $0x80, s31, s20, $0xb8;
	[tilespmem:$0x1E080] =	vst v63  }
0x88: {  	_ =	swait.ge [sflag:s18], $0x3E80  }
0x89: {  	[sflag:s18] =	ssyncset.done $0x0  }
0x8a: {  	s29 =	simm.s32 $0x400;
	s30 =	simm.s32 $0x180;
	[sflag:s18] =	ssyncadd.s32 $0xFFFFC180  }
.LBB2_6:
0x8b: {  	[tilespmem:s22], [sflag:$0x2] =	stream.indirect.gather [hbm4b:s1+s20], $0x80, s30, s20, $0xb8;
	[tilespmem:$0x1E080] =	vst v63  }
0x8c: {  	s2 =	smov.u32 s29  }
0x8d: {  	p0 =	sne.s32 s29, $0x4800;
	s29 =	sadd.s32 $0x400, s29;
	_ =	swait.ge [sflag:s23], $0x3E80  }
0x8e: {  	s2 =	sshra.s32 s2, $0x2;
	[sflag:s23] =	ssyncset.done $0x0  }
0x8f: {  	s30 =	sadd.s32 $0x1400, s2;
	[sflag:s23] =	ssyncadd.s32 $0xFFFFC180  }
0x90: {  	[spmem:s3] =	stream.indirect.scatter.add.f32 [tilespmem:s17], [sflag:$0x3], $0x80, s30, s20, $0xb8;
	[tilespmem:$0x1E080] =	vst v63  }
0x91: {  	_ =	swait.ge [sflag:s18], $0x3E80  }
0x92: {  	[sflag:s18] =	ssyncset.done $0x0  }
0x93: {  	s30 =	sadd.s32 $0x100, s2;
	[sflag:s18] =	ssyncadd.s32 $0xFFFFC180  }
0x94: {  	[tilespmem:s17], [sflag:$0x1] =	stream.indirect.gather [hbm4b:s1+s20], $0x80, s30, s20, $0xb8;
	[tilespmem:$0x1E080] =	vst v63  }
0x95: {  	_ =	swait.ge [sflag:s24], $0x3E80  }
0x96: {  	[sflag:s24] =	ssyncset.done $0x0  }
.Ltmp2:
0x97: {  	s30 =	sadd.s32 $0x1480, s2;
	[sflag:s24] =	ssyncadd.s32 $0xFFFFC180;
	(pc) =	sbr.rel @p0 .LBB2_6-.Ltmp2, $4  }
0x98: {  	[spmem:s3] =	stream.indirect.scatter.add.f32 [tilespmem:s22], [sflag:$0x3], $0x80, s30, s20, $0xb8;
	[tilespmem:$0x1E080] =	vst v63  }
0x99: {  	_ =	swait.ge [sflag:s18], $0x3E80  }
0x9a: {  	[sflag:s18] =	ssyncset.done $0x0  }
0x9b: {  	s30 =	sadd.s32 $0x180, s2;
	[sflag:s18] =	ssyncadd.s32 $0xFFFFC180  }
0x9c: {  	[tilespmem:s22], [sflag:$0x2] =	stream.indirect.gather [hbm4b:s1+s20], $0x80, s30, s20, $0xb8;
	[tilespmem:$0x1E080] =	vst v63  }
0x9d: {  	_ =	swait.ge [sflag:s23], $0x3E80  }
0x9e: {  	[sflag:s23] =	ssyncset.done $0x0  }
0x9f: {  	[sflag:s23] =	ssyncadd.s32 $0xFFFFC180  }
0xa0: {  	[spmem:s3] =	stream.indirect.scatter.add.f32 [tilespmem:s17], [sflag:$0x3], $0x80, s25, s20, $0xb8;
	[tilespmem:$0x1E080] =	vst v63  }
0xa1: {  	_ =	swait.ge [sflag:s18], $0x3E80  }
0xa2: {  	[sflag:s18] =	ssyncset.done $0x0  }
0xa3: {  	[sflag:s18] =	ssyncadd.s32 $0xFFFFC180  }
0xa4: {  	_ =	swait.ge [sflag:s24], $0x3E80  }
0xa5: {  	[sflag:s24] =	ssyncset.done $0x0  }
0xa6: {  	[sflag:s24] =	ssyncadd.s32 $0xFFFFC180  }
0xa7: {  	[spmem:s3] =	stream.indirect.scatter.add.f32 [tilespmem:s22], [sflag:$0x3], $0x80, s26, s20, $0xb8;
	[tilespmem:$0x1E080] =	vst v63  }
0xa8: {  	_ =	swait.ge [sflag:s18], $0x3E80  }
0xa9: {  	s2 =	sshll.u32 s0, $0x6;
	s28 =	sadd.s32 $0x1, s28;
	[sflag:s18] =	ssyncset.done $0x0  }
0xaa: {  	s29 =	sshrl.u32 s9, $0x3;
	p0 =	sne.s32 s28, s11;
	[sflag:s18] =	ssyncadd.s32 $0xFFFFC180  }
.Ltmp3:
0xab: {  	s2 =	sor.u32 $0x1C03, s2;
	[bflag:$0x0] =	sbarrier.arrive $0xFFFF;
	(pc) =	sbr.rel @p0 .LBB2_1-.Ltmp3, $4  }
0xac: {  	[hbm:s10], [sflag:s2] =	dma.local [spmem:s29], $0x2800  }
0xad: {  	_ =	swait.ge [sflag:s18], $0x2800  }
0xae: {  	[sflag:s18] =	ssyncset.done $0x0  }
0xaf: {  	[sflag:s18] =	ssyncadd.s32 $0xFFFFD800  }
0xb0: {  	_ =	sfence.sel $0x180000  }
0xb1: {  	[bflag:$0x0] =	sbarrier.arrive $0xFFFF  }
0xb2: {  	_ =	strace $0x90000050  }
0xb3: {  	[bflag:$0x2] =	sbarrier.arrive $0xFFFF  }
0xb4: {  	p0 =	sne.s32 s0, $0x0;
	s0 =	rddreg [dreg:$0x3]  }
0xb5: {  	s0 =	sadd.s32 @!p0 $0x100000, s0  }
0xb6: {  	[sflag:s0] =	ssyncadd.tile.s32 @!p0 $0x1;
	_ =	shalt  }
.Lfunc_end2:
_tile_overlayer_lowered:
.L_overlay_start_2:
0xb7: {  	(tag) =	ssettag $0x2  }
0xb8: {  	s0 =	rddreg [dreg:$0x0];
	s2 =	stileid.u32  }
0xb9: {  	s1 =	rddreg [dreg:$0x1];
	p0 =	sne.s32 s2, $0x0  }
0xba: {  	s3 =	rddreg [dreg:$0x2];
	[bflag:$0x3] =	sbarrier.arrive $0xFFFF;
	s2 =	simm.s32 @!p0 $0x1C03  }
0xbb: {  	[timem:s3], [sflag:s2] =	dma.local @!p0 [hbm:s0], s1  }
0xbc: {  	s0 =	simm.s32 @!p0 $0x3  }
0xbd: {  	_ =	swait.ge @!p0 [sflag:s0], s1  }
0xbe: {  	s1 =	ssub.s32 @!p0 $0x0, s1;
	[sflag:s0] =	ssyncset.done @!p0 $0x0  }
0xbf: {  	[sflag:s0] =	ssyncadd.s32 @!p0 s1  }
0xc0: {  	[bflag:$0x3] =	sbarrier.arrive $0xFFFF  }
0xc1: {  	_ =	shalt  }

</sc_bundles>
